<compile_context>
chip_gen: v7x
topology: tpu7x:2x2x1
jax: 0.10.2.dev20260603
libtpu: 0.0.44.dev20260713+nightly
codegen_flags: <defaults>
</compile_context>

<pallas_src>
import jax
import jax.numpy as jnp
from jax import lax
from jax.experimental import pallas as pl
from jax.experimental.pallas import tpu as pltpu
from jax.experimental.pallas import tpu_sc as plsc

N = 10000
E = 160000
D = 256
HD = 128
NG = 64
NSUB = 16
RPT = 632
RPT_LAST = N - 15 * RPT

SCH = 125
SROWS = E // SCH
SNCH = (E // NSUB) // SCH
DSTW = 40
DCH = SCH
DROWS = SROWS
DNCH = (E // 32) // DCH
DEGW = 128

BM = 2000
NB = N // BM

_mesh = plsc.VectorSubcoreMesh(core_axis_name="c", subcore_axis_name="s")


def _tile_rows_copy(s, f_from, f_to):

    @pl.when(s < 15)
    def _():
        pltpu.sync_copy(f_from(s * RPT, RPT), f_to(s * RPT, RPT))

    @pl.when(s == 15)
    def _():
        pltpu.sync_copy(f_from(15 * RPT, RPT_LAST), f_to(15 * RPT, RPT_LAST))


def _via_buf(f_from, f_to, base, sizes, buf, src_is_buf):
    off = 0
    for n in sizes:
        if not src_is_buf:
            pltpu.sync_copy(f_from(base + off, n), buf.at[pl.ds(0, n)])
        pltpu.sync_copy(buf.at[pl.ds(0, n)], f_to(base + off, n))
        off += n


def _staged_rows_copy(s, f_from, f_to, buf, src_is_buf=False):

    @pl.when(s < 15)
    def _():
        _via_buf(f_from, f_to, s * RPT, [80] * 7 + [72], buf, src_is_buf)

    @pl.when(s == 15)
    def _():
        _via_buf(f_from, f_to, 15 * RPT, [80] * 6 + [40], buf, src_is_buf)


def _deg_body(dst_hbm, deg0_hbm, deg1_hbm, dst_v, ones_v, zbuf_v, acc):
    c = lax.axis_index("c")
    s = lax.axis_index("s")
    w = s * 2 + c

    def fill_ones(i, _):
        for k in range(DEGW // 16):
            ones_v[i, pl.ds(16 * k, 16)] = jnp.ones((16,), jnp.float32)
        return 0

    lax.fori_loop(0, DCH, fill_ones, 0)

    def fill_zero(i, _):
        for k in range(DEGW // 16):
            zbuf_v[i, pl.ds(16 * k, 16)] = jnp.zeros((16,), jnp.float32)
        return 0

    lax.fori_loop(0, 80, fill_zero, 0)
    _staged_rows_copy(s, lambda o, n: None,
                      lambda o, n: acc.at[pl.ds(o, n)], zbuf_v, src_is_buf=True)
    pltpu.sync_copy(dst_hbm.at[pl.ds(w * DNCH, DNCH)], dst_v)
    plsc.subcore_barrier()

    def step(j, _):
        pltpu.sync_copy(ones_v, acc.at[dst_v.at[j]], add=True)
        return 0

    lax.fori_loop(0, DNCH, step, 0)
    plsc.subcore_barrier()

    @pl.when(c == 0)
    def _():
        _tile_rows_copy(s, lambda o, n: acc.at[pl.ds(o, n)],
                        lambda o, n: deg0_hbm.at[pl.ds(o, n)])

    @pl.when(c == 1)
    def _():
        _tile_rows_copy(s, lambda o, n: acc.at[pl.ds(o, n)],
                        lambda o, n: deg1_hbm.at[pl.ds(o, n)])


_deg_kernel = pl.kernel(
    _deg_body,
    out_type=[
        jax.ShapeDtypeStruct((N, DEGW), jnp.float32),
        jax.ShapeDtypeStruct((N, DEGW), jnp.float32),
    ],
    mesh=_mesh,
    scratch_types=[
        pltpu.VMEM((DNCH, DCH), jnp.int32),
        pltpu.VMEM((DCH, DEGW), jnp.float32),
        pltpu.VMEM((80, DEGW), jnp.float32),
        pltpu.VMEM_SHARED((N, DEGW), jnp.float32),
    ],
)


def _seg_body(ga_hbm, gb_hbm, src_hbm, dst_hbm, sa_hbm, sb_hbm,
              src_v, dst_w, buf, acc, sem, ssem):
    c = lax.axis_index("c")
    s = lax.axis_index("s")
    pltpu.sync_copy(src_hbm.at[pl.ds(s * SNCH, SNCH)], src_v)

    def run(g_hbm, s_out):
        pltpu.async_copy(g_hbm.at[src_v.at[0]], buf.at[0], sem.at[0])
        _tile_rows_copy(s, lambda o, n: g_hbm.at[pl.ds(o, n)],
                        lambda o, n: acc.at[pl.ds(o, n)])
        plsc.subcore_barrier()


        def step(j, _):
            p = j % 2

            @pl.when(j >= 1)
            def _():
                pltpu.make_async_copy(
                    buf.at[1 - p], acc.at[dst_w.at[(j - 1) % DSTW]],
                    ssem.at[1 - p]).wait()

            @pl.when(j % DSTW == 0)
            def _():
                jj = pl.multiple_of(j, DSTW)
                pltpu.sync_copy(dst_hbm.at[pl.ds(s * SNCH + jj, DSTW)], dst_w)

            @pl.when(j + 1 < SNCH)
            def _():
                pltpu.async_copy(g_hbm.at[src_v.at[j + 1]], buf.at[1 - p],
                                 sem.at[1 - p])

            pltpu.make_async_copy(g_hbm.at[src_v.at[j]], buf.at[p],
                                  sem.at[p]).wait()
            pltpu.make_async_copy(buf.at[p], acc.at[dst_w.at[j % DSTW]],
                                  ssem.at[p]).start(add=True)
            return 0

        lax.fori_loop(0, SNCH, step, 0)
        pltpu.make_async_copy(buf.at[1], acc.at[dst_w.at[(SNCH - 1) % DSTW]],
                              ssem.at[1]).wait()
        plsc.subcore_barrier()
        _tile_rows_copy(s, lambda o, n: acc.at[pl.ds(o, n)],
                        lambda o, n: s_out.at[pl.ds(o, n)])

    @pl.when(c == 0)
    def _():
        run(ga_hbm, sa_hbm)

    @pl.when(c == 1)
    def _():
        run(gb_hbm, sb_hbm)


_seg_kernel = pl.kernel(
    _seg_body,
    out_type=[
        jax.ShapeDtypeStruct((N, HD), jnp.float32),
        jax.ShapeDtypeStruct((N, HD), jnp.float32),
    ],
    mesh=_mesh,
    scratch_types=[
        pltpu.VMEM((SNCH, SCH), jnp.int32),
        pltpu.VMEM((DSTW, SCH), jnp.int32),
        pltpu.VMEM((2, SCH, HD), jnp.float32),
        pltpu.VMEM_SHARED((N, HD), jnp.float32),
        pltpu.SemaphoreType.DMA((2,)),
        pltpu.SemaphoreType.DMA((2,)),
    ],
)


def _k1a_body(x_ref, we_ref, w0_ref, pa_ref, pb_ref):
    t = jnp.dot(x_ref[...], we_ref[...], preferred_element_type=jnp.float32)
    p = jnp.dot(t, w0_ref[...], preferred_element_type=jnp.float32)
    pa_ref[...] = p[:, :HD]
    pb_ref[...] = p[:, HD:]


def _k1b_body(pa_ref, pb_ref, d0_ref, d1_ref, ga_ref, gb_ref, dv_ref):
    dinv = lax.rsqrt(1.0 + d0_ref[:, 0:1] + d1_ref[:, 0:1])
    ga_ref[...] = pa_ref[...] * dinv
    gb_ref[...] = pb_ref[...] * dinv
    dv_ref[...] = jnp.broadcast_to(dinv, (BM, 8))


_wspec = pl.BlockSpec((D, D), lambda i: (0, 0))
_rowspec = pl.BlockSpec((BM, D), lambda i: (i, 0))
_degspec = pl.BlockSpec((BM, DEGW), lambda i: (i, 0))
_halfspec = pl.BlockSpec((BM, HD), lambda i: (i, 0))
_dvspec = pl.BlockSpec((BM, 8), lambda i: (i, 0))
_bspec = pl.BlockSpec((1, D), lambda i: (0, 0))

_k1a = pl.pallas_call(
    _k1a_body,
    grid=(NB,),
    in_specs=[_rowspec, _wspec, _wspec],
    out_specs=[_halfspec, _halfspec],
    out_shape=[jax.ShapeDtypeStruct((N, HD), jnp.float32)] * 2,
)

_k1b = pl.pallas_call(
    _k1b_body,
    grid=(NB,),
    in_specs=[_halfspec, _halfspec, _degspec, _degspec],
    out_specs=[_halfspec, _halfspec, _dvspec],
    out_shape=[jax.ShapeDtypeStruct((N, HD), jnp.float32)] * 2
    + [jax.ShapeDtypeStruct((N, 8), jnp.float32)],
)


def _kmid_body(sa_ref, sb_ref, dv_ref, b_ref, w_ref, ga_ref, gb_ref):
    dinv = dv_ref[:, 0:1]
    sfull = jnp.concatenate([sa_ref[...], sb_ref[...]], axis=1)
    h = jnp.maximum(dinv * sfull + b_ref[...], 0.0)
    p = jnp.dot(h, w_ref[...], preferred_element_type=jnp.float32)
    g = p * dinv
    ga_ref[...] = g[:, :HD]
    gb_ref[...] = g[:, HD:]


_kmid = pl.pallas_call(
    _kmid_body,
    grid=(NB,),
    in_specs=[_halfspec, _halfspec, _dvspec, _bspec, _wspec],
    out_specs=[_halfspec, _halfspec],
    out_shape=[jax.ShapeDtypeStruct((N, HD), jnp.float32)] * 2,
)


def _kfin_body(sa_ref, sb_ref, dv_ref, b_ref, batch_ref, out_ref, acc):
    i = pl.program_id(0)
    dinv = dv_ref[:, 0:1]
    sfull = jnp.concatenate([sa_ref[...], sb_ref[...]], axis=1)
    h = dinv * sfull + b_ref[...]
    hh = jnp.concatenate([h, jnp.ones((BM, HD), jnp.float32)], axis=1)
    bb = batch_ref[...].reshape(BM)
    oh = (bb[:, None] == lax.broadcasted_iota(jnp.int32, (BM, NG), 1)
          ).astype(jnp.float32)
    part = lax.dot_general(oh, hh, (((0,), (0,)), ((), ())),
                           preferred_element_type=jnp.float32)

    @pl.when(i == 0)
    def _():
        acc[...] = jnp.zeros((NG, D + HD), jnp.float32)

    acc[...] += part

    @pl.when(i == NB - 1)
    def _():
        out_ref[...] = acc[:, :D] / jnp.maximum(acc[:, D:D + 1], 1.0)


_kfin = pl.pallas_call(
    _kfin_body,
    grid=(NB,),
    in_specs=[_halfspec, _halfspec, _dvspec, _bspec,
              pl.BlockSpec((1, 1, BM), lambda i: (i, 0, 0))],
    out_specs=pl.BlockSpec((NG, D), lambda i: (0, 0)),
    out_shape=jax.ShapeDtypeStruct((NG, D), jnp.float32),
    scratch_shapes=[pltpu.VMEM((NG, D + HD), jnp.float32)],
)


def kernel(x, edge_index, batch, W_emb, W0, b0, W1, b1, W2, b2, W3, b3):
    src_s = edge_index[0].reshape(SROWS, SCH)
    dst_s = edge_index[1].reshape(SROWS, SCH)
    dst_d = edge_index[1].reshape(DROWS, DCH)
    batch3 = batch.reshape(NB, 1, BM)

    deg0, deg1 = _deg_kernel(dst_d)
    pa, pb = _k1a(x, W_emb, W0)
    ga, gb, dv = _k1b(pa, pb, deg0, deg1)
    bs = [b0.reshape(1, D), b1.reshape(1, D), b2.reshape(1, D), b3.reshape(1, D)]
    ws = [W1, W2, W3]
    for l in range(3):
        sa, sb = _seg_kernel(ga, gb, src_s, dst_s)
        ga, gb = _kmid(sa, sb, dv, bs[l], ws[l])
    sa, sb = _seg_kernel(ga, gb, src_s, dst_s)
    return _kfin(sa, sb, dv, bs[3], batch3)

# --- scband reference (transcript-rebuilt; emitter-appended) ---
"""Pipeline reference for scband-simple-gnnencoder-20220706030067 (READ-ONLY COPY).

The authoritative reference and input builder live on the scoring server;
editing this copy changes nothing except your own understanding.
"""

import jax, jax.numpy as jnp
import numpy as np

N = 10000
E = 160000
D_FEAT = 256
D_MODEL = 256
N_GRAPHS = 64
N_LAYERS = 4


def setup_inputs(seed: int = 0) -> dict:
    key = jax.random.key(seed)
    ks = jax.random.split(key, 4 + 2 * N_LAYERS)
    x = jax.random.normal(ks[0], (N, D_FEAT), dtype=jnp.float32)
    edge_index = jax.random.randint(ks[1], (2, E), 0, N, dtype=jnp.int32)
    batch = jnp.sort(jax.random.randint(ks[2], (N,), 0, N_GRAPHS, dtype=jnp.int32))
    # in_embed=False -> nn.Linear(in_size, d_model, bias=False): weight [d_model, in_size], apply x @ W.T
    W_emb = jax.random.normal(ks[3], (D_FEAT, D_MODEL), dtype=jnp.float32) * (1.0 / np.sqrt(D_FEAT))
    inp = {"x": x, "edge_index": edge_index, "batch": batch, "W_emb": W_emb}
    for l in range(N_LAYERS):
        inp[f"W{l}"] = jax.random.normal(ks[4 + 2 * l], (D_MODEL, D_MODEL), dtype=jnp.float32) * (1.0 / np.sqrt(D_MODEL))
        inp[f"b{l}"] = jnp.zeros((D_MODEL,), dtype=jnp.float32)
    return inp


def _gcn_layer(h, src, dst, norm, W, b):
    # GCNConv: h' = D^{-1/2}(A+I)D^{-1/2} (h W) + b
    h = h @ W
    msg = h[src] * norm[:, None]
    out = jax.ops.segment_sum(msg, dst, num_segments=N)
    return out + b


def reference(x, edge_index, batch, W_emb, W0, b0, W1, b1, W2, b2, W3, b3):
    src = edge_index[0]
    dst = edge_index[1]
    # add self loops (GCNConv default)
    loop = jnp.arange(N, dtype=src.dtype)
    src_sl = jnp.concatenate([src, loop])
    dst_sl = jnp.concatenate([dst, loop])
    # symmetric normalization
    deg = jax.ops.segment_sum(jnp.ones_like(dst_sl, dtype=jnp.float32), dst_sl, num_segments=N)
    deg_inv_sqrt = jnp.where(deg > 0, jax.lax.rsqrt(jnp.maximum(deg, 1e-12)), 0.0)
    norm = deg_inv_sqrt[src_sl] * deg_inv_sqrt[dst_sl]
    # input embedding (Linear, no bias)
    h = x @ W_emb
    Ws = [W0, W1, W2, W3]
    bs = [b0, b1, b2, b3]
    for l in range(N_LAYERS):
        h = _gcn_layer(h, src_sl, dst_sl, norm, Ws[l], bs[l])
        if l < N_LAYERS - 1:
            h = jax.nn.relu(h)
        # dropout p=0.0 -> identity
    # global_mean_pool over batch vector
    counts = jax.ops.segment_sum(jnp.ones((N,), dtype=jnp.float32), batch, num_segments=N_GRAPHS)
    sums = jax.ops.segment_sum(h, batch, num_segments=N_GRAPHS)
    out = sums / jnp.maximum(counts, 1.0)[:, None]
    return out

if __name__ == "__main__":
    import jax
    _d = setup_inputs()
    print(jax.jit(kernel)(*tuple(_d.values())))

</pallas_src>

<mosaic_0001>
#map = affine_map<(d0, d1) -> (0, 0)>
module attributes {stable_mosaic.version = 14 : i64} {
  func.func @_seg_body(%arg0: i32, %arg1: i32, %arg2: memref<10000x128xf32, #tpu.memory_space<hbm>>, %arg3: memref<10000x128xf32, #tpu.memory_space<hbm>>, %arg4: memref<1280x125xi32, #tpu.memory_space<hbm>>, %arg5: memref<1280x125xi32, #tpu.memory_space<hbm>>, %arg6: memref<10000x128xf32, #tpu.memory_space<hbm>>, %arg7: memref<10000x128xf32, #tpu.memory_space<hbm>>, %arg8: memref<80x125xi32, #tpu.memory_space<vmem>>, %arg9: memref<40x125xi32, #tpu.memory_space<vmem>>, %arg10: memref<2x125x128xf32, #tpu.memory_space<vmem>>, %arg11: memref<10000x128xf32, #tpu.memory_space<vmem_shared>>, %arg12: memref<2x!tpu.dma_semaphore, #tpu.memory_space<semaphore_mem>>, %arg13: memref<2x!tpu.dma_semaphore, #tpu.memory_space<semaphore_mem>>) attributes {dimension_semantics = [#tpu.dimension_semantics<core_parallel>, #tpu.dimension_semantics<subcore_parallel>], iteration_bounds = array<i64: 2, 16>, scalar_prefetch = 0 : i64, scratch_operands = 6 : i64, tpu.core_type = #tpu.core_type<sc_vector_subcore>, window_params = [{transform_indices = #map}, {transform_indices = #map}, {transform_indices = #map}, {transform_indices = #map}, {transform_indices = #map}, {transform_indices = #map}]} {
    %mul3A = arith.constant 80 : i32
    %mul3A_0 = arith.muli %arg1, %mul3A : i32
    "tpu.region"() ({
      %run_scoped3A = tpu.sem_alloc : memref<!tpu.dma_semaphore, #tpu.memory_space<semaphore_mem>>
      %dma_start3A = arith.constant 0 : i32
      %dma_start3A_8 = tpu.memref_slice %arg4[%mul3A_0, %dma_start3A] : memref<1280x125xi32, #tpu.memory_space<hbm>> -> memref<80x125xi32, #tpu.memory_space<hbm>>
      %dma_start3A_9 = arith.constant 0 : i32
      %dma_start3A_10 = tpu.memref_slice %arg4[%mul3A_0, %dma_start3A_9] : memref<1280x125xi32, #tpu.memory_space<hbm>> -> memref<80x125xi32, #tpu.memory_space<hbm>>
      tpu.enqueue_dma source(%dma_start3A_10 : memref<80x125xi32, #tpu.memory_space<hbm>>) target(%arg8 : memref<80x125xi32, #tpu.memory_space<vmem>>) target_semaphore(%run_scoped3A : memref<!tpu.dma_semaphore, #tpu.memory_space<semaphore_mem>>)
      %dma_wait3A = arith.constant 0 : i32
      %dma_wait3A_11 = tpu.memref_slice %arg4[%mul3A_0, %dma_wait3A] : memref<1280x125xi32, #tpu.memory_space<hbm>> -> memref<80x125xi32, #tpu.memory_space<hbm>>
      %dma_wait3A_12 = arith.constant 0 : i32
      %dma_wait3A_13 = tpu.memref_slice %arg4[%mul3A_0, %dma_wait3A_12] : memref<1280x125xi32, #tpu.memory_space<hbm>> -> memref<80x125xi32, #tpu.memory_space<hbm>>
      tpu.wait_dma2 semaphore(%run_scoped3A : memref<!tpu.dma_semaphore, #tpu.memory_space<semaphore_mem>>) src(%dma_wait3A_13 : memref<80x125xi32, #tpu.memory_space<hbm>>) dst(%arg8 : memref<80x125xi32, #tpu.memory_space<vmem>>)
      tpu.yield
    }) : () -> ()
    %eq3A = arith.constant 0 : i32
    %eq3A_1 = arith.cmpi eq, %arg0, %eq3A : i32
    %convert_element_type3A = arith.extui %eq3A_1 : i1 to i32
    %cond3A = arith.constant 0 : i32
    %cond3A_2 = arith.cmpi ne, %convert_element_type3A, %cond3A : i32
    scf.if %cond3A_2 {
      %dma_start3A = arith.constant 0 : i32
      %dma_start3A_8 = arith.constant 0 : i32
      %dma_start3A_9 = arith.constant 0 : i32
      %dma_start3A_10 = arith.constant 0 : i32
      %dma_start3A_11 = arith.constant 0 : i32
      %dma_start3A_12 = tpu.memref_slice %arg10[%dma_start3A_8, %dma_start3A_10, %dma_start3A_11] : memref<2x125x128xf32, #tpu.memory_space<vmem>> -> memref<1x125x128xf32, #tpu.memory_space<vmem>>
      %dma_start3A_13 = tpu.memref_squeeze %dma_start3A_12 : memref<1x125x128xf32, #tpu.memory_space<vmem>> -> memref<125x128xf32, #tpu.memory_space<vmem>>
      %dma_start3A_14 = arith.constant 0 : i32
      %dma_start3A_15 = tpu.memref_slice %arg8[%dma_start3A, %dma_start3A_14] : memref<80x125xi32, #tpu.memory_space<vmem>> -> memref<1x125xi32, #tpu.memory_space<vmem>>
      %dma_start3A_16 = tpu.memref_squeeze %dma_start3A_15 : memref<1x125xi32, #tpu.memory_space<vmem>> -> memref<125xi32, #tpu.memory_space<vmem>>
      %dma_start3A_17 = arith.constant 0 : i32
      %dma_start3A_18 = arith.constant 0 : i32
      %dma_start3A_19 = tpu.memref_slice %arg2[%dma_start3A_17, %dma_start3A_18] : memref<10000x128xf32, #tpu.memory_space<hbm>> -> memref<10000x128xf32, #tpu.memory_space<hbm>>
      %dma_start3A_20 = tpu.memref_slice %arg12[%dma_start3A_9] : memref<2x!tpu.dma_semaphore, #tpu.memory_space<semaphore_mem>> -> memref<1x!tpu.dma_semaphore, #tpu.memory_space<semaphore_mem>>
      %dma_start3A_21 = tpu.memref_squeeze %dma_start3A_20 : memref<1x!tpu.dma_semaphore, #tpu.memory_space<semaphore_mem>> -> memref<!tpu.dma_semaphore, #tpu.memory_space<semaphore_mem>>
      tpu.enqueue_indirect_dma source(%dma_start3A_19 : memref<10000x128xf32, #tpu.memory_space<hbm>>) target(%dma_start3A_13 : memref<125x128xf32, #tpu.memory_space<vmem>>) offsets(%dma_start3A_16 : memref<125xi32, #tpu.memory_space<vmem>>) semaphore(%dma_start3A_21 : memref<!tpu.dma_semaphore, #tpu.memory_space<semaphore_mem>>)
      %lt3A = arith.constant 15 : i32
      %lt3A_22 = arith.cmpi slt, %arg1, %lt3A : i32
      %convert_element_type3A_23 = arith.extui %lt3A_22 : i1 to i32
      %cond3A_24 = arith.constant 0 : i32
      %cond3A_25 = arith.cmpi ne, %convert_element_type3A_23, %cond3A_24 : i32
      scf.if %cond3A_25 {
        %mul3A_62 = arith.constant 632 : i32
        %mul3A_63 = arith.muli %arg1, %mul3A_62 : i32
        %mul3A_64 = arith.constant 632 : i32
        %mul3A_65 = arith.muli %arg1, %mul3A_64 : i32
        "tpu.region"() ({
          %run_scoped3A = tpu.sem_alloc : memref<!tpu.dma_semaphore, #tpu.memory_space<semaphore_mem>>
          %dma_start3A_66 = arith.constant 0 : i32
          %dma_start3A_67 = tpu.memref_slice %arg11[%mul3A_65, %dma_start3A_66] : memref<10000x128xf32, #tpu.memory_space<vmem_shared>> -> memref<632x128xf32, #tpu.memory_space<vmem_shared>>
          %dma_start3A_68 = arith.constant 0 : i32
          %dma_start3A_69 = tpu.memref_slice %arg2[%mul3A_63, %dma_start3A_68] : memref<10000x128xf32, #tpu.memory_space<hbm>> -> memref<632x128xf32, #tpu.memory_space<hbm>>
          tpu.enqueue_dma source(%dma_start3A_69 : memref<632x128xf32, #tpu.memory_space<hbm>>) target(%dma_start3A_67 : memref<632x128xf32, #tpu.memory_space<vmem_shared>>) target_semaphore(%run_scoped3A : memref<!tpu.dma_semaphore, #tpu.memory_space<semaphore_mem>>)
          %dma_wait3A_70 = arith.constant 0 : i32
          %dma_wait3A_71 = tpu.memref_slice %arg11[%mul3A_65, %dma_wait3A_70] : memref<10000x128xf32, #tpu.memory_space<vmem_shared>> -> memref<632x128xf32, #tpu.memory_space<vmem_shared>>
          %dma_wait3A_72 = arith.constant 0 : i32
          %dma_wait3A_73 = tpu.memref_slice %arg2[%mul3A_63, %dma_wait3A_72] : memref<10000x128xf32, #tpu.memory_space<hbm>> -> memref<632x128xf32, #tpu.memory_space<hbm>>
          tpu.wait_dma2 semaphore(%run_scoped3A : memref<!tpu.dma_semaphore, #tpu.memory_space<semaphore_mem>>) src(%dma_wait3A_73 : memref<632x128xf32, #tpu.memory_space<hbm>>) dst(%dma_wait3A_71 : memref<632x128xf32, #tpu.memory_space<vmem_shared>>)
          tpu.yield
        }) : () -> ()
      } else {
      }
      %eq3A_26 = arith.constant 15 : i32
      %eq3A_27 = arith.cmpi eq, %arg1, %eq3A_26 : i32
      %convert_element_type3A_28 = arith.extui %eq3A_27 : i1 to i32
      %cond3A_29 = arith.constant 0 : i32
      %cond3A_30 = arith.cmpi ne, %convert_element_type3A_28, %cond3A_29 : i32
      scf.if %cond3A_30 {
        "tpu.region"() ({
          %run_scoped3A = tpu.sem_alloc : memref<!tpu.dma_semaphore, #tpu.memory_space<semaphore_mem>>
          %dma_start3A_62 = arith.constant 9480 : i32
          %dma_start3A_63 = arith.constant 0 : i32
          %dma_start3A_64 = tpu.memref_slice %arg11[%dma_start3A_62, %dma_start3A_63] : memref<10000x128xf32, #tpu.memory_space<vmem_shared>> -> memref<520x128xf32, #tpu.memory_space<vmem_shared>>
          %dma_start3A_65 = arith.constant 9480 : i32
          %dma_start3A_66 = arith.constant 0 : i32
          %dma_start3A_67 = tpu.memref_slice %arg2[%dma_start3A_65, %dma_start3A_66] : memref<10000x128xf32, #tpu.memory_space<hbm>> -> memref<520x128xf32, #tpu.memory_space<hbm>>
          tpu.enqueue_dma source(%dma_start3A_67 : memref<520x128xf32, #tpu.memory_space<hbm>>) target(%dma_start3A_64 : memref<520x128xf32, #tpu.memory_space<vmem_shared>>) target_semaphore(%run_scoped3A : memref<!tpu.dma_semaphore, #tpu.memory_space<semaphore_mem>>)
          %dma_wait3A_68 = arith.constant 9480 : i32
          %dma_wait3A_69 = arith.constant 0 : i32
          %dma_wait3A_70 = tpu.memref_slice %arg11[%dma_wait3A_68, %dma_wait3A_69] : memref<10000x128xf32, #tpu.memory_space<vmem_shared>> -> memref<520x128xf32, #tpu.memory_space<vmem_shared>>
          %dma_wait3A_71 = arith.constant 9480 : i32
          %dma_wait3A_72 = arith.constant 0 : i32
          %dma_wait3A_73 = tpu.memref_slice %arg2[%dma_wait3A_71, %dma_wait3A_72] : memref<10000x128xf32, #tpu.memory_space<hbm>> -> memref<520x128xf32, #tpu.memory_space<hbm>>
          tpu.wait_dma2 semaphore(%run_scoped3A : memref<!tpu.dma_semaphore, #tpu.memory_space<semaphore_mem>>) src(%dma_wait3A_73 : memref<520x128xf32, #tpu.memory_space<hbm>>) dst(%dma_wait3A_70 : memref<520x128xf32, #tpu.memory_space<vmem_shared>>)
          tpu.yield
        }) : () -> ()
      } else {
      }
      %barrier3A = arith.constant 0 : index
      tpu.barrier barrier_id(%barrier3A)
      %scan3A = arith.constant 0 : i32
      %scan3A_31 = arith.constant 0 : i32
      %scan3A_32 = arith.constant 80 : i32
      %scan3A_33 = arith.addi %scan3A_31, %scan3A_32 : i32
      %scan3A_34 = arith.constant 1 : i32
      %scan3A_35 = scf.for %scan3A_62 = %scan3A_31 to %scan3A_33 step %scan3A_34 iter_args(%scan3A_63 = %scan3A) -> (i32)  : i32 {
        %jit3A = arith.constant 2 : i32
        %eq3A_64 = arith.constant 0 : i32
        %eq3A_65 = arith.cmpi eq, %jit3A, %eq3A_64 : i32
        %jit3A_66 = arith.constant 1 : i32
        %select_n3A = arith.select %eq3A_65, %jit3A_66, %jit3A : i32
        %rem3A = arith.remsi %scan3A_62, %select_n3A : i32
        %ne3A = arith.constant 0 : i32
        %ne3A_67 = arith.cmpi ne, %rem3A, %ne3A : i32
        %lt3A_68 = arith.constant 0 : i32
        %lt3A_69 = arith.cmpi slt, %rem3A, %lt3A_68 : i32
        %lt3A_70 = arith.constant 0 : i32
        %lt3A_71 = arith.cmpi slt, %select_n3A, %lt3A_70 : i32
        %ne3A_72 = arith.xori %lt3A_69, %lt3A_71 : i1
        %and3A = arith.andi %ne3A_72, %ne3A_67 : i1
        %add3A = arith.addi %rem3A, %select_n3A : i32
        %select_n3A_73 = arith.select %and3A, %add3A, %rem3A : i32
        %ge3A = arith.constant 1 : i32
        %ge3A_74 = arith.cmpi sge, %scan3A_62, %ge3A : i32
        %convert_element_type3A_75 = arith.extui %ge3A_74 : i1 to i32
        %cond3A_76 = arith.constant 0 : i32
        %cond3A_77 = arith.cmpi ne, %convert_element_type3A_75, %cond3A_76 : i32
        scf.if %cond3A_77 {
          %sub3A = arith.constant 1 : i32
          %sub3A_147 = arith.subi %sub3A, %select_n3A_73 : i32
          %sub3A_148 = arith.constant 1 : i32
          %sub3A_149 = arith.subi %scan3A_62, %sub3A_148 : i32
          %jit3A_150 = arith.constant 40 : i32
          %eq3A_151 = arith.constant 0 : i32
          %eq3A_152 = arith.cmpi eq, %jit3A_150, %eq3A_151 : i32
          %jit3A_153 = arith.constant 1 : i32
          %select_n3A_154 = arith.select %eq3A_152, %jit3A_153, %jit3A_150 : i32
          %rem3A_155 = arith.remsi %sub3A_149, %select_n3A_154 : i32
          %ne3A_156 = arith.constant 0 : i32
          %ne3A_157 = arith.cmpi ne, %rem3A_155, %ne3A_156 : i32
          %lt3A_158 = arith.constant 0 : i32
          %lt3A_159 = arith.cmpi slt, %rem3A_155, %lt3A_158 : i32
          %lt3A_160 = arith.constant 0 : i32
          %lt3A_161 = arith.cmpi slt, %select_n3A_154, %lt3A_160 : i32
          %ne3A_162 = arith.xori %lt3A_159, %lt3A_161 : i1
          %and3A_163 = arith.andi %ne3A_162, %ne3A_157 : i1
          %add3A_164 = arith.addi %rem3A_155, %select_n3A_154 : i32
          %select_n3A_165 = arith.select %and3A_163, %add3A_164, %rem3A_155 : i32
          %sub3A_166 = arith.constant 1 : i32
          %sub3A_167 = arith.subi %sub3A_166, %select_n3A_73 : i32
          %dma_wait3A_168 = arith.constant 0 : i32
          %dma_wait3A_169 = arith.constant 0 : i32
          %dma_wait3A_170 = tpu.memref_slice %arg10[%sub3A_147, %dma_wait3A_168, %dma_wait3A_169] : memref<2x125x128xf32, #tpu.memory_space<vmem>> -> memref<1x125x128xf32, #tpu.memory_space<vmem>>
          %dma_wait3A_171 = tpu.memref_squeeze %dma_wait3A_170 : memref<1x125x128xf32, #tpu.memory_space<vmem>> -> memref<125x128xf32, #tpu.memory_space<vmem>>
          %dma_wait3A_172 = arith.constant 0 : i32
          %dma_wait3A_173 = tpu.memref_slice %arg9[%select_n3A_165, %dma_wait3A_172] : memref<40x125xi32, #tpu.memory_space<vmem>> -> memref<1x125xi32, #tpu.memory_space<vmem>>
          %dma_wait3A_174 = tpu.memref_squeeze %dma_wait3A_173 : memref<1x125xi32, #tpu.memory_space<vmem>> -> memref<125xi32, #tpu.memory_space<vmem>>
          %dma_wait3A_175 = arith.constant 0 : i32
          %dma_wait3A_176 = arith.constant 0 : i32
          %dma_wait3A_177 = tpu.memref_slice %arg11[%dma_wait3A_175, %dma_wait3A_176] : memref<10000x128xf32, #tpu.memory_space<vmem_shared>> -> memref<10000x128xf32, #tpu.memory_space<vmem_shared>>
          %dma_wait3A_178 = tpu.memref_slice %arg13[%sub3A_167] : memref<2x!tpu.dma_semaphore, #tpu.memory_space<semaphore_mem>> -> memref<1x!tpu.dma_semaphore, #tpu.memory_space<semaphore_mem>>
          %dma_wait3A_179 = tpu.memref_squeeze %dma_wait3A_178 : memref<1x!tpu.dma_semaphore, #tpu.memory_space<semaphore_mem>> -> memref<!tpu.dma_semaphore, #tpu.memory_space<semaphore_mem>>
          tpu.wait_indirect_dma semaphore(%dma_wait3A_179 : memref<!tpu.dma_semaphore, #tpu.memory_space<semaphore_mem>>) src(%dma_wait3A_171 : memref<125x128xf32, #tpu.memory_space<vmem>>) dst(%dma_wait3A_177 : memref<10000x128xf32, #tpu.memory_space<vmem_shared>>)
        } else {
        }
        %jit3A_78 = arith.constant 40 : i32
        %eq3A_79 = arith.constant 0 : i32
        %eq3A_80 = arith.cmpi eq, %jit3A_78, %eq3A_79 : i32
        %jit3A_81 = arith.constant 1 : i32
        %select_n3A_82 = arith.select %eq3A_80, %jit3A_81, %jit3A_78 : i32
        %rem3A_83 = arith.remsi %scan3A_62, %select_n3A_82 : i32
        %ne3A_84 = arith.constant 0 : i32
        %ne3A_85 = arith.cmpi ne, %rem3A_83, %ne3A_84 : i32
        %lt3A_86 = arith.constant 0 : i32
        %lt3A_87 = arith.cmpi slt, %rem3A_83, %lt3A_86 : i32
        %lt3A_88 = arith.constant 0 : i32
        %lt3A_89 = arith.cmpi slt, %select_n3A_82, %lt3A_88 : i32
        %ne3A_90 = arith.xori %lt3A_87, %lt3A_89 : i1
        %and3A_91 = arith.andi %ne3A_90, %ne3A_85 : i1
        %add3A_92 = arith.addi %rem3A_83, %select_n3A_82 : i32
        %select_n3A_93 = arith.select %and3A_91, %add3A_92, %rem3A_83 : i32
        %eq3A_94 = arith.constant 0 : i32
        %eq3A_95 = arith.cmpi eq, %select_n3A_93, %eq3A_94 : i32
        %convert_element_type3A_96 = arith.extui %eq3A_95 : i1 to i32
        %cond3A_97 = arith.constant 0 : i32
        %cond3A_98 = arith.cmpi ne, %convert_element_type3A_96, %cond3A_97 : i32
        scf.if %cond3A_98 {
          %multiple_of3A = tpu.assume_multiple %scan3A_62, 40 : i32
          %mul3A_147 = arith.constant 80 : i32
          %mul3A_148 = arith.muli %arg1, %mul3A_147 : i32
          %add3A_149 = arith.addi %mul3A_148, %multiple_of3A : i32
          "tpu.region"() ({
            %run_scoped3A = tpu.sem_alloc : memref<!tpu.dma_semaphore, #tpu.memory_space<semaphore_mem>>
            %dma_start3A_150 = arith.constant 0 : i32
            %dma_start3A_151 = tpu.memref_slice %arg5[%add3A_149, %dma_start3A_150] : memref<1280x125xi32, #tpu.memory_space<hbm>> -> memref<40x125xi32, #tpu.memory_space<hbm>>
            %dma_start3A_152 = arith.constant 0 : i32
            %dma_start3A_153 = tpu.memref_slice %arg5[%add3A_149, %dma_start3A_152] : memref<1280x125xi32, #tpu.memory_space<hbm>> -> memref<40x125xi32, #tpu.memory_space<hbm>>
            tpu.enqueue_dma source(%dma_start3A_153 : memref<40x125xi32, #tpu.memory_space<hbm>>) target(%arg9 : memref<40x125xi32, #tpu.memory_space<vmem>>) target_semaphore(%run_scoped3A : memref<!tpu.dma_semaphore, #tpu.memory_space<semaphore_mem>>)
            %dma_wait3A_154 = arith.constant 0 : i32
            %dma_wait3A_155 = tpu.memref_slice %arg5[%add3A_149, %dma_wait3A_154] : memref<1280x125xi32, #tpu.memory_space<hbm>> -> memref<40x125xi32, #tpu.memory_space<hbm>>
            %dma_wait3A_156 = arith.constant 0 : i32
            %dma_wait3A_157 = tpu.memref_slice %arg5[%add3A_149, %dma_wait3A_156] : memref<1280x125xi32, #tpu.memory_space<hbm>> -> memref<40x125xi32, #tpu.memory_space<hbm>>
            tpu.wait_dma2 semaphore(%run_scoped3A : memref<!tpu.dma_semaphore, #tpu.memory_space<semaphore_mem>>) src(%dma_wait3A_157 : memref<40x125xi32, #tpu.memory_space<hbm>>) dst(%arg9 : memref<40x125xi32, #tpu.memory_space<vmem>>)
            tpu.yield
          }) : () -> ()
        } else {
        }
        %add3A_99 = arith.constant 1 : i32
        %add3A_100 = arith.addi %scan3A_62, %add3A_99 : i32
        %lt3A_101 = arith.constant 80 : i32
        %lt3A_102 = arith.cmpi slt, %add3A_100, %lt3A_101 : i32
        %convert_element_type3A_103 = arith.extui %lt3A_102 : i1 to i32
        %cond3A_104 = arith.constant 0 : i32
        %cond3A_105 = arith.cmpi ne, %convert_element_type3A_103, %cond3A_104 : i32
        scf.if %cond3A_105 {
          %add3A_147 = arith.constant 1 : i32
          %add3A_148 = arith.addi %scan3A_62, %add3A_147 : i32
          %sub3A = arith.constant 1 : i32
          %sub3A_149 = arith.subi %sub3A, %select_n3A_73 : i32
          %sub3A_150 = arith.constant 1 : i32
          %sub3A_151 = arith.subi %sub3A_150, %select_n3A_73 : i32
          %dma_start3A_152 = arith.constant 0 : i32
          %dma_start3A_153 = arith.constant 0 : i32
          %dma_start3A_154 = tpu.memref_slice %arg10[%sub3A_149, %dma_start3A_152, %dma_start3A_153] : memref<2x125x128xf32, #tpu.memory_space<vmem>> -> memref<1x125x128xf32, #tpu.memory_space<vmem>>
          %dma_start3A_155 = tpu.memref_squeeze %dma_start3A_154 : memref<1x125x128xf32, #tpu.memory_space<vmem>> -> memref<125x128xf32, #tpu.memory_space<vmem>>
          %dma_start3A_156 = arith.constant 0 : i32
          %dma_start3A_157 = tpu.memref_slice %arg8[%add3A_148, %dma_start3A_156] : memref<80x125xi32, #tpu.memory_space<vmem>> -> memref<1x125xi32, #tpu.memory_space<vmem>>
          %dma_start3A_158 = tpu.memref_squeeze %dma_start3A_157 : memref<1x125xi32, #tpu.memory_space<vmem>> -> memref<125xi32, #tpu.memory_space<vmem>>
          %dma_start3A_159 = arith.constant 0 : i32
          %dma_start3A_160 = arith.constant 0 : i32
          %dma_start3A_161 = tpu.memref_slice %arg2[%dma_start3A_159, %dma_start3A_160] : memref<10000x128xf32, #tpu.memory_space<hbm>> -> memref<10000x128xf32, #tpu.memory_space<hbm>>
          %dma_start3A_162 = tpu.memref_slice %arg12[%sub3A_151] : memref<2x!tpu.dma_semaphore, #tpu.memory_space<semaphore_mem>> -> memref<1x!tpu.dma_semaphore, #tpu.memory_space<semaphore_mem>>
          %dma_start3A_163 = tpu.memref_squeeze %dma_start3A_162 : memref<1x!tpu.dma_semaphore, #tpu.memory_space<semaphore_mem>> -> memref<!tpu.dma_semaphore, #tpu.memory_space<semaphore_mem>>
          tpu.enqueue_indirect_dma source(%dma_start3A_161 : memref<10000x128xf32, #tpu.memory_space<hbm>>) target(%dma_start3A_155 : memref<125x128xf32, #tpu.memory_space<vmem>>) offsets(%dma_start3A_158 : memref<125xi32, #tpu.memory_space<vmem>>) semaphore(%dma_start3A_163 : memref<!tpu.dma_semaphore, #tpu.memory_space<semaphore_mem>>)
        } else {
        }
        %dma_wait3A_106 = arith.constant 0 : i32
        %dma_wait3A_107 = arith.constant 0 : i32
        %dma_wait3A_108 = tpu.memref_slice %arg10[%select_n3A_73, %dma_wait3A_106, %dma_wait3A_107] : memref<2x125x128xf32, #tpu.memory_space<vmem>> -> memref<1x125x128xf32, #tpu.memory_space<vmem>>
        %dma_wait3A_109 = tpu.memref_squeeze %dma_wait3A_108 : memref<1x125x128xf32, #tpu.memory_space<vmem>> -> memref<125x128xf32, #tpu.memory_space<vmem>>
        %dma_wait3A_110 = arith.constant 0 : i32
        %dma_wait3A_111 = tpu.memref_slice %arg8[%scan3A_62, %dma_wait3A_110] : memref<80x125xi32, #tpu.memory_space<vmem>> -> memref<1x125xi32, #tpu.memory_space<vmem>>
        %dma_wait3A_112 = tpu.memref_squeeze %dma_wait3A_111 : memref<1x125xi32, #tpu.memory_space<vmem>> -> memref<125xi32, #tpu.memory_space<vmem>>
        %dma_wait3A_113 = arith.constant 0 : i32
        %dma_wait3A_114 = arith.constant 0 : i32
        %dma_wait3A_115 = tpu.memref_slice %arg2[%dma_wait3A_113, %dma_wait3A_114] : memref<10000x128xf32, #tpu.memory_space<hbm>> -> memref<10000x128xf32, #tpu.memory_space<hbm>>
        %dma_wait3A_116 = tpu.memref_slice %arg12[%select_n3A_73] : memref<2x!tpu.dma_semaphore, #tpu.memory_space<semaphore_mem>> -> memref<1x!tpu.dma_semaphore, #tpu.memory_space<semaphore_mem>>
        %dma_wait3A_117 = tpu.memref_squeeze %dma_wait3A_116 : memref<1x!tpu.dma_semaphore, #tpu.memory_space<semaphore_mem>> -> memref<!tpu.dma_semaphore, #tpu.memory_space<semaphore_mem>>
        tpu.wait_indirect_dma semaphore(%dma_wait3A_117 : memref<!tpu.dma_semaphore, #tpu.memory_space<semaphore_mem>>) src(%dma_wait3A_115 : memref<10000x128xf32, #tpu.memory_space<hbm>>) dst(%dma_wait3A_109 : memref<125x128xf32, #tpu.memory_space<vmem>>)
        %jit3A_118 = arith.constant 40 : i32
        %eq3A_119 = arith.constant 0 : i32
        %eq3A_120 = arith.cmpi eq, %jit3A_118, %eq3A_119 : i32
        %jit3A_121 = arith.constant 1 : i32
        %select_n3A_122 = arith.select %eq3A_120, %jit3A_121, %jit3A_118 : i32
        %rem3A_123 = arith.remsi %scan3A_62, %select_n3A_122 : i32
        %ne3A_124 = arith.constant 0 : i32
        %ne3A_125 = arith.cmpi ne, %rem3A_123, %ne3A_124 : i32
        %lt3A_126 = arith.constant 0 : i32
        %lt3A_127 = arith.cmpi slt, %rem3A_123, %lt3A_126 : i32
        %lt3A_128 = arith.constant 0 : i32
        %lt3A_129 = arith.cmpi slt, %select_n3A_122, %lt3A_128 : i32
        %ne3A_130 = arith.xori %lt3A_127, %lt3A_129 : i1
        %and3A_131 = arith.andi %ne3A_130, %ne3A_125 : i1
        %add3A_132 = arith.addi %rem3A_123, %select_n3A_122 : i32
        %select_n3A_133 = arith.select %and3A_131, %add3A_132, %rem3A_123 : i32
        %dma_start3A_134 = arith.constant 0 : i32
        %dma_start3A_135 = arith.constant 0 : i32
        %dma_start3A_136 = tpu.memref_slice %arg10[%select_n3A_73, %dma_start3A_134, %dma_start3A_135] : memref<2x125x128xf32, #tpu.memory_space<vmem>> -> memref<1x125x128xf32, #tpu.memory_space<vmem>>
        %dma_start3A_137 = tpu.memref_squeeze %dma_start3A_136 : memref<1x125x128xf32, #tpu.memory_space<vmem>> -> memref<125x128xf32, #tpu.memory_space<vmem>>
        %dma_start3A_138 = arith.constant 0 : i32
        %dma_start3A_139 = tpu.memref_slice %arg9[%select_n3A_133, %dma_start3A_138] : memref<40x125xi32, #tpu.memory_space<vmem>> -> memref<1x125xi32, #tpu.memory_space<vmem>>
        %dma_start3A_140 = tpu.memref_squeeze %dma_start3A_139 : memref<1x125xi32, #tpu.memory_space<vmem>> -> memref<125xi32, #tpu.memory_space<vmem>>
        %dma_start3A_141 = arith.constant 0 : i32
        %dma_start3A_142 = arith.constant 0 : i32
        %dma_start3A_143 = tpu.memref_slice %arg11[%dma_start3A_141, %dma_start3A_142] : memref<10000x128xf32, #tpu.memory_space<vmem_shared>> -> memref<10000x128xf32, #tpu.memory_space<vmem_shared>>
        %dma_start3A_144 = tpu.memref_slice %arg13[%select_n3A_73] : memref<2x!tpu.dma_semaphore, #tpu.memory_space<semaphore_mem>> -> memref<1x!tpu.dma_semaphore, #tpu.memory_space<semaphore_mem>>
        %dma_start3A_145 = tpu.memref_squeeze %dma_start3A_144 : memref<1x!tpu.dma_semaphore, #tpu.memory_space<semaphore_mem>> -> memref<!tpu.dma_semaphore, #tpu.memory_space<semaphore_mem>>
        tpu.enqueue_indirect_dma source(%dma_start3A_137 : memref<125x128xf32, #tpu.memory_space<vmem>>) target(%dma_start3A_143 : memref<10000x128xf32, #tpu.memory_space<vmem_shared>>) offsets(%dma_start3A_140 : memref<125xi32, #tpu.memory_space<vmem>>) semaphore(%dma_start3A_145 : memref<!tpu.dma_semaphore, #tpu.memory_space<semaphore_mem>>) {add = true}
        %scan3A_146 = arith.constant 0 : i32
        scf.yield %scan3A_146 : i32
      }
      %scan3A_36 = arith.constant 80 : i32
      %dma_wait3A = arith.constant 1 : i32
      %dma_wait3A_37 = arith.constant 39 : i32
      %dma_wait3A_38 = arith.constant 1 : i32
      %dma_wait3A_39 = arith.constant 0 : i32
      %dma_wait3A_40 = arith.constant 0 : i32
      %dma_wait3A_41 = tpu.memref_slice %arg10[%dma_wait3A, %dma_wait3A_39, %dma_wait3A_40] : memref<2x125x128xf32, #tpu.memory_space<vmem>> -> memref<1x125x128xf32, #tpu.memory_space<vmem>>
      %dma_wait3A_42 = tpu.memref_squeeze %dma_wait3A_41 : memref<1x125x128xf32, #tpu.memory_space<vmem>> -> memref<125x128xf32, #tpu.memory_space<vmem>>
      %dma_wait3A_43 = arith.constant 0 : i32
      %dma_wait3A_44 = tpu.memref_slice %arg9[%dma_wait3A_37, %dma_wait3A_43] : memref<40x125xi32, #tpu.memory_space<vmem>> -> memref<1x125xi32, #tpu.memory_space<vmem>>
      %dma_wait3A_45 = tpu.memref_squeeze %dma_wait3A_44 : memref<1x125xi32, #tpu.memory_space<vmem>> -> memref<125xi32, #tpu.memory_space<vmem>>
      %dma_wait3A_46 = arith.constant 0 : i32
      %dma_wait3A_47 = arith.constant 0 : i32
      %dma_wait3A_48 = tpu.memref_slice %arg11[%dma_wait3A_46, %dma_wait3A_47] : memref<10000x128xf32, #tpu.memory_space<vmem_shared>> -> memref<10000x128xf32, #tpu.memory_space<vmem_shared>>
      %dma_wait3A_49 = tpu.memref_slice %arg13[%dma_wait3A_38] : memref<2x!tpu.dma_semaphore, #tpu.memory_space<semaphore_mem>> -> memref<1x!tpu.dma_semaphore, #tpu.memory_space<semaphore_mem>>
      %dma_wait3A_50 = tpu.memref_squeeze %dma_wait3A_49 : memref<1x!tpu.dma_semaphore, #tpu.memory_space<semaphore_mem>> -> memref<!tpu.dma_semaphore, #tpu.memory_space<semaphore_mem>>
      tpu.wait_indirect_dma semaphore(%dma_wait3A_50 : memref<!tpu.dma_semaphore, #tpu.memory_space<semaphore_mem>>) src(%dma_wait3A_42 : memref<125x128xf32, #tpu.memory_space<vmem>>) dst(%dma_wait3A_48 : memref<10000x128xf32, #tpu.memory_space<vmem_shared>>)
      %barrier3A_51 = arith.constant 0 : index
      tpu.barrier barrier_id(%barrier3A_51)
      %lt3A_52 = arith.constant 15 : i32
      %lt3A_53 = arith.cmpi slt, %arg1, %lt3A_52 : i32
      %convert_element_type3A_54 = arith.extui %lt3A_53 : i1 to i32
      %cond3A_55 = arith.constant 0 : i32
      %cond3A_56 = arith.cmpi ne, %convert_element_type3A_54, %cond3A_55 : i32
      scf.if %cond3A_56 {
        %mul3A_62 = arith.constant 632 : i32
        %mul3A_63 = arith.muli %arg1, %mul3A_62 : i32
        %mul3A_64 = arith.constant 632 : i32
        %mul3A_65 = arith.muli %arg1, %mul3A_64 : i32
        "tpu.region"() ({
          %run_scoped3A = tpu.sem_alloc : memref<!tpu.dma_semaphore, #tpu.memory_space<semaphore_mem>>
          %dma_start3A_66 = arith.constant 0 : i32
          %dma_start3A_67 = tpu.memref_slice %arg6[%mul3A_65, %dma_start3A_66] : memref<10000x128xf32, #tpu.memory_space<hbm>> -> memref<632x128xf32, #tpu.memory_space<hbm>>
          %dma_start3A_68 = arith.constant 0 : i32
          %dma_start3A_69 = tpu.memref_slice %arg11[%mul3A_63, %dma_start3A_68] : memref<10000x128xf32, #tpu.memory_space<vmem_shared>> -> memref<632x128xf32, #tpu.memory_space<vmem_shared>>
          tpu.enqueue_dma source(%dma_start3A_69 : memref<632x128xf32, #tpu.memory_space<vmem_shared>>) target(%dma_start3A_67 : memref<632x128xf32, #tpu.memory_space<hbm>>) target_semaphore(%run_scoped3A : memref<!tpu.dma_semaphore, #tpu.memory_space<semaphore_mem>>)
          %dma_wait3A_70 = arith.constant 0 : i32
          %dma_wait3A_71 = tpu.memref_slice %arg6[%mul3A_65, %dma_wait3A_70] : memref<10000x128xf32, #tpu.memory_space<hbm>> -> memref<632x128xf32, #tpu.memory_space<hbm>>
          %dma_wait3A_72 = arith.constant 0 : i32
          %dma_wait3A_73 = tpu.memref_slice %arg11[%mul3A_63, %dma_wait3A_72] : memref<10000x128xf32, #tpu.memory_space<vmem_shared>> -> memref<632x128xf32, #tpu.memory_space<vmem_shared>>
          tpu.wait_dma2 semaphore(%run_scoped3A : memref<!tpu.dma_semaphore, #tpu.memory_space<semaphore_mem>>) src(%dma_wait3A_73 : memref<632x128xf32, #tpu.memory_space<vmem_shared>>) dst(%dma_wait3A_71 : memref<632x128xf32, #tpu.memory_space<hbm>>)
          tpu.yield
        }) : () -> ()
      } else {
      }
      %eq3A_57 = arith.constant 15 : i32
      %eq3A_58 = arith.cmpi eq, %arg1, %eq3A_57 : i32
      %convert_element_type3A_59 = arith.extui %eq3A_58 : i1 to i32
      %cond3A_60 = arith.constant 0 : i32
      %cond3A_61 = arith.cmpi ne, %convert_element_type3A_59, %cond3A_60 : i32
      scf.if %cond3A_61 {
        "tpu.region"() ({
          %run_scoped3A = tpu.sem_alloc : memref<!tpu.dma_semaphore, #tpu.memory_space<semaphore_mem>>
          %dma_start3A_62 = arith.constant 9480 : i32
          %dma_start3A_63 = arith.constant 0 : i32
          %dma_start3A_64 = tpu.memref_slice %arg6[%dma_start3A_62, %dma_start3A_63] : memref<10000x128xf32, #tpu.memory_space<hbm>> -> memref<520x128xf32, #tpu.memory_space<hbm>>
          %dma_start3A_65 = arith.constant 9480 : i32
          %dma_start3A_66 = arith.constant 0 : i32
          %dma_start3A_67 = tpu.memref_slice %arg11[%dma_start3A_65, %dma_start3A_66] : memref<10000x128xf32, #tpu.memory_space<vmem_shared>> -> memref<520x128xf32, #tpu.memory_space<vmem_shared>>
          tpu.enqueue_dma source(%dma_start3A_67 : memref<520x128xf32, #tpu.memory_space<vmem_shared>>) target(%dma_start3A_64 : memref<520x128xf32, #tpu.memory_space<hbm>>) target_semaphore(%run_scoped3A : memref<!tpu.dma_semaphore, #tpu.memory_space<semaphore_mem>>)
          %dma_wait3A_68 = arith.constant 9480 : i32
          %dma_wait3A_69 = arith.constant 0 : i32
          %dma_wait3A_70 = tpu.memref_slice %arg6[%dma_wait3A_68, %dma_wait3A_69] : memref<10000x128xf32, #tpu.memory_space<hbm>> -> memref<520x128xf32, #tpu.memory_space<hbm>>
          %dma_wait3A_71 = arith.constant 9480 : i32
          %dma_wait3A_72 = arith.constant 0 : i32
          %dma_wait3A_73 = tpu.memref_slice %arg11[%dma_wait3A_71, %dma_wait3A_72] : memref<10000x128xf32, #tpu.memory_space<vmem_shared>> -> memref<520x128xf32, #tpu.memory_space<vmem_shared>>
          tpu.wait_dma2 semaphore(%run_scoped3A : memref<!tpu.dma_semaphore, #tpu.memory_space<semaphore_mem>>) src(%dma_wait3A_73 : memref<520x128xf32, #tpu.memory_space<vmem_shared>>) dst(%dma_wait3A_70 : memref<520x128xf32, #tpu.memory_space<hbm>>)
          tpu.yield
        }) : () -> ()
      } else {
      }
    } else {
    }
    %eq3A_3 = arith.constant 1 : i32
    %eq3A_4 = arith.cmpi eq, %arg0, %eq3A_3 : i32
    %convert_element_type3A_5 = arith.extui %eq3A_4 : i1 to i32
    %cond3A_6 = arith.constant 0 : i32
    %cond3A_7 = arith.cmpi ne, %convert_element_type3A_5, %cond3A_6 : i32
    scf.if %cond3A_7 {
      %dma_start3A = arith.constant 0 : i32
      %dma_start3A_8 = arith.constant 0 : i32
      %dma_start3A_9 = arith.constant 0 : i32
      %dma_start3A_10 = arith.constant 0 : i32
      %dma_start3A_11 = arith.constant 0 : i32
      %dma_start3A_12 = tpu.memref_slice %arg10[%dma_start3A_8, %dma_start3A_10, %dma_start3A_11] : memref<2x125x128xf32, #tpu.memory_space<vmem>> -> memref<1x125x128xf32, #tpu.memory_space<vmem>>
      %dma_start3A_13 = tpu.memref_squeeze %dma_start3A_12 : memref<1x125x128xf32, #tpu.memory_space<vmem>> -> memref<125x128xf32, #tpu.memory_space<vmem>>
      %dma_start3A_14 = arith.constant 0 : i32
      %dma_start3A_15 = tpu.memref_slice %arg8[%dma_start3A, %dma_start3A_14] : memref<80x125xi32, #tpu.memory_space<vmem>> -> memref<1x125xi32, #tpu.memory_space<vmem>>
      %dma_start3A_16 = tpu.memref_squeeze %dma_start3A_15 : memref<1x125xi32, #tpu.memory_space<vmem>> -> memref<125xi32, #tpu.memory_space<vmem>>
      %dma_start3A_17 = arith.constant 0 : i32
      %dma_start3A_18 = arith.constant 0 : i32
      %dma_start3A_19 = tpu.memref_slice %arg3[%dma_start3A_17, %dma_start3A_18] : memref<10000x128xf32, #tpu.memory_space<hbm>> -> memref<10000x128xf32, #tpu.memory_space<hbm>>
      %dma_start3A_20 = tpu.memref_slice %arg12[%dma_start3A_9] : memref<2x!tpu.dma_semaphore, #tpu.memory_space<semaphore_mem>> -> memref<1x!tpu.dma_semaphore, #tpu.memory_space<semaphore_mem>>
      %dma_start3A_21 = tpu.memref_squeeze %dma_start3A_20 : memref<1x!tpu.dma_semaphore, #tpu.memory_space<semaphore_mem>> -> memref<!tpu.dma_semaphore, #tpu.memory_space<semaphore_mem>>
      tpu.enqueue_indirect_dma source(%dma_start3A_19 : memref<10000x128xf32, #tpu.memory_space<hbm>>) target(%dma_start3A_13 : memref<125x128xf32, #tpu.memory_space<vmem>>) offsets(%dma_start3A_16 : memref<125xi32, #tpu.memory_space<vmem>>) semaphore(%dma_start3A_21 : memref<!tpu.dma_semaphore, #tpu.memory_space<semaphore_mem>>)
      %lt3A = arith.constant 15 : i32
      %lt3A_22 = arith.cmpi slt, %arg1, %lt3A : i32
      %convert_element_type3A_23 = arith.extui %lt3A_22 : i1 to i32
      %cond3A_24 = arith.constant 0 : i32
      %cond3A_25 = arith.cmpi ne, %convert_element_type3A_23, %cond3A_24 : i32
      scf.if %cond3A_25 {
        %mul3A_62 = arith.constant 632 : i32
        %mul3A_63 = arith.muli %arg1, %mul3A_62 : i32
        %mul3A_64 = arith.constant 632 : i32
        %mul3A_65 = arith.muli %arg1, %mul3A_64 : i32
        "tpu.region"() ({
          %run_scoped3A = tpu.sem_alloc : memref<!tpu.dma_semaphore, #tpu.memory_space<semaphore_mem>>
          %dma_start3A_66 = arith.constant 0 : i32
          %dma_start3A_67 = tpu.memref_slice %arg11[%mul3A_65, %dma_start3A_66] : memref<10000x128xf32, #tpu.memory_space<vmem_shared>> -> memref<632x128xf32, #tpu.memory_space<vmem_shared>>
          %dma_start3A_68 = arith.constant 0 : i32
          %dma_start3A_69 = tpu.memref_slice %arg3[%mul3A_63, %dma_start3A_68] : memref<10000x128xf32, #tpu.memory_space<hbm>> -> memref<632x128xf32, #tpu.memory_space<hbm>>
          tpu.enqueue_dma source(%dma_start3A_69 : memref<632x128xf32, #tpu.memory_space<hbm>>) target(%dma_start3A_67 : memref<632x128xf32, #tpu.memory_space<vmem_shared>>) target_semaphore(%run_scoped3A : memref<!tpu.dma_semaphore, #tpu.memory_space<semaphore_mem>>)
          %dma_wait3A_70 = arith.constant 0 : i32
          %dma_wait3A_71 = tpu.memref_slice %arg11[%mul3A_65, %dma_wait3A_70] : memref<10000x128xf32, #tpu.memory_space<vmem_shared>> -> memref<632x128xf32, #tpu.memory_space<vmem_shared>>
          %dma_wait3A_72 = arith.constant 0 : i32
          %dma_wait3A_73 = tpu.memref_slice %arg3[%mul3A_63, %dma_wait3A_72] : memref<10000x128xf32, #tpu.memory_space<hbm>> -> memref<632x128xf32, #tpu.memory_space<hbm>>
          tpu.wait_dma2 semaphore(%run_scoped3A : memref<!tpu.dma_semaphore, #tpu.memory_space<semaphore_mem>>) src(%dma_wait3A_73 : memref<632x128xf32, #tpu.memory_space<hbm>>) dst(%dma_wait3A_71 : memref<632x128xf32, #tpu.memory_space<vmem_shared>>)
          tpu.yield
        }) : () -> ()
      } else {
      }
      %eq3A_26 = arith.constant 15 : i32
      %eq3A_27 = arith.cmpi eq, %arg1, %eq3A_26 : i32
      %convert_element_type3A_28 = arith.extui %eq3A_27 : i1 to i32
      %cond3A_29 = arith.constant 0 : i32
      %cond3A_30 = arith.cmpi ne, %convert_element_type3A_28, %cond3A_29 : i32
      scf.if %cond3A_30 {
        "tpu.region"() ({
          %run_scoped3A = tpu.sem_alloc : memref<!tpu.dma_semaphore, #tpu.memory_space<semaphore_mem>>
          %dma_start3A_62 = arith.constant 9480 : i32
          %dma_start3A_63 = arith.constant 0 : i32
          %dma_start3A_64 = tpu.memref_slice %arg11[%dma_start3A_62, %dma_start3A_63] : memref<10000x128xf32, #tpu.memory_space<vmem_shared>> -> memref<520x128xf32, #tpu.memory_space<vmem_shared>>
          %dma_start3A_65 = arith.constant 9480 : i32
          %dma_start3A_66 = arith.constant 0 : i32
          %dma_start3A_67 = tpu.memref_slice %arg3[%dma_start3A_65, %dma_start3A_66] : memref<10000x128xf32, #tpu.memory_space<hbm>> -> memref<520x128xf32, #tpu.memory_space<hbm>>
          tpu.enqueue_dma source(%dma_start3A_67 : memref<520x128xf32, #tpu.memory_space<hbm>>) target(%dma_start3A_64 : memref<520x128xf32, #tpu.memory_space<vmem_shared>>) target_semaphore(%run_scoped3A : memref<!tpu.dma_semaphore, #tpu.memory_space<semaphore_mem>>)
          %dma_wait3A_68 = arith.constant 9480 : i32
          %dma_wait3A_69 = arith.constant 0 : i32
          %dma_wait3A_70 = tpu.memref_slice %arg11[%dma_wait3A_68, %dma_wait3A_69] : memref<10000x128xf32, #tpu.memory_space<vmem_shared>> -> memref<520x128xf32, #tpu.memory_space<vmem_shared>>
          %dma_wait3A_71 = arith.constant 9480 : i32
          %dma_wait3A_72 = arith.constant 0 : i32
          %dma_wait3A_73 = tpu.memref_slice %arg3[%dma_wait3A_71, %dma_wait3A_72] : memref<10000x128xf32, #tpu.memory_space<hbm>> -> memref<520x128xf32, #tpu.memory_space<hbm>>
          tpu.wait_dma2 semaphore(%run_scoped3A : memref<!tpu.dma_semaphore, #tpu.memory_space<semaphore_mem>>) src(%dma_wait3A_73 : memref<520x128xf32, #tpu.memory_space<hbm>>) dst(%dma_wait3A_70 : memref<520x128xf32, #tpu.memory_space<vmem_shared>>)
          tpu.yield
        }) : () -> ()
      } else {
      }
      %barrier3A = arith.constant 0 : index
      tpu.barrier barrier_id(%barrier3A)
      %scan3A = arith.constant 0 : i32
      %scan3A_31 = arith.constant 0 : i32
      %scan3A_32 = arith.constant 80 : i32
      %scan3A_33 = arith.addi %scan3A_31, %scan3A_32 : i32
      %scan3A_34 = arith.constant 1 : i32
      %scan3A_35 = scf.for %scan3A_62 = %scan3A_31 to %scan3A_33 step %scan3A_34 iter_args(%scan3A_63 = %scan3A) -> (i32)  : i32 {
        %jit3A = arith.constant 2 : i32
        %eq3A_64 = arith.constant 0 : i32
        %eq3A_65 = arith.cmpi eq, %jit3A, %eq3A_64 : i32
        %jit3A_66 = arith.constant 1 : i32
        %select_n3A = arith.select %eq3A_65, %jit3A_66, %jit3A : i32
        %rem3A = arith.remsi %scan3A_62, %select_n3A : i32
        %ne3A = arith.constant 0 : i32
        %ne3A_67 = arith.cmpi ne, %rem3A, %ne3A : i32
        %lt3A_68 = arith.constant 0 : i32
        %lt3A_69 = arith.cmpi slt, %rem3A, %lt3A_68 : i32
        %lt3A_70 = arith.constant 0 : i32
        %lt3A_71 = arith.cmpi slt, %select_n3A, %lt3A_70 : i32
        %ne3A_72 = arith.xori %lt3A_69, %lt3A_71 : i1
        %and3A = arith.andi %ne3A_72, %ne3A_67 : i1
        %add3A = arith.addi %rem3A, %select_n3A : i32
        %select_n3A_73 = arith.select %and3A, %add3A, %rem3A : i32
        %ge3A = arith.constant 1 : i32
        %ge3A_74 = arith.cmpi sge, %scan3A_62, %ge3A : i32
        %convert_element_type3A_75 = arith.extui %ge3A_74 : i1 to i32
        %cond3A_76 = arith.constant 0 : i32
        %cond3A_77 = arith.cmpi ne, %convert_element_type3A_75, %cond3A_76 : i32
        scf.if %cond3A_77 {
          %sub3A = arith.constant 1 : i32
          %sub3A_147 = arith.subi %sub3A, %select_n3A_73 : i32
          %sub3A_148 = arith.constant 1 : i32
          %sub3A_149 = arith.subi %scan3A_62, %sub3A_148 : i32
          %jit3A_150 = arith.constant 40 : i32
          %eq3A_151 = arith.constant 0 : i32
          %eq3A_152 = arith.cmpi eq, %jit3A_150, %eq3A_151 : i32
          %jit3A_153 = arith.constant 1 : i32
          %select_n3A_154 = arith.select %eq3A_152, %jit3A_153, %jit3A_150 : i32
          %rem3A_155 = arith.remsi %sub3A_149, %select_n3A_154 : i32
          %ne3A_156 = arith.constant 0 : i32
          %ne3A_157 = arith.cmpi ne, %rem3A_155, %ne3A_156 : i32
          %lt3A_158 = arith.constant 0 : i32
          %lt3A_159 = arith.cmpi slt, %rem3A_155, %lt3A_158 : i32
          %lt3A_160 = arith.constant 0 : i32
          %lt3A_161 = arith.cmpi slt, %select_n3A_154, %lt3A_160 : i32
          %ne3A_162 = arith.xori %lt3A_159, %lt3A_161 : i1
          %and3A_163 = arith.andi %ne3A_162, %ne3A_157 : i1
          %add3A_164 = arith.addi %rem3A_155, %select_n3A_154 : i32
          %select_n3A_165 = arith.select %and3A_163, %add3A_164, %rem3A_155 : i32
          %sub3A_166 = arith.constant 1 : i32
          %sub3A_167 = arith.subi %sub3A_166, %select_n3A_73 : i32
          %dma_wait3A_168 = arith.constant 0 : i32
          %dma_wait3A_169 = arith.constant 0 : i32
          %dma_wait3A_170 = tpu.memref_slice %arg10[%sub3A_147, %dma_wait3A_168, %dma_wait3A_169] : memref<2x125x128xf32, #tpu.memory_space<vmem>> -> memref<1x125x128xf32, #tpu.memory_space<vmem>>
          %dma_wait3A_171 = tpu.memref_squeeze %dma_wait3A_170 : memref<1x125x128xf32, #tpu.memory_space<vmem>> -> memref<125x128xf32, #tpu.memory_space<vmem>>
          %dma_wait3A_172 = arith.constant 0 : i32
          %dma_wait3A_173 = tpu.memref_slice %arg9[%select_n3A_165, %dma_wait3A_172] : memref<40x125xi32, #tpu.memory_space<vmem>> -> memref<1x125xi32, #tpu.memory_space<vmem>>
          %dma_wait3A_174 = tpu.memref_squeeze %dma_wait3A_173 : memref<1x125xi32, #tpu.memory_space<vmem>> -> memref<125xi32, #tpu.memory_space<vmem>>
          %dma_wait3A_175 = arith.constant 0 : i32
          %dma_wait3A_176 = arith.constant 0 : i32
          %dma_wait3A_177 = tpu.memref_slice %arg11[%dma_wait3A_175, %dma_wait3A_176] : memref<10000x128xf32, #tpu.memory_space<vmem_shared>> -> memref<10000x128xf32, #tpu.memory_space<vmem_shared>>
          %dma_wait3A_178 = tpu.memref_slice %arg13[%sub3A_167] : memref<2x!tpu.dma_semaphore, #tpu.memory_space<semaphore_mem>> -> memref<1x!tpu.dma_semaphore, #tpu.memory_space<semaphore_mem>>
          %dma_wait3A_179 = tpu.memref_squeeze %dma_wait3A_178 : memref<1x!tpu.dma_semaphore, #tpu.memory_space<semaphore_mem>> -> memref<!tpu.dma_semaphore, #tpu.memory_space<semaphore_mem>>
          tpu.wait_indirect_dma semaphore(%dma_wait3A_179 : memref<!tpu.dma_semaphore, #tpu.memory_space<semaphore_mem>>) src(%dma_wait3A_171 : memref<125x128xf32, #tpu.memory_space<vmem>>) dst(%dma_wait3A_177 : memref<10000x128xf32, #tpu.memory_space<vmem_shared>>)
        } else {
        }
        %jit3A_78 = arith.constant 40 : i32
        %eq3A_79 = arith.constant 0 : i32
        %eq3A_80 = arith.cmpi eq, %jit3A_78, %eq3A_79 : i32
        %jit3A_81 = arith.constant 1 : i32
        %select_n3A_82 = arith.select %eq3A_80, %jit3A_81, %jit3A_78 : i32
        %rem3A_83 = arith.remsi %scan3A_62, %select_n3A_82 : i32
        %ne3A_84 = arith.constant 0 : i32
        %ne3A_85 = arith.cmpi ne, %rem3A_83, %ne3A_84 : i32
        %lt3A_86 = arith.constant 0 : i32
        %lt3A_87 = arith.cmpi slt, %rem3A_83, %lt3A_86 : i32
        %lt3A_88 = arith.constant 0 : i32
        %lt3A_89 = arith.cmpi slt, %select_n3A_82, %lt3A_88 : i32
        %ne3A_90 = arith.xori %lt3A_87, %lt3A_89 : i1
        %and3A_91 = arith.andi %ne3A_90, %ne3A_85 : i1
        %add3A_92 = arith.addi %rem3A_83, %select_n3A_82 : i32
        %select_n3A_93 = arith.select %and3A_91, %add3A_92, %rem3A_83 : i32
        %eq3A_94 = arith.constant 0 : i32
        %eq3A_95 = arith.cmpi eq, %select_n3A_93, %eq3A_94 : i32
        %convert_element_type3A_96 = arith.extui %eq3A_95 : i1 to i32
        %cond3A_97 = arith.constant 0 : i32
        %cond3A_98 = arith.cmpi ne, %convert_element_type3A_96, %cond3A_97 : i32
        scf.if %cond3A_98 {
          %multiple_of3A = tpu.assume_multiple %scan3A_62, 40 : i32
          %mul3A_147 = arith.constant 80 : i32
          %mul3A_148 = arith.muli %arg1, %mul3A_147 : i32
          %add3A_149 = arith.addi %mul3A_148, %multiple_of3A : i32
          "tpu.region"() ({
            %run_scoped3A = tpu.sem_alloc : memref<!tpu.dma_semaphore, #tpu.memory_space<semaphore_mem>>
            %dma_start3A_150 = arith.constant 0 : i32
            %dma_start3A_151 = tpu.memref_slice %arg5[%add3A_149, %dma_start3A_150] : memref<1280x125xi32, #tpu.memory_space<hbm>> -> memref<40x125xi32, #tpu.memory_space<hbm>>
            %dma_start3A_152 = arith.constant 0 : i32
            %dma_start3A_153 = tpu.memref_slice %arg5[%add3A_149, %dma_start3A_152] : memref<1280x125xi32, #tpu.memory_space<hbm>> -> memref<40x125xi32, #tpu.memory_space<hbm>>
            tpu.enqueue_dma source(%dma_start3A_153 : memref<40x125xi32, #tpu.memory_space<hbm>>) target(%arg9 : memref<40x125xi32, #tpu.memory_space<vmem>>) target_semaphore(%run_scoped3A : memref<!tpu.dma_semaphore, #tpu.memory_space<semaphore_mem>>)
            %dma_wait3A_154 = arith.constant 0 : i32
            %dma_wait3A_155 = tpu.memref_slice %arg5[%add3A_149, %dma_wait3A_154] : memref<1280x125xi32, #tpu.memory_space<hbm>> -> memref<40x125xi32, #tpu.memory_space<hbm>>
            %dma_wait3A_156 = arith.constant 0 : i32
            %dma_wait3A_157 = tpu.memref_slice %arg5[%add3A_149, %dma_wait3A_156] : memref<1280x125xi32, #tpu.memory_space<hbm>> -> memref<40x125xi32, #tpu.memory_space<hbm>>
            tpu.wait_dma2 semaphore(%run_scoped3A : memref<!tpu.dma_semaphore, #tpu.memory_space<semaphore_mem>>) src(%dma_wait3A_157 : memref<40x125xi32, #tpu.memory_space<hbm>>) dst(%arg9 : memref<40x125xi32, #tpu.memory_space<vmem>>)
            tpu.yield
          }) : () -> ()
        } else {
        }
        %add3A_99 = arith.constant 1 : i32
        %add3A_100 = arith.addi %scan3A_62, %add3A_99 : i32
        %lt3A_101 = arith.constant 80 : i32
        %lt3A_102 = arith.cmpi slt, %add3A_100, %lt3A_101 : i32
        %convert_element_type3A_103 = arith.extui %lt3A_102 : i1 to i32
        %cond3A_104 = arith.constant 0 : i32
        %cond3A_105 = arith.cmpi ne, %convert_element_type3A_103, %cond3A_104 : i32
        scf.if %cond3A_105 {
          %add3A_147 = arith.constant 1 : i32
          %add3A_148 = arith.addi %scan3A_62, %add3A_147 : i32
          %sub3A = arith.constant 1 : i32
          %sub3A_149 = arith.subi %sub3A, %select_n3A_73 : i32
          %sub3A_150 = arith.constant 1 : i32
          %sub3A_151 = arith.subi %sub3A_150, %select_n3A_73 : i32
          %dma_start3A_152 = arith.constant 0 : i32
          %dma_start3A_153 = arith.constant 0 : i32
          %dma_start3A_154 = tpu.memref_slice %arg10[%sub3A_149, %dma_start3A_152, %dma_start3A_153] : memref<2x125x128xf32, #tpu.memory_space<vmem>> -> memref<1x125x128xf32, #tpu.memory_space<vmem>>
          %dma_start3A_155 = tpu.memref_squeeze %dma_start3A_154 : memref<1x125x128xf32, #tpu.memory_space<vmem>> -> memref<125x128xf32, #tpu.memory_space<vmem>>
          %dma_start3A_156 = arith.constant 0 : i32
          %dma_start3A_157 = tpu.memref_slice %arg8[%add3A_148, %dma_start3A_156] : memref<80x125xi32, #tpu.memory_space<vmem>> -> memref<1x125xi32, #tpu.memory_space<vmem>>
          %dma_start3A_158 = tpu.memref_squeeze %dma_start3A_157 : memref<1x125xi32, #tpu.memory_space<vmem>> -> memref<125xi32, #tpu.memory_space<vmem>>
          %dma_start3A_159 = arith.constant 0 : i32
          %dma_start3A_160 = arith.constant 0 : i32
          %dma_start3A_161 = tpu.memref_slice %arg3[%dma_start3A_159, %dma_start3A_160] : memref<10000x128xf32, #tpu.memory_space<hbm>> -> memref<10000x128xf32, #tpu.memory_space<hbm>>
          %dma_start3A_162 = tpu.memref_slice %arg12[%sub3A_151] : memref<2x!tpu.dma_semaphore, #tpu.memory_space<semaphore_mem>> -> memref<1x!tpu.dma_semaphore, #tpu.memory_space<semaphore_mem>>
          %dma_start3A_163 = tpu.memref_squeeze %dma_start3A_162 : memref<1x!tpu.dma_semaphore, #tpu.memory_space<semaphore_mem>> -> memref<!tpu.dma_semaphore, #tpu.memory_space<semaphore_mem>>
          tpu.enqueue_indirect_dma source(%dma_start3A_161 : memref<10000x128xf32, #tpu.memory_space<hbm>>) target(%dma_start3A_155 : memref<125x128xf32, #tpu.memory_space<vmem>>) offsets(%dma_start3A_158 : memref<125xi32, #tpu.memory_space<vmem>>) semaphore(%dma_start3A_163 : memref<!tpu.dma_semaphore, #tpu.memory_space<semaphore_mem>>)
        } else {
        }
        %dma_wait3A_106 = arith.constant 0 : i32
        %dma_wait3A_107 = arith.constant 0 : i32
        %dma_wait3A_108 = tpu.memref_slice %arg10[%select_n3A_73, %dma_wait3A_106, %dma_wait3A_107] : memref<2x125x128xf32, #tpu.memory_space<vmem>> -> memref<1x125x128xf32, #tpu.memory_space<vmem>>
        %dma_wait3A_109 = tpu.memref_squeeze %dma_wait3A_108 : memref<1x125x128xf32, #tpu.memory_space<vmem>> -> memref<125x128xf32, #tpu.memory_space<vmem>>
        %dma_wait3A_110 = arith.constant 0 : i32
        %dma_wait3A_111 = tpu.memref_slice %arg8[%scan3A_62, %dma_wait3A_110] : memref<80x125xi32, #tpu.memory_space<vmem>> -> memref<1x125xi32, #tpu.memory_space<vmem>>
        %dma_wait3A_112 = tpu.memref_squeeze %dma_wait3A_111 : memref<1x125xi32, #tpu.memory_space<vmem>> -> memref<125xi32, #tpu.memory_space<vmem>>
        %dma_wait3A_113 = arith.constant 0 : i32
        %dma_wait3A_114 = arith.constant 0 : i32
        %dma_wait3A_115 = tpu.memref_slice %arg3[%dma_wait3A_113, %dma_wait3A_114] : memref<10000x128xf32, #tpu.memory_space<hbm>> -> memref<10000x128xf32, #tpu.memory_space<hbm>>
        %dma_wait3A_116 = tpu.memref_slice %arg12[%select_n3A_73] : memref<2x!tpu.dma_semaphore, #tpu.memory_space<semaphore_mem>> -> memref<1x!tpu.dma_semaphore, #tpu.memory_space<semaphore_mem>>
        %dma_wait3A_117 = tpu.memref_squeeze %dma_wait3A_116 : memref<1x!tpu.dma_semaphore, #tpu.memory_space<semaphore_mem>> -> memref<!tpu.dma_semaphore, #tpu.memory_space<semaphore_mem>>
        tpu.wait_indirect_dma semaphore(%dma_wait3A_117 : memref<!tpu.dma_semaphore, #tpu.memory_space<semaphore_mem>>) src(%dma_wait3A_115 : memref<10000x128xf32, #tpu.memory_space<hbm>>) dst(%dma_wait3A_109 : memref<125x128xf32, #tpu.memory_space<vmem>>)
        %jit3A_118 = arith.constant 40 : i32
        %eq3A_119 = arith.constant 0 : i32
        %eq3A_120 = arith.cmpi eq, %jit3A_118, %eq3A_119 : i32
        %jit3A_121 = arith.constant 1 : i32
        %select_n3A_122 = arith.select %eq3A_120, %jit3A_121, %jit3A_118 : i32
        %rem3A_123 = arith.remsi %scan3A_62, %select_n3A_122 : i32
        %ne3A_124 = arith.constant 0 : i32
        %ne3A_125 = arith.cmpi ne, %rem3A_123, %ne3A_124 : i32
        %lt3A_126 = arith.constant 0 : i32
        %lt3A_127 = arith.cmpi slt, %rem3A_123, %lt3A_126 : i32
        %lt3A_128 = arith.constant 0 : i32
        %lt3A_129 = arith.cmpi slt, %select_n3A_122, %lt3A_128 : i32
        %ne3A_130 = arith.xori %lt3A_127, %lt3A_129 : i1
        %and3A_131 = arith.andi %ne3A_130, %ne3A_125 : i1
        %add3A_132 = arith.addi %rem3A_123, %select_n3A_122 : i32
        %select_n3A_133 = arith.select %and3A_131, %add3A_132, %rem3A_123 : i32
        %dma_start3A_134 = arith.constant 0 : i32
        %dma_start3A_135 = arith.constant 0 : i32
        %dma_start3A_136 = tpu.memref_slice %arg10[%select_n3A_73, %dma_start3A_134, %dma_start3A_135] : memref<2x125x128xf32, #tpu.memory_space<vmem>> -> memref<1x125x128xf32, #tpu.memory_space<vmem>>
        %dma_start3A_137 = tpu.memref_squeeze %dma_start3A_136 : memref<1x125x128xf32, #tpu.memory_space<vmem>> -> memref<125x128xf32, #tpu.memory_space<vmem>>
        %dma_start3A_138 = arith.constant 0 : i32
        %dma_start3A_139 = tpu.memref_slice %arg9[%select_n3A_133, %dma_start3A_138] : memref<40x125xi32, #tpu.memory_space<vmem>> -> memref<1x125xi32, #tpu.memory_space<vmem>>
        %dma_start3A_140 = tpu.memref_squeeze %dma_start3A_139 : memref<1x125xi32, #tpu.memory_space<vmem>> -> memref<125xi32, #tpu.memory_space<vmem>>
        %dma_start3A_141 = arith.constant 0 : i32
        %dma_start3A_142 = arith.constant 0 : i32
        %dma_start3A_143 = tpu.memref_slice %arg11[%dma_start3A_141, %dma_start3A_142] : memref<10000x128xf32, #tpu.memory_space<vmem_shared>> -> memref<10000x128xf32, #tpu.memory_space<vmem_shared>>
        %dma_start3A_144 = tpu.memref_slice %arg13[%select_n3A_73] : memref<2x!tpu.dma_semaphore, #tpu.memory_space<semaphore_mem>> -> memref<1x!tpu.dma_semaphore, #tpu.memory_space<semaphore_mem>>
        %dma_start3A_145 = tpu.memref_squeeze %dma_start3A_144 : memref<1x!tpu.dma_semaphore, #tpu.memory_space<semaphore_mem>> -> memref<!tpu.dma_semaphore, #tpu.memory_space<semaphore_mem>>
        tpu.enqueue_indirect_dma source(%dma_start3A_137 : memref<125x128xf32, #tpu.memory_space<vmem>>) target(%dma_start3A_143 : memref<10000x128xf32, #tpu.memory_space<vmem_shared>>) offsets(%dma_start3A_140 : memref<125xi32, #tpu.memory_space<vmem>>) semaphore(%dma_start3A_145 : memref<!tpu.dma_semaphore, #tpu.memory_space<semaphore_mem>>) {add = true}
        %scan3A_146 = arith.constant 0 : i32
        scf.yield %scan3A_146 : i32
      }
      %scan3A_36 = arith.constant 80 : i32
      %dma_wait3A = arith.constant 1 : i32
      %dma_wait3A_37 = arith.constant 39 : i32
      %dma_wait3A_38 = arith.constant 1 : i32
      %dma_wait3A_39 = arith.constant 0 : i32
      %dma_wait3A_40 = arith.constant 0 : i32
      %dma_wait3A_41 = tpu.memref_slice %arg10[%dma_wait3A, %dma_wait3A_39, %dma_wait3A_40] : memref<2x125x128xf32, #tpu.memory_space<vmem>> -> memref<1x125x128xf32, #tpu.memory_space<vmem>>
      %dma_wait3A_42 = tpu.memref_squeeze %dma_wait3A_41 : memref<1x125x128xf32, #tpu.memory_space<vmem>> -> memref<125x128xf32, #tpu.memory_space<vmem>>
      %dma_wait3A_43 = arith.constant 0 : i32
      %dma_wait3A_44 = tpu.memref_slice %arg9[%dma_wait3A_37, %dma_wait3A_43] : memref<40x125xi32, #tpu.memory_space<vmem>> -> memref<1x125xi32, #tpu.memory_space<vmem>>
      %dma_wait3A_45 = tpu.memref_squeeze %dma_wait3A_44 : memref<1x125xi32, #tpu.memory_space<vmem>> -> memref<125xi32, #tpu.memory_space<vmem>>
      %dma_wait3A_46 = arith.constant 0 : i32
      %dma_wait3A_47 = arith.constant 0 : i32
      %dma_wait3A_48 = tpu.memref_slice %arg11[%dma_wait3A_46, %dma_wait3A_47] : memref<10000x128xf32, #tpu.memory_space<vmem_shared>> -> memref<10000x128xf32, #tpu.memory_space<vmem_shared>>
      %dma_wait3A_49 = tpu.memref_slice %arg13[%dma_wait3A_38] : memref<2x!tpu.dma_semaphore, #tpu.memory_space<semaphore_mem>> -> memref<1x!tpu.dma_semaphore, #tpu.memory_space<semaphore_mem>>
      %dma_wait3A_50 = tpu.memref_squeeze %dma_wait3A_49 : memref<1x!tpu.dma_semaphore, #tpu.memory_space<semaphore_mem>> -> memref<!tpu.dma_semaphore, #tpu.memory_space<semaphore_mem>>
      tpu.wait_indirect_dma semaphore(%dma_wait3A_50 : memref<!tpu.dma_semaphore, #tpu.memory_space<semaphore_mem>>) src(%dma_wait3A_42 : memref<125x128xf32, #tpu.memory_space<vmem>>) dst(%dma_wait3A_48 : memref<10000x128xf32, #tpu.memory_space<vmem_shared>>)
      %barrier3A_51 = arith.constant 0 : index
      tpu.barrier barrier_id(%barrier3A_51)
      %lt3A_52 = arith.constant 15 : i32
      %lt3A_53 = arith.cmpi slt, %arg1, %lt3A_52 : i32
      %convert_element_type3A_54 = arith.extui %lt3A_53 : i1 to i32
      %cond3A_55 = arith.constant 0 : i32
      %cond3A_56 = arith.cmpi ne, %convert_element_type3A_54, %cond3A_55 : i32
      scf.if %cond3A_56 {
        %mul3A_62 = arith.constant 632 : i32
        %mul3A_63 = arith.muli %arg1, %mul3A_62 : i32
        %mul3A_64 = arith.constant 632 : i32
        %mul3A_65 = arith.muli %arg1, %mul3A_64 : i32
        "tpu.region"() ({
          %run_scoped3A = tpu.sem_alloc : memref<!tpu.dma_semaphore, #tpu.memory_space<semaphore_mem>>
          %dma_start3A_66 = arith.constant 0 : i32
          %dma_start3A_67 = tpu.memref_slice %arg7[%mul3A_65, %dma_start3A_66] : memref<10000x128xf32, #tpu.memory_space<hbm>> -> memref<632x128xf32, #tpu.memory_space<hbm>>
          %dma_start3A_68 = arith.constant 0 : i32
          %dma_start3A_69 = tpu.memref_slice %arg11[%mul3A_63, %dma_start3A_68] : memref<10000x128xf32, #tpu.memory_space<vmem_shared>> -> memref<632x128xf32, #tpu.memory_space<vmem_shared>>
          tpu.enqueue_dma source(%dma_start3A_69 : memref<632x128xf32, #tpu.memory_space<vmem_shared>>) target(%dma_start3A_67 : memref<632x128xf32, #tpu.memory_space<hbm>>) target_semaphore(%run_scoped3A : memref<!tpu.dma_semaphore, #tpu.memory_space<semaphore_mem>>)
          %dma_wait3A_70 = arith.constant 0 : i32
          %dma_wait3A_71 = tpu.memref_slice %arg7[%mul3A_65, %dma_wait3A_70] : memref<10000x128xf32, #tpu.memory_space<hbm>> -> memref<632x128xf32, #tpu.memory_space<hbm>>
          %dma_wait3A_72 = arith.constant 0 : i32
          %dma_wait3A_73 = tpu.memref_slice %arg11[%mul3A_63, %dma_wait3A_72] : memref<10000x128xf32, #tpu.memory_space<vmem_shared>> -> memref<632x128xf32, #tpu.memory_space<vmem_shared>>
          tpu.wait_dma2 semaphore(%run_scoped3A : memref<!tpu.dma_semaphore, #tpu.memory_space<semaphore_mem>>) src(%dma_wait3A_73 : memref<632x128xf32, #tpu.memory_space<vmem_shared>>) dst(%dma_wait3A_71 : memref<632x128xf32, #tpu.memory_space<hbm>>)
          tpu.yield
        }) : () -> ()
      } else {
      }
      %eq3A_57 = arith.constant 15 : i32
      %eq3A_58 = arith.cmpi eq, %arg1, %eq3A_57 : i32
      %convert_element_type3A_59 = arith.extui %eq3A_58 : i1 to i32
      %cond3A_60 = arith.constant 0 : i32
      %cond3A_61 = arith.cmpi ne, %convert_element_type3A_59, %cond3A_60 : i32
      scf.if %cond3A_61 {
        "tpu.region"() ({
          %run_scoped3A = tpu.sem_alloc : memref<!tpu.dma_semaphore, #tpu.memory_space<semaphore_mem>>
          %dma_start3A_62 = arith.constant 9480 : i32
          %dma_start3A_63 = arith.constant 0 : i32
          %dma_start3A_64 = tpu.memref_slice %arg7[%dma_start3A_62, %dma_start3A_63] : memref<10000x128xf32, #tpu.memory_space<hbm>> -> memref<520x128xf32, #tpu.memory_space<hbm>>
          %dma_start3A_65 = arith.constant 9480 : i32
          %dma_start3A_66 = arith.constant 0 : i32
          %dma_start3A_67 = tpu.memref_slice %arg11[%dma_start3A_65, %dma_start3A_66] : memref<10000x128xf32, #tpu.memory_space<vmem_shared>> -> memref<520x128xf32, #tpu.memory_space<vmem_shared>>
          tpu.enqueue_dma source(%dma_start3A_67 : memref<520x128xf32, #tpu.memory_space<vmem_shared>>) target(%dma_start3A_64 : memref<520x128xf32, #tpu.memory_space<hbm>>) target_semaphore(%run_scoped3A : memref<!tpu.dma_semaphore, #tpu.memory_space<semaphore_mem>>)
          %dma_wait3A_68 = arith.constant 9480 : i32
          %dma_wait3A_69 = arith.constant 0 : i32
          %dma_wait3A_70 = tpu.memref_slice %arg7[%dma_wait3A_68, %dma_wait3A_69] : memref<10000x128xf32, #tpu.memory_space<hbm>> -> memref<520x128xf32, #tpu.memory_space<hbm>>
          %dma_wait3A_71 = arith.constant 9480 : i32
          %dma_wait3A_72 = arith.constant 0 : i32
          %dma_wait3A_73 = tpu.memref_slice %arg11[%dma_wait3A_71, %dma_wait3A_72] : memref<10000x128xf32, #tpu.memory_space<vmem_shared>> -> memref<520x128xf32, #tpu.memory_space<vmem_shared>>
          tpu.wait_dma2 semaphore(%run_scoped3A : memref<!tpu.dma_semaphore, #tpu.memory_space<semaphore_mem>>) src(%dma_wait3A_73 : memref<520x128xf32, #tpu.memory_space<vmem_shared>>) dst(%dma_wait3A_70 : memref<520x128xf32, #tpu.memory_space<hbm>>)
          tpu.yield
        }) : () -> ()
      } else {
      }
    } else {
    }
    return
  }
}

#map = affine_map<(d0, d1) -> (0, 0)>
module attributes {stable_mosaic.version = 14 : i64} {
  func.func @_deg_body(%arg0: i32, %arg1: i32, %arg2: memref<1280x125xi32, #tpu.memory_space<hbm>>, %arg3: memref<10000x128xf32, #tpu.memory_space<hbm>>, %arg4: memref<10000x128xf32, #tpu.memory_space<hbm>>, %arg5: memref<40x125xi32, #tpu.memory_space<vmem>>, %arg6: memref<125x128xf32, #tpu.memory_space<vmem>>, %arg7: memref<80x128xf32, #tpu.memory_space<vmem>>, %arg8: memref<10000x128xf32, #tpu.memory_space<vmem_shared>>) attributes {dimension_semantics = [#tpu.dimension_semantics<core_parallel>, #tpu.dimension_semantics<subcore_parallel>], iteration_bounds = array<i64: 2, 16>, scalar_prefetch = 0 : i64, scratch_operands = 4 : i64, tpu.core_type = #tpu.core_type<sc_vector_subcore>, window_params = [{transform_indices = #map}, {transform_indices = #map}, {transform_indices = #map}]} {
    %mul3A = arith.constant 2 : i32
    %mul3A_0 = arith.muli %arg1, %mul3A : i32
    %add3A = arith.addi %mul3A_0, %arg0 : i32
    %scan3A = arith.constant 0 : i32
    %scan3A_1 = arith.constant 0 : i32
    %scan3A_2 = arith.constant 125 : i32
    %scan3A_3 = arith.addi %scan3A_1, %scan3A_2 : i32
    %scan3A_4 = arith.constant 1 : i32
    %scan3A_5 = scf.for %scan3A_40 = %scan3A_1 to %scan3A_3 step %scan3A_4 iter_args(%scan3A_41 = %scan3A) -> (i32)  : i32 {
      %broadcast_in_dim3A = arith.constant 1.000000e+00 : f32
      %broadcast_in_dim3A_42 = vector.broadcast %broadcast_in_dim3A : f32 to vector<16xf32>
      %swap3A = arith.index_cast %scan3A_40 : i32 to index
      %swap3A_43 = arith.constant 0 : index
      %swap3A_44 = tpu.vector_load %arg6[%swap3A, %swap3A_43] {strides = array<i32>} : memref<125x128xf32, #tpu.memory_space<vmem>>, vector<1x16xf32>,
      %swap3A_45 = vector.shape_cast %swap3A_44 : vector<1x16xf32> to vector<16xf32>
      %swap3A_46 = vector.shape_cast %broadcast_in_dim3A_42 : vector<16xf32> to vector<1x16xf32>
      tpu.vector_store %arg6[%swap3A, %swap3A_43], %swap3A_46 {strides = array<i32>} : memref<125x128xf32, #tpu.memory_space<vmem>>, vector<1x16xf32>,
      %broadcast_in_dim3A_47 = arith.constant 1.000000e+00 : f32
      %broadcast_in_dim3A_48 = vector.broadcast %broadcast_in_dim3A_47 : f32 to vector<16xf32>
      %swap3A_49 = arith.index_cast %scan3A_40 : i32 to index
      %swap3A_50 = arith.constant 16 : index
      %swap3A_51 = tpu.vector_load %arg6[%swap3A_49, %swap3A_50] {strides = array<i32>} : memref<125x128xf32, #tpu.memory_space<vmem>>, vector<1x16xf32>,
      %swap3A_52 = vector.shape_cast %swap3A_51 : vector<1x16xf32> to vector<16xf32>
      %swap3A_53 = vector.shape_cast %broadcast_in_dim3A_48 : vector<16xf32> to vector<1x16xf32>
      tpu.vector_store %arg6[%swap3A_49, %swap3A_50], %swap3A_53 {strides = array<i32>} : memref<125x128xf32, #tpu.memory_space<vmem>>, vector<1x16xf32>,
      %broadcast_in_dim3A_54 = arith.constant 1.000000e+00 : f32
      %broadcast_in_dim3A_55 = vector.broadcast %broadcast_in_dim3A_54 : f32 to vector<16xf32>
      %swap3A_56 = arith.index_cast %scan3A_40 : i32 to index
      %swap3A_57 = arith.constant 32 : index
      %swap3A_58 = tpu.vector_load %arg6[%swap3A_56, %swap3A_57] {strides = array<i32>} : memref<125x128xf32, #tpu.memory_space<vmem>>, vector<1x16xf32>,
      %swap3A_59 = vector.shape_cast %swap3A_58 : vector<1x16xf32> to vector<16xf32>
      %swap3A_60 = vector.shape_cast %broadcast_in_dim3A_55 : vector<16xf32> to vector<1x16xf32>
      tpu.vector_store %arg6[%swap3A_56, %swap3A_57], %swap3A_60 {strides = array<i32>} : memref<125x128xf32, #tpu.memory_space<vmem>>, vector<1x16xf32>,
      %broadcast_in_dim3A_61 = arith.constant 1.000000e+00 : f32
      %broadcast_in_dim3A_62 = vector.broadcast %broadcast_in_dim3A_61 : f32 to vector<16xf32>
      %swap3A_63 = arith.index_cast %scan3A_40 : i32 to index
      %swap3A_64 = arith.constant 48 : index
      %swap3A_65 = tpu.vector_load %arg6[%swap3A_63, %swap3A_64] {strides = array<i32>} : memref<125x128xf32, #tpu.memory_space<vmem>>, vector<1x16xf32>,
      %swap3A_66 = vector.shape_cast %swap3A_65 : vector<1x16xf32> to vector<16xf32>
      %swap3A_67 = vector.shape_cast %broadcast_in_dim3A_62 : vector<16xf32> to vector<1x16xf32>
      tpu.vector_store %arg6[%swap3A_63, %swap3A_64], %swap3A_67 {strides = array<i32>} : memref<125x128xf32, #tpu.memory_space<vmem>>, vector<1x16xf32>,
      %broadcast_in_dim3A_68 = arith.constant 1.000000e+00 : f32
      %broadcast_in_dim3A_69 = vector.broadcast %broadcast_in_dim3A_68 : f32 to vector<16xf32>
      %swap3A_70 = arith.index_cast %scan3A_40 : i32 to index
      %swap3A_71 = arith.constant 64 : index
      %swap3A_72 = tpu.vector_load %arg6[%swap3A_70, %swap3A_71] {strides = array<i32>} : memref<125x128xf32, #tpu.memory_space<vmem>>, vector<1x16xf32>,
      %swap3A_73 = vector.shape_cast %swap3A_72 : vector<1x16xf32> to vector<16xf32>
      %swap3A_74 = vector.shape_cast %broadcast_in_dim3A_69 : vector<16xf32> to vector<1x16xf32>
      tpu.vector_store %arg6[%swap3A_70, %swap3A_71], %swap3A_74 {strides = array<i32>} : memref<125x128xf32, #tpu.memory_space<vmem>>, vector<1x16xf32>,
      %broadcast_in_dim3A_75 = arith.constant 1.000000e+00 : f32
      %broadcast_in_dim3A_76 = vector.broadcast %broadcast_in_dim3A_75 : f32 to vector<16xf32>
      %swap3A_77 = arith.index_cast %scan3A_40 : i32 to index
      %swap3A_78 = arith.constant 80 : index
      %swap3A_79 = tpu.vector_load %arg6[%swap3A_77, %swap3A_78] {strides = array<i32>} : memref<125x128xf32, #tpu.memory_space<vmem>>, vector<1x16xf32>,
      %swap3A_80 = vector.shape_cast %swap3A_79 : vector<1x16xf32> to vector<16xf32>
      %swap3A_81 = vector.shape_cast %broadcast_in_dim3A_76 : vector<16xf32> to vector<1x16xf32>
      tpu.vector_store %arg6[%swap3A_77, %swap3A_78], %swap3A_81 {strides = array<i32>} : memref<125x128xf32, #tpu.memory_space<vmem>>, vector<1x16xf32>,
      %broadcast_in_dim3A_82 = arith.constant 1.000000e+00 : f32
      %broadcast_in_dim3A_83 = vector.broadcast %broadcast_in_dim3A_82 : f32 to vector<16xf32>
      %swap3A_84 = arith.index_cast %scan3A_40 : i32 to index
      %swap3A_85 = arith.constant 96 : index
      %swap3A_86 = tpu.vector_load %arg6[%swap3A_84, %swap3A_85] {strides = array<i32>} : memref<125x128xf32, #tpu.memory_space<vmem>>, vector<1x16xf32>,
      %swap3A_87 = vector.shape_cast %swap3A_86 : vector<1x16xf32> to vector<16xf32>
      %swap3A_88 = vector.shape_cast %broadcast_in_dim3A_83 : vector<16xf32> to vector<1x16xf32>
      tpu.vector_store %arg6[%swap3A_84, %swap3A_85], %swap3A_88 {strides = array<i32>} : memref<125x128xf32, #tpu.memory_space<vmem>>, vector<1x16xf32>,
      %broadcast_in_dim3A_89 = arith.constant 1.000000e+00 : f32
      %broadcast_in_dim3A_90 = vector.broadcast %broadcast_in_dim3A_89 : f32 to vector<16xf32>
      %swap3A_91 = arith.index_cast %scan3A_40 : i32 to index
      %swap3A_92 = arith.constant 112 : index
      %swap3A_93 = tpu.vector_load %arg6[%swap3A_91, %swap3A_92] {strides = array<i32>} : memref<125x128xf32, #tpu.memory_space<vmem>>, vector<1x16xf32>,
      %swap3A_94 = vector.shape_cast %swap3A_93 : vector<1x16xf32> to vector<16xf32>
      %swap3A_95 = vector.shape_cast %broadcast_in_dim3A_90 : vector<16xf32> to vector<1x16xf32>
      tpu.vector_store %arg6[%swap3A_91, %swap3A_92], %swap3A_95 {strides = array<i32>} : memref<125x128xf32, #tpu.memory_space<vmem>>, vector<1x16xf32>,
      %scan3A_96 = arith.constant 0 : i32
      scf.yield %scan3A_96 : i32
    }
    %scan3A_6 = arith.constant 125 : i32
    %scan3A_7 = arith.constant 0 : i32
    %scan3A_8 = arith.constant 0 : i32
    %scan3A_9 = arith.constant 80 : i32
    %scan3A_10 = arith.addi %scan3A_8, %scan3A_9 : i32
    %scan3A_11 = arith.constant 1 : i32
    %scan3A_12 = scf.for %scan3A_40 = %scan3A_8 to %scan3A_10 step %scan3A_11 iter_args(%scan3A_41 = %scan3A_7) -> (i32)  : i32 {
      %broadcast_in_dim3A = arith.constant 0.000000e+00 : f32
      %broadcast_in_dim3A_42 = vector.broadcast %broadcast_in_dim3A : f32 to vector<16xf32>
      %swap3A = arith.index_cast %scan3A_40 : i32 to index
      %swap3A_43 = arith.constant 0 : index
      %swap3A_44 = tpu.vector_load %arg7[%swap3A, %swap3A_43] {strides = array<i32>} : memref<80x128xf32, #tpu.memory_space<vmem>>, vector<1x16xf32>,
      %swap3A_45 = vector.shape_cast %swap3A_44 : vector<1x16xf32> to vector<16xf32>
      %swap3A_46 = vector.shape_cast %broadcast_in_dim3A_42 : vector<16xf32> to vector<1x16xf32>
      tpu.vector_store %arg7[%swap3A, %swap3A_43], %swap3A_46 {strides = array<i32>} : memref<80x128xf32, #tpu.memory_space<vmem>>, vector<1x16xf32>,
      %broadcast_in_dim3A_47 = arith.constant 0.000000e+00 : f32
      %broadcast_in_dim3A_48 = vector.broadcast %broadcast_in_dim3A_47 : f32 to vector<16xf32>
      %swap3A_49 = arith.index_cast %scan3A_40 : i32 to index
      %swap3A_50 = arith.constant 16 : index
      %swap3A_51 = tpu.vector_load %arg7[%swap3A_49, %swap3A_50] {strides = array<i32>} : memref<80x128xf32, #tpu.memory_space<vmem>>, vector<1x16xf32>,
      %swap3A_52 = vector.shape_cast %swap3A_51 : vector<1x16xf32> to vector<16xf32>
      %swap3A_53 = vector.shape_cast %broadcast_in_dim3A_48 : vector<16xf32> to vector<1x16xf32>
      tpu.vector_store %arg7[%swap3A_49, %swap3A_50], %swap3A_53 {strides = array<i32>} : memref<80x128xf32, #tpu.memory_space<vmem>>, vector<1x16xf32>,
      %broadcast_in_dim3A_54 = arith.constant 0.000000e+00 : f32
      %broadcast_in_dim3A_55 = vector.broadcast %broadcast_in_dim3A_54 : f32 to vector<16xf32>
      %swap3A_56 = arith.index_cast %scan3A_40 : i32 to index
      %swap3A_57 = arith.constant 32 : index
      %swap3A_58 = tpu.vector_load %arg7[%swap3A_56, %swap3A_57] {strides = array<i32>} : memref<80x128xf32, #tpu.memory_space<vmem>>, vector<1x16xf32>,
      %swap3A_59 = vector.shape_cast %swap3A_58 : vector<1x16xf32> to vector<16xf32>
      %swap3A_60 = vector.shape_cast %broadcast_in_dim3A_55 : vector<16xf32> to vector<1x16xf32>
      tpu.vector_store %arg7[%swap3A_56, %swap3A_57], %swap3A_60 {strides = array<i32>} : memref<80x128xf32, #tpu.memory_space<vmem>>, vector<1x16xf32>,
      %broadcast_in_dim3A_61 = arith.constant 0.000000e+00 : f32
      %broadcast_in_dim3A_62 = vector.broadcast %broadcast_in_dim3A_61 : f32 to vector<16xf32>
      %swap3A_63 = arith.index_cast %scan3A_40 : i32 to index
      %swap3A_64 = arith.constant 48 : index
      %swap3A_65 = tpu.vector_load %arg7[%swap3A_63, %swap3A_64] {strides = array<i32>} : memref<80x128xf32, #tpu.memory_space<vmem>>, vector<1x16xf32>,
      %swap3A_66 = vector.shape_cast %swap3A_65 : vector<1x16xf32> to vector<16xf32>
      %swap3A_67 = vector.shape_cast %broadcast_in_dim3A_62 : vector<16xf32> to vector<1x16xf32>
      tpu.vector_store %arg7[%swap3A_63, %swap3A_64], %swap3A_67 {strides = array<i32>} : memref<80x128xf32, #tpu.memory_space<vmem>>, vector<1x16xf32>,
      %broadcast_in_dim3A_68 = arith.constant 0.000000e+00 : f32
      %broadcast_in_dim3A_69 = vector.broadcast %broadcast_in_dim3A_68 : f32 to vector<16xf32>
      %swap3A_70 = arith.index_cast %scan3A_40 : i32 to index
      %swap3A_71 = arith.constant 64 : index
      %swap3A_72 = tpu.vector_load %arg7[%swap3A_70, %swap3A_71] {strides = array<i32>} : memref<80x128xf32, #tpu.memory_space<vmem>>, vector<1x16xf32>,
      %swap3A_73 = vector.shape_cast %swap3A_72 : vector<1x16xf32> to vector<16xf32>
      %swap3A_74 = vector.shape_cast %broadcast_in_dim3A_69 : vector<16xf32> to vector<1x16xf32>
      tpu.vector_store %arg7[%swap3A_70, %swap3A_71], %swap3A_74 {strides = array<i32>} : memref<80x128xf32, #tpu.memory_space<vmem>>, vector<1x16xf32>,
      %broadcast_in_dim3A_75 = arith.constant 0.000000e+00 : f32
      %broadcast_in_dim3A_76 = vector.broadcast %broadcast_in_dim3A_75 : f32 to vector<16xf32>
      %swap3A_77 = arith.index_cast %scan3A_40 : i32 to index
      %swap3A_78 = arith.constant 80 : index
      %swap3A_79 = tpu.vector_load %arg7[%swap3A_77, %swap3A_78] {strides = array<i32>} : memref<80x128xf32, #tpu.memory_space<vmem>>, vector<1x16xf32>,
      %swap3A_80 = vector.shape_cast %swap3A_79 : vector<1x16xf32> to vector<16xf32>
      %swap3A_81 = vector.shape_cast %broadcast_in_dim3A_76 : vector<16xf32> to vector<1x16xf32>
      tpu.vector_store %arg7[%swap3A_77, %swap3A_78], %swap3A_81 {strides = array<i32>} : memref<80x128xf32, #tpu.memory_space<vmem>>, vector<1x16xf32>,
      %broadcast_in_dim3A_82 = arith.constant 0.000000e+00 : f32
      %broadcast_in_dim3A_83 = vector.broadcast %broadcast_in_dim3A_82 : f32 to vector<16xf32>
      %swap3A_84 = arith.index_cast %scan3A_40 : i32 to index
      %swap3A_85 = arith.constant 96 : index
      %swap3A_86 = tpu.vector_load %arg7[%swap3A_84, %swap3A_85] {strides = array<i32>} : memref<80x128xf32, #tpu.memory_space<vmem>>, vector<1x16xf32>,
      %swap3A_87 = vector.shape_cast %swap3A_86 : vector<1x16xf32> to vector<16xf32>
      %swap3A_88 = vector.shape_cast %broadcast_in_dim3A_83 : vector<16xf32> to vector<1x16xf32>
      tpu.vector_store %arg7[%swap3A_84, %swap3A_85], %swap3A_88 {strides = array<i32>} : memref<80x128xf32, #tpu.memory_space<vmem>>, vector<1x16xf32>,
      %broadcast_in_dim3A_89 = arith.constant 0.000000e+00 : f32
      %broadcast_in_dim3A_90 = vector.broadcast %broadcast_in_dim3A_89 : f32 to vector<16xf32>
      %swap3A_91 = arith.index_cast %scan3A_40 : i32 to index
      %swap3A_92 = arith.constant 112 : index
      %swap3A_93 = tpu.vector_load %arg7[%swap3A_91, %swap3A_92] {strides = array<i32>} : memref<80x128xf32, #tpu.memory_space<vmem>>, vector<1x16xf32>,
      %swap3A_94 = vector.shape_cast %swap3A_93 : vector<1x16xf32> to vector<16xf32>
      %swap3A_95 = vector.shape_cast %broadcast_in_dim3A_90 : vector<16xf32> to vector<1x16xf32>
      tpu.vector_store %arg7[%swap3A_91, %swap3A_92], %swap3A_95 {strides = array<i32>} : memref<80x128xf32, #tpu.memory_space<vmem>>, vector<1x16xf32>,
      %scan3A_96 = arith.constant 0 : i32
      scf.yield %scan3A_96 : i32
    }
    %scan3A_13 = arith.constant 80 : i32
    %lt3A = arith.constant 15 : i32
    %lt3A_14 = arith.cmpi slt, %arg1, %lt3A : i32
    %convert_element_type3A = arith.extui %lt3A_14 : i1 to i32
    %cond3A = arith.constant 0 : i32
    %cond3A_15 = arith.cmpi ne, %convert_element_type3A, %cond3A : i32
    scf.if %cond3A_15 {
      %mul3A_40 = arith.constant 632 : i32
      %mul3A_41 = arith.muli %arg1, %mul3A_40 : i32
      %add3A_42 = arith.constant 0 : i32
      %add3A_43 = arith.addi %mul3A_41, %add3A_42 : i32
      "tpu.region"() ({
        %run_scoped3A = tpu.sem_alloc : memref<!tpu.dma_semaphore, #tpu.memory_space<semaphore_mem>>
        %dma_start3A = arith.constant 0 : i32
        %dma_start3A_58 = arith.constant 0 : i32
        %dma_start3A_59 = tpu.memref_slice %arg7[%dma_start3A, %dma_start3A_58] : memref<80x128xf32, #tpu.memory_space<vmem>> -> memref<80x128xf32, #tpu.memory_space<vmem>>
        %dma_start3A_60 = arith.constant 0 : i32
        %dma_start3A_61 = tpu.memref_slice %arg8[%add3A_43, %dma_start3A_60] : memref<10000x128xf32, #tpu.memory_space<vmem_shared>> -> memref<80x128xf32, #tpu.memory_space<vmem_shared>>
        %dma_start3A_62 = arith.constant 0 : i32
        %dma_start3A_63 = tpu.memref_slice %arg8[%add3A_43, %dma_start3A_62] : memref<10000x128xf32, #tpu.memory_space<vmem_shared>> -> memref<80x128xf32, #tpu.memory_space<vmem_shared>>
        %dma_start3A_64 = arith.constant 0 : i32
        %dma_start3A_65 = arith.constant 0 : i32
        %dma_start3A_66 = tpu.memref_slice %arg7[%dma_start3A_64, %dma_start3A_65] : memref<80x128xf32, #tpu.memory_space<vmem>> -> memref<80x128xf32, #tpu.memory_space<vmem>>
        tpu.enqueue_dma source(%dma_start3A_66 : memref<80x128xf32, #tpu.memory_space<vmem>>) target(%dma_start3A_63 : memref<80x128xf32, #tpu.memory_space<vmem_shared>>) target_semaphore(%run_scoped3A : memref<!tpu.dma_semaphore, #tpu.memory_space<semaphore_mem>>)
        %dma_wait3A = arith.constant 0 : i32
        %dma_wait3A_67 = arith.constant 0 : i32
        %dma_wait3A_68 = tpu.memref_slice %arg7[%dma_wait3A, %dma_wait3A_67] : memref<80x128xf32, #tpu.memory_space<vmem>> -> memref<80x128xf32, #tpu.memory_space<vmem>>
        %dma_wait3A_69 = arith.constant 0 : i32
        %dma_wait3A_70 = tpu.memref_slice %arg8[%add3A_43, %dma_wait3A_69] : memref<10000x128xf32, #tpu.memory_space<vmem_shared>> -> memref<80x128xf32, #tpu.memory_space<vmem_shared>>
        %dma_wait3A_71 = arith.constant 0 : i32
        %dma_wait3A_72 = tpu.memref_slice %arg8[%add3A_43, %dma_wait3A_71] : memref<10000x128xf32, #tpu.memory_space<vmem_shared>> -> memref<80x128xf32, #tpu.memory_space<vmem_shared>>
        %dma_wait3A_73 = arith.constant 0 : i32
        %dma_wait3A_74 = arith.constant 0 : i32
        %dma_wait3A_75 = tpu.memref_slice %arg7[%dma_wait3A_73, %dma_wait3A_74] : memref<80x128xf32, #tpu.memory_space<vmem>> -> memref<80x128xf32, #tpu.memory_space<vmem>>
        tpu.wait_dma2 semaphore(%run_scoped3A : memref<!tpu.dma_semaphore, #tpu.memory_space<semaphore_mem>>) src(%dma_wait3A_75 : memref<80x128xf32, #tpu.memory_space<vmem>>) dst(%dma_wait3A_72 : memref<80x128xf32, #tpu.memory_space<vmem_shared>>)
        tpu.yield
      }) : () -> ()
      %add3A_44 = arith.constant 80 : i32
      %add3A_45 = arith.addi %mul3A_41, %add3A_44 : i32
      "tpu.region"() ({
        %run_scoped3A = tpu.sem_alloc : memref<!tpu.dma_semaphore, #tpu.memory_space<semaphore_mem>>
        %dma_start3A = arith.constant 0 : i32
        %dma_start3A_58 = arith.constant 0 : i32
        %dma_start3A_59 = tpu.memref_slice %arg7[%dma_start3A, %dma_start3A_58] : memref<80x128xf32, #tpu.memory_space<vmem>> -> memref<80x128xf32, #tpu.memory_space<vmem>>
        %dma_start3A_60 = arith.constant 0 : i32
        %dma_start3A_61 = tpu.memref_slice %arg8[%add3A_45, %dma_start3A_60] : memref<10000x128xf32, #tpu.memory_space<vmem_shared>> -> memref<80x128xf32, #tpu.memory_space<vmem_shared>>
        %dma_start3A_62 = arith.constant 0 : i32
        %dma_start3A_63 = tpu.memref_slice %arg8[%add3A_45, %dma_start3A_62] : memref<10000x128xf32, #tpu.memory_space<vmem_shared>> -> memref<80x128xf32, #tpu.memory_space<vmem_shared>>
        %dma_start3A_64 = arith.constant 0 : i32
        %dma_start3A_65 = arith.constant 0 : i32
        %dma_start3A_66 = tpu.memref_slice %arg7[%dma_start3A_64, %dma_start3A_65] : memref<80x128xf32, #tpu.memory_space<vmem>> -> memref<80x128xf32, #tpu.memory_space<vmem>>
        tpu.enqueue_dma source(%dma_start3A_66 : memref<80x128xf32, #tpu.memory_space<vmem>>) target(%dma_start3A_63 : memref<80x128xf32, #tpu.memory_space<vmem_shared>>) target_semaphore(%run_scoped3A : memref<!tpu.dma_semaphore, #tpu.memory_space<semaphore_mem>>)
        %dma_wait3A = arith.constant 0 : i32
        %dma_wait3A_67 = arith.constant 0 : i32
        %dma_wait3A_68 = tpu.memref_slice %arg7[%dma_wait3A, %dma_wait3A_67] : memref<80x128xf32, #tpu.memory_space<vmem>> -> memref<80x128xf32, #tpu.memory_space<vmem>>
        %dma_wait3A_69 = arith.constant 0 : i32
        %dma_wait3A_70 = tpu.memref_slice %arg8[%add3A_45, %dma_wait3A_69] : memref<10000x128xf32, #tpu.memory_space<vmem_shared>> -> memref<80x128xf32, #tpu.memory_space<vmem_shared>>
        %dma_wait3A_71 = arith.constant 0 : i32
        %dma_wait3A_72 = tpu.memref_slice %arg8[%add3A_45, %dma_wait3A_71] : memref<10000x128xf32, #tpu.memory_space<vmem_shared>> -> memref<80x128xf32, #tpu.memory_space<vmem_shared>>
        %dma_wait3A_73 = arith.constant 0 : i32
        %dma_wait3A_74 = arith.constant 0 : i32
        %dma_wait3A_75 = tpu.memref_slice %arg7[%dma_wait3A_73, %dma_wait3A_74] : memref<80x128xf32, #tpu.memory_space<vmem>> -> memref<80x128xf32, #tpu.memory_space<vmem>>
        tpu.wait_dma2 semaphore(%run_scoped3A : memref<!tpu.dma_semaphore, #tpu.memory_space<semaphore_mem>>) src(%dma_wait3A_75 : memref<80x128xf32, #tpu.memory_space<vmem>>) dst(%dma_wait3A_72 : memref<80x128xf32, #tpu.memory_space<vmem_shared>>)
        tpu.yield
      }) : () -> ()
      %add3A_46 = arith.constant 160 : i32
      %add3A_47 = arith.addi %mul3A_41, %add3A_46 : i32
      "tpu.region"() ({
        %run_scoped3A = tpu.sem_alloc : memref<!tpu.dma_semaphore, #tpu.memory_space<semaphore_mem>>
        %dma_start3A = arith.constant 0 : i32
        %dma_start3A_58 = arith.constant 0 : i32
        %dma_start3A_59 = tpu.memref_slice %arg7[%dma_start3A, %dma_start3A_58] : memref<80x128xf32, #tpu.memory_space<vmem>> -> memref<80x128xf32, #tpu.memory_space<vmem>>
        %dma_start3A_60 = arith.constant 0 : i32
        %dma_start3A_61 = tpu.memref_slice %arg8[%add3A_47, %dma_start3A_60] : memref<10000x128xf32, #tpu.memory_space<vmem_shared>> -> memref<80x128xf32, #tpu.memory_space<vmem_shared>>
        %dma_start3A_62 = arith.constant 0 : i32
        %dma_start3A_63 = tpu.memref_slice %arg8[%add3A_47, %dma_start3A_62] : memref<10000x128xf32, #tpu.memory_space<vmem_shared>> -> memref<80x128xf32, #tpu.memory_space<vmem_shared>>
        %dma_start3A_64 = arith.constant 0 : i32
        %dma_start3A_65 = arith.constant 0 : i32
        %dma_start3A_66 = tpu.memref_slice %arg7[%dma_start3A_64, %dma_start3A_65] : memref<80x128xf32, #tpu.memory_space<vmem>> -> memref<80x128xf32, #tpu.memory_space<vmem>>
        tpu.enqueue_dma source(%dma_start3A_66 : memref<80x128xf32, #tpu.memory_space<vmem>>) target(%dma_start3A_63 : memref<80x128xf32, #tpu.memory_space<vmem_shared>>) target_semaphore(%run_scoped3A : memref<!tpu.dma_semaphore, #tpu.memory_space<semaphore_mem>>)
        %dma_wait3A = arith.constant 0 : i32
        %dma_wait3A_67 = arith.constant 0 : i32
        %dma_wait3A_68 = tpu.memref_slice %arg7[%dma_wait3A, %dma_wait3A_67] : memref<80x128xf32, #tpu.memory_space<vmem>> -> memref<80x128xf32, #tpu.memory_space<vmem>>
        %dma_wait3A_69 = arith.constant 0 : i32
        %dma_wait3A_70 = tpu.memref_slice %arg8[%add3A_47, %dma_wait3A_69] : memref<10000x128xf32, #tpu.memory_space<vmem_shared>> -> memref<80x128xf32, #tpu.memory_space<vmem_shared>>
        %dma_wait3A_71 = arith.constant 0 : i32
        %dma_wait3A_72 = tpu.memref_slice %arg8[%add3A_47, %dma_wait3A_71] : memref<10000x128xf32, #tpu.memory_space<vmem_shared>> -> memref<80x128xf32, #tpu.memory_space<vmem_shared>>
        %dma_wait3A_73 = arith.constant 0 : i32
        %dma_wait3A_74 = arith.constant 0 : i32
        %dma_wait3A_75 = tpu.memref_slice %arg7[%dma_wait3A_73, %dma_wait3A_74] : memref<80x128xf32, #tpu.memory_space<vmem>> -> memref<80x128xf32, #tpu.memory_space<vmem>>
        tpu.wait_dma2 semaphore(%run_scoped3A : memref<!tpu.dma_semaphore, #tpu.memory_space<semaphore_mem>>) src(%dma_wait3A_75 : memref<80x128xf32, #tpu.memory_space<vmem>>) dst(%dma_wait3A_72 : memref<80x128xf32, #tpu.memory_space<vmem_shared>>)
        tpu.yield
      }) : () -> ()
      %add3A_48 = arith.constant 240 : i32
      %add3A_49 = arith.addi %mul3A_41, %add3A_48 : i32
      "tpu.region"() ({
        %run_scoped3A = tpu.sem_alloc : memref<!tpu.dma_semaphore, #tpu.memory_space<semaphore_mem>>
        %dma_start3A = arith.constant 0 : i32
        %dma_start3A_58 = arith.constant 0 : i32
        %dma_start3A_59 = tpu.memref_slice %arg7[%dma_start3A, %dma_start3A_58] : memref<80x128xf32, #tpu.memory_space<vmem>> -> memref<80x128xf32, #tpu.memory_space<vmem>>
        %dma_start3A_60 = arith.constant 0 : i32
        %dma_start3A_61 = tpu.memref_slice %arg8[%add3A_49, %dma_start3A_60] : memref<10000x128xf32, #tpu.memory_space<vmem_shared>> -> memref<80x128xf32, #tpu.memory_space<vmem_shared>>
        %dma_start3A_62 = arith.constant 0 : i32
        %dma_start3A_63 = tpu.memref_slice %arg8[%add3A_49, %dma_start3A_62] : memref<10000x128xf32, #tpu.memory_space<vmem_shared>> -> memref<80x128xf32, #tpu.memory_space<vmem_shared>>
        %dma_start3A_64 = arith.constant 0 : i32
        %dma_start3A_65 = arith.constant 0 : i32
        %dma_start3A_66 = tpu.memref_slice %arg7[%dma_start3A_64, %dma_start3A_65] : memref<80x128xf32, #tpu.memory_space<vmem>> -> memref<80x128xf32, #tpu.memory_space<vmem>>
        tpu.enqueue_dma source(%dma_start3A_66 : memref<80x128xf32, #tpu.memory_space<vmem>>) target(%dma_start3A_63 : memref<80x128xf32, #tpu.memory_space<vmem_shared>>) target_semaphore(%run_scoped3A : memref<!tpu.dma_semaphore, #tpu.memory_space<semaphore_mem>>)
        %dma_wait3A = arith.constant 0 : i32
        %dma_wait3A_67 = arith.constant 0 : i32
        %dma_wait3A_68 = tpu.memref_slice %arg7[%dma_wait3A, %dma_wait3A_67] : memref<80x128xf32, #tpu.memory_space<vmem>> -> memref<80x128xf32, #tpu.memory_space<vmem>>
        %dma_wait3A_69 = arith.constant 0 : i32
        %dma_wait3A_70 = tpu.memref_slice %arg8[%add3A_49, %dma_wait3A_69] : memref<10000x128xf32, #tpu.memory_space<vmem_shared>> -> memref<80x128xf32, #tpu.memory_space<vmem_shared>>
        %dma_wait3A_71 = arith.constant 0 : i32
        %dma_wait3A_72 = tpu.memref_slice %arg8[%add3A_49, %dma_wait3A_71] : memref<10000x128xf32, #tpu.memory_space<vmem_shared>> -> memref<80x128xf32, #tpu.memory_space<vmem_shared>>
        %dma_wait3A_73 = arith.constant 0 : i32
        %dma_wait3A_74 = arith.constant 0 : i32
        %dma_wait3A_75 = tpu.memref_slice %arg7[%dma_wait3A_73, %dma_wait3A_74] : memref<80x128xf32, #tpu.memory_space<vmem>> -> memref<80x128xf32, #tpu.memory_space<vmem>>
        tpu.wait_dma2 semaphore(%run_scoped3A : memref<!tpu.dma_semaphore, #tpu.memory_space<semaphore_mem>>) src(%dma_wait3A_75 : memref<80x128xf32, #tpu.memory_space<vmem>>) dst(%dma_wait3A_72 : memref<80x128xf32, #tpu.memory_space<vmem_shared>>)
        tpu.yield
      }) : () -> ()
      %add3A_50 = arith.constant 320 : i32
      %add3A_51 = arith.addi %mul3A_41, %add3A_50 : i32
      "tpu.region"() ({
        %run_scoped3A = tpu.sem_alloc : memref<!tpu.dma_semaphore, #tpu.memory_space<semaphore_mem>>
        %dma_start3A = arith.constant 0 : i32
        %dma_start3A_58 = arith.constant 0 : i32
        %dma_start3A_59 = tpu.memref_slice %arg7[%dma_start3A, %dma_start3A_58] : memref<80x128xf32, #tpu.memory_space<vmem>> -> memref<80x128xf32, #tpu.memory_space<vmem>>
        %dma_start3A_60 = arith.constant 0 : i32
        %dma_start3A_61 = tpu.memref_slice %arg8[%add3A_51, %dma_start3A_60] : memref<10000x128xf32, #tpu.memory_space<vmem_shared>> -> memref<80x128xf32, #tpu.memory_space<vmem_shared>>
        %dma_start3A_62 = arith.constant 0 : i32
        %dma_start3A_63 = tpu.memref_slice %arg8[%add3A_51, %dma_start3A_62] : memref<10000x128xf32, #tpu.memory_space<vmem_shared>> -> memref<80x128xf32, #tpu.memory_space<vmem_shared>>
        %dma_start3A_64 = arith.constant 0 : i32
        %dma_start3A_65 = arith.constant 0 : i32
        %dma_start3A_66 = tpu.memref_slice %arg7[%dma_start3A_64, %dma_start3A_65] : memref<80x128xf32, #tpu.memory_space<vmem>> -> memref<80x128xf32, #tpu.memory_space<vmem>>
        tpu.enqueue_dma source(%dma_start3A_66 : memref<80x128xf32, #tpu.memory_space<vmem>>) target(%dma_start3A_63 : memref<80x128xf32, #tpu.memory_space<vmem_shared>>) target_semaphore(%run_scoped3A : memref<!tpu.dma_semaphore, #tpu.memory_space<semaphore_mem>>)
        %dma_wait3A = arith.constant 0 : i32
        %dma_wait3A_67 = arith.constant 0 : i32
        %dma_wait3A_68 = tpu.memref_slice %arg7[%dma_wait3A, %dma_wait3A_67] : memref<80x128xf32, #tpu.memory_space<vmem>> -> memref<80x128xf32, #tpu.memory_space<vmem>>
        %dma_wait3A_69 = arith.constant 0 : i32
        %dma_wait3A_70 = tpu.memref_slice %arg8[%add3A_51, %dma_wait3A_69] : memref<10000x128xf32, #tpu.memory_space<vmem_shared>> -> memref<80x128xf32, #tpu.memory_space<vmem_shared>>
        %dma_wait3A_71 = arith.constant 0 : i32
        %dma_wait3A_72 = tpu.memref_slice %arg8[%add3A_51, %dma_wait3A_71] : memref<10000x128xf32, #tpu.memory_space<vmem_shared>> -> memref<80x128xf32, #tpu.memory_space<vmem_shared>>
        %dma_wait3A_73 = arith.constant 0 : i32
        %dma_wait3A_74 = arith.constant 0 : i32
        %dma_wait3A_75 = tpu.memref_slice %arg7[%dma_wait3A_73, %dma_wait3A_74] : memref<80x128xf32, #tpu.memory_space<vmem>> -> memref<80x128xf32, #tpu.memory_space<vmem>>
        tpu.wait_dma2 semaphore(%run_scoped3A : memref<!tpu.dma_semaphore, #tpu.memory_space<semaphore_mem>>) src(%dma_wait3A_75 : memref<80x128xf32, #tpu.memory_space<vmem>>) dst(%dma_wait3A_72 : memref<80x128xf32, #tpu.memory_space<vmem_shared>>)
        tpu.yield
      }) : () -> ()
      %add3A_52 = arith.constant 400 : i32
      %add3A_53 = arith.addi %mul3A_41, %add3A_52 : i32
      "tpu.region"() ({
        %run_scoped3A = tpu.sem_alloc : memref<!tpu.dma_semaphore, #tpu.memory_space<semaphore_mem>>
        %dma_start3A = arith.constant 0 : i32
        %dma_start3A_58 = arith.constant 0 : i32
        %dma_start3A_59 = tpu.memref_slice %arg7[%dma_start3A, %dma_start3A_58] : memref<80x128xf32, #tpu.memory_space<vmem>> -> memref<80x128xf32, #tpu.memory_space<vmem>>
        %dma_start3A_60 = arith.constant 0 : i32
        %dma_start3A_61 = tpu.memref_slice %arg8[%add3A_53, %dma_start3A_60] : memref<10000x128xf32, #tpu.memory_space<vmem_shared>> -> memref<80x128xf32, #tpu.memory_space<vmem_shared>>
        %dma_start3A_62 = arith.constant 0 : i32
        %dma_start3A_63 = tpu.memref_slice %arg8[%add3A_53, %dma_start3A_62] : memref<10000x128xf32, #tpu.memory_space<vmem_shared>> -> memref<80x128xf32, #tpu.memory_space<vmem_shared>>
        %dma_start3A_64 = arith.constant 0 : i32
        %dma_start3A_65 = arith.constant 0 : i32
        %dma_start3A_66 = tpu.memref_slice %arg7[%dma_start3A_64, %dma_start3A_65] : memref<80x128xf32, #tpu.memory_space<vmem>> -> memref<80x128xf32, #tpu.memory_space<vmem>>
        tpu.enqueue_dma source(%dma_start3A_66 : memref<80x128xf32, #tpu.memory_space<vmem>>) target(%dma_start3A_63 : memref<80x128xf32, #tpu.memory_space<vmem_shared>>) target_semaphore(%run_scoped3A : memref<!tpu.dma_semaphore, #tpu.memory_space<semaphore_mem>>)
        %dma_wait3A = arith.constant 0 : i32
        %dma_wait3A_67 = arith.constant 0 : i32
        %dma_wait3A_68 = tpu.memref_slice %arg7[%dma_wait3A, %dma_wait3A_67] : memref<80x128xf32, #tpu.memory_space<vmem>> -> memref<80x128xf32, #tpu.memory_space<vmem>>
        %dma_wait3A_69 = arith.constant 0 : i32
        %dma_wait3A_70 = tpu.memref_slice %arg8[%add3A_53, %dma_wait3A_69] : memref<10000x128xf32, #tpu.memory_space<vmem_shared>> -> memref<80x128xf32, #tpu.memory_space<vmem_shared>>
        %dma_wait3A_71 = arith.constant 0 : i32
        %dma_wait3A_72 = tpu.memref_slice %arg8[%add3A_53, %dma_wait3A_71] : memref<10000x128xf32, #tpu.memory_space<vmem_shared>> -> memref<80x128xf32, #tpu.memory_space<vmem_shared>>
        %dma_wait3A_73 = arith.constant 0 : i32
        %dma_wait3A_74 = arith.constant 0 : i32
        %dma_wait3A_75 = tpu.memref_slice %arg7[%dma_wait3A_73, %dma_wait3A_74] : memref<80x128xf32, #tpu.memory_space<vmem>> -> memref<80x128xf32, #tpu.memory_space<vmem>>
        tpu.wait_dma2 semaphore(%run_scoped3A : memref<!tpu.dma_semaphore, #tpu.memory_space<semaphore_mem>>) src(%dma_wait3A_75 : memref<80x128xf32, #tpu.memory_space<vmem>>) dst(%dma_wait3A_72 : memref<80x128xf32, #tpu.memory_space<vmem_shared>>)
        tpu.yield
      }) : () -> ()
      %add3A_54 = arith.constant 480 : i32
      %add3A_55 = arith.addi %mul3A_41, %add3A_54 : i32
      "tpu.region"() ({
        %run_scoped3A = tpu.sem_alloc : memref<!tpu.dma_semaphore, #tpu.memory_space<semaphore_mem>>
        %dma_start3A = arith.constant 0 : i32
        %dma_start3A_58 = arith.constant 0 : i32
        %dma_start3A_59 = tpu.memref_slice %arg7[%dma_start3A, %dma_start3A_58] : memref<80x128xf32, #tpu.memory_space<vmem>> -> memref<80x128xf32, #tpu.memory_space<vmem>>
        %dma_start3A_60 = arith.constant 0 : i32
        %dma_start3A_61 = tpu.memref_slice %arg8[%add3A_55, %dma_start3A_60] : memref<10000x128xf32, #tpu.memory_space<vmem_shared>> -> memref<80x128xf32, #tpu.memory_space<vmem_shared>>
        %dma_start3A_62 = arith.constant 0 : i32
        %dma_start3A_63 = tpu.memref_slice %arg8[%add3A_55, %dma_start3A_62] : memref<10000x128xf32, #tpu.memory_space<vmem_shared>> -> memref<80x128xf32, #tpu.memory_space<vmem_shared>>
        %dma_start3A_64 = arith.constant 0 : i32
        %dma_start3A_65 = arith.constant 0 : i32
        %dma_start3A_66 = tpu.memref_slice %arg7[%dma_start3A_64, %dma_start3A_65] : memref<80x128xf32, #tpu.memory_space<vmem>> -> memref<80x128xf32, #tpu.memory_space<vmem>>
        tpu.enqueue_dma source(%dma_start3A_66 : memref<80x128xf32, #tpu.memory_space<vmem>>) target(%dma_start3A_63 : memref<80x128xf32, #tpu.memory_space<vmem_shared>>) target_semaphore(%run_scoped3A : memref<!tpu.dma_semaphore, #tpu.memory_space<semaphore_mem>>)
        %dma_wait3A = arith.constant 0 : i32
        %dma_wait3A_67 = arith.constant 0 : i32
        %dma_wait3A_68 = tpu.memref_slice %arg7[%dma_wait3A, %dma_wait3A_67] : memref<80x128xf32, #tpu.memory_space<vmem>> -> memref<80x128xf32, #tpu.memory_space<vmem>>
        %dma_wait3A_69 = arith.constant 0 : i32
        %dma_wait3A_70 = tpu.memref_slice %arg8[%add3A_55, %dma_wait3A_69] : memref<10000x128xf32, #tpu.memory_space<vmem_shared>> -> memref<80x128xf32, #tpu.memory_space<vmem_shared>>
        %dma_wait3A_71 = arith.constant 0 : i32
        %dma_wait3A_72 = tpu.memref_slice %arg8[%add3A_55, %dma_wait3A_71] : memref<10000x128xf32, #tpu.memory_space<vmem_shared>> -> memref<80x128xf32, #tpu.memory_space<vmem_shared>>
        %dma_wait3A_73 = arith.constant 0 : i32
        %dma_wait3A_74 = arith.constant 0 : i32
        %dma_wait3A_75 = tpu.memref_slice %arg7[%dma_wait3A_73, %dma_wait3A_74] : memref<80x128xf32, #tpu.memory_space<vmem>> -> memref<80x128xf32, #tpu.memory_space<vmem>>
        tpu.wait_dma2 semaphore(%run_scoped3A : memref<!tpu.dma_semaphore, #tpu.memory_space<semaphore_mem>>) src(%dma_wait3A_75 : memref<80x128xf32, #tpu.memory_space<vmem>>) dst(%dma_wait3A_72 : memref<80x128xf32, #tpu.memory_space<vmem_shared>>)
        tpu.yield
      }) : () -> ()
      %add3A_56 = arith.constant 560 : i32
      %add3A_57 = arith.addi %mul3A_41, %add3A_56 : i32
      "tpu.region"() ({
        %run_scoped3A = tpu.sem_alloc : memref<!tpu.dma_semaphore, #tpu.memory_space<semaphore_mem>>
        %dma_start3A = arith.constant 0 : i32
        %dma_start3A_58 = arith.constant 0 : i32
        %dma_start3A_59 = tpu.memref_slice %arg7[%dma_start3A, %dma_start3A_58] : memref<80x128xf32, #tpu.memory_space<vmem>> -> memref<72x128xf32, #tpu.memory_space<vmem>>
        %dma_start3A_60 = arith.constant 0 : i32
        %dma_start3A_61 = tpu.memref_slice %arg8[%add3A_57, %dma_start3A_60] : memref<10000x128xf32, #tpu.memory_space<vmem_shared>> -> memref<72x128xf32, #tpu.memory_space<vmem_shared>>
        %dma_start3A_62 = arith.constant 0 : i32
        %dma_start3A_63 = tpu.memref_slice %arg8[%add3A_57, %dma_start3A_62] : memref<10000x128xf32, #tpu.memory_space<vmem_shared>> -> memref<72x128xf32, #tpu.memory_space<vmem_shared>>
        %dma_start3A_64 = arith.constant 0 : i32
        %dma_start3A_65 = arith.constant 0 : i32
        %dma_start3A_66 = tpu.memref_slice %arg7[%dma_start3A_64, %dma_start3A_65] : memref<80x128xf32, #tpu.memory_space<vmem>> -> memref<72x128xf32, #tpu.memory_space<vmem>>
        tpu.enqueue_dma source(%dma_start3A_66 : memref<72x128xf32, #tpu.memory_space<vmem>>) target(%dma_start3A_63 : memref<72x128xf32, #tpu.memory_space<vmem_shared>>) target_semaphore(%run_scoped3A : memref<!tpu.dma_semaphore, #tpu.memory_space<semaphore_mem>>)
        %dma_wait3A = arith.constant 0 : i32
        %dma_wait3A_67 = arith.constant 0 : i32
        %dma_wait3A_68 = tpu.memref_slice %arg7[%dma_wait3A, %dma_wait3A_67] : memref<80x128xf32, #tpu.memory_space<vmem>> -> memref<72x128xf32, #tpu.memory_space<vmem>>
        %dma_wait3A_69 = arith.constant 0 : i32
        %dma_wait3A_70 = tpu.memref_slice %arg8[%add3A_57, %dma_wait3A_69] : memref<10000x128xf32, #tpu.memory_space<vmem_shared>> -> memref<72x128xf32, #tpu.memory_space<vmem_shared>>
        %dma_wait3A_71 = arith.constant 0 : i32
        %dma_wait3A_72 = tpu.memref_slice %arg8[%add3A_57, %dma_wait3A_71] : memref<10000x128xf32, #tpu.memory_space<vmem_shared>> -> memref<72x128xf32, #tpu.memory_space<vmem_shared>>
        %dma_wait3A_73 = arith.constant 0 : i32
        %dma_wait3A_74 = arith.constant 0 : i32
        %dma_wait3A_75 = tpu.memref_slice %arg7[%dma_wait3A_73, %dma_wait3A_74] : memref<80x128xf32, #tpu.memory_space<vmem>> -> memref<72x128xf32, #tpu.memory_space<vmem>>
        tpu.wait_dma2 semaphore(%run_scoped3A : memref<!tpu.dma_semaphore, #tpu.memory_space<semaphore_mem>>) src(%dma_wait3A_75 : memref<72x128xf32, #tpu.memory_space<vmem>>) dst(%dma_wait3A_72 : memref<72x128xf32, #tpu.memory_space<vmem_shared>>)
        tpu.yield
      }) : () -> ()
    } else {
    }
    %eq3A = arith.constant 15 : i32
    %eq3A_16 = arith.cmpi eq, %arg1, %eq3A : i32
    %convert_element_type3A_17 = arith.extui %eq3A_16 : i1 to i32
    %cond3A_18 = arith.constant 0 : i32
    %cond3A_19 = arith.cmpi ne, %convert_element_type3A_17, %cond3A_18 : i32
    scf.if %cond3A_19 {
      "tpu.region"() ({
        %run_scoped3A = tpu.sem_alloc : memref<!tpu.dma_semaphore, #tpu.memory_space<semaphore_mem>>
        %dma_start3A = arith.constant 0 : i32
        %dma_start3A_40 = arith.constant 0 : i32
        %dma_start3A_41 = tpu.memref_slice %arg7[%dma_start3A, %dma_start3A_40] : memref<80x128xf32, #tpu.memory_space<vmem>> -> memref<80x128xf32, #tpu.memory_space<vmem>>
        %dma_start3A_42 = arith.constant 9480 : i32
        %dma_start3A_43 = arith.constant 0 : i32
        %dma_start3A_44 = tpu.memref_slice %arg8[%dma_start3A_42, %dma_start3A_43] : memref<10000x128xf32, #tpu.memory_space<vmem_shared>> -> memref<80x128xf32, #tpu.memory_space<vmem_shared>>
        %dma_start3A_45 = arith.constant 9480 : i32
        %dma_start3A_46 = arith.constant 0 : i32
        %dma_start3A_47 = tpu.memref_slice %arg8[%dma_start3A_45, %dma_start3A_46] : memref<10000x128xf32, #tpu.memory_space<vmem_shared>> -> memref<80x128xf32, #tpu.memory_space<vmem_shared>>
        %dma_start3A_48 = arith.constant 0 : i32
        %dma_start3A_49 = arith.constant 0 : i32
        %dma_start3A_50 = tpu.memref_slice %arg7[%dma_start3A_48, %dma_start3A_49] : memref<80x128xf32, #tpu.memory_space<vmem>> -> memref<80x128xf32, #tpu.memory_space<vmem>>
        tpu.enqueue_dma source(%dma_start3A_50 : memref<80x128xf32, #tpu.memory_space<vmem>>) target(%dma_start3A_47 : memref<80x128xf32, #tpu.memory_space<vmem_shared>>) target_semaphore(%run_scoped3A : memref<!tpu.dma_semaphore, #tpu.memory_space<semaphore_mem>>)
        %dma_wait3A = arith.constant 0 : i32
        %dma_wait3A_51 = arith.constant 0 : i32
        %dma_wait3A_52 = tpu.memref_slice %arg7[%dma_wait3A, %dma_wait3A_51] : memref<80x128xf32, #tpu.memory_space<vmem>> -> memref<80x128xf32, #tpu.memory_space<vmem>>
        %dma_wait3A_53 = arith.constant 9480 : i32
        %dma_wait3A_54 = arith.constant 0 : i32
        %dma_wait3A_55 = tpu.memref_slice %arg8[%dma_wait3A_53, %dma_wait3A_54] : memref<10000x128xf32, #tpu.memory_space<vmem_shared>> -> memref<80x128xf32, #tpu.memory_space<vmem_shared>>
        %dma_wait3A_56 = arith.constant 9480 : i32
        %dma_wait3A_57 = arith.constant 0 : i32
        %dma_wait3A_58 = tpu.memref_slice %arg8[%dma_wait3A_56, %dma_wait3A_57] : memref<10000x128xf32, #tpu.memory_space<vmem_shared>> -> memref<80x128xf32, #tpu.memory_space<vmem_shared>>
        %dma_wait3A_59 = arith.constant 0 : i32
        %dma_wait3A_60 = arith.constant 0 : i32
        %dma_wait3A_61 = tpu.memref_slice %arg7[%dma_wait3A_59, %dma_wait3A_60] : memref<80x128xf32, #tpu.memory_space<vmem>> -> memref<80x128xf32, #tpu.memory_space<vmem>>
        tpu.wait_dma2 semaphore(%run_scoped3A : memref<!tpu.dma_semaphore, #tpu.memory_space<semaphore_mem>>) src(%dma_wait3A_61 : memref<80x128xf32, #tpu.memory_space<vmem>>) dst(%dma_wait3A_58 : memref<80x128xf32, #tpu.memory_space<vmem_shared>>)
        tpu.yield
      }) : () -> ()
      "tpu.region"() ({
        %run_scoped3A = tpu.sem_alloc : memref<!tpu.dma_semaphore, #tpu.memory_space<semaphore_mem>>
        %dma_start3A = arith.constant 0 : i32
        %dma_start3A_40 = arith.constant 0 : i32
        %dma_start3A_41 = tpu.memref_slice %arg7[%dma_start3A, %dma_start3A_40] : memref<80x128xf32, #tpu.memory_space<vmem>> -> memref<80x128xf32, #tpu.memory_space<vmem>>
        %dma_start3A_42 = arith.constant 9560 : i32
        %dma_start3A_43 = arith.constant 0 : i32
        %dma_start3A_44 = tpu.memref_slice %arg8[%dma_start3A_42, %dma_start3A_43] : memref<10000x128xf32, #tpu.memory_space<vmem_shared>> -> memref<80x128xf32, #tpu.memory_space<vmem_shared>>
        %dma_start3A_45 = arith.constant 9560 : i32
        %dma_start3A_46 = arith.constant 0 : i32
        %dma_start3A_47 = tpu.memref_slice %arg8[%dma_start3A_45, %dma_start3A_46] : memref<10000x128xf32, #tpu.memory_space<vmem_shared>> -> memref<80x128xf32, #tpu.memory_space<vmem_shared>>
        %dma_start3A_48 = arith.constant 0 : i32
        %dma_start3A_49 = arith.constant 0 : i32
        %dma_start3A_50 = tpu.memref_slice %arg7[%dma_start3A_48, %dma_start3A_49] : memref<80x128xf32, #tpu.memory_space<vmem>> -> memref<80x128xf32, #tpu.memory_space<vmem>>
        tpu.enqueue_dma source(%dma_start3A_50 : memref<80x128xf32, #tpu.memory_space<vmem>>) target(%dma_start3A_47 : memref<80x128xf32, #tpu.memory_space<vmem_shared>>) target_semaphore(%run_scoped3A : memref<!tpu.dma_semaphore, #tpu.memory_space<semaphore_mem>>)
        %dma_wait3A = arith.constant 0 : i32
        %dma_wait3A_51 = arith.constant 0 : i32
        %dma_wait3A_52 = tpu.memref_slice %arg7[%dma_wait3A, %dma_wait3A_51] : memref<80x128xf32, #tpu.memory_space<vmem>> -> memref<80x128xf32, #tpu.memory_space<vmem>>
        %dma_wait3A_53 = arith.constant 9560 : i32
        %dma_wait3A_54 = arith.constant 0 : i32
        %dma_wait3A_55 = tpu.memref_slice %arg8[%dma_wait3A_53, %dma_wait3A_54] : memref<10000x128xf32, #tpu.memory_space<vmem_shared>> -> memref<80x128xf32, #tpu.memory_space<vmem_shared>>
        %dma_wait3A_56 = arith.constant 9560 : i32
        %dma_wait3A_57 = arith.constant 0 : i32
        %dma_wait3A_58 = tpu.memref_slice %arg8[%dma_wait3A_56, %dma_wait3A_57] : memref<10000x128xf32, #tpu.memory_space<vmem_shared>> -> memref<80x128xf32, #tpu.memory_space<vmem_shared>>
        %dma_wait3A_59 = arith.constant 0 : i32
        %dma_wait3A_60 = arith.constant 0 : i32
        %dma_wait3A_61 = tpu.memref_slice %arg7[%dma_wait3A_59, %dma_wait3A_60] : memref<80x128xf32, #tpu.memory_space<vmem>> -> memref<80x128xf32, #tpu.memory_space<vmem>>
        tpu.wait_dma2 semaphore(%run_scoped3A : memref<!tpu.dma_semaphore, #tpu.memory_space<semaphore_mem>>) src(%dma_wait3A_61 : memref<80x128xf32, #tpu.memory_space<vmem>>) dst(%dma_wait3A_58 : memref<80x128xf32, #tpu.memory_space<vmem_shared>>)
        tpu.yield
      }) : () -> ()
      "tpu.region"() ({
        %run_scoped3A = tpu.sem_alloc : memref<!tpu.dma_semaphore, #tpu.memory_space<semaphore_mem>>
        %dma_start3A = arith.constant 0 : i32
        %dma_start3A_40 = arith.constant 0 : i32
        %dma_start3A_41 = tpu.memref_slice %arg7[%dma_start3A, %dma_start3A_40] : memref<80x128xf32, #tpu.memory_space<vmem>> -> memref<80x128xf32, #tpu.memory_space<vmem>>
        %dma_start3A_42 = arith.constant 9640 : i32
        %dma_start3A_43 = arith.constant 0 : i32
        %dma_start3A_44 = tpu.memref_slice %arg8[%dma_start3A_42, %dma_start3A_43] : memref<10000x128xf32, #tpu.memory_space<vmem_shared>> -> memref<80x128xf32, #tpu.memory_space<vmem_shared>>
        %dma_start3A_45 = arith.constant 9640 : i32
        %dma_start3A_46 = arith.constant 0 : i32
        %dma_start3A_47 = tpu.memref_slice %arg8[%dma_start3A_45, %dma_start3A_46] : memref<10000x128xf32, #tpu.memory_space<vmem_shared>> -> memref<80x128xf32, #tpu.memory_space<vmem_shared>>
        %dma_start3A_48 = arith.constant 0 : i32
        %dma_start3A_49 = arith.constant 0 : i32
        %dma_start3A_50 = tpu.memref_slice %arg7[%dma_start3A_48, %dma_start3A_49] : memref<80x128xf32, #tpu.memory_space<vmem>> -> memref<80x128xf32, #tpu.memory_space<vmem>>
        tpu.enqueue_dma source(%dma_start3A_50 : memref<80x128xf32, #tpu.memory_space<vmem>>) target(%dma_start3A_47 : memref<80x128xf32, #tpu.memory_space<vmem_shared>>) target_semaphore(%run_scoped3A : memref<!tpu.dma_semaphore, #tpu.memory_space<semaphore_mem>>)
        %dma_wait3A = arith.constant 0 : i32
        %dma_wait3A_51 = arith.constant 0 : i32
        %dma_wait3A_52 = tpu.memref_slice %arg7[%dma_wait3A, %dma_wait3A_51] : memref<80x128xf32, #tpu.memory_space<vmem>> -> memref<80x128xf32, #tpu.memory_space<vmem>>
        %dma_wait3A_53 = arith.constant 9640 : i32
        %dma_wait3A_54 = arith.constant 0 : i32
        %dma_wait3A_55 = tpu.memref_slice %arg8[%dma_wait3A_53, %dma_wait3A_54] : memref<10000x128xf32, #tpu.memory_space<vmem_shared>> -> memref<80x128xf32, #tpu.memory_space<vmem_shared>>
        %dma_wait3A_56 = arith.constant 9640 : i32
        %dma_wait3A_57 = arith.constant 0 : i32
        %dma_wait3A_58 = tpu.memref_slice %arg8[%dma_wait3A_56, %dma_wait3A_57] : memref<10000x128xf32, #tpu.memory_space<vmem_shared>> -> memref<80x128xf32, #tpu.memory_space<vmem_shared>>
        %dma_wait3A_59 = arith.constant 0 : i32
        %dma_wait3A_60 = arith.constant 0 : i32
        %dma_wait3A_61 = tpu.memref_slice %arg7[%dma_wait3A_59, %dma_wait3A_60] : memref<80x128xf32, #tpu.memory_space<vmem>> -> memref<80x128xf32, #tpu.memory_space<vmem>>
        tpu.wait_dma2 semaphore(%run_scoped3A : memref<!tpu.dma_semaphore, #tpu.memory_space<semaphore_mem>>) src(%dma_wait3A_61 : memref<80x128xf32, #tpu.memory_space<vmem>>) dst(%dma_wait3A_58 : memref<80x128xf32, #tpu.memory_space<vmem_shared>>)
        tpu.yield
      }) : () -> ()
      "tpu.region"() ({
        %run_scoped3A = tpu.sem_alloc : memref<!tpu.dma_semaphore, #tpu.memory_space<semaphore_mem>>
        %dma_start3A = arith.constant 0 : i32
        %dma_start3A_40 = arith.constant 0 : i32
        %dma_start3A_41 = tpu.memref_slice %arg7[%dma_start3A, %dma_start3A_40] : memref<80x128xf32, #tpu.memory_space<vmem>> -> memref<80x128xf32, #tpu.memory_space<vmem>>
        %dma_start3A_42 = arith.constant 9720 : i32
        %dma_start3A_43 = arith.constant 0 : i32
        %dma_start3A_44 = tpu.memref_slice %arg8[%dma_start3A_42, %dma_start3A_43] : memref<10000x128xf32, #tpu.memory_space<vmem_shared>> -> memref<80x128xf32, #tpu.memory_space<vmem_shared>>
        %dma_start3A_45 = arith.constant 9720 : i32
        %dma_start3A_46 = arith.constant 0 : i32
        %dma_start3A_47 = tpu.memref_slice %arg8[%dma_start3A_45, %dma_start3A_46] : memref<10000x128xf32, #tpu.memory_space<vmem_shared>> -> memref<80x128xf32, #tpu.memory_space<vmem_shared>>
        %dma_start3A_48 = arith.constant 0 : i32
        %dma_start3A_49 = arith.constant 0 : i32
        %dma_start3A_50 = tpu.memref_slice %arg7[%dma_start3A_48, %dma_start3A_49] : memref<80x128xf32, #tpu.memory_space<vmem>> -> memref<80x128xf32, #tpu.memory_space<vmem>>
        tpu.enqueue_dma source(%dma_start3A_50 : memref<80x128xf32, #tpu.memory_space<vmem>>) target(%dma_start3A_47 : memref<80x128xf32, #tpu.memory_space<vmem_shared>>) target_semaphore(%run_scoped3A : memref<!tpu.dma_semaphore, #tpu.memory_space<semaphore_mem>>)
        %dma_wait3A = arith.constant 0 : i32
        %dma_wait3A_51 = arith.constant 0 : i32
        %dma_wait3A_52 = tpu.memref_slice %arg7[%dma_wait3A, %dma_wait3A_51] : memref<80x128xf32, #tpu.memory_space<vmem>> -> memref<80x128xf32, #tpu.memory_space<vmem>>
        %dma_wait3A_53 = arith.constant 9720 : i32
        %dma_wait3A_54 = arith.constant 0 : i32
        %dma_wait3A_55 = tpu.memref_slice %arg8[%dma_wait3A_53, %dma_wait3A_54] : memref<10000x128xf32, #tpu.memory_space<vmem_shared>> -> memref<80x128xf32, #tpu.memory_space<vmem_shared>>
        %dma_wait3A_56 = arith.constant 9720 : i32
        %dma_wait3A_57 = arith.constant 0 : i32
        %dma_wait3A_58 = tpu.memref_slice %arg8[%dma_wait3A_56, %dma_wait3A_57] : memref<10000x128xf32, #tpu.memory_space<vmem_shared>> -> memref<80x128xf32, #tpu.memory_space<vmem_shared>>
        %dma_wait3A_59 = arith.constant 0 : i32
        %dma_wait3A_60 = arith.constant 0 : i32
        %dma_wait3A_61 = tpu.memref_slice %arg7[%dma_wait3A_59, %dma_wait3A_60] : memref<80x128xf32, #tpu.memory_space<vmem>> -> memref<80x128xf32, #tpu.memory_space<vmem>>
        tpu.wait_dma2 semaphore(%run_scoped3A : memref<!tpu.dma_semaphore, #tpu.memory_space<semaphore_mem>>) src(%dma_wait3A_61 : memref<80x128xf32, #tpu.memory_space<vmem>>) dst(%dma_wait3A_58 : memref<80x128xf32, #tpu.memory_space<vmem_shared>>)
        tpu.yield
      }) : () -> ()
      "tpu.region"() ({
        %run_scoped3A = tpu.sem_alloc : memref<!tpu.dma_semaphore, #tpu.memory_space<semaphore_mem>>
        %dma_start3A = arith.constant 0 : i32
        %dma_start3A_40 = arith.constant 0 : i32
        %dma_start3A_41 = tpu.memref_slice %arg7[%dma_start3A, %dma_start3A_40] : memref<80x128xf32, #tpu.memory_space<vmem>> -> memref<80x128xf32, #tpu.memory_space<vmem>>
        %dma_start3A_42 = arith.constant 9800 : i32
        %dma_start3A_43 = arith.constant 0 : i32
        %dma_start3A_44 = tpu.memref_slice %arg8[%dma_start3A_42, %dma_start3A_43] : memref<10000x128xf32, #tpu.memory_space<vmem_shared>> -> memref<80x128xf32, #tpu.memory_space<vmem_shared>>
        %dma_start3A_45 = arith.constant 9800 : i32
        %dma_start3A_46 = arith.constant 0 : i32
        %dma_start3A_47 = tpu.memref_slice %arg8[%dma_start3A_45, %dma_start3A_46] : memref<10000x128xf32, #tpu.memory_space<vmem_shared>> -> memref<80x128xf32, #tpu.memory_space<vmem_shared>>
        %dma_start3A_48 = arith.constant 0 : i32
        %dma_start3A_49 = arith.constant 0 : i32
        %dma_start3A_50 = tpu.memref_slice %arg7[%dma_start3A_48, %dma_start3A_49] : memref<80x128xf32, #tpu.memory_space<vmem>> -> memref<80x128xf32, #tpu.memory_space<vmem>>
        tpu.enqueue_dma source(%dma_start3A_50 : memref<80x128xf32, #tpu.memory_space<vmem>>) target(%dma_start3A_47 : memref<80x128xf32, #tpu.memory_space<vmem_shared>>) target_semaphore(%run_scoped3A : memref<!tpu.dma_semaphore, #tpu.memory_space<semaphore_mem>>)
        %dma_wait3A = arith.constant 0 : i32
        %dma_wait3A_51 = arith.constant 0 : i32
        %dma_wait3A_52 = tpu.memref_slice %arg7[%dma_wait3A, %dma_wait3A_51] : memref<80x128xf32, #tpu.memory_space<vmem>> -> memref<80x128xf32, #tpu.memory_space<vmem>>
        %dma_wait3A_53 = arith.constant 9800 : i32
        %dma_wait3A_54 = arith.constant 0 : i32
        %dma_wait3A_55 = tpu.memref_slice %arg8[%dma_wait3A_53, %dma_wait3A_54] : memref<10000x128xf32, #tpu.memory_space<vmem_shared>> -> memref<80x128xf32, #tpu.memory_space<vmem_shared>>
        %dma_wait3A_56 = arith.constant 9800 : i32
        %dma_wait3A_57 = arith.constant 0 : i32
        %dma_wait3A_58 = tpu.memref_slice %arg8[%dma_wait3A_56, %dma_wait3A_57] : memref<10000x128xf32, #tpu.memory_space<vmem_shared>> -> memref<80x128xf32, #tpu.memory_space<vmem_shared>>
        %dma_wait3A_59 = arith.constant 0 : i32
        %dma_wait3A_60 = arith.constant 0 : i32
        %dma_wait3A_61 = tpu.memref_slice %arg7[%dma_wait3A_59, %dma_wait3A_60] : memref<80x128xf32, #tpu.memory_space<vmem>> -> memref<80x128xf32, #tpu.memory_space<vmem>>
        tpu.wait_dma2 semaphore(%run_scoped3A : memref<!tpu.dma_semaphore, #tpu.memory_space<semaphore_mem>>) src(%dma_wait3A_61 : memref<80x128xf32, #tpu.memory_space<vmem>>) dst(%dma_wait3A_58 : memref<80x128xf32, #tpu.memory_space<vmem_shared>>)
        tpu.yield
      }) : () -> ()
      "tpu.region"() ({
        %run_scoped3A = tpu.sem_alloc : memref<!tpu.dma_semaphore, #tpu.memory_space<semaphore_mem>>
        %dma_start3A = arith.constant 0 : i32
        %dma_start3A_40 = arith.constant 0 : i32
        %dma_start3A_41 = tpu.memref_slice %arg7[%dma_start3A, %dma_start3A_40] : memref<80x128xf32, #tpu.memory_space<vmem>> -> memref<80x128xf32, #tpu.memory_space<vmem>>
        %dma_start3A_42 = arith.constant 9880 : i32
        %dma_start3A_43 = arith.constant 0 : i32
        %dma_start3A_44 = tpu.memref_slice %arg8[%dma_start3A_42, %dma_start3A_43] : memref<10000x128xf32, #tpu.memory_space<vmem_shared>> -> memref<80x128xf32, #tpu.memory_space<vmem_shared>>
        %dma_start3A_45 = arith.constant 9880 : i32
        %dma_start3A_46 = arith.constant 0 : i32
        %dma_start3A_47 = tpu.memref_slice %arg8[%dma_start3A_45, %dma_start3A_46] : memref<10000x128xf32, #tpu.memory_space<vmem_shared>> -> memref<80x128xf32, #tpu.memory_space<vmem_shared>>
        %dma_start3A_48 = arith.constant 0 : i32
        %dma_start3A_49 = arith.constant 0 : i32
        %dma_start3A_50 = tpu.memref_slice %arg7[%dma_start3A_48, %dma_start3A_49] : memref<80x128xf32, #tpu.memory_space<vmem>> -> memref<80x128xf32, #tpu.memory_space<vmem>>
        tpu.enqueue_dma source(%dma_start3A_50 : memref<80x128xf32, #tpu.memory_space<vmem>>) target(%dma_start3A_47 : memref<80x128xf32, #tpu.memory_space<vmem_shared>>) target_semaphore(%run_scoped3A : memref<!tpu.dma_semaphore, #tpu.memory_space<semaphore_mem>>)
        %dma_wait3A = arith.constant 0 : i32
        %dma_wait3A_51 = arith.constant 0 : i32
        %dma_wait3A_52 = tpu.memref_slice %arg7[%dma_wait3A, %dma_wait3A_51] : memref<80x128xf32, #tpu.memory_space<vmem>> -> memref<80x128xf32, #tpu.memory_space<vmem>>
        %dma_wait3A_53 = arith.constant 9880 : i32
        %dma_wait3A_54 = arith.constant 0 : i32
        %dma_wait3A_55 = tpu.memref_slice %arg8[%dma_wait3A_53, %dma_wait3A_54] : memref<10000x128xf32, #tpu.memory_space<vmem_shared>> -> memref<80x128xf32, #tpu.memory_space<vmem_shared>>
        %dma_wait3A_56 = arith.constant 9880 : i32
        %dma_wait3A_57 = arith.constant 0 : i32
        %dma_wait3A_58 = tpu.memref_slice %arg8[%dma_wait3A_56, %dma_wait3A_57] : memref<10000x128xf32, #tpu.memory_space<vmem_shared>> -> memref<80x128xf32, #tpu.memory_space<vmem_shared>>
        %dma_wait3A_59 = arith.constant 0 : i32
        %dma_wait3A_60 = arith.constant 0 : i32
        %dma_wait3A_61 = tpu.memref_slice %arg7[%dma_wait3A_59, %dma_wait3A_60] : memref<80x128xf32, #tpu.memory_space<vmem>> -> memref<80x128xf32, #tpu.memory_space<vmem>>
        tpu.wait_dma2 semaphore(%run_scoped3A : memref<!tpu.dma_semaphore, #tpu.memory_space<semaphore_mem>>) src(%dma_wait3A_61 : memref<80x128xf32, #tpu.memory_space<vmem>>) dst(%dma_wait3A_58 : memref<80x128xf32, #tpu.memory_space<vmem_shared>>)
        tpu.yield
      }) : () -> ()
      "tpu.region"() ({
        %run_scoped3A = tpu.sem_alloc : memref<!tpu.dma_semaphore, #tpu.memory_space<semaphore_mem>>
        %dma_start3A = arith.constant 0 : i32
        %dma_start3A_40 = arith.constant 0 : i32
        %dma_start3A_41 = tpu.memref_slice %arg7[%dma_start3A, %dma_start3A_40] : memref<80x128xf32, #tpu.memory_space<vmem>> -> memref<40x128xf32, #tpu.memory_space<vmem>>
        %dma_start3A_42 = arith.constant 9960 : i32
        %dma_start3A_43 = arith.constant 0 : i32
        %dma_start3A_44 = tpu.memref_slice %arg8[%dma_start3A_42, %dma_start3A_43] : memref<10000x128xf32, #tpu.memory_space<vmem_shared>> -> memref<40x128xf32, #tpu.memory_space<vmem_shared>>
        %dma_start3A_45 = arith.constant 9960 : i32
        %dma_start3A_46 = arith.constant 0 : i32
        %dma_start3A_47 = tpu.memref_slice %arg8[%dma_start3A_45, %dma_start3A_46] : memref<10000x128xf32, #tpu.memory_space<vmem_shared>> -> memref<40x128xf32, #tpu.memory_space<vmem_shared>>
        %dma_start3A_48 = arith.constant 0 : i32
        %dma_start3A_49 = arith.constant 0 : i32
        %dma_start3A_50 = tpu.memref_slice %arg7[%dma_start3A_48, %dma_start3A_49] : memref<80x128xf32, #tpu.memory_space<vmem>> -> memref<40x128xf32, #tpu.memory_space<vmem>>
        tpu.enqueue_dma source(%dma_start3A_50 : memref<40x128xf32, #tpu.memory_space<vmem>>) target(%dma_start3A_47 : memref<40x128xf32, #tpu.memory_space<vmem_shared>>) target_semaphore(%run_scoped3A : memref<!tpu.dma_semaphore, #tpu.memory_space<semaphore_mem>>)
        %dma_wait3A = arith.constant 0 : i32
        %dma_wait3A_51 = arith.constant 0 : i32
        %dma_wait3A_52 = tpu.memref_slice %arg7[%dma_wait3A, %dma_wait3A_51] : memref<80x128xf32, #tpu.memory_space<vmem>> -> memref<40x128xf32, #tpu.memory_space<vmem>>
        %dma_wait3A_53 = arith.constant 9960 : i32
        %dma_wait3A_54 = arith.constant 0 : i32
        %dma_wait3A_55 = tpu.memref_slice %arg8[%dma_wait3A_53, %dma_wait3A_54] : memref<10000x128xf32, #tpu.memory_space<vmem_shared>> -> memref<40x128xf32, #tpu.memory_space<vmem_shared>>
        %dma_wait3A_56 = arith.constant 9960 : i32
        %dma_wait3A_57 = arith.constant 0 : i32
        %dma_wait3A_58 = tpu.memref_slice %arg8[%dma_wait3A_56, %dma_wait3A_57] : memref<10000x128xf32, #tpu.memory_space<vmem_shared>> -> memref<40x128xf32, #tpu.memory_space<vmem_shared>>
        %dma_wait3A_59 = arith.constant 0 : i32
        %dma_wait3A_60 = arith.constant 0 : i32
        %dma_wait3A_61 = tpu.memref_slice %arg7[%dma_wait3A_59, %dma_wait3A_60] : memref<80x128xf32, #tpu.memory_space<vmem>> -> memref<40x128xf32, #tpu.memory_space<vmem>>
        tpu.wait_dma2 semaphore(%run_scoped3A : memref<!tpu.dma_semaphore, #tpu.memory_space<semaphore_mem>>) src(%dma_wait3A_61 : memref<40x128xf32, #tpu.memory_space<vmem>>) dst(%dma_wait3A_58 : memref<40x128xf32, #tpu.memory_space<vmem_shared>>)
        tpu.yield
      }) : () -> ()
    } else {
    }
    %mul3A_20 = arith.constant 40 : i32
    %mul3A_21 = arith.muli %add3A, %mul3A_20 : i32
    "tpu.region"() ({
      %run_scoped3A = tpu.sem_alloc : memref<!tpu.dma_semaphore, #tpu.memory_space<semaphore_mem>>
      %dma_start3A = arith.constant 0 : i32
      %dma_start3A_40 = tpu.memref_slice %arg2[%mul3A_21, %dma_start3A] : memref<1280x125xi32, #tpu.memory_space<hbm>> -> memref<40x125xi32, #tpu.memory_space<hbm>>
      %dma_start3A_41 = arith.constant 0 : i32
      %dma_start3A_42 = tpu.memref_slice %arg2[%mul3A_21, %dma_start3A_41] : memref<1280x125xi32, #tpu.memory_space<hbm>> -> memref<40x125xi32, #tpu.memory_space<hbm>>
      tpu.enqueue_dma source(%dma_start3A_42 : memref<40x125xi32, #tpu.memory_space<hbm>>) target(%arg5 : memref<40x125xi32, #tpu.memory_space<vmem>>) target_semaphore(%run_scoped3A : memref<!tpu.dma_semaphore, #tpu.memory_space<semaphore_mem>>)
      %dma_wait3A = arith.constant 0 : i32
      %dma_wait3A_43 = tpu.memref_slice %arg2[%mul3A_21, %dma_wait3A] : memref<1280x125xi32, #tpu.memory_space<hbm>> -> memref<40x125xi32, #tpu.memory_space<hbm>>
      %dma_wait3A_44 = arith.constant 0 : i32
      %dma_wait3A_45 = tpu.memref_slice %arg2[%mul3A_21, %dma_wait3A_44] : memref<1280x125xi32, #tpu.memory_space<hbm>> -> memref<40x125xi32, #tpu.memory_space<hbm>>
      tpu.wait_dma2 semaphore(%run_scoped3A : memref<!tpu.dma_semaphore, #tpu.memory_space<semaphore_mem>>) src(%dma_wait3A_45 : memref<40x125xi32, #tpu.memory_space<hbm>>) dst(%arg5 : memref<40x125xi32, #tpu.memory_space<vmem>>)
      tpu.yield
    }) : () -> ()
    %barrier3A = arith.constant 0 : index
    tpu.barrier barrier_id(%barrier3A)
    %scan3A_22 = arith.constant 0 : i32
    %scan3A_23 = arith.constant 0 : i32
    %scan3A_24 = arith.constant 40 : i32
    %scan3A_25 = arith.addi %scan3A_23, %scan3A_24 : i32
    %scan3A_26 = arith.constant 1 : i32
    %scan3A_27 = scf.for %scan3A_40 = %scan3A_23 to %scan3A_25 step %scan3A_26 iter_args(%scan3A_41 = %scan3A_22) -> (i32)  : i32 {
      "tpu.region"() ({
        %run_scoped3A = tpu.sem_alloc : memref<!tpu.dma_semaphore, #tpu.memory_space<semaphore_mem>>
        %dma_start3A = arith.constant 0 : i32
        %dma_start3A_43 = tpu.memref_slice %arg5[%scan3A_40, %dma_start3A] : memref<40x125xi32, #tpu.memory_space<vmem>> -> memref<1x125xi32, #tpu.memory_space<vmem>>
        %dma_start3A_44 = tpu.memref_squeeze %dma_start3A_43 : memref<1x125xi32, #tpu.memory_space<vmem>> -> memref<125xi32, #tpu.memory_space<vmem>>
        %dma_start3A_45 = arith.constant 0 : i32
        %dma_start3A_46 = arith.constant 0 : i32
        %dma_start3A_47 = tpu.memref_slice %arg8[%dma_start3A_45, %dma_start3A_46] : memref<10000x128xf32, #tpu.memory_space<vmem_shared>> -> memref<10000x128xf32, #tpu.memory_space<vmem_shared>>
        tpu.enqueue_indirect_dma source(%arg6 : memref<125x128xf32, #tpu.memory_space<vmem>>) target(%dma_start3A_47 : memref<10000x128xf32, #tpu.memory_space<vmem_shared>>) offsets(%dma_start3A_44 : memref<125xi32, #tpu.memory_space<vmem>>) semaphore(%run_scoped3A : memref<!tpu.dma_semaphore, #tpu.memory_space<semaphore_mem>>) {add = true}
        %dma_wait3A = arith.constant 0 : i32
        %dma_wait3A_48 = tpu.memref_slice %arg5[%scan3A_40, %dma_wait3A] : memref<40x125xi32, #tpu.memory_space<vmem>> -> memref<1x125xi32, #tpu.memory_space<vmem>>
        %dma_wait3A_49 = tpu.memref_squeeze %dma_wait3A_48 : memref<1x125xi32, #tpu.memory_space<vmem>> -> memref<125xi32, #tpu.memory_space<vmem>>
        %dma_wait3A_50 = arith.constant 0 : i32
        %dma_wait3A_51 = arith.constant 0 : i32
        %dma_wait3A_52 = tpu.memref_slice %arg8[%dma_wait3A_50, %dma_wait3A_51] : memref<10000x128xf32, #tpu.memory_space<vmem_shared>> -> memref<10000x128xf32, #tpu.memory_space<vmem_shared>>
        tpu.wait_indirect_dma semaphore(%run_scoped3A : memref<!tpu.dma_semaphore, #tpu.memory_space<semaphore_mem>>) src(%arg6 : memref<125x128xf32, #tpu.memory_space<vmem>>) dst(%dma_wait3A_52 : memref<10000x128xf32, #tpu.memory_space<vmem_shared>>)
        tpu.yield
      }) : () -> ()
      %scan3A_42 = arith.constant 0 : i32
      scf.yield %scan3A_42 : i32
    }
    %scan3A_28 = arith.constant 40 : i32
    %barrier3A_29 = arith.constant 0 : index
    tpu.barrier barrier_id(%barrier3A_29)
    %eq3A_30 = arith.constant 0 : i32
    %eq3A_31 = arith.cmpi eq, %arg0, %eq3A_30 : i32
    %convert_element_type3A_32 = arith.extui %eq3A_31 : i1 to i32
    %cond3A_33 = arith.constant 0 : i32
    %cond3A_34 = arith.cmpi ne, %convert_element_type3A_32, %cond3A_33 : i32
    scf.if %cond3A_34 {
      %lt3A_40 = arith.constant 15 : i32
      %lt3A_41 = arith.cmpi slt, %arg1, %lt3A_40 : i32
      %convert_element_type3A_42 = arith.extui %lt3A_41 : i1 to i32
      %cond3A_43 = arith.constant 0 : i32
      %cond3A_44 = arith.cmpi ne, %convert_element_type3A_42, %cond3A_43 : i32
      scf.if %cond3A_44 {
        %mul3A_50 = arith.constant 632 : i32
        %mul3A_51 = arith.muli %arg1, %mul3A_50 : i32
        %mul3A_52 = arith.constant 632 : i32
        %mul3A_53 = arith.muli %arg1, %mul3A_52 : i32
        "tpu.region"() ({
          %run_scoped3A = tpu.sem_alloc : memref<!tpu.dma_semaphore, #tpu.memory_space<semaphore_mem>>
          %dma_start3A = arith.constant 0 : i32
          %dma_start3A_54 = tpu.memref_slice %arg3[%mul3A_53, %dma_start3A] : memref<10000x128xf32, #tpu.memory_space<hbm>> -> memref<632x128xf32, #tpu.memory_space<hbm>>
          %dma_start3A_55 = arith.constant 0 : i32
          %dma_start3A_56 = tpu.memref_slice %arg8[%mul3A_51, %dma_start3A_55] : memref<10000x128xf32, #tpu.memory_space<vmem_shared>> -> memref<632x128xf32, #tpu.memory_space<vmem_shared>>
          tpu.enqueue_dma source(%dma_start3A_56 : memref<632x128xf32, #tpu.memory_space<vmem_shared>>) target(%dma_start3A_54 : memref<632x128xf32, #tpu.memory_space<hbm>>) target_semaphore(%run_scoped3A : memref<!tpu.dma_semaphore, #tpu.memory_space<semaphore_mem>>)
          %dma_wait3A = arith.constant 0 : i32
          %dma_wait3A_57 = tpu.memref_slice %arg3[%mul3A_53, %dma_wait3A] : memref<10000x128xf32, #tpu.memory_space<hbm>> -> memref<632x128xf32, #tpu.memory_space<hbm>>
          %dma_wait3A_58 = arith.constant 0 : i32
          %dma_wait3A_59 = tpu.memref_slice %arg8[%mul3A_51, %dma_wait3A_58] : memref<10000x128xf32, #tpu.memory_space<vmem_shared>> -> memref<632x128xf32, #tpu.memory_space<vmem_shared>>
          tpu.wait_dma2 semaphore(%run_scoped3A : memref<!tpu.dma_semaphore, #tpu.memory_space<semaphore_mem>>) src(%dma_wait3A_59 : memref<632x128xf32, #tpu.memory_space<vmem_shared>>) dst(%dma_wait3A_57 : memref<632x128xf32, #tpu.memory_space<hbm>>)
          tpu.yield
        }) : () -> ()
      } else {
      }
      %eq3A_45 = arith.constant 15 : i32
      %eq3A_46 = arith.cmpi eq, %arg1, %eq3A_45 : i32
      %convert_element_type3A_47 = arith.extui %eq3A_46 : i1 to i32
      %cond3A_48 = arith.constant 0 : i32
      %cond3A_49 = arith.cmpi ne, %convert_element_type3A_47, %cond3A_48 : i32
      scf.if %cond3A_49 {
        "tpu.region"() ({
          %run_scoped3A = tpu.sem_alloc : memref<!tpu.dma_semaphore, #tpu.memory_space<semaphore_mem>>
          %dma_start3A = arith.constant 9480 : i32
          %dma_start3A_50 = arith.constant 0 : i32
          %dma_start3A_51 = tpu.memref_slice %arg3[%dma_start3A, %dma_start3A_50] : memref<10000x128xf32, #tpu.memory_space<hbm>> -> memref<520x128xf32, #tpu.memory_space<hbm>>
          %dma_start3A_52 = arith.constant 9480 : i32
          %dma_start3A_53 = arith.constant 0 : i32
          %dma_start3A_54 = tpu.memref_slice %arg8[%dma_start3A_52, %dma_start3A_53] : memref<10000x128xf32, #tpu.memory_space<vmem_shared>> -> memref<520x128xf32, #tpu.memory_space<vmem_shared>>
          tpu.enqueue_dma source(%dma_start3A_54 : memref<520x128xf32, #tpu.memory_space<vmem_shared>>) target(%dma_start3A_51 : memref<520x128xf32, #tpu.memory_space<hbm>>) target_semaphore(%run_scoped3A : memref<!tpu.dma_semaphore, #tpu.memory_space<semaphore_mem>>)
          %dma_wait3A = arith.constant 9480 : i32
          %dma_wait3A_55 = arith.constant 0 : i32
          %dma_wait3A_56 = tpu.memref_slice %arg3[%dma_wait3A, %dma_wait3A_55] : memref<10000x128xf32, #tpu.memory_space<hbm>> -> memref<520x128xf32, #tpu.memory_space<hbm>>
          %dma_wait3A_57 = arith.constant 9480 : i32
          %dma_wait3A_58 = arith.constant 0 : i32
          %dma_wait3A_59 = tpu.memref_slice %arg8[%dma_wait3A_57, %dma_wait3A_58] : memref<10000x128xf32, #tpu.memory_space<vmem_shared>> -> memref<520x128xf32, #tpu.memory_space<vmem_shared>>
          tpu.wait_dma2 semaphore(%run_scoped3A : memref<!tpu.dma_semaphore, #tpu.memory_space<semaphore_mem>>) src(%dma_wait3A_59 : memref<520x128xf32, #tpu.memory_space<vmem_shared>>) dst(%dma_wait3A_56 : memref<520x128xf32, #tpu.memory_space<hbm>>)
          tpu.yield
        }) : () -> ()
      } else {
      }
    } else {
    }
    %eq3A_35 = arith.constant 1 : i32
    %eq3A_36 = arith.cmpi eq, %arg0, %eq3A_35 : i32
    %convert_element_type3A_37 = arith.extui %eq3A_36 : i1 to i32
    %cond3A_38 = arith.constant 0 : i32
    %cond3A_39 = arith.cmpi ne, %convert_element_type3A_37, %cond3A_38 : i32
    scf.if %cond3A_39 {
      %lt3A_40 = arith.constant 15 : i32
      %lt3A_41 = arith.cmpi slt, %arg1, %lt3A_40 : i32
      %convert_element_type3A_42 = arith.extui %lt3A_41 : i1 to i32
      %cond3A_43 = arith.constant 0 : i32
      %cond3A_44 = arith.cmpi ne, %convert_element_type3A_42, %cond3A_43 : i32
      scf.if %cond3A_44 {
        %mul3A_50 = arith.constant 632 : i32
        %mul3A_51 = arith.muli %arg1, %mul3A_50 : i32
        %mul3A_52 = arith.constant 632 : i32
        %mul3A_53 = arith.muli %arg1, %mul3A_52 : i32
        "tpu.region"() ({
          %run_scoped3A = tpu.sem_alloc : memref<!tpu.dma_semaphore, #tpu.memory_space<semaphore_mem>>
          %dma_start3A = arith.constant 0 : i32
          %dma_start3A_54 = tpu.memref_slice %arg4[%mul3A_53, %dma_start3A] : memref<10000x128xf32, #tpu.memory_space<hbm>> -> memref<632x128xf32, #tpu.memory_space<hbm>>
          %dma_start3A_55 = arith.constant 0 : i32
          %dma_start3A_56 = tpu.memref_slice %arg8[%mul3A_51, %dma_start3A_55] : memref<10000x128xf32, #tpu.memory_space<vmem_shared>> -> memref<632x128xf32, #tpu.memory_space<vmem_shared>>
          tpu.enqueue_dma source(%dma_start3A_56 : memref<632x128xf32, #tpu.memory_space<vmem_shared>>) target(%dma_start3A_54 : memref<632x128xf32, #tpu.memory_space<hbm>>) target_semaphore(%run_scoped3A : memref<!tpu.dma_semaphore, #tpu.memory_space<semaphore_mem>>)
          %dma_wait3A = arith.constant 0 : i32
          %dma_wait3A_57 = tpu.memref_slice %arg4[%mul3A_53, %dma_wait3A] : memref<10000x128xf32, #tpu.memory_space<hbm>> -> memref<632x128xf32, #tpu.memory_space<hbm>>
          %dma_wait3A_58 = arith.constant 0 : i32
          %dma_wait3A_59 = tpu.memref_slice %arg8[%mul3A_51, %dma_wait3A_58] : memref<10000x128xf32, #tpu.memory_space<vmem_shared>> -> memref<632x128xf32, #tpu.memory_space<vmem_shared>>
          tpu.wait_dma2 semaphore(%run_scoped3A : memref<!tpu.dma_semaphore, #tpu.memory_space<semaphore_mem>>) src(%dma_wait3A_59 : memref<632x128xf32, #tpu.memory_space<vmem_shared>>) dst(%dma_wait3A_57 : memref<632x128xf32, #tpu.memory_space<hbm>>)
          tpu.yield
        }) : () -> ()
      } else {
      }
      %eq3A_45 = arith.constant 15 : i32
      %eq3A_46 = arith.cmpi eq, %arg1, %eq3A_45 : i32
      %convert_element_type3A_47 = arith.extui %eq3A_46 : i1 to i32
      %cond3A_48 = arith.constant 0 : i32
      %cond3A_49 = arith.cmpi ne, %convert_element_type3A_47, %cond3A_48 : i32
      scf.if %cond3A_49 {
        "tpu.region"() ({
          %run_scoped3A = tpu.sem_alloc : memref<!tpu.dma_semaphore, #tpu.memory_space<semaphore_mem>>
          %dma_start3A = arith.constant 9480 : i32
          %dma_start3A_50 = arith.constant 0 : i32
          %dma_start3A_51 = tpu.memref_slice %arg4[%dma_start3A, %dma_start3A_50] : memref<10000x128xf32, #tpu.memory_space<hbm>> -> memref<520x128xf32, #tpu.memory_space<hbm>>
          %dma_start3A_52 = arith.constant 9480 : i32
          %dma_start3A_53 = arith.constant 0 : i32
          %dma_start3A_54 = tpu.memref_slice %arg8[%dma_start3A_52, %dma_start3A_53] : memref<10000x128xf32, #tpu.memory_space<vmem_shared>> -> memref<520x128xf32, #tpu.memory_space<vmem_shared>>
          tpu.enqueue_dma source(%dma_start3A_54 : memref<520x128xf32, #tpu.memory_space<vmem_shared>>) target(%dma_start3A_51 : memref<520x128xf32, #tpu.memory_space<hbm>>) target_semaphore(%run_scoped3A : memref<!tpu.dma_semaphore, #tpu.memory_space<semaphore_mem>>)
          %dma_wait3A = arith.constant 9480 : i32
          %dma_wait3A_55 = arith.constant 0 : i32
          %dma_wait3A_56 = tpu.memref_slice %arg4[%dma_wait3A, %dma_wait3A_55] : memref<10000x128xf32, #tpu.memory_space<hbm>> -> memref<520x128xf32, #tpu.memory_space<hbm>>
          %dma_wait3A_57 = arith.constant 9480 : i32
          %dma_wait3A_58 = arith.constant 0 : i32
          %dma_wait3A_59 = tpu.memref_slice %arg8[%dma_wait3A_57, %dma_wait3A_58] : memref<10000x128xf32, #tpu.memory_space<vmem_shared>> -> memref<520x128xf32, #tpu.memory_space<vmem_shared>>
          tpu.wait_dma2 semaphore(%run_scoped3A : memref<!tpu.dma_semaphore, #tpu.memory_space<semaphore_mem>>) src(%dma_wait3A_59 : memref<520x128xf32, #tpu.memory_space<vmem_shared>>) dst(%dma_wait3A_56 : memref<520x128xf32, #tpu.memory_space<hbm>>)
          tpu.yield
        }) : () -> ()
      } else {
      }
    } else {
    }
    return
  }
}

#map = affine_map<(d0, d1) -> (0, 0)>
module attributes {stable_mosaic.version = 14 : i64} {
  func.func @_seg_body(%arg0: i32, %arg1: i32, %arg2: memref<10000x128xf32, #tpu.memory_space<hbm>>, %arg3: memref<10000x128xf32, #tpu.memory_space<hbm>>, %arg4: memref<1280x125xi32, #tpu.memory_space<hbm>>, %arg5: memref<1280x125xi32, #tpu.memory_space<hbm>>, %arg6: memref<10000x128xf32, #tpu.memory_space<hbm>>, %arg7: memref<10000x128xf32, #tpu.memory_space<hbm>>, %arg8: memref<80x125xi32, #tpu.memory_space<vmem>>, %arg9: memref<40x125xi32, #tpu.memory_space<vmem>>, %arg10: memref<2x125x128xf32, #tpu.memory_space<vmem>>, %arg11: memref<10000x128xf32, #tpu.memory_space<vmem_shared>>, %arg12: memref<2x!tpu.dma_semaphore, #tpu.memory_space<semaphore_mem>>, %arg13: memref<2x!tpu.dma_semaphore, #tpu.memory_space<semaphore_mem>>) attributes {dimension_semantics = [#tpu.dimension_semantics<core_parallel>, #tpu.dimension_semantics<subcore_parallel>], iteration_bounds = array<i64: 2, 16>, scalar_prefetch = 0 : i64, scratch_operands = 6 : i64, tpu.core_type = #tpu.core_type<sc_vector_subcore>, window_params = [{transform_indices = #map}, {transform_indices = #map}, {transform_indices = #map}, {transform_indices = #map}, {transform_indices = #map}, {transform_indices = #map}]} {
    %mul3A = arith.constant 80 : i32
    %mul3A_0 = arith.muli %arg1, %mul3A : i32
    "tpu.region"() ({
      %run_scoped3A = tpu.sem_alloc : memref<!tpu.dma_semaphore, #tpu.memory_space<semaphore_mem>>
      %dma_start3A = arith.constant 0 : i32
      %dma_start3A_8 = tpu.memref_slice %arg4[%mul3A_0, %dma_start3A] : memref<1280x125xi32, #tpu.memory_space<hbm>> -> memref<80x125xi32, #tpu.memory_space<hbm>>
      %dma_start3A_9 = arith.constant 0 : i32
      %dma_start3A_10 = tpu.memref_slice %arg4[%mul3A_0, %dma_start3A_9] : memref<1280x125xi32, #tpu.memory_space<hbm>> -> memref<80x125xi32, #tpu.memory_space<hbm>>
      tpu.enqueue_dma source(%dma_start3A_10 : memref<80x125xi32, #tpu.memory_space<hbm>>) target(%arg8 : memref<80x125xi32, #tpu.memory_space<vmem>>) target_semaphore(%run_scoped3A : memref<!tpu.dma_semaphore, #tpu.memory_space<semaphore_mem>>)
      %dma_wait3A = arith.constant 0 : i32
      %dma_wait3A_11 = tpu.memref_slice %arg4[%mul3A_0, %dma_wait3A] : memref<1280x125xi32, #tpu.memory_space<hbm>> -> memref<80x125xi32, #tpu.memory_space<hbm>>
      %dma_wait3A_12 = arith.constant 0 : i32
      %dma_wait3A_13 = tpu.memref_slice %arg4[%mul3A_0, %dma_wait3A_12] : memref<1280x125xi32, #tpu.memory_space<hbm>> -> memref<80x125xi32, #tpu.memory_space<hbm>>
      tpu.wait_dma2 semaphore(%run_scoped3A : memref<!tpu.dma_semaphore, #tpu.memory_space<semaphore_mem>>) src(%dma_wait3A_13 : memref<80x125xi32, #tpu.memory_space<hbm>>) dst(%arg8 : memref<80x125xi32, #tpu.memory_space<vmem>>)
      tpu.yield
    }) : () -> ()
    %eq3A = arith.constant 0 : i32
    %eq3A_1 = arith.cmpi eq, %arg0, %eq3A : i32
    %convert_element_type3A = arith.extui %eq3A_1 : i1 to i32
    %cond3A = arith.constant 0 : i32
    %cond3A_2 = arith.cmpi ne, %convert_element_type3A, %cond3A : i32
    scf.if %cond3A_2 {
      %dma_start3A = arith.constant 0 : i32
      %dma_start3A_8 = arith.constant 0 : i32
      %dma_start3A_9 = arith.constant 0 : i32
      %dma_start3A_10 = arith.constant 0 : i32
      %dma_start3A_11 = arith.constant 0 : i32
      %dma_start3A_12 = tpu.memref_slice %arg10[%dma_start3A_8, %dma_start3A_10, %dma_start3A_11] : memref<2x125x128xf32, #tpu.memory_space<vmem>> -> memref<1x125x128xf32, #tpu.memory_space<vmem>>
      %dma_start3A_13 = tpu.memref_squeeze %dma_start3A_12 : memref<1x125x128xf32, #tpu.memory_space<vmem>> -> memref<125x128xf32, #tpu.memory_space<vmem>>
      %dma_start3A_14 = arith.constant 0 : i32
      %dma_start3A_15 = tpu.memref_slice %arg8[%dma_start3A, %dma_start3A_14] : memref<80x125xi32, #tpu.memory_space<vmem>> -> memref<1x125xi32, #tpu.memory_space<vmem>>
      %dma_start3A_16 = tpu.memref_squeeze %dma_start3A_15 : memref<1x125xi32, #tpu.memory_space<vmem>> -> memref<125xi32, #tpu.memory_space<vmem>>
      %dma_start3A_17 = arith.constant 0 : i32
      %dma_start3A_18 = arith.constant 0 : i32
      %dma_start3A_19 = tpu.memref_slice %arg2[%dma_start3A_17, %dma_start3A_18] : memref<10000x128xf32, #tpu.memory_space<hbm>> -> memref<10000x128xf32, #tpu.memory_space<hbm>>
      %dma_start3A_20 = tpu.memref_slice %arg12[%dma_start3A_9] : memref<2x!tpu.dma_semaphore, #tpu.memory_space<semaphore_mem>> -> memref<1x!tpu.dma_semaphore, #tpu.memory_space<semaphore_mem>>
      %dma_start3A_21 = tpu.memref_squeeze %dma_start3A_20 : memref<1x!tpu.dma_semaphore, #tpu.memory_space<semaphore_mem>> -> memref<!tpu.dma_semaphore, #tpu.memory_space<semaphore_mem>>
      tpu.enqueue_indirect_dma source(%dma_start3A_19 : memref<10000x128xf32, #tpu.memory_space<hbm>>) target(%dma_start3A_13 : memref<125x128xf32, #tpu.memory_space<vmem>>) offsets(%dma_start3A_16 : memref<125xi32, #tpu.memory_space<vmem>>) semaphore(%dma_start3A_21 : memref<!tpu.dma_semaphore, #tpu.memory_space<semaphore_mem>>)
      %lt3A = arith.constant 15 : i32
      %lt3A_22 = arith.cmpi slt, %arg1, %lt3A : i32
      %convert_element_type3A_23 = arith.extui %lt3A_22 : i1 to i32
      %cond3A_24 = arith.constant 0 : i32
      %cond3A_25 = arith.cmpi ne, %convert_element_type3A_23, %cond3A_24 : i32
      scf.if %cond3A_25 {
        %mul3A_62 = arith.constant 632 : i32
        %mul3A_63 = arith.muli %arg1, %mul3A_62 : i32
        %mul3A_64 = arith.constant 632 : i32
        %mul3A_65 = arith.muli %arg1, %mul3A_64 : i32
        "tpu.region"() ({
          %run_scoped3A = tpu.sem_alloc : memref<!tpu.dma_semaphore, #tpu.memory_space<semaphore_mem>>
          %dma_start3A_66 = arith.constant 0 : i32
          %dma_start3A_67 = tpu.memref_slice %arg11[%mul3A_65, %dma_start3A_66] : memref<10000x128xf32, #tpu.memory_space<vmem_shared>> -> memref<632x128xf32, #tpu.memory_space<vmem_shared>>
          %dma_start3A_68 = arith.constant 0 : i32
          %dma_start3A_69 = tpu.memref_slice %arg2[%mul3A_63, %dma_start3A_68] : memref<10000x128xf32, #tpu.memory_space<hbm>> -> memref<632x128xf32, #tpu.memory_space<hbm>>
          tpu.enqueue_dma source(%dma_start3A_69 : memref<632x128xf32, #tpu.memory_space<hbm>>) target(%dma_start3A_67 : memref<632x128xf32, #tpu.memory_space<vmem_shared>>) target_semaphore(%run_scoped3A : memref<!tpu.dma_semaphore, #tpu.memory_space<semaphore_mem>>)
          %dma_wait3A_70 = arith.constant 0 : i32
          %dma_wait3A_71 = tpu.memref_slice %arg11[%mul3A_65, %dma_wait3A_70] : memref<10000x128xf32, #tpu.memory_space<vmem_shared>> -> memref<632x128xf32, #tpu.memory_space<vmem_shared>>
          %dma_wait3A_72 = arith.constant 0 : i32
          %dma_wait3A_73 = tpu.memref_slice %arg2[%mul3A_63, %dma_wait3A_72] : memref<10000x128xf32, #tpu.memory_space<hbm>> -> memref<632x128xf32, #tpu.memory_space<hbm>>
          tpu.wait_dma2 semaphore(%run_scoped3A : memref<!tpu.dma_semaphore, #tpu.memory_space<semaphore_mem>>) src(%dma_wait3A_73 : memref<632x128xf32, #tpu.memory_space<hbm>>) dst(%dma_wait3A_71 : memref<632x128xf32, #tpu.memory_space<vmem_shared>>)
          tpu.yield
        }) : () -> ()
      } else {
      }
      %eq3A_26 = arith.constant 15 : i32
      %eq3A_27 = arith.cmpi eq, %arg1, %eq3A_26 : i32
      %convert_element_type3A_28 = arith.extui %eq3A_27 : i1 to i32
      %cond3A_29 = arith.constant 0 : i32
      %cond3A_30 = arith.cmpi ne, %convert_element_type3A_28, %cond3A_29 : i32
      scf.if %cond3A_30 {
        "tpu.region"() ({
          %run_scoped3A = tpu.sem_alloc : memref<!tpu.dma_semaphore, #tpu.memory_space<semaphore_mem>>
          %dma_start3A_62 = arith.constant 9480 : i32
          %dma_start3A_63 = arith.constant 0 : i32
          %dma_start3A_64 = tpu.memref_slice %arg11[%dma_start3A_62, %dma_start3A_63] : memref<10000x128xf32, #tpu.memory_space<vmem_shared>> -> memref<520x128xf32, #tpu.memory_space<vmem_shared>>
          %dma_start3A_65 = arith.constant 9480 : i32
          %dma_start3A_66 = arith.constant 0 : i32
          %dma_start3A_67 = tpu.memref_slice %arg2[%dma_start3A_65, %dma_start3A_66] : memref<10000x128xf32, #tpu.memory_space<hbm>> -> memref<520x128xf32, #tpu.memory_space<hbm>>
          tpu.enqueue_dma source(%dma_start3A_67 : memref<520x128xf32, #tpu.memory_space<hbm>>) target(%dma_start3A_64 : memref<520x128xf32, #tpu.memory_space<vmem_shared>>) target_semaphore(%run_scoped3A : memref<!tpu.dma_semaphore, #tpu.memory_space<semaphore_mem>>)
          %dma_wait3A_68 = arith.constant 9480 : i32
          %dma_wait3A_69 = arith.constant 0 : i32
          %dma_wait3A_70 = tpu.memref_slice %arg11[%dma_wait3A_68, %dma_wait3A_69] : memref<10000x128xf32, #tpu.memory_space<vmem_shared>> -> memref<520x128xf32, #tpu.memory_space<vmem_shared>>
          %dma_wait3A_71 = arith.constant 9480 : i32
          %dma_wait3A_72 = arith.constant 0 : i32
          %dma_wait3A_73 = tpu.memref_slice %arg2[%dma_wait3A_71, %dma_wait3A_72] : memref<10000x128xf32, #tpu.memory_space<hbm>> -> memref<520x128xf32, #tpu.memory_space<hbm>>
          tpu.wait_dma2 semaphore(%run_scoped3A : memref<!tpu.dma_semaphore, #tpu.memory_space<semaphore_mem>>) src(%dma_wait3A_73 : memref<520x128xf32, #tpu.memory_space<hbm>>) dst(%dma_wait3A_70 : memref<520x128xf32, #tpu.memory_space<vmem_shared>>)
          tpu.yield
        }) : () -> ()
      } else {
      }
      %barrier3A = arith.constant 0 : index
      tpu.barrier barrier_id(%barrier3A)
      %scan3A = arith.constant 0 : i32
      %scan3A_31 = arith.constant 0 : i32
      %scan3A_32 = arith.constant 80 : i32
      %scan3A_33 = arith.addi %scan3A_31, %scan3A_32 : i32
      %scan3A_34 = arith.constant 1 : i32
      %scan3A_35 = scf.for %scan3A_62 = %scan3A_31 to %scan3A_33 step %scan3A_34 iter_args(%scan3A_63 = %scan3A) -> (i32)  : i32 {
        %jit3A = arith.constant 2 : i32
        %eq3A_64 = arith.constant 0 : i32
        %eq3A_65 = arith.cmpi eq, %jit3A, %eq3A_64 : i32
        %jit3A_66 = arith.constant 1 : i32
        %select_n3A = arith.select %eq3A_65, %jit3A_66, %jit3A : i32
        %rem3A = arith.remsi %scan3A_62, %select_n3A : i32
        %ne3A = arith.constant 0 : i32
        %ne3A_67 = arith.cmpi ne, %rem3A, %ne3A : i32
        %lt3A_68 = arith.constant 0 : i32
        %lt3A_69 = arith.cmpi slt, %rem3A, %lt3A_68 : i32
        %lt3A_70 = arith.constant 0 : i32
        %lt3A_71 = arith.cmpi slt, %select_n3A, %lt3A_70 : i32
        %ne3A_72 = arith.xori %lt3A_69, %lt3A_71 : i1
        %and3A = arith.andi %ne3A_72, %ne3A_67 : i1
        %add3A = arith.addi %rem3A, %select_n3A : i32
        %select_n3A_73 = arith.select %and3A, %add3A, %rem3A : i32
        %ge3A = arith.constant 1 : i32
        %ge3A_74 = arith.cmpi sge, %scan3A_62, %ge3A : i32
        %convert_element_type3A_75 = arith.extui %ge3A_74 : i1 to i32
        %cond3A_76 = arith.constant 0 : i32
        %cond3A_77 = arith.cmpi ne, %convert_element_type3A_75, %cond3A_76 : i32
        scf.if %cond3A_77 {
          %sub3A = arith.constant 1 : i32
          %sub3A_147 = arith.subi %sub3A, %select_n3A_73 : i32
          %sub3A_148 = arith.constant 1 : i32
          %sub3A_149 = arith.subi %scan3A_62, %sub3A_148 : i32
          %jit3A_150 = arith.constant 40 : i32
          %eq3A_151 = arith.constant 0 : i32
          %eq3A_152 = arith.cmpi eq, %jit3A_150, %eq3A_151 : i32
          %jit3A_153 = arith.constant 1 : i32
          %select_n3A_154 = arith.select %eq3A_152, %jit3A_153, %jit3A_150 : i32
          %rem3A_155 = arith.remsi %sub3A_149, %select_n3A_154 : i32
          %ne3A_156 = arith.constant 0 : i32
          %ne3A_157 = arith.cmpi ne, %rem3A_155, %ne3A_156 : i32
          %lt3A_158 = arith.constant 0 : i32
          %lt3A_159 = arith.cmpi slt, %rem3A_155, %lt3A_158 : i32
          %lt3A_160 = arith.constant 0 : i32
          %lt3A_161 = arith.cmpi slt, %select_n3A_154, %lt3A_160 : i32
          %ne3A_162 = arith.xori %lt3A_159, %lt3A_161 : i1
          %and3A_163 = arith.andi %ne3A_162, %ne3A_157 : i1
          %add3A_164 = arith.addi %rem3A_155, %select_n3A_154 : i32
          %select_n3A_165 = arith.select %and3A_163, %add3A_164, %rem3A_155 : i32
          %sub3A_166 = arith.constant 1 : i32
          %sub3A_167 = arith.subi %sub3A_166, %select_n3A_73 : i32
          %dma_wait3A_168 = arith.constant 0 : i32
          %dma_wait3A_169 = arith.constant 0 : i32
          %dma_wait3A_170 = tpu.memref_slice %arg10[%sub3A_147, %dma_wait3A_168, %dma_wait3A_169] : memref<2x125x128xf32, #tpu.memory_space<vmem>> -> memref<1x125x128xf32, #tpu.memory_space<vmem>>
          %dma_wait3A_171 = tpu.memref_squeeze %dma_wait3A_170 : memref<1x125x128xf32, #tpu.memory_space<vmem>> -> memref<125x128xf32, #tpu.memory_space<vmem>>
          %dma_wait3A_172 = arith.constant 0 : i32
          %dma_wait3A_173 = tpu.memref_slice %arg9[%select_n3A_165, %dma_wait3A_172] : memref<40x125xi32, #tpu.memory_space<vmem>> -> memref<1x125xi32, #tpu.memory_space<vmem>>
          %dma_wait3A_174 = tpu.memref_squeeze %dma_wait3A_173 : memref<1x125xi32, #tpu.memory_space<vmem>> -> memref<125xi32, #tpu.memory_space<vmem>>
          %dma_wait3A_175 = arith.constant 0 : i32
          %dma_wait3A_176 = arith.constant 0 : i32
          %dma_wait3A_177 = tpu.memref_slice %arg11[%dma_wait3A_175, %dma_wait3A_176] : memref<10000x128xf32, #tpu.memory_space<vmem_shared>> -> memref<10000x128xf32, #tpu.memory_space<vmem_shared>>
          %dma_wait3A_178 = tpu.memref_slice %arg13[%sub3A_167] : memref<2x!tpu.dma_semaphore, #tpu.memory_space<semaphore_mem>> -> memref<1x!tpu.dma_semaphore, #tpu.memory_space<semaphore_mem>>
          %dma_wait3A_179 = tpu.memref_squeeze %dma_wait3A_178 : memref<1x!tpu.dma_semaphore, #tpu.memory_space<semaphore_mem>> -> memref<!tpu.dma_semaphore, #tpu.memory_space<semaphore_mem>>
          tpu.wait_indirect_dma semaphore(%dma_wait3A_179 : memref<!tpu.dma_semaphore, #tpu.memory_space<semaphore_mem>>) src(%dma_wait3A_171 : memref<125x128xf32, #tpu.memory_space<vmem>>) dst(%dma_wait3A_177 : memref<10000x128xf32, #tpu.memory_space<vmem_shared>>)
        } else {
        }
        %jit3A_78 = arith.constant 40 : i32
        %eq3A_79 = arith.constant 0 : i32
        %eq3A_80 = arith.cmpi eq, %jit3A_78, %eq3A_79 : i32
        %jit3A_81 = arith.constant 1 : i32
        %select_n3A_82 = arith.select %eq3A_80, %jit3A_81, %jit3A_78 : i32
        %rem3A_83 = arith.remsi %scan3A_62, %select_n3A_82 : i32
        %ne3A_84 = arith.constant 0 : i32
        %ne3A_85 = arith.cmpi ne, %rem3A_83, %ne3A_84 : i32
        %lt3A_86 = arith.constant 0 : i32
        %lt3A_87 = arith.cmpi slt, %rem3A_83, %lt3A_86 : i32
        %lt3A_88 = arith.constant 0 : i32
        %lt3A_89 = arith.cmpi slt, %select_n3A_82, %lt3A_88 : i32
        %ne3A_90 = arith.xori %lt3A_87, %lt3A_89 : i1
        %and3A_91 = arith.andi %ne3A_90, %ne3A_85 : i1
        %add3A_92 = arith.addi %rem3A_83, %select_n3A_82 : i32
        %select_n3A_93 = arith.select %and3A_91, %add3A_92, %rem3A_83 : i32
        %eq3A_94 = arith.constant 0 : i32
        %eq3A_95 = arith.cmpi eq, %select_n3A_93, %eq3A_94 : i32
        %convert_element_type3A_96 = arith.extui %eq3A_95 : i1 to i32
        %cond3A_97 = arith.constant 0 : i32
        %cond3A_98 = arith.cmpi ne, %convert_element_type3A_96, %cond3A_97 : i32
        scf.if %cond3A_98 {
          %multiple_of3A = tpu.assume_multiple %scan3A_62, 40 : i32
          %mul3A_147 = arith.constant 80 : i32
          %mul3A_148 = arith.muli %arg1, %mul3A_147 : i32
          %add3A_149 = arith.addi %mul3A_148, %multiple_of3A : i32
          "tpu.region"() ({
            %run_scoped3A = tpu.sem_alloc : memref<!tpu.dma_semaphore, #tpu.memory_space<semaphore_mem>>
            %dma_start3A_150 = arith.constant 0 : i32
            %dma_start3A_151 = tpu.memref_slice %arg5[%add3A_149, %dma_start3A_150] : memref<1280x125xi32, #tpu.memory_space<hbm>> -> memref<40x125xi32, #tpu.memory_space<hbm>>
            %dma_start3A_152 = arith.constant 0 : i32
            %dma_start3A_153 = tpu.memref_slice %arg5[%add3A_149, %dma_start3A_152] : memref<1280x125xi32, #tpu.memory_space<hbm>> -> memref<40x125xi32, #tpu.memory_space<hbm>>
            tpu.enqueue_dma source(%dma_start3A_153 : memref<40x125xi32, #tpu.memory_space<hbm>>) target(%arg9 : memref<40x125xi32, #tpu.memory_space<vmem>>) target_semaphore(%run_scoped3A : memref<!tpu.dma_semaphore, #tpu.memory_space<semaphore_mem>>)
            %dma_wait3A_154 = arith.constant 0 : i32
            %dma_wait3A_155 = tpu.memref_slice %arg5[%add3A_149, %dma_wait3A_154] : memref<1280x125xi32, #tpu.memory_space<hbm>> -> memref<40x125xi32, #tpu.memory_space<hbm>>
            %dma_wait3A_156 = arith.constant 0 : i32
            %dma_wait3A_157 = tpu.memref_slice %arg5[%add3A_149, %dma_wait3A_156] : memref<1280x125xi32, #tpu.memory_space<hbm>> -> memref<40x125xi32, #tpu.memory_space<hbm>>
            tpu.wait_dma2 semaphore(%run_scoped3A : memref<!tpu.dma_semaphore, #tpu.memory_space<semaphore_mem>>) src(%dma_wait3A_157 : memref<40x125xi32, #tpu.memory_space<hbm>>) dst(%arg9 : memref<40x125xi32, #tpu.memory_space<vmem>>)
            tpu.yield
          }) : () -> ()
        } else {
        }
        %add3A_99 = arith.constant 1 : i32
        %add3A_100 = arith.addi %scan3A_62, %add3A_99 : i32
        %lt3A_101 = arith.constant 80 : i32
        %lt3A_102 = arith.cmpi slt, %add3A_100, %lt3A_101 : i32
        %convert_element_type3A_103 = arith.extui %lt3A_102 : i1 to i32
        %cond3A_104 = arith.constant 0 : i32
        %cond3A_105 = arith.cmpi ne, %convert_element_type3A_103, %cond3A_104 : i32
        scf.if %cond3A_105 {
          %add3A_147 = arith.constant 1 : i32
          %add3A_148 = arith.addi %scan3A_62, %add3A_147 : i32
          %sub3A = arith.constant 1 : i32
          %sub3A_149 = arith.subi %sub3A, %select_n3A_73 : i32
          %sub3A_150 = arith.constant 1 : i32
          %sub3A_151 = arith.subi %sub3A_150, %select_n3A_73 : i32
          %dma_start3A_152 = arith.constant 0 : i32
          %dma_start3A_153 = arith.constant 0 : i32
          %dma_start3A_154 = tpu.memref_slice %arg10[%sub3A_149, %dma_start3A_152, %dma_start3A_153] : memref<2x125x128xf32, #tpu.memory_space<vmem>> -> memref<1x125x128xf32, #tpu.memory_space<vmem>>
          %dma_start3A_155 = tpu.memref_squeeze %dma_start3A_154 : memref<1x125x128xf32, #tpu.memory_space<vmem>> -> memref<125x128xf32, #tpu.memory_space<vmem>>
          %dma_start3A_156 = arith.constant 0 : i32
          %dma_start3A_157 = tpu.memref_slice %arg8[%add3A_148, %dma_start3A_156] : memref<80x125xi32, #tpu.memory_space<vmem>> -> memref<1x125xi32, #tpu.memory_space<vmem>>
          %dma_start3A_158 = tpu.memref_squeeze %dma_start3A_157 : memref<1x125xi32, #tpu.memory_space<vmem>> -> memref<125xi32, #tpu.memory_space<vmem>>
          %dma_start3A_159 = arith.constant 0 : i32
          %dma_start3A_160 = arith.constant 0 : i32
          %dma_start3A_161 = tpu.memref_slice %arg2[%dma_start3A_159, %dma_start3A_160] : memref<10000x128xf32, #tpu.memory_space<hbm>> -> memref<10000x128xf32, #tpu.memory_space<hbm>>
          %dma_start3A_162 = tpu.memref_slice %arg12[%sub3A_151] : memref<2x!tpu.dma_semaphore, #tpu.memory_space<semaphore_mem>> -> memref<1x!tpu.dma_semaphore, #tpu.memory_space<semaphore_mem>>
          %dma_start3A_163 = tpu.memref_squeeze %dma_start3A_162 : memref<1x!tpu.dma_semaphore, #tpu.memory_space<semaphore_mem>> -> memref<!tpu.dma_semaphore, #tpu.memory_space<semaphore_mem>>
          tpu.enqueue_indirect_dma source(%dma_start3A_161 : memref<10000x128xf32, #tpu.memory_space<hbm>>) target(%dma_start3A_155 : memref<125x128xf32, #tpu.memory_space<vmem>>) offsets(%dma_start3A_158 : memref<125xi32, #tpu.memory_space<vmem>>) semaphore(%dma_start3A_163 : memref<!tpu.dma_semaphore, #tpu.memory_space<semaphore_mem>>)
        } else {
        }
        %dma_wait3A_106 = arith.constant 0 : i32
        %dma_wait3A_107 = arith.constant 0 : i32
        %dma_wait3A_108 = tpu.memref_slice %arg10[%select_n3A_73, %dma_wait3A_106, %dma_wait3A_107] : memref<2x125x128xf32, #tpu.memory_space<vmem>> -> memref<1x125x128xf32, #tpu.memory_space<vmem>>
        %dma_wait3A_109 = tpu.memref_squeeze %dma_wait3A_108 : memref<1x125x128xf32, #tpu.memory_space<vmem>> -> memref<125x128xf32, #tpu.memory_space<vmem>>
        %dma_wait3A_110 = arith.constant 0 : i32
        %dma_wait3A_111 = tpu.memref_slice %arg8[%scan3A_62, %dma_wait3A_110] : memref<80x125xi32, #tpu.memory_space<vmem>> -> memref<1x125xi32, #tpu.memory_space<vmem>>
        %dma_wait3A_112 = tpu.memref_squeeze %dma_wait3A_111 : memref<1x125xi32, #tpu.memory_space<vmem>> -> memref<125xi32, #tpu.memory_space<vmem>>
        %dma_wait3A_113 = arith.constant 0 : i32
        %dma_wait3A_114 = arith.constant 0 : i32
        %dma_wait3A_115 = tpu.memref_slice %arg2[%dma_wait3A_113, %dma_wait3A_114] : memref<10000x128xf32, #tpu.memory_space<hbm>> -> memref<10000x128xf32, #tpu.memory_space<hbm>>
        %dma_wait3A_116 = tpu.memref_slice %arg12[%select_n3A_73] : memref<2x!tpu.dma_semaphore, #tpu.memory_space<semaphore_mem>> -> memref<1x!tpu.dma_semaphore, #tpu.memory_space<semaphore_mem>>
        %dma_wait3A_117 = tpu.memref_squeeze %dma_wait3A_116 : memref<1x!tpu.dma_semaphore, #tpu.memory_space<semaphore_mem>> -> memref<!tpu.dma_semaphore, #tpu.memory_space<semaphore_mem>>
        tpu.wait_indirect_dma semaphore(%dma_wait3A_117 : memref<!tpu.dma_semaphore, #tpu.memory_space<semaphore_mem>>) src(%dma_wait3A_115 : memref<10000x128xf32, #tpu.memory_space<hbm>>) dst(%dma_wait3A_109 : memref<125x128xf32, #tpu.memory_space<vmem>>)
        %jit3A_118 = arith.constant 40 : i32
        %eq3A_119 = arith.constant 0 : i32
        %eq3A_120 = arith.cmpi eq, %jit3A_118, %eq3A_119 : i32
        %jit3A_121 = arith.constant 1 : i32
        %select_n3A_122 = arith.select %eq3A_120, %jit3A_121, %jit3A_118 : i32
        %rem3A_123 = arith.remsi %scan3A_62, %select_n3A_122 : i32
        %ne3A_124 = arith.constant 0 : i32
        %ne3A_125 = arith.cmpi ne, %rem3A_123, %ne3A_124 : i32
        %lt3A_126 = arith.constant 0 : i32
        %lt3A_127 = arith.cmpi slt, %rem3A_123, %lt3A_126 : i32
        %lt3A_128 = arith.constant 0 : i32
        %lt3A_129 = arith.cmpi slt, %select_n3A_122, %lt3A_128 : i32
        %ne3A_130 = arith.xori %lt3A_127, %lt3A_129 : i1
        %and3A_131 = arith.andi %ne3A_130, %ne3A_125 : i1
        %add3A_132 = arith.addi %rem3A_123, %select_n3A_122 : i32
        %select_n3A_133 = arith.select %and3A_131, %add3A_132, %rem3A_123 : i32
        %dma_start3A_134 = arith.constant 0 : i32
        %dma_start3A_135 = arith.constant 0 : i32
        %dma_start3A_136 = tpu.memref_slice %arg10[%select_n3A_73, %dma_start3A_134, %dma_start3A_135] : memref<2x125x128xf32, #tpu.memory_space<vmem>> -> memref<1x125x128xf32, #tpu.memory_space<vmem>>
        %dma_start3A_137 = tpu.memref_squeeze %dma_start3A_136 : memref<1x125x128xf32, #tpu.memory_space<vmem>> -> memref<125x128xf32, #tpu.memory_space<vmem>>
        %dma_start3A_138 = arith.constant 0 : i32
        %dma_start3A_139 = tpu.memref_slice %arg9[%select_n3A_133, %dma_start3A_138] : memref<40x125xi32, #tpu.memory_space<vmem>> -> memref<1x125xi32, #tpu.memory_space<vmem>>
        %dma_start3A_140 = tpu.memref_squeeze %dma_start3A_139 : memref<1x125xi32, #tpu.memory_space<vmem>> -> memref<125xi32, #tpu.memory_space<vmem>>
        %dma_start3A_141 = arith.constant 0 : i32
        %dma_start3A_142 = arith.constant 0 : i32
        %dma_start3A_143 = tpu.memref_slice %arg11[%dma_start3A_141, %dma_start3A_142] : memref<10000x128xf32, #tpu.memory_space<vmem_shared>> -> memref<10000x128xf32, #tpu.memory_space<vmem_shared>>
        %dma_start3A_144 = tpu.memref_slice %arg13[%select_n3A_73] : memref<2x!tpu.dma_semaphore, #tpu.memory_space<semaphore_mem>> -> memref<1x!tpu.dma_semaphore, #tpu.memory_space<semaphore_mem>>
        %dma_start3A_145 = tpu.memref_squeeze %dma_start3A_144 : memref<1x!tpu.dma_semaphore, #tpu.memory_space<semaphore_mem>> -> memref<!tpu.dma_semaphore, #tpu.memory_space<semaphore_mem>>
        tpu.enqueue_indirect_dma source(%dma_start3A_137 : memref<125x128xf32, #tpu.memory_space<vmem>>) target(%dma_start3A_143 : memref<10000x128xf32, #tpu.memory_space<vmem_shared>>) offsets(%dma_start3A_140 : memref<125xi32, #tpu.memory_space<vmem>>) semaphore(%dma_start3A_145 : memref<!tpu.dma_semaphore, #tpu.memory_space<semaphore_mem>>) {add = true}
        %scan3A_146 = arith.constant 0 : i32
        scf.yield %scan3A_146 : i32
      }
      %scan3A_36 = arith.constant 80 : i32
      %dma_wait3A = arith.constant 1 : i32
      %dma_wait3A_37 = arith.constant 39 : i32
      %dma_wait3A_38 = arith.constant 1 : i32
      %dma_wait3A_39 = arith.constant 0 : i32
      %dma_wait3A_40 = arith.constant 0 : i32
      %dma_wait3A_41 = tpu.memref_slice %arg10[%dma_wait3A, %dma_wait3A_39, %dma_wait3A_40] : memref<2x125x128xf32, #tpu.memory_space<vmem>> -> memref<1x125x128xf32, #tpu.memory_space<vmem>>
      %dma_wait3A_42 = tpu.memref_squeeze %dma_wait3A_41 : memref<1x125x128xf32, #tpu.memory_space<vmem>> -> memref<125x128xf32, #tpu.memory_space<vmem>>
      %dma_wait3A_43 = arith.constant 0 : i32
      %dma_wait3A_44 = tpu.memref_slice %arg9[%dma_wait3A_37, %dma_wait3A_43] : memref<40x125xi32, #tpu.memory_space<vmem>> -> memref<1x125xi32, #tpu.memory_space<vmem>>
      %dma_wait3A_45 = tpu.memref_squeeze %dma_wait3A_44 : memref<1x125xi32, #tpu.memory_space<vmem>> -> memref<125xi32, #tpu.memory_space<vmem>>
      %dma_wait3A_46 = arith.constant 0 : i32
      %dma_wait3A_47 = arith.constant 0 : i32
      %dma_wait3A_48 = tpu.memref_slice %arg11[%dma_wait3A_46, %dma_wait3A_47] : memref<10000x128xf32, #tpu.memory_space<vmem_shared>> -> memref<10000x128xf32, #tpu.memory_space<vmem_shared>>
      %dma_wait3A_49 = tpu.memref_slice %arg13[%dma_wait3A_38] : memref<2x!tpu.dma_semaphore, #tpu.memory_space<semaphore_mem>> -> memref<1x!tpu.dma_semaphore, #tpu.memory_space<semaphore_mem>>
      %dma_wait3A_50 = tpu.memref_squeeze %dma_wait3A_49 : memref<1x!tpu.dma_semaphore, #tpu.memory_space<semaphore_mem>> -> memref<!tpu.dma_semaphore, #tpu.memory_space<semaphore_mem>>
      tpu.wait_indirect_dma semaphore(%dma_wait3A_50 : memref<!tpu.dma_semaphore, #tpu.memory_space<semaphore_mem>>) src(%dma_wait3A_42 : memref<125x128xf32, #tpu.memory_space<vmem>>) dst(%dma_wait3A_48 : memref<10000x128xf32, #tpu.memory_space<vmem_shared>>)
      %barrier3A_51 = arith.constant 0 : index
      tpu.barrier barrier_id(%barrier3A_51)
      %lt3A_52 = arith.constant 15 : i32
      %lt3A_53 = arith.cmpi slt, %arg1, %lt3A_52 : i32
      %convert_element_type3A_54 = arith.extui %lt3A_53 : i1 to i32
      %cond3A_55 = arith.constant 0 : i32
      %cond3A_56 = arith.cmpi ne, %convert_element_type3A_54, %cond3A_55 : i32
      scf.if %cond3A_56 {
        %mul3A_62 = arith.constant 632 : i32
        %mul3A_63 = arith.muli %arg1, %mul3A_62 : i32
        %mul3A_64 = arith.constant 632 : i32
        %mul3A_65 = arith.muli %arg1, %mul3A_64 : i32
        "tpu.region"() ({
          %run_scoped3A = tpu.sem_alloc : memref<!tpu.dma_semaphore, #tpu.memory_space<semaphore_mem>>
          %dma_start3A_66 = arith.constant 0 : i32
          %dma_start3A_67 = tpu.memref_slice %arg6[%mul3A_65, %dma_start3A_66] : memref<10000x128xf32, #tpu.memory_space<hbm>> -> memref<632x128xf32, #tpu.memory_space<hbm>>
          %dma_start3A_68 = arith.constant 0 : i32
          %dma_start3A_69 = tpu.memref_slice %arg11[%mul3A_63, %dma_start3A_68] : memref<10000x128xf32, #tpu.memory_space<vmem_shared>> -> memref<632x128xf32, #tpu.memory_space<vmem_shared>>
          tpu.enqueue_dma source(%dma_start3A_69 : memref<632x128xf32, #tpu.memory_space<vmem_shared>>) target(%dma_start3A_67 : memref<632x128xf32, #tpu.memory_space<hbm>>) target_semaphore(%run_scoped3A : memref<!tpu.dma_semaphore, #tpu.memory_space<semaphore_mem>>)
          %dma_wait3A_70 = arith.constant 0 : i32
          %dma_wait3A_71 = tpu.memref_slice %arg6[%mul3A_65, %dma_wait3A_70] : memref<10000x128xf32, #tpu.memory_space<hbm>> -> memref<632x128xf32, #tpu.memory_space<hbm>>
          %dma_wait3A_72 = arith.constant 0 : i32
          %dma_wait3A_73 = tpu.memref_slice %arg11[%mul3A_63, %dma_wait3A_72] : memref<10000x128xf32, #tpu.memory_space<vmem_shared>> -> memref<632x128xf32, #tpu.memory_space<vmem_shared>>
          tpu.wait_dma2 semaphore(%run_scoped3A : memref<!tpu.dma_semaphore, #tpu.memory_space<semaphore_mem>>) src(%dma_wait3A_73 : memref<632x128xf32, #tpu.memory_space<vmem_shared>>) dst(%dma_wait3A_71 : memref<632x128xf32, #tpu.memory_space<hbm>>)
          tpu.yield
        }) : () -> ()
      } else {
      }
      %eq3A_57 = arith.constant 15 : i32
      %eq3A_58 = arith.cmpi eq, %arg1, %eq3A_57 : i32
      %convert_element_type3A_59 = arith.extui %eq3A_58 : i1 to i32
      %cond3A_60 = arith.constant 0 : i32
      %cond3A_61 = arith.cmpi ne, %convert_element_type3A_59, %cond3A_60 : i32
      scf.if %cond3A_61 {
        "tpu.region"() ({
          %run_scoped3A = tpu.sem_alloc : memref<!tpu.dma_semaphore, #tpu.memory_space<semaphore_mem>>
          %dma_start3A_62 = arith.constant 9480 : i32
          %dma_start3A_63 = arith.constant 0 : i32
          %dma_start3A_64 = tpu.memref_slice %arg6[%dma_start3A_62, %dma_start3A_63] : memref<10000x128xf32, #tpu.memory_space<hbm>> -> memref<520x128xf32, #tpu.memory_space<hbm>>
          %dma_start3A_65 = arith.constant 9480 : i32
          %dma_start3A_66 = arith.constant 0 : i32
          %dma_start3A_67 = tpu.memref_slice %arg11[%dma_start3A_65, %dma_start3A_66] : memref<10000x128xf32, #tpu.memory_space<vmem_shared>> -> memref<520x128xf32, #tpu.memory_space<vmem_shared>>
          tpu.enqueue_dma source(%dma_start3A_67 : memref<520x128xf32, #tpu.memory_space<vmem_shared>>) target(%dma_start3A_64 : memref<520x128xf32, #tpu.memory_space<hbm>>) target_semaphore(%run_scoped3A : memref<!tpu.dma_semaphore, #tpu.memory_space<semaphore_mem>>)
          %dma_wait3A_68 = arith.constant 9480 : i32
          %dma_wait3A_69 = arith.constant 0 : i32
          %dma_wait3A_70 = tpu.memref_slice %arg6[%dma_wait3A_68, %dma_wait3A_69] : memref<10000x128xf32, #tpu.memory_space<hbm>> -> memref<520x128xf32, #tpu.memory_space<hbm>>
          %dma_wait3A_71 = arith.constant 9480 : i32
          %dma_wait3A_72 = arith.constant 0 : i32
          %dma_wait3A_73 = tpu.memref_slice %arg11[%dma_wait3A_71, %dma_wait3A_72] : memref<10000x128xf32, #tpu.memory_space<vmem_shared>> -> memref<520x128xf32, #tpu.memory_space<vmem_shared>>
          tpu.wait_dma2 semaphore(%run_scoped3A : memref<!tpu.dma_semaphore, #tpu.memory_space<semaphore_mem>>) src(%dma_wait3A_73 : memref<520x128xf32, #tpu.memory_space<vmem_shared>>) dst(%dma_wait3A_70 : memref<520x128xf32, #tpu.memory_space<hbm>>)
          tpu.yield
        }) : () -> ()
      } else {
      }
    } else {
    }
    %eq3A_3 = arith.constant 1 : i32
    %eq3A_4 = arith.cmpi eq, %arg0, %eq3A_3 : i32
    %convert_element_type3A_5 = arith.extui %eq3A_4 : i1 to i32
    %cond3A_6 = arith.constant 0 : i32
    %cond3A_7 = arith.cmpi ne, %convert_element_type3A_5, %cond3A_6 : i32
    scf.if %cond3A_7 {
      %dma_start3A = arith.constant 0 : i32
      %dma_start3A_8 = arith.constant 0 : i32
      %dma_start3A_9 = arith.constant 0 : i32
      %dma_start3A_10 = arith.constant 0 : i32
      %dma_start3A_11 = arith.constant 0 : i32
      %dma_start3A_12 = tpu.memref_slice %arg10[%dma_start3A_8, %dma_start3A_10, %dma_start3A_11] : memref<2x125x128xf32, #tpu.memory_space<vmem>> -> memref<1x125x128xf32, #tpu.memory_space<vmem>>
      %dma_start3A_13 = tpu.memref_squeeze %dma_start3A_12 : memref<1x125x128xf32, #tpu.memory_space<vmem>> -> memref<125x128xf32, #tpu.memory_space<vmem>>
      %dma_start3A_14 = arith.constant 0 : i32
      %dma_start3A_15 = tpu.memref_slice %arg8[%dma_start3A, %dma_start3A_14] : memref<80x125xi32, #tpu.memory_space<vmem>> -> memref<1x125xi32, #tpu.memory_space<vmem>>
      %dma_start3A_16 = tpu.memref_squeeze %dma_start3A_15 : memref<1x125xi32, #tpu.memory_space<vmem>> -> memref<125xi32, #tpu.memory_space<vmem>>
      %dma_start3A_17 = arith.constant 0 : i32
      %dma_start3A_18 = arith.constant 0 : i32
      %dma_start3A_19 = tpu.memref_slice %arg3[%dma_start3A_17, %dma_start3A_18] : memref<10000x128xf32, #tpu.memory_space<hbm>> -> memref<10000x128xf32, #tpu.memory_space<hbm>>
      %dma_start3A_20 = tpu.memref_slice %arg12[%dma_start3A_9] : memref<2x!tpu.dma_semaphore, #tpu.memory_space<semaphore_mem>> -> memref<1x!tpu.dma_semaphore, #tpu.memory_space<semaphore_mem>>
      %dma_start3A_21 = tpu.memref_squeeze %dma_start3A_20 : memref<1x!tpu.dma_semaphore, #tpu.memory_space<semaphore_mem>> -> memref<!tpu.dma_semaphore, #tpu.memory_space<semaphore_mem>>
      tpu.enqueue_indirect_dma source(%dma_start3A_19 : memref<10000x128xf32, #tpu.memory_space<hbm>>) target(%dma_start3A_13 : memref<125x128xf32, #tpu.memory_space<vmem>>) offsets(%dma_start3A_16 : memref<125xi32, #tpu.memory_space<vmem>>) semaphore(%dma_start3A_21 : memref<!tpu.dma_semaphore, #tpu.memory_space<semaphore_mem>>)
      %lt3A = arith.constant 15 : i32
      %lt3A_22 = arith.cmpi slt, %arg1, %lt3A : i32
      %convert_element_type3A_23 = arith.extui %lt3A_22 : i1 to i32
      %cond3A_24 = arith.constant 0 : i32
      %cond3A_25 = arith.cmpi ne, %convert_element_type3A_23, %cond3A_24 : i32
      scf.if %cond3A_25 {
        %mul3A_62 = arith.constant 632 : i32
        %mul3A_63 = arith.muli %arg1, %mul3A_62 : i32
        %mul3A_64 = arith.constant 632 : i32
        %mul3A_65 = arith.muli %arg1, %mul3A_64 : i32
        "tpu.region"() ({
          %run_scoped3A = tpu.sem_alloc : memref<!tpu.dma_semaphore, #tpu.memory_space<semaphore_mem>>
          %dma_start3A_66 = arith.constant 0 : i32
          %dma_start3A_67 = tpu.memref_slice %arg11[%mul3A_65, %dma_start3A_66] : memref<10000x128xf32, #tpu.memory_space<vmem_shared>> -> memref<632x128xf32, #tpu.memory_space<vmem_shared>>
          %dma_start3A_68 = arith.constant 0 : i32
          %dma_start3A_69 = tpu.memref_slice %arg3[%mul3A_63, %dma_start3A_68] : memref<10000x128xf32, #tpu.memory_space<hbm>> -> memref<632x128xf32, #tpu.memory_space<hbm>>
          tpu.enqueue_dma source(%dma_start3A_69 : memref<632x128xf32, #tpu.memory_space<hbm>>) target(%dma_start3A_67 : memref<632x128xf32, #tpu.memory_space<vmem_shared>>) target_semaphore(%run_scoped3A : memref<!tpu.dma_semaphore, #tpu.memory_space<semaphore_mem>>)
          %dma_wait3A_70 = arith.constant 0 : i32
          %dma_wait3A_71 = tpu.memref_slice %arg11[%mul3A_65, %dma_wait3A_70] : memref<10000x128xf32, #tpu.memory_space<vmem_shared>> -> memref<632x128xf32, #tpu.memory_space<vmem_shared>>
          %dma_wait3A_72 = arith.constant 0 : i32
          %dma_wait3A_73 = tpu.memref_slice %arg3[%mul3A_63, %dma_wait3A_72] : memref<10000x128xf32, #tpu.memory_space<hbm>> -> memref<632x128xf32, #tpu.memory_space<hbm>>
          tpu.wait_dma2 semaphore(%run_scoped3A : memref<!tpu.dma_semaphore, #tpu.memory_space<semaphore_mem>>) src(%dma_wait3A_73 : memref<632x128xf32, #tpu.memory_space<hbm>>) dst(%dma_wait3A_71 : memref<632x128xf32, #tpu.memory_space<vmem_shared>>)
          tpu.yield
        }) : () -> ()
      } else {
      }
      %eq3A_26 = arith.constant 15 : i32
      %eq3A_27 = arith.cmpi eq, %arg1, %eq3A_26 : i32
      %convert_element_type3A_28 = arith.extui %eq3A_27 : i1 to i32
      %cond3A_29 = arith.constant 0 : i32
      %cond3A_30 = arith.cmpi ne, %convert_element_type3A_28, %cond3A_29 : i32
      scf.if %cond3A_30 {
        "tpu.region"() ({
          %run_scoped3A = tpu.sem_alloc : memref<!tpu.dma_semaphore, #tpu.memory_space<semaphore_mem>>
          %dma_start3A_62 = arith.constant 9480 : i32
          %dma_start3A_63 = arith.constant 0 : i32
          %dma_start3A_64 = tpu.memref_slice %arg11[%dma_start3A_62, %dma_start3A_63] : memref<10000x128xf32, #tpu.memory_space<vmem_shared>> -> memref<520x128xf32, #tpu.memory_space<vmem_shared>>
          %dma_start3A_65 = arith.constant 9480 : i32
          %dma_start3A_66 = arith.constant 0 : i32
          %dma_start3A_67 = tpu.memref_slice %arg3[%dma_start3A_65, %dma_start3A_66] : memref<10000x128xf32, #tpu.memory_space<hbm>> -> memref<520x128xf32, #tpu.memory_space<hbm>>
          tpu.enqueue_dma source(%dma_start3A_67 : memref<520x128xf32, #tpu.memory_space<hbm>>) target(%dma_start3A_64 : memref<520x128xf32, #tpu.memory_space<vmem_shared>>) target_semaphore(%run_scoped3A : memref<!tpu.dma_semaphore, #tpu.memory_space<semaphore_mem>>)
          %dma_wait3A_68 = arith.constant 9480 : i32
          %dma_wait3A_69 = arith.constant 0 : i32
          %dma_wait3A_70 = tpu.memref_slice %arg11[%dma_wait3A_68, %dma_wait3A_69] : memref<10000x128xf32, #tpu.memory_space<vmem_shared>> -> memref<520x128xf32, #tpu.memory_space<vmem_shared>>
          %dma_wait3A_71 = arith.constant 9480 : i32
          %dma_wait3A_72 = arith.constant 0 : i32
          %dma_wait3A_73 = tpu.memref_slice %arg3[%dma_wait3A_71, %dma_wait3A_72] : memref<10000x128xf32, #tpu.memory_space<hbm>> -> memref<520x128xf32, #tpu.memory_space<hbm>>
          tpu.wait_dma2 semaphore(%run_scoped3A : memref<!tpu.dma_semaphore, #tpu.memory_space<semaphore_mem>>) src(%dma_wait3A_73 : memref<520x128xf32, #tpu.memory_space<hbm>>) dst(%dma_wait3A_70 : memref<520x128xf32, #tpu.memory_space<vmem_shared>>)
          tpu.yield
        }) : () -> ()
      } else {
      }
      %barrier3A = arith.constant 0 : index
      tpu.barrier barrier_id(%barrier3A)
      %scan3A = arith.constant 0 : i32
      %scan3A_31 = arith.constant 0 : i32
      %scan3A_32 = arith.constant 80 : i32
      %scan3A_33 = arith.addi %scan3A_31, %scan3A_32 : i32
      %scan3A_34 = arith.constant 1 : i32
      %scan3A_35 = scf.for %scan3A_62 = %scan3A_31 to %scan3A_33 step %scan3A_34 iter_args(%scan3A_63 = %scan3A) -> (i32)  : i32 {
        %jit3A = arith.constant 2 : i32
        %eq3A_64 = arith.constant 0 : i32
        %eq3A_65 = arith.cmpi eq, %jit3A, %eq3A_64 : i32
        %jit3A_66 = arith.constant 1 : i32
        %select_n3A = arith.select %eq3A_65, %jit3A_66, %jit3A : i32
        %rem3A = arith.remsi %scan3A_62, %select_n3A : i32
        %ne3A = arith.constant 0 : i32
        %ne3A_67 = arith.cmpi ne, %rem3A, %ne3A : i32
        %lt3A_68 = arith.constant 0 : i32
        %lt3A_69 = arith.cmpi slt, %rem3A, %lt3A_68 : i32
        %lt3A_70 = arith.constant 0 : i32
        %lt3A_71 = arith.cmpi slt, %select_n3A, %lt3A_70 : i32
        %ne3A_72 = arith.xori %lt3A_69, %lt3A_71 : i1
        %and3A = arith.andi %ne3A_72, %ne3A_67 : i1
        %add3A = arith.addi %rem3A, %select_n3A : i32
        %select_n3A_73 = arith.select %and3A, %add3A, %rem3A : i32
        %ge3A = arith.constant 1 : i32
        %ge3A_74 = arith.cmpi sge, %scan3A_62, %ge3A : i32
        %convert_element_type3A_75 = arith.extui %ge3A_74 : i1 to i32
        %cond3A_76 = arith.constant 0 : i32
        %cond3A_77 = arith.cmpi ne, %convert_element_type3A_75, %cond3A_76 : i32
        scf.if %cond3A_77 {
          %sub3A = arith.constant 1 : i32
          %sub3A_147 = arith.subi %sub3A, %select_n3A_73 : i32
          %sub3A_148 = arith.constant 1 : i32
          %sub3A_149 = arith.subi %scan3A_62, %sub3A_148 : i32
          %jit3A_150 = arith.constant 40 : i32
          %eq3A_151 = arith.constant 0 : i32
          %eq3A_152 = arith.cmpi eq, %jit3A_150, %eq3A_151 : i32
          %jit3A_153 = arith.constant 1 : i32
          %select_n3A_154 = arith.select %eq3A_152, %jit3A_153, %jit3A_150 : i32
          %rem3A_155 = arith.remsi %sub3A_149, %select_n3A_154 : i32
          %ne3A_156 = arith.constant 0 : i32
          %ne3A_157 = arith.cmpi ne, %rem3A_155, %ne3A_156 : i32
          %lt3A_158 = arith.constant 0 : i32
          %lt3A_159 = arith.cmpi slt, %rem3A_155, %lt3A_158 : i32
          %lt3A_160 = arith.constant 0 : i32
          %lt3A_161 = arith.cmpi slt, %select_n3A_154, %lt3A_160 : i32
          %ne3A_162 = arith.xori %lt3A_159, %lt3A_161 : i1
          %and3A_163 = arith.andi %ne3A_162, %ne3A_157 : i1
          %add3A_164 = arith.addi %rem3A_155, %select_n3A_154 : i32
          %select_n3A_165 = arith.select %and3A_163, %add3A_164, %rem3A_155 : i32
          %sub3A_166 = arith.constant 1 : i32
          %sub3A_167 = arith.subi %sub3A_166, %select_n3A_73 : i32
          %dma_wait3A_168 = arith.constant 0 : i32
          %dma_wait3A_169 = arith.constant 0 : i32
          %dma_wait3A_170 = tpu.memref_slice %arg10[%sub3A_147, %dma_wait3A_168, %dma_wait3A_169] : memref<2x125x128xf32, #tpu.memory_space<vmem>> -> memref<1x125x128xf32, #tpu.memory_space<vmem>>
          %dma_wait3A_171 = tpu.memref_squeeze %dma_wait3A_170 : memref<1x125x128xf32, #tpu.memory_space<vmem>> -> memref<125x128xf32, #tpu.memory_space<vmem>>
          %dma_wait3A_172 = arith.constant 0 : i32
          %dma_wait3A_173 = tpu.memref_slice %arg9[%select_n3A_165, %dma_wait3A_172] : memref<40x125xi32, #tpu.memory_space<vmem>> -> memref<1x125xi32, #tpu.memory_space<vmem>>
          %dma_wait3A_174 = tpu.memref_squeeze %dma_wait3A_173 : memref<1x125xi32, #tpu.memory_space<vmem>> -> memref<125xi32, #tpu.memory_space<vmem>>
          %dma_wait3A_175 = arith.constant 0 : i32
          %dma_wait3A_176 = arith.constant 0 : i32
          %dma_wait3A_177 = tpu.memref_slice %arg11[%dma_wait3A_175, %dma_wait3A_176] : memref<10000x128xf32, #tpu.memory_space<vmem_shared>> -> memref<10000x128xf32, #tpu.memory_space<vmem_shared>>
          %dma_wait3A_178 = tpu.memref_slice %arg13[%sub3A_167] : memref<2x!tpu.dma_semaphore, #tpu.memory_space<semaphore_mem>> -> memref<1x!tpu.dma_semaphore, #tpu.memory_space<semaphore_mem>>
          %dma_wait3A_179 = tpu.memref_squeeze %dma_wait3A_178 : memref<1x!tpu.dma_semaphore, #tpu.memory_space<semaphore_mem>> -> memref<!tpu.dma_semaphore, #tpu.memory_space<semaphore_mem>>
          tpu.wait_indirect_dma semaphore(%dma_wait3A_179 : memref<!tpu.dma_semaphore, #tpu.memory_space<semaphore_mem>>) src(%dma_wait3A_171 : memref<125x128xf32, #tpu.memory_space<vmem>>) dst(%dma_wait3A_177 : memref<10000x128xf32, #tpu.memory_space<vmem_shared>>)
        } else {
        }
        %jit3A_78 = arith.constant 40 : i32
        %eq3A_79 = arith.constant 0 : i32
        %eq3A_80 = arith.cmpi eq, %jit3A_78, %eq3A_79 : i32
        %jit3A_81 = arith.constant 1 : i32
        %select_n3A_82 = arith.select %eq3A_80, %jit3A_81, %jit3A_78 : i32
        %rem3A_83 = arith.remsi %scan3A_62, %select_n3A_82 : i32
        %ne3A_84 = arith.constant 0 : i32
        %ne3A_85 = arith.cmpi ne, %rem3A_83, %ne3A_84 : i32
        %lt3A_86 = arith.constant 0 : i32
        %lt3A_87 = arith.cmpi slt, %rem3A_83, %lt3A_86 : i32
        %lt3A_88 = arith.constant 0 : i32
        %lt3A_89 = arith.cmpi slt, %select_n3A_82, %lt3A_88 : i32
        %ne3A_90 = arith.xori %lt3A_87, %lt3A_89 : i1
        %and3A_91 = arith.andi %ne3A_90, %ne3A_85 : i1
        %add3A_92 = arith.addi %rem3A_83, %select_n3A_82 : i32
        %select_n3A_93 = arith.select %and3A_91, %add3A_92, %rem3A_83 : i32
        %eq3A_94 = arith.constant 0 : i32
        %eq3A_95 = arith.cmpi eq, %select_n3A_93, %eq3A_94 : i32
        %convert_element_type3A_96 = arith.extui %eq3A_95 : i1 to i32
        %cond3A_97 = arith.constant 0 : i32
        %cond3A_98 = arith.cmpi ne, %convert_element_type3A_96, %cond3A_97 : i32
        scf.if %cond3A_98 {
          %multiple_of3A = tpu.assume_multiple %scan3A_62, 40 : i32
          %mul3A_147 = arith.constant 80 : i32
          %mul3A_148 = arith.muli %arg1, %mul3A_147 : i32
          %add3A_149 = arith.addi %mul3A_148, %multiple_of3A : i32
          "tpu.region"() ({
            %run_scoped3A = tpu.sem_alloc : memref<!tpu.dma_semaphore, #tpu.memory_space<semaphore_mem>>
            %dma_start3A_150 = arith.constant 0 : i32
            %dma_start3A_151 = tpu.memref_slice %arg5[%add3A_149, %dma_start3A_150] : memref<1280x125xi32, #tpu.memory_space<hbm>> -> memref<40x125xi32, #tpu.memory_space<hbm>>
            %dma_start3A_152 = arith.constant 0 : i32
            %dma_start3A_153 = tpu.memref_slice %arg5[%add3A_149, %dma_start3A_152] : memref<1280x125xi32, #tpu.memory_space<hbm>> -> memref<40x125xi32, #tpu.memory_space<hbm>>
            tpu.enqueue_dma source(%dma_start3A_153 : memref<40x125xi32, #tpu.memory_space<hbm>>) target(%arg9 : memref<40x125xi32, #tpu.memory_space<vmem>>) target_semaphore(%run_scoped3A : memref<!tpu.dma_semaphore, #tpu.memory_space<semaphore_mem>>)
            %dma_wait3A_154 = arith.constant 0 : i32
            %dma_wait3A_155 = tpu.memref_slice %arg5[%add3A_149, %dma_wait3A_154] : memref<1280x125xi32, #tpu.memory_space<hbm>> -> memref<40x125xi32, #tpu.memory_space<hbm>>
            %dma_wait3A_156 = arith.constant 0 : i32
            %dma_wait3A_157 = tpu.memref_slice %arg5[%add3A_149, %dma_wait3A_156] : memref<1280x125xi32, #tpu.memory_space<hbm>> -> memref<40x125xi32, #tpu.memory_space<hbm>>
            tpu.wait_dma2 semaphore(%run_scoped3A : memref<!tpu.dma_semaphore, #tpu.memory_space<semaphore_mem>>) src(%dma_wait3A_157 : memref<40x125xi32, #tpu.memory_space<hbm>>) dst(%arg9 : memref<40x125xi32, #tpu.memory_space<vmem>>)
            tpu.yield
          }) : () -> ()
        } else {
        }
        %add3A_99 = arith.constant 1 : i32
        %add3A_100 = arith.addi %scan3A_62, %add3A_99 : i32
        %lt3A_101 = arith.constant 80 : i32
        %lt3A_102 = arith.cmpi slt, %add3A_100, %lt3A_101 : i32
        %convert_element_type3A_103 = arith.extui %lt3A_102 : i1 to i32
        %cond3A_104 = arith.constant 0 : i32
        %cond3A_105 = arith.cmpi ne, %convert_element_type3A_103, %cond3A_104 : i32
        scf.if %cond3A_105 {
          %add3A_147 = arith.constant 1 : i32
          %add3A_148 = arith.addi %scan3A_62, %add3A_147 : i32
          %sub3A = arith.constant 1 : i32
          %sub3A_149 = arith.subi %sub3A, %select_n3A_73 : i32
          %sub3A_150 = arith.constant 1 : i32
          %sub3A_151 = arith.subi %sub3A_150, %select_n3A_73 : i32
          %dma_start3A_152 = arith.constant 0 : i32
          %dma_start3A_153 = arith.constant 0 : i32
          %dma_start3A_154 = tpu.memref_slice %arg10[%sub3A_149, %dma_start3A_152, %dma_start3A_153] : memref<2x125x128xf32, #tpu.memory_space<vmem>> -> memref<1x125x128xf32, #tpu.memory_space<vmem>>
          %dma_start3A_155 = tpu.memref_squeeze %dma_start3A_154 : memref<1x125x128xf32, #tpu.memory_space<vmem>> -> memref<125x128xf32, #tpu.memory_space<vmem>>
          %dma_start3A_156 = arith.constant 0 : i32
          %dma_start3A_157 = tpu.memref_slice %arg8[%add3A_148, %dma_start3A_156] : memref<80x125xi32, #tpu.memory_space<vmem>> -> memref<1x125xi32, #tpu.memory_space<vmem>>
          %dma_start3A_158 = tpu.memref_squeeze %dma_start3A_157 : memref<1x125xi32, #tpu.memory_space<vmem>> -> memref<125xi32, #tpu.memory_space<vmem>>
          %dma_start3A_159 = arith.constant 0 : i32
          %dma_start3A_160 = arith.constant 0 : i32
          %dma_start3A_161 = tpu.memref_slice %arg3[%dma_start3A_159, %dma_start3A_160] : memref<10000x128xf32, #tpu.memory_space<hbm>> -> memref<10000x128xf32, #tpu.memory_space<hbm>>
          %dma_start3A_162 = tpu.memref_slice %arg12[%sub3A_151] : memref<2x!tpu.dma_semaphore, #tpu.memory_space<semaphore_mem>> -> memref<1x!tpu.dma_semaphore, #tpu.memory_space<semaphore_mem>>
          %dma_start3A_163 = tpu.memref_squeeze %dma_start3A_162 : memref<1x!tpu.dma_semaphore, #tpu.memory_space<semaphore_mem>> -> memref<!tpu.dma_semaphore, #tpu.memory_space<semaphore_mem>>
          tpu.enqueue_indirect_dma source(%dma_start3A_161 : memref<10000x128xf32, #tpu.memory_space<hbm>>) target(%dma_start3A_155 : memref<125x128xf32, #tpu.memory_space<vmem>>) offsets(%dma_start3A_158 : memref<125xi32, #tpu.memory_space<vmem>>) semaphore(%dma_start3A_163 : memref<!tpu.dma_semaphore, #tpu.memory_space<semaphore_mem>>)
        } else {
        }
        %dma_wait3A_106 = arith.constant 0 : i32
        %dma_wait3A_107 = arith.constant 0 : i32
        %dma_wait3A_108 = tpu.memref_slice %arg10[%select_n3A_73, %dma_wait3A_106, %dma_wait3A_107] : memref<2x125x128xf32, #tpu.memory_space<vmem>> -> memref<1x125x128xf32, #tpu.memory_space<vmem>>
        %dma_wait3A_109 = tpu.memref_squeeze %dma_wait3A_108 : memref<1x125x128xf32, #tpu.memory_space<vmem>> -> memref<125x128xf32, #tpu.memory_space<vmem>>
        %dma_wait3A_110 = arith.constant 0 : i32
        %dma_wait3A_111 = tpu.memref_slice %arg8[%scan3A_62, %dma_wait3A_110] : memref<80x125xi32, #tpu.memory_space<vmem>> -> memref<1x125xi32, #tpu.memory_space<vmem>>
        %dma_wait3A_112 = tpu.memref_squeeze %dma_wait3A_111 : memref<1x125xi32, #tpu.memory_space<vmem>> -> memref<125xi32, #tpu.memory_space<vmem>>
        %dma_wait3A_113 = arith.constant 0 : i32
        %dma_wait3A_114 = arith.constant 0 : i32
        %dma_wait3A_115 = tpu.memref_slice %arg3[%dma_wait3A_113, %dma_wait3A_114] : memref<10000x128xf32, #tpu.memory_space<hbm>> -> memref<10000x128xf32, #tpu.memory_space<hbm>>
        %dma_wait3A_116 = tpu.memref_slice %arg12[%select_n3A_73] : memref<2x!tpu.dma_semaphore, #tpu.memory_space<semaphore_mem>> -> memref<1x!tpu.dma_semaphore, #tpu.memory_space<semaphore_mem>>
        %dma_wait3A_117 = tpu.memref_squeeze %dma_wait3A_116 : memref<1x!tpu.dma_semaphore, #tpu.memory_space<semaphore_mem>> -> memref<!tpu.dma_semaphore, #tpu.memory_space<semaphore_mem>>
        tpu.wait_indirect_dma semaphore(%dma_wait3A_117 : memref<!tpu.dma_semaphore, #tpu.memory_space<semaphore_mem>>) src(%dma_wait3A_115 : memref<10000x128xf32, #tpu.memory_space<hbm>>) dst(%dma_wait3A_109 : memref<125x128xf32, #tpu.memory_space<vmem>>)
        %jit3A_118 = arith.constant 40 : i32
        %eq3A_119 = arith.constant 0 : i32
        %eq3A_120 = arith.cmpi eq, %jit3A_118, %eq3A_119 : i32
        %jit3A_121 = arith.constant 1 : i32
        %select_n3A_122 = arith.select %eq3A_120, %jit3A_121, %jit3A_118 : i32
        %rem3A_123 = arith.remsi %scan3A_62, %select_n3A_122 : i32
        %ne3A_124 = arith.constant 0 : i32
        %ne3A_125 = arith.cmpi ne, %rem3A_123, %ne3A_124 : i32
        %lt3A_126 = arith.constant 0 : i32
        %lt3A_127 = arith.cmpi slt, %rem3A_123, %lt3A_126 : i32
        %lt3A_128 = arith.constant 0 : i32
        %lt3A_129 = arith.cmpi slt, %select_n3A_122, %lt3A_128 : i32
        %ne3A_130 = arith.xori %lt3A_127, %lt3A_129 : i1
        %and3A_131 = arith.andi %ne3A_130, %ne3A_125 : i1
        %add3A_132 = arith.addi %rem3A_123, %select_n3A_122 : i32
        %select_n3A_133 = arith.select %and3A_131, %add3A_132, %rem3A_123 : i32
        %dma_start3A_134 = arith.constant 0 : i32
        %dma_start3A_135 = arith.constant 0 : i32
        %dma_start3A_136 = tpu.memref_slice %arg10[%select_n3A_73, %dma_start3A_134, %dma_start3A_135] : memref<2x125x128xf32, #tpu.memory_space<vmem>> -> memref<1x125x128xf32, #tpu.memory_space<vmem>>
        %dma_start3A_137 = tpu.memref_squeeze %dma_start3A_136 : memref<1x125x128xf32, #tpu.memory_space<vmem>> -> memref<125x128xf32, #tpu.memory_space<vmem>>
        %dma_start3A_138 = arith.constant 0 : i32
        %dma_start3A_139 = tpu.memref_slice %arg9[%select_n3A_133, %dma_start3A_138] : memref<40x125xi32, #tpu.memory_space<vmem>> -> memref<1x125xi32, #tpu.memory_space<vmem>>
        %dma_start3A_140 = tpu.memref_squeeze %dma_start3A_139 : memref<1x125xi32, #tpu.memory_space<vmem>> -> memref<125xi32, #tpu.memory_space<vmem>>
        %dma_start3A_141 = arith.constant 0 : i32
        %dma_start3A_142 = arith.constant 0 : i32
        %dma_start3A_143 = tpu.memref_slice %arg11[%dma_start3A_141, %dma_start3A_142] : memref<10000x128xf32, #tpu.memory_space<vmem_shared>> -> memref<10000x128xf32, #tpu.memory_space<vmem_shared>>
        %dma_start3A_144 = tpu.memref_slice %arg13[%select_n3A_73] : memref<2x!tpu.dma_semaphore, #tpu.memory_space<semaphore_mem>> -> memref<1x!tpu.dma_semaphore, #tpu.memory_space<semaphore_mem>>
        %dma_start3A_145 = tpu.memref_squeeze %dma_start3A_144 : memref<1x!tpu.dma_semaphore, #tpu.memory_space<semaphore_mem>> -> memref<!tpu.dma_semaphore, #tpu.memory_space<semaphore_mem>>
        tpu.enqueue_indirect_dma source(%dma_start3A_137 : memref<125x128xf32, #tpu.memory_space<vmem>>) target(%dma_start3A_143 : memref<10000x128xf32, #tpu.memory_space<vmem_shared>>) offsets(%dma_start3A_140 : memref<125xi32, #tpu.memory_space<vmem>>) semaphore(%dma_start3A_145 : memref<!tpu.dma_semaphore, #tpu.memory_space<semaphore_mem>>) {add = true}
        %scan3A_146 = arith.constant 0 : i32
        scf.yield %scan3A_146 : i32
      }
      %scan3A_36 = arith.constant 80 : i32
      %dma_wait3A = arith.constant 1 : i32
      %dma_wait3A_37 = arith.constant 39 : i32
      %dma_wait3A_38 = arith.constant 1 : i32
      %dma_wait3A_39 = arith.constant 0 : i32
      %dma_wait3A_40 = arith.constant 0 : i32
      %dma_wait3A_41 = tpu.memref_slice %arg10[%dma_wait3A, %dma_wait3A_39, %dma_wait3A_40] : memref<2x125x128xf32, #tpu.memory_space<vmem>> -> memref<1x125x128xf32, #tpu.memory_space<vmem>>
      %dma_wait3A_42 = tpu.memref_squeeze %dma_wait3A_41 : memref<1x125x128xf32, #tpu.memory_space<vmem>> -> memref<125x128xf32, #tpu.memory_space<vmem>>
      %dma_wait3A_43 = arith.constant 0 : i32
      %dma_wait3A_44 = tpu.memref_slice %arg9[%dma_wait3A_37, %dma_wait3A_43] : memref<40x125xi32, #tpu.memory_space<vmem>> -> memref<1x125xi32, #tpu.memory_space<vmem>>
      %dma_wait3A_45 = tpu.memref_squeeze %dma_wait3A_44 : memref<1x125xi32, #tpu.memory_space<vmem>> -> memref<125xi32, #tpu.memory_space<vmem>>
      %dma_wait3A_46 = arith.constant 0 : i32
      %dma_wait3A_47 = arith.constant 0 : i32
      %dma_wait3A_48 = tpu.memref_slice %arg11[%dma_wait3A_46, %dma_wait3A_47] : memref<10000x128xf32, #tpu.memory_space<vmem_shared>> -> memref<10000x128xf32, #tpu.memory_space<vmem_shared>>
      %dma_wait3A_49 = tpu.memref_slice %arg13[%dma_wait3A_38] : memref<2x!tpu.dma_semaphore, #tpu.memory_space<semaphore_mem>> -> memref<1x!tpu.dma_semaphore, #tpu.memory_space<semaphore_mem>>
      %dma_wait3A_50 = tpu.memref_squeeze %dma_wait3A_49 : memref<1x!tpu.dma_semaphore, #tpu.memory_space<semaphore_mem>> -> memref<!tpu.dma_semaphore, #tpu.memory_space<semaphore_mem>>
      tpu.wait_indirect_dma semaphore(%dma_wait3A_50 : memref<!tpu.dma_semaphore, #tpu.memory_space<semaphore_mem>>) src(%dma_wait3A_42 : memref<125x128xf32, #tpu.memory_space<vmem>>) dst(%dma_wait3A_48 : memref<10000x128xf32, #tpu.memory_space<vmem_shared>>)
      %barrier3A_51 = arith.constant 0 : index
      tpu.barrier barrier_id(%barrier3A_51)
      %lt3A_52 = arith.constant 15 : i32
      %lt3A_53 = arith.cmpi slt, %arg1, %lt3A_52 : i32
      %convert_element_type3A_54 = arith.extui %lt3A_53 : i1 to i32
      %cond3A_55 = arith.constant 0 : i32
      %cond3A_56 = arith.cmpi ne, %convert_element_type3A_54, %cond3A_55 : i32
      scf.if %cond3A_56 {
        %mul3A_62 = arith.constant 632 : i32
        %mul3A_63 = arith.muli %arg1, %mul3A_62 : i32
        %mul3A_64 = arith.constant 632 : i32
        %mul3A_65 = arith.muli %arg1, %mul3A_64 : i32
        "tpu.region"() ({
          %run_scoped3A = tpu.sem_alloc : memref<!tpu.dma_semaphore, #tpu.memory_space<semaphore_mem>>
          %dma_start3A_66 = arith.constant 0 : i32
          %dma_start3A_67 = tpu.memref_slice %arg7[%mul3A_65, %dma_start3A_66] : memref<10000x128xf32, #tpu.memory_space<hbm>> -> memref<632x128xf32, #tpu.memory_space<hbm>>
          %dma_start3A_68 = arith.constant 0 : i32
          %dma_start3A_69 = tpu.memref_slice %arg11[%mul3A_63, %dma_start3A_68] : memref<10000x128xf32, #tpu.memory_space<vmem_shared>> -> memref<632x128xf32, #tpu.memory_space<vmem_shared>>
          tpu.enqueue_dma source(%dma_start3A_69 : memref<632x128xf32, #tpu.memory_space<vmem_shared>>) target(%dma_start3A_67 : memref<632x128xf32, #tpu.memory_space<hbm>>) target_semaphore(%run_scoped3A : memref<!tpu.dma_semaphore, #tpu.memory_space<semaphore_mem>>)
          %dma_wait3A_70 = arith.constant 0 : i32
          %dma_wait3A_71 = tpu.memref_slice %arg7[%mul3A_65, %dma_wait3A_70] : memref<10000x128xf32, #tpu.memory_space<hbm>> -> memref<632x128xf32, #tpu.memory_space<hbm>>
          %dma_wait3A_72 = arith.constant 0 : i32
          %dma_wait3A_73 = tpu.memref_slice %arg11[%mul3A_63, %dma_wait3A_72] : memref<10000x128xf32, #tpu.memory_space<vmem_shared>> -> memref<632x128xf32, #tpu.memory_space<vmem_shared>>
          tpu.wait_dma2 semaphore(%run_scoped3A : memref<!tpu.dma_semaphore, #tpu.memory_space<semaphore_mem>>) src(%dma_wait3A_73 : memref<632x128xf32, #tpu.memory_space<vmem_shared>>) dst(%dma_wait3A_71 : memref<632x128xf32, #tpu.memory_space<hbm>>)
          tpu.yield
        }) : () -> ()
      } else {
      }
      %eq3A_57 = arith.constant 15 : i32
      %eq3A_58 = arith.cmpi eq, %arg1, %eq3A_57 : i32
      %convert_element_type3A_59 = arith.extui %eq3A_58 : i1 to i32
      %cond3A_60 = arith.constant 0 : i32
      %cond3A_61 = arith.cmpi ne, %convert_element_type3A_59, %cond3A_60 : i32
      scf.if %cond3A_61 {
        "tpu.region"() ({
          %run_scoped3A = tpu.sem_alloc : memref<!tpu.dma_semaphore, #tpu.memory_space<semaphore_mem>>
          %dma_start3A_62 = arith.constant 9480 : i32
          %dma_start3A_63 = arith.constant 0 : i32
          %dma_start3A_64 = tpu.memref_slice %arg7[%dma_start3A_62, %dma_start3A_63] : memref<10000x128xf32, #tpu.memory_space<hbm>> -> memref<520x128xf32, #tpu.memory_space<hbm>>
          %dma_start3A_65 = arith.constant 9480 : i32
          %dma_start3A_66 = arith.constant 0 : i32
          %dma_start3A_67 = tpu.memref_slice %arg11[%dma_start3A_65, %dma_start3A_66] : memref<10000x128xf32, #tpu.memory_space<vmem_shared>> -> memref<520x128xf32, #tpu.memory_space<vmem_shared>>
          tpu.enqueue_dma source(%dma_start3A_67 : memref<520x128xf32, #tpu.memory_space<vmem_shared>>) target(%dma_start3A_64 : memref<520x128xf32, #tpu.memory_space<hbm>>) target_semaphore(%run_scoped3A : memref<!tpu.dma_semaphore, #tpu.memory_space<semaphore_mem>>)
          %dma_wait3A_68 = arith.constant 9480 : i32
          %dma_wait3A_69 = arith.constant 0 : i32
          %dma_wait3A_70 = tpu.memref_slice %arg7[%dma_wait3A_68, %dma_wait3A_69] : memref<10000x128xf32, #tpu.memory_space<hbm>> -> memref<520x128xf32, #tpu.memory_space<hbm>>
          %dma_wait3A_71 = arith.constant 9480 : i32
          %dma_wait3A_72 = arith.constant 0 : i32
          %dma_wait3A_73 = tpu.memref_slice %arg11[%dma_wait3A_71, %dma_wait3A_72] : memref<10000x128xf32, #tpu.memory_space<vmem_shared>> -> memref<520x128xf32, #tpu.memory_space<vmem_shared>>
          tpu.wait_dma2 semaphore(%run_scoped3A : memref<!tpu.dma_semaphore, #tpu.memory_space<semaphore_mem>>) src(%dma_wait3A_73 : memref<520x128xf32, #tpu.memory_space<vmem_shared>>) dst(%dma_wait3A_70 : memref<520x128xf32, #tpu.memory_space<hbm>>)
          tpu.yield
        }) : () -> ()
      } else {
      }
    } else {
    }
    return
  }
}

#map = affine_map<(d0, d1) -> (0, 0)>
module attributes {stable_mosaic.version = 14 : i64} {
  func.func @_seg_body(%arg0: i32, %arg1: i32, %arg2: memref<10000x128xf32, #tpu.memory_space<hbm>>, %arg3: memref<10000x128xf32, #tpu.memory_space<hbm>>, %arg4: memref<1280x125xi32, #tpu.memory_space<hbm>>, %arg5: memref<1280x125xi32, #tpu.memory_space<hbm>>, %arg6: memref<10000x128xf32, #tpu.memory_space<hbm>>, %arg7: memref<10000x128xf32, #tpu.memory_space<hbm>>, %arg8: memref<80x125xi32, #tpu.memory_space<vmem>>, %arg9: memref<40x125xi32, #tpu.memory_space<vmem>>, %arg10: memref<2x125x128xf32, #tpu.memory_space<vmem>>, %arg11: memref<10000x128xf32, #tpu.memory_space<vmem_shared>>, %arg12: memref<2x!tpu.dma_semaphore, #tpu.memory_space<semaphore_mem>>, %arg13: memref<2x!tpu.dma_semaphore, #tpu.memory_space<semaphore_mem>>) attributes {dimension_semantics = [#tpu.dimension_semantics<core_parallel>, #tpu.dimension_semantics<subcore_parallel>], iteration_bounds = array<i64: 2, 16>, scalar_prefetch = 0 : i64, scratch_operands = 6 : i64, tpu.core_type = #tpu.core_type<sc_vector_subcore>, window_params = [{transform_indices = #map}, {transform_indices = #map}, {transform_indices = #map}, {transform_indices = #map}, {transform_indices = #map}, {transform_indices = #map}]} {
    %mul3A = arith.constant 80 : i32
    %mul3A_0 = arith.muli %arg1, %mul3A : i32
    "tpu.region"() ({
      %run_scoped3A = tpu.sem_alloc : memref<!tpu.dma_semaphore, #tpu.memory_space<semaphore_mem>>
      %dma_start3A = arith.constant 0 : i32
      %dma_start3A_8 = tpu.memref_slice %arg4[%mul3A_0, %dma_start3A] : memref<1280x125xi32, #tpu.memory_space<hbm>> -> memref<80x125xi32, #tpu.memory_space<hbm>>
      %dma_start3A_9 = arith.constant 0 : i32
      %dma_start3A_10 = tpu.memref_slice %arg4[%mul3A_0, %dma_start3A_9] : memref<1280x125xi32, #tpu.memory_space<hbm>> -> memref<80x125xi32, #tpu.memory_space<hbm>>
      tpu.enqueue_dma source(%dma_start3A_10 : memref<80x125xi32, #tpu.memory_space<hbm>>) target(%arg8 : memref<80x125xi32, #tpu.memory_space<vmem>>) target_semaphore(%run_scoped3A : memref<!tpu.dma_semaphore, #tpu.memory_space<semaphore_mem>>)
      %dma_wait3A = arith.constant 0 : i32
      %dma_wait3A_11 = tpu.memref_slice %arg4[%mul3A_0, %dma_wait3A] : memref<1280x125xi32, #tpu.memory_space<hbm>> -> memref<80x125xi32, #tpu.memory_space<hbm>>
      %dma_wait3A_12 = arith.constant 0 : i32
      %dma_wait3A_13 = tpu.memref_slice %arg4[%mul3A_0, %dma_wait3A_12] : memref<1280x125xi32, #tpu.memory_space<hbm>> -> memref<80x125xi32, #tpu.memory_space<hbm>>
      tpu.wait_dma2 semaphore(%run_scoped3A : memref<!tpu.dma_semaphore, #tpu.memory_space<semaphore_mem>>) src(%dma_wait3A_13 : memref<80x125xi32, #tpu.memory_space<hbm>>) dst(%arg8 : memref<80x125xi32, #tpu.memory_space<vmem>>)
      tpu.yield
    }) : () -> ()
    %eq3A = arith.constant 0 : i32
    %eq3A_1 = arith.cmpi eq, %arg0, %eq3A : i32
    %convert_element_type3A = arith.extui %eq3A_1 : i1 to i32
    %cond3A = arith.constant 0 : i32
    %cond3A_2 = arith.cmpi ne, %convert_element_type3A, %cond3A : i32
    scf.if %cond3A_2 {
      %dma_start3A = arith.constant 0 : i32
      %dma_start3A_8 = arith.constant 0 : i32
      %dma_start3A_9 = arith.constant 0 : i32
      %dma_start3A_10 = arith.constant 0 : i32
      %dma_start3A_11 = arith.constant 0 : i32
      %dma_start3A_12 = tpu.memref_slice %arg10[%dma_start3A_8, %dma_start3A_10, %dma_start3A_11] : memref<2x125x128xf32, #tpu.memory_space<vmem>> -> memref<1x125x128xf32, #tpu.memory_space<vmem>>
      %dma_start3A_13 = tpu.memref_squeeze %dma_start3A_12 : memref<1x125x128xf32, #tpu.memory_space<vmem>> -> memref<125x128xf32, #tpu.memory_space<vmem>>
      %dma_start3A_14 = arith.constant 0 : i32
      %dma_start3A_15 = tpu.memref_slice %arg8[%dma_start3A, %dma_start3A_14] : memref<80x125xi32, #tpu.memory_space<vmem>> -> memref<1x125xi32, #tpu.memory_space<vmem>>
      %dma_start3A_16 = tpu.memref_squeeze %dma_start3A_15 : memref<1x125xi32, #tpu.memory_space<vmem>> -> memref<125xi32, #tpu.memory_space<vmem>>
      %dma_start3A_17 = arith.constant 0 : i32
      %dma_start3A_18 = arith.constant 0 : i32
      %dma_start3A_19 = tpu.memref_slice %arg2[%dma_start3A_17, %dma_start3A_18] : memref<10000x128xf32, #tpu.memory_space<hbm>> -> memref<10000x128xf32, #tpu.memory_space<hbm>>
      %dma_start3A_20 = tpu.memref_slice %arg12[%dma_start3A_9] : memref<2x!tpu.dma_semaphore, #tpu.memory_space<semaphore_mem>> -> memref<1x!tpu.dma_semaphore, #tpu.memory_space<semaphore_mem>>
      %dma_start3A_21 = tpu.memref_squeeze %dma_start3A_20 : memref<1x!tpu.dma_semaphore, #tpu.memory_space<semaphore_mem>> -> memref<!tpu.dma_semaphore, #tpu.memory_space<semaphore_mem>>
      tpu.enqueue_indirect_dma source(%dma_start3A_19 : memref<10000x128xf32, #tpu.memory_space<hbm>>) target(%dma_start3A_13 : memref<125x128xf32, #tpu.memory_space<vmem>>) offsets(%dma_start3A_16 : memref<125xi32, #tpu.memory_space<vmem>>) semaphore(%dma_start3A_21 : memref<!tpu.dma_semaphore, #tpu.memory_space<semaphore_mem>>)
      %lt3A = arith.constant 15 : i32
      %lt3A_22 = arith.cmpi slt, %arg1, %lt3A : i32
      %convert_element_type3A_23 = arith.extui %lt3A_22 : i1 to i32
      %cond3A_24 = arith.constant 0 : i32
      %cond3A_25 = arith.cmpi ne, %convert_element_type3A_23, %cond3A_24 : i32
      scf.if %cond3A_25 {
        %mul3A_62 = arith.constant 632 : i32
        %mul3A_63 = arith.muli %arg1, %mul3A_62 : i32
        %mul3A_64 = arith.constant 632 : i32
        %mul3A_65 = arith.muli %arg1, %mul3A_64 : i32
        "tpu.region"() ({
          %run_scoped3A = tpu.sem_alloc : memref<!tpu.dma_semaphore, #tpu.memory_space<semaphore_mem>>
          %dma_start3A_66 = arith.constant 0 : i32
          %dma_start3A_67 = tpu.memref_slice %arg11[%mul3A_65, %dma_start3A_66] : memref<10000x128xf32, #tpu.memory_space<vmem_shared>> -> memref<632x128xf32, #tpu.memory_space<vmem_shared>>
          %dma_start3A_68 = arith.constant 0 : i32
          %dma_start3A_69 = tpu.memref_slice %arg2[%mul3A_63, %dma_start3A_68] : memref<10000x128xf32, #tpu.memory_space<hbm>> -> memref<632x128xf32, #tpu.memory_space<hbm>>
          tpu.enqueue_dma source(%dma_start3A_69 : memref<632x128xf32, #tpu.memory_space<hbm>>) target(%dma_start3A_67 : memref<632x128xf32, #tpu.memory_space<vmem_shared>>) target_semaphore(%run_scoped3A : memref<!tpu.dma_semaphore, #tpu.memory_space<semaphore_mem>>)
          %dma_wait3A_70 = arith.constant 0 : i32
          %dma_wait3A_71 = tpu.memref_slice %arg11[%mul3A_65, %dma_wait3A_70] : memref<10000x128xf32, #tpu.memory_space<vmem_shared>> -> memref<632x128xf32, #tpu.memory_space<vmem_shared>>
          %dma_wait3A_72 = arith.constant 0 : i32
          %dma_wait3A_73 = tpu.memref_slice %arg2[%mul3A_63, %dma_wait3A_72] : memref<10000x128xf32, #tpu.memory_space<hbm>> -> memref<632x128xf32, #tpu.memory_space<hbm>>
          tpu.wait_dma2 semaphore(%run_scoped3A : memref<!tpu.dma_semaphore, #tpu.memory_space<semaphore_mem>>) src(%dma_wait3A_73 : memref<632x128xf32, #tpu.memory_space<hbm>>) dst(%dma_wait3A_71 : memref<632x128xf32, #tpu.memory_space<vmem_shared>>)
          tpu.yield
        }) : () -> ()
      } else {
      }
      %eq3A_26 = arith.constant 15 : i32
      %eq3A_27 = arith.cmpi eq, %arg1, %eq3A_26 : i32
      %convert_element_type3A_28 = arith.extui %eq3A_27 : i1 to i32
      %cond3A_29 = arith.constant 0 : i32
      %cond3A_30 = arith.cmpi ne, %convert_element_type3A_28, %cond3A_29 : i32
      scf.if %cond3A_30 {
        "tpu.region"() ({
          %run_scoped3A = tpu.sem_alloc : memref<!tpu.dma_semaphore, #tpu.memory_space<semaphore_mem>>
          %dma_start3A_62 = arith.constant 9480 : i32
          %dma_start3A_63 = arith.constant 0 : i32
          %dma_start3A_64 = tpu.memref_slice %arg11[%dma_start3A_62, %dma_start3A_63] : memref<10000x128xf32, #tpu.memory_space<vmem_shared>> -> memref<520x128xf32, #tpu.memory_space<vmem_shared>>
          %dma_start3A_65 = arith.constant 9480 : i32
          %dma_start3A_66 = arith.constant 0 : i32
          %dma_start3A_67 = tpu.memref_slice %arg2[%dma_start3A_65, %dma_start3A_66] : memref<10000x128xf32, #tpu.memory_space<hbm>> -> memref<520x128xf32, #tpu.memory_space<hbm>>
          tpu.enqueue_dma source(%dma_start3A_67 : memref<520x128xf32, #tpu.memory_space<hbm>>) target(%dma_start3A_64 : memref<520x128xf32, #tpu.memory_space<vmem_shared>>) target_semaphore(%run_scoped3A : memref<!tpu.dma_semaphore, #tpu.memory_space<semaphore_mem>>)
          %dma_wait3A_68 = arith.constant 9480 : i32
          %dma_wait3A_69 = arith.constant 0 : i32
          %dma_wait3A_70 = tpu.memref_slice %arg11[%dma_wait3A_68, %dma_wait3A_69] : memref<10000x128xf32, #tpu.memory_space<vmem_shared>> -> memref<520x128xf32, #tpu.memory_space<vmem_shared>>
          %dma_wait3A_71 = arith.constant 9480 : i32
          %dma_wait3A_72 = arith.constant 0 : i32
          %dma_wait3A_73 = tpu.memref_slice %arg2[%dma_wait3A_71, %dma_wait3A_72] : memref<10000x128xf32, #tpu.memory_space<hbm>> -> memref<520x128xf32, #tpu.memory_space<hbm>>
          tpu.wait_dma2 semaphore(%run_scoped3A : memref<!tpu.dma_semaphore, #tpu.memory_space<semaphore_mem>>) src(%dma_wait3A_73 : memref<520x128xf32, #tpu.memory_space<hbm>>) dst(%dma_wait3A_70 : memref<520x128xf32, #tpu.memory_space<vmem_shared>>)
          tpu.yield
        }) : () -> ()
      } else {
      }
      %barrier3A = arith.constant 0 : index
      tpu.barrier barrier_id(%barrier3A)
      %scan3A = arith.constant 0 : i32
      %scan3A_31 = arith.constant 0 : i32
      %scan3A_32 = arith.constant 80 : i32
      %scan3A_33 = arith.addi %scan3A_31, %scan3A_32 : i32
      %scan3A_34 = arith.constant 1 : i32
      %scan3A_35 = scf.for %scan3A_62 = %scan3A_31 to %scan3A_33 step %scan3A_34 iter_args(%scan3A_63 = %scan3A) -> (i32)  : i32 {
        %jit3A = arith.constant 2 : i32
        %eq3A_64 = arith.constant 0 : i32
        %eq3A_65 = arith.cmpi eq, %jit3A, %eq3A_64 : i32
        %jit3A_66 = arith.constant 1 : i32
        %select_n3A = arith.select %eq3A_65, %jit3A_66, %jit3A : i32
        %rem3A = arith.remsi %scan3A_62, %select_n3A : i32
        %ne3A = arith.constant 0 : i32
        %ne3A_67 = arith.cmpi ne, %rem3A, %ne3A : i32
        %lt3A_68 = arith.constant 0 : i32
        %lt3A_69 = arith.cmpi slt, %rem3A, %lt3A_68 : i32
        %lt3A_70 = arith.constant 0 : i32
        %lt3A_71 = arith.cmpi slt, %select_n3A, %lt3A_70 : i32
        %ne3A_72 = arith.xori %lt3A_69, %lt3A_71 : i1
        %and3A = arith.andi %ne3A_72, %ne3A_67 : i1
        %add3A = arith.addi %rem3A, %select_n3A : i32
        %select_n3A_73 = arith.select %and3A, %add3A, %rem3A : i32
        %ge3A = arith.constant 1 : i32
        %ge3A_74 = arith.cmpi sge, %scan3A_62, %ge3A : i32
        %convert_element_type3A_75 = arith.extui %ge3A_74 : i1 to i32
        %cond3A_76 = arith.constant 0 : i32
        %cond3A_77 = arith.cmpi ne, %convert_element_type3A_75, %cond3A_76 : i32
        scf.if %cond3A_77 {
          %sub3A = arith.constant 1 : i32
          %sub3A_147 = arith.subi %sub3A, %select_n3A_73 : i32
          %sub3A_148 = arith.constant 1 : i32
          %sub3A_149 = arith.subi %scan3A_62, %sub3A_148 : i32
          %jit3A_150 = arith.constant 40 : i32
          %eq3A_151 = arith.constant 0 : i32
          %eq3A_152 = arith.cmpi eq, %jit3A_150, %eq3A_151 : i32
          %jit3A_153 = arith.constant 1 : i32
          %select_n3A_154 = arith.select %eq3A_152, %jit3A_153, %jit3A_150 : i32
          %rem3A_155 = arith.remsi %sub3A_149, %select_n3A_154 : i32
          %ne3A_156 = arith.constant 0 : i32
          %ne3A_157 = arith.cmpi ne, %rem3A_155, %ne3A_156 : i32
          %lt3A_158 = arith.constant 0 : i32
          %lt3A_159 = arith.cmpi slt, %rem3A_155, %lt3A_158 : i32
          %lt3A_160 = arith.constant 0 : i32
          %lt3A_161 = arith.cmpi slt, %select_n3A_154, %lt3A_160 : i32
          %ne3A_162 = arith.xori %lt3A_159, %lt3A_161 : i1
          %and3A_163 = arith.andi %ne3A_162, %ne3A_157 : i1
          %add3A_164 = arith.addi %rem3A_155, %select_n3A_154 : i32
          %select_n3A_165 = arith.select %and3A_163, %add3A_164, %rem3A_155 : i32
          %sub3A_166 = arith.constant 1 : i32
          %sub3A_167 = arith.subi %sub3A_166, %select_n3A_73 : i32
          %dma_wait3A_168 = arith.constant 0 : i32
          %dma_wait3A_169 = arith.constant 0 : i32
          %dma_wait3A_170 = tpu.memref_slice %arg10[%sub3A_147, %dma_wait3A_168, %dma_wait3A_169] : memref<2x125x128xf32, #tpu.memory_space<vmem>> -> memref<1x125x128xf32, #tpu.memory_space<vmem>>
          %dma_wait3A_171 = tpu.memref_squeeze %dma_wait3A_170 : memref<1x125x128xf32, #tpu.memory_space<vmem>> -> memref<125x128xf32, #tpu.memory_space<vmem>>
          %dma_wait3A_172 = arith.constant 0 : i32
          %dma_wait3A_173 = tpu.memref_slice %arg9[%select_n3A_165, %dma_wait3A_172] : memref<40x125xi32, #tpu.memory_space<vmem>> -> memref<1x125xi32, #tpu.memory_space<vmem>>
          %dma_wait3A_174 = tpu.memref_squeeze %dma_wait3A_173 : memref<1x125xi32, #tpu.memory_space<vmem>> -> memref<125xi32, #tpu.memory_space<vmem>>
          %dma_wait3A_175 = arith.constant 0 : i32
          %dma_wait3A_176 = arith.constant 0 : i32
          %dma_wait3A_177 = tpu.memref_slice %arg11[%dma_wait3A_175, %dma_wait3A_176] : memref<10000x128xf32, #tpu.memory_space<vmem_shared>> -> memref<10000x128xf32, #tpu.memory_space<vmem_shared>>
          %dma_wait3A_178 = tpu.memref_slice %arg13[%sub3A_167] : memref<2x!tpu.dma_semaphore, #tpu.memory_space<semaphore_mem>> -> memref<1x!tpu.dma_semaphore, #tpu.memory_space<semaphore_mem>>
          %dma_wait3A_179 = tpu.memref_squeeze %dma_wait3A_178 : memref<1x!tpu.dma_semaphore, #tpu.memory_space<semaphore_mem>> -> memref<!tpu.dma_semaphore, #tpu.memory_space<semaphore_mem>>
          tpu.wait_indirect_dma semaphore(%dma_wait3A_179 : memref<!tpu.dma_semaphore, #tpu.memory_space<semaphore_mem>>) src(%dma_wait3A_171 : memref<125x128xf32, #tpu.memory_space<vmem>>) dst(%dma_wait3A_177 : memref<10000x128xf32, #tpu.memory_space<vmem_shared>>)
        } else {
        }
        %jit3A_78 = arith.constant 40 : i32
        %eq3A_79 = arith.constant 0 : i32
        %eq3A_80 = arith.cmpi eq, %jit3A_78, %eq3A_79 : i32
        %jit3A_81 = arith.constant 1 : i32
        %select_n3A_82 = arith.select %eq3A_80, %jit3A_81, %jit3A_78 : i32
        %rem3A_83 = arith.remsi %scan3A_62, %select_n3A_82 : i32
        %ne3A_84 = arith.constant 0 : i32
        %ne3A_85 = arith.cmpi ne, %rem3A_83, %ne3A_84 : i32
        %lt3A_86 = arith.constant 0 : i32
        %lt3A_87 = arith.cmpi slt, %rem3A_83, %lt3A_86 : i32
        %lt3A_88 = arith.constant 0 : i32
        %lt3A_89 = arith.cmpi slt, %select_n3A_82, %lt3A_88 : i32
        %ne3A_90 = arith.xori %lt3A_87, %lt3A_89 : i1
        %and3A_91 = arith.andi %ne3A_90, %ne3A_85 : i1
        %add3A_92 = arith.addi %rem3A_83, %select_n3A_82 : i32
        %select_n3A_93 = arith.select %and3A_91, %add3A_92, %rem3A_83 : i32
        %eq3A_94 = arith.constant 0 : i32
        %eq3A_95 = arith.cmpi eq, %select_n3A_93, %eq3A_94 : i32
        %convert_element_type3A_96 = arith.extui %eq3A_95 : i1 to i32
        %cond3A_97 = arith.constant 0 : i32
        %cond3A_98 = arith.cmpi ne, %convert_element_type3A_96, %cond3A_97 : i32
        scf.if %cond3A_98 {
          %multiple_of3A = tpu.assume_multiple %scan3A_62, 40 : i32
          %mul3A_147 = arith.constant 80 : i32
          %mul3A_148 = arith.muli %arg1, %mul3A_147 : i32
          %add3A_149 = arith.addi %mul3A_148, %multiple_of3A : i32
          "tpu.region"() ({
            %run_scoped3A = tpu.sem_alloc : memref<!tpu.dma_semaphore, #tpu.memory_space<semaphore_mem>>
            %dma_start3A_150 = arith.constant 0 : i32
            %dma_start3A_151 = tpu.memref_slice %arg5[%add3A_149, %dma_start3A_150] : memref<1280x125xi32, #tpu.memory_space<hbm>> -> memref<40x125xi32, #tpu.memory_space<hbm>>
            %dma_start3A_152 = arith.constant 0 : i32
            %dma_start3A_153 = tpu.memref_slice %arg5[%add3A_149, %dma_start3A_152] : memref<1280x125xi32, #tpu.memory_space<hbm>> -> memref<40x125xi32, #tpu.memory_space<hbm>>
            tpu.enqueue_dma source(%dma_start3A_153 : memref<40x125xi32, #tpu.memory_space<hbm>>) target(%arg9 : memref<40x125xi32, #tpu.memory_space<vmem>>) target_semaphore(%run_scoped3A : memref<!tpu.dma_semaphore, #tpu.memory_space<semaphore_mem>>)
            %dma_wait3A_154 = arith.constant 0 : i32
            %dma_wait3A_155 = tpu.memref_slice %arg5[%add3A_149, %dma_wait3A_154] : memref<1280x125xi32, #tpu.memory_space<hbm>> -> memref<40x125xi32, #tpu.memory_space<hbm>>
            %dma_wait3A_156 = arith.constant 0 : i32
            %dma_wait3A_157 = tpu.memref_slice %arg5[%add3A_149, %dma_wait3A_156] : memref<1280x125xi32, #tpu.memory_space<hbm>> -> memref<40x125xi32, #tpu.memory_space<hbm>>
            tpu.wait_dma2 semaphore(%run_scoped3A : memref<!tpu.dma_semaphore, #tpu.memory_space<semaphore_mem>>) src(%dma_wait3A_157 : memref<40x125xi32, #tpu.memory_space<hbm>>) dst(%arg9 : memref<40x125xi32, #tpu.memory_space<vmem>>)
            tpu.yield
          }) : () -> ()
        } else {
        }
        %add3A_99 = arith.constant 1 : i32
        %add3A_100 = arith.addi %scan3A_62, %add3A_99 : i32
        %lt3A_101 = arith.constant 80 : i32
        %lt3A_102 = arith.cmpi slt, %add3A_100, %lt3A_101 : i32
        %convert_element_type3A_103 = arith.extui %lt3A_102 : i1 to i32
        %cond3A_104 = arith.constant 0 : i32
        %cond3A_105 = arith.cmpi ne, %convert_element_type3A_103, %cond3A_104 : i32
        scf.if %cond3A_105 {
          %add3A_147 = arith.constant 1 : i32
          %add3A_148 = arith.addi %scan3A_62, %add3A_147 : i32
          %sub3A = arith.constant 1 : i32
          %sub3A_149 = arith.subi %sub3A, %select_n3A_73 : i32
          %sub3A_150 = arith.constant 1 : i32
          %sub3A_151 = arith.subi %sub3A_150, %select_n3A_73 : i32
          %dma_start3A_152 = arith.constant 0 : i32
          %dma_start3A_153 = arith.constant 0 : i32
          %dma_start3A_154 = tpu.memref_slice %arg10[%sub3A_149, %dma_start3A_152, %dma_start3A_153] : memref<2x125x128xf32, #tpu.memory_space<vmem>> -> memref<1x125x128xf32, #tpu.memory_space<vmem>>
          %dma_start3A_155 = tpu.memref_squeeze %dma_start3A_154 : memref<1x125x128xf32, #tpu.memory_space<vmem>> -> memref<125x128xf32, #tpu.memory_space<vmem>>
          %dma_start3A_156 = arith.constant 0 : i32
          %dma_start3A_157 = tpu.memref_slice %arg8[%add3A_148, %dma_start3A_156] : memref<80x125xi32, #tpu.memory_space<vmem>> -> memref<1x125xi32, #tpu.memory_space<vmem>>
          %dma_start3A_158 = tpu.memref_squeeze %dma_start3A_157 : memref<1x125xi32, #tpu.memory_space<vmem>> -> memref<125xi32, #tpu.memory_space<vmem>>
          %dma_start3A_159 = arith.constant 0 : i32
          %dma_start3A_160 = arith.constant 0 : i32
          %dma_start3A_161 = tpu.memref_slice %arg2[%dma_start3A_159, %dma_start3A_160] : memref<10000x128xf32, #tpu.memory_space<hbm>> -> memref<10000x128xf32, #tpu.memory_space<hbm>>
          %dma_start3A_162 = tpu.memref_slice %arg12[%sub3A_151] : memref<2x!tpu.dma_semaphore, #tpu.memory_space<semaphore_mem>> -> memref<1x!tpu.dma_semaphore, #tpu.memory_space<semaphore_mem>>
          %dma_start3A_163 = tpu.memref_squeeze %dma_start3A_162 : memref<1x!tpu.dma_semaphore, #tpu.memory_space<semaphore_mem>> -> memref<!tpu.dma_semaphore, #tpu.memory_space<semaphore_mem>>
          tpu.enqueue_indirect_dma source(%dma_start3A_161 : memref<10000x128xf32, #tpu.memory_space<hbm>>) target(%dma_start3A_155 : memref<125x128xf32, #tpu.memory_space<vmem>>) offsets(%dma_start3A_158 : memref<125xi32, #tpu.memory_space<vmem>>) semaphore(%dma_start3A_163 : memref<!tpu.dma_semaphore, #tpu.memory_space<semaphore_mem>>)
        } else {
        }
        %dma_wait3A_106 = arith.constant 0 : i32
        %dma_wait3A_107 = arith.constant 0 : i32
        %dma_wait3A_108 = tpu.memref_slice %arg10[%select_n3A_73, %dma_wait3A_106, %dma_wait3A_107] : memref<2x125x128xf32, #tpu.memory_space<vmem>> -> memref<1x125x128xf32, #tpu.memory_space<vmem>>
        %dma_wait3A_109 = tpu.memref_squeeze %dma_wait3A_108 : memref<1x125x128xf32, #tpu.memory_space<vmem>> -> memref<125x128xf32, #tpu.memory_space<vmem>>
        %dma_wait3A_110 = arith.constant 0 : i32
        %dma_wait3A_111 = tpu.memref_slice %arg8[%scan3A_62, %dma_wait3A_110] : memref<80x125xi32, #tpu.memory_space<vmem>> -> memref<1x125xi32, #tpu.memory_space<vmem>>
        %dma_wait3A_112 = tpu.memref_squeeze %dma_wait3A_111 : memref<1x125xi32, #tpu.memory_space<vmem>> -> memref<125xi32, #tpu.memory_space<vmem>>
        %dma_wait3A_113 = arith.constant 0 : i32
        %dma_wait3A_114 = arith.constant 0 : i32
        %dma_wait3A_115 = tpu.memref_slice %arg2[%dma_wait3A_113, %dma_wait3A_114] : memref<10000x128xf32, #tpu.memory_space<hbm>> -> memref<10000x128xf32, #tpu.memory_space<hbm>>
        %dma_wait3A_116 = tpu.memref_slice %arg12[%select_n3A_73] : memref<2x!tpu.dma_semaphore, #tpu.memory_space<semaphore_mem>> -> memref<1x!tpu.dma_semaphore, #tpu.memory_space<semaphore_mem>>
        %dma_wait3A_117 = tpu.memref_squeeze %dma_wait3A_116 : memref<1x!tpu.dma_semaphore, #tpu.memory_space<semaphore_mem>> -> memref<!tpu.dma_semaphore, #tpu.memory_space<semaphore_mem>>
        tpu.wait_indirect_dma semaphore(%dma_wait3A_117 : memref<!tpu.dma_semaphore, #tpu.memory_space<semaphore_mem>>) src(%dma_wait3A_115 : memref<10000x128xf32, #tpu.memory_space<hbm>>) dst(%dma_wait3A_109 : memref<125x128xf32, #tpu.memory_space<vmem>>)
        %jit3A_118 = arith.constant 40 : i32
        %eq3A_119 = arith.constant 0 : i32
        %eq3A_120 = arith.cmpi eq, %jit3A_118, %eq3A_119 : i32
        %jit3A_121 = arith.constant 1 : i32
        %select_n3A_122 = arith.select %eq3A_120, %jit3A_121, %jit3A_118 : i32
        %rem3A_123 = arith.remsi %scan3A_62, %select_n3A_122 : i32
        %ne3A_124 = arith.constant 0 : i32
        %ne3A_125 = arith.cmpi ne, %rem3A_123, %ne3A_124 : i32
        %lt3A_126 = arith.constant 0 : i32
        %lt3A_127 = arith.cmpi slt, %rem3A_123, %lt3A_126 : i32
        %lt3A_128 = arith.constant 0 : i32
        %lt3A_129 = arith.cmpi slt, %select_n3A_122, %lt3A_128 : i32
        %ne3A_130 = arith.xori %lt3A_127, %lt3A_129 : i1
        %and3A_131 = arith.andi %ne3A_130, %ne3A_125 : i1
        %add3A_132 = arith.addi %rem3A_123, %select_n3A_122 : i32
        %select_n3A_133 = arith.select %and3A_131, %add3A_132, %rem3A_123 : i32
        %dma_start3A_134 = arith.constant 0 : i32
        %dma_start3A_135 = arith.constant 0 : i32
        %dma_start3A_136 = tpu.memref_slice %arg10[%select_n3A_73, %dma_start3A_134, %dma_start3A_135] : memref<2x125x128xf32, #tpu.memory_space<vmem>> -> memref<1x125x128xf32, #tpu.memory_space<vmem>>
        %dma_start3A_137 = tpu.memref_squeeze %dma_start3A_136 : memref<1x125x128xf32, #tpu.memory_space<vmem>> -> memref<125x128xf32, #tpu.memory_space<vmem>>
        %dma_start3A_138 = arith.constant 0 : i32
        %dma_start3A_139 = tpu.memref_slice %arg9[%select_n3A_133, %dma_start3A_138] : memref<40x125xi32, #tpu.memory_space<vmem>> -> memref<1x125xi32, #tpu.memory_space<vmem>>
        %dma_start3A_140 = tpu.memref_squeeze %dma_start3A_139 : memref<1x125xi32, #tpu.memory_space<vmem>> -> memref<125xi32, #tpu.memory_space<vmem>>
        %dma_start3A_141 = arith.constant 0 : i32
        %dma_start3A_142 = arith.constant 0 : i32
        %dma_start3A_143 = tpu.memref_slice %arg11[%dma_start3A_141, %dma_start3A_142] : memref<10000x128xf32, #tpu.memory_space<vmem_shared>> -> memref<10000x128xf32, #tpu.memory_space<vmem_shared>>
        %dma_start3A_144 = tpu.memref_slice %arg13[%select_n3A_73] : memref<2x!tpu.dma_semaphore, #tpu.memory_space<semaphore_mem>> -> memref<1x!tpu.dma_semaphore, #tpu.memory_space<semaphore_mem>>
        %dma_start3A_145 = tpu.memref_squeeze %dma_start3A_144 : memref<1x!tpu.dma_semaphore, #tpu.memory_space<semaphore_mem>> -> memref<!tpu.dma_semaphore, #tpu.memory_space<semaphore_mem>>
        tpu.enqueue_indirect_dma source(%dma_start3A_137 : memref<125x128xf32, #tpu.memory_space<vmem>>) target(%dma_start3A_143 : memref<10000x128xf32, #tpu.memory_space<vmem_shared>>) offsets(%dma_start3A_140 : memref<125xi32, #tpu.memory_space<vmem>>) semaphore(%dma_start3A_145 : memref<!tpu.dma_semaphore, #tpu.memory_space<semaphore_mem>>) {add = true}
        %scan3A_146 = arith.constant 0 : i32
        scf.yield %scan3A_146 : i32
      }
      %scan3A_36 = arith.constant 80 : i32
      %dma_wait3A = arith.constant 1 : i32
      %dma_wait3A_37 = arith.constant 39 : i32
      %dma_wait3A_38 = arith.constant 1 : i32
      %dma_wait3A_39 = arith.constant 0 : i32
      %dma_wait3A_40 = arith.constant 0 : i32
      %dma_wait3A_41 = tpu.memref_slice %arg10[%dma_wait3A, %dma_wait3A_39, %dma_wait3A_40] : memref<2x125x128xf32, #tpu.memory_space<vmem>> -> memref<1x125x128xf32, #tpu.memory_space<vmem>>
      %dma_wait3A_42 = tpu.memref_squeeze %dma_wait3A_41 : memref<1x125x128xf32, #tpu.memory_space<vmem>> -> memref<125x128xf32, #tpu.memory_space<vmem>>
      %dma_wait3A_43 = arith.constant 0 : i32
      %dma_wait3A_44 = tpu.memref_slice %arg9[%dma_wait3A_37, %dma_wait3A_43] : memref<40x125xi32, #tpu.memory_space<vmem>> -> memref<1x125xi32, #tpu.memory_space<vmem>>
      %dma_wait3A_45 = tpu.memref_squeeze %dma_wait3A_44 : memref<1x125xi32, #tpu.memory_space<vmem>> -> memref<125xi32, #tpu.memory_space<vmem>>
      %dma_wait3A_46 = arith.constant 0 : i32
      %dma_wait3A_47 = arith.constant 0 : i32
      %dma_wait3A_48 = tpu.memref_slice %arg11[%dma_wait3A_46, %dma_wait3A_47] : memref<10000x128xf32, #tpu.memory_space<vmem_shared>> -> memref<10000x128xf32, #tpu.memory_space<vmem_shared>>
      %dma_wait3A_49 = tpu.memref_slice %arg13[%dma_wait3A_38] : memref<2x!tpu.dma_semaphore, #tpu.memory_space<semaphore_mem>> -> memref<1x!tpu.dma_semaphore, #tpu.memory_space<semaphore_mem>>
      %dma_wait3A_50 = tpu.memref_squeeze %dma_wait3A_49 : memref<1x!tpu.dma_semaphore, #tpu.memory_space<semaphore_mem>> -> memref<!tpu.dma_semaphore, #tpu.memory_space<semaphore_mem>>
      tpu.wait_indirect_dma semaphore(%dma_wait3A_50 : memref<!tpu.dma_semaphore, #tpu.memory_space<semaphore_mem>>) src(%dma_wait3A_42 : memref<125x128xf32, #tpu.memory_space<vmem>>) dst(%dma_wait3A_48 : memref<10000x128xf32, #tpu.memory_space<vmem_shared>>)
      %barrier3A_51 = arith.constant 0 : index
      tpu.barrier barrier_id(%barrier3A_51)
      %lt3A_52 = arith.constant 15 : i32
      %lt3A_53 = arith.cmpi slt, %arg1, %lt3A_52 : i32
      %convert_element_type3A_54 = arith.extui %lt3A_53 : i1 to i32
      %cond3A_55 = arith.constant 0 : i32
      %cond3A_56 = arith.cmpi ne, %convert_element_type3A_54, %cond3A_55 : i32
      scf.if %cond3A_56 {
        %mul3A_62 = arith.constant 632 : i32
        %mul3A_63 = arith.muli %arg1, %mul3A_62 : i32
        %mul3A_64 = arith.constant 632 : i32
        %mul3A_65 = arith.muli %arg1, %mul3A_64 : i32
        "tpu.region"() ({
          %run_scoped3A = tpu.sem_alloc : memref<!tpu.dma_semaphore, #tpu.memory_space<semaphore_mem>>
          %dma_start3A_66 = arith.constant 0 : i32
          %dma_start3A_67 = tpu.memref_slice %arg6[%mul3A_65, %dma_start3A_66] : memref<10000x128xf32, #tpu.memory_space<hbm>> -> memref<632x128xf32, #tpu.memory_space<hbm>>
          %dma_start3A_68 = arith.constant 0 : i32
          %dma_start3A_69 = tpu.memref_slice %arg11[%mul3A_63, %dma_start3A_68] : memref<10000x128xf32, #tpu.memory_space<vmem_shared>> -> memref<632x128xf32, #tpu.memory_space<vmem_shared>>
          tpu.enqueue_dma source(%dma_start3A_69 : memref<632x128xf32, #tpu.memory_space<vmem_shared>>) target(%dma_start3A_67 : memref<632x128xf32, #tpu.memory_space<hbm>>) target_semaphore(%run_scoped3A : memref<!tpu.dma_semaphore, #tpu.memory_space<semaphore_mem>>)
          %dma_wait3A_70 = arith.constant 0 : i32
          %dma_wait3A_71 = tpu.memref_slice %arg6[%mul3A_65, %dma_wait3A_70] : memref<10000x128xf32, #tpu.memory_space<hbm>> -> memref<632x128xf32, #tpu.memory_space<hbm>>
          %dma_wait3A_72 = arith.constant 0 : i32
          %dma_wait3A_73 = tpu.memref_slice %arg11[%mul3A_63, %dma_wait3A_72] : memref<10000x128xf32, #tpu.memory_space<vmem_shared>> -> memref<632x128xf32, #tpu.memory_space<vmem_shared>>
          tpu.wait_dma2 semaphore(%run_scoped3A : memref<!tpu.dma_semaphore, #tpu.memory_space<semaphore_mem>>) src(%dma_wait3A_73 : memref<632x128xf32, #tpu.memory_space<vmem_shared>>) dst(%dma_wait3A_71 : memref<632x128xf32, #tpu.memory_space<hbm>>)
          tpu.yield
        }) : () -> ()
      } else {
      }
      %eq3A_57 = arith.constant 15 : i32
      %eq3A_58 = arith.cmpi eq, %arg1, %eq3A_57 : i32
      %convert_element_type3A_59 = arith.extui %eq3A_58 : i1 to i32
      %cond3A_60 = arith.constant 0 : i32
      %cond3A_61 = arith.cmpi ne, %convert_element_type3A_59, %cond3A_60 : i32
      scf.if %cond3A_61 {
        "tpu.region"() ({
          %run_scoped3A = tpu.sem_alloc : memref<!tpu.dma_semaphore, #tpu.memory_space<semaphore_mem>>
          %dma_start3A_62 = arith.constant 9480 : i32
          %dma_start3A_63 = arith.constant 0 : i32
          %dma_start3A_64 = tpu.memref_slice %arg6[%dma_start3A_62, %dma_start3A_63] : memref<10000x128xf32, #tpu.memory_space<hbm>> -> memref<520x128xf32, #tpu.memory_space<hbm>>
          %dma_start3A_65 = arith.constant 9480 : i32
          %dma_start3A_66 = arith.constant 0 : i32
          %dma_start3A_67 = tpu.memref_slice %arg11[%dma_start3A_65, %dma_start3A_66] : memref<10000x128xf32, #tpu.memory_space<vmem_shared>> -> memref<520x128xf32, #tpu.memory_space<vmem_shared>>
          tpu.enqueue_dma source(%dma_start3A_67 : memref<520x128xf32, #tpu.memory_space<vmem_shared>>) target(%dma_start3A_64 : memref<520x128xf32, #tpu.memory_space<hbm>>) target_semaphore(%run_scoped3A : memref<!tpu.dma_semaphore, #tpu.memory_space<semaphore_mem>>)
          %dma_wait3A_68 = arith.constant 9480 : i32
          %dma_wait3A_69 = arith.constant 0 : i32
          %dma_wait3A_70 = tpu.memref_slice %arg6[%dma_wait3A_68, %dma_wait3A_69] : memref<10000x128xf32, #tpu.memory_space<hbm>> -> memref<520x128xf32, #tpu.memory_space<hbm>>
          %dma_wait3A_71 = arith.constant 9480 : i32
          %dma_wait3A_72 = arith.constant 0 : i32
          %dma_wait3A_73 = tpu.memref_slice %arg11[%dma_wait3A_71, %dma_wait3A_72] : memref<10000x128xf32, #tpu.memory_space<vmem_shared>> -> memref<520x128xf32, #tpu.memory_space<vmem_shared>>
          tpu.wait_dma2 semaphore(%run_scoped3A : memref<!tpu.dma_semaphore, #tpu.memory_space<semaphore_mem>>) src(%dma_wait3A_73 : memref<520x128xf32, #tpu.memory_space<vmem_shared>>) dst(%dma_wait3A_70 : memref<520x128xf32, #tpu.memory_space<hbm>>)
          tpu.yield
        }) : () -> ()
      } else {
      }
    } else {
    }
    %eq3A_3 = arith.constant 1 : i32
    %eq3A_4 = arith.cmpi eq, %arg0, %eq3A_3 : i32
    %convert_element_type3A_5 = arith.extui %eq3A_4 : i1 to i32
    %cond3A_6 = arith.constant 0 : i32
    %cond3A_7 = arith.cmpi ne, %convert_element_type3A_5, %cond3A_6 : i32
    scf.if %cond3A_7 {
      %dma_start3A = arith.constant 0 : i32
      %dma_start3A_8 = arith.constant 0 : i32
      %dma_start3A_9 = arith.constant 0 : i32
      %dma_start3A_10 = arith.constant 0 : i32
      %dma_start3A_11 = arith.constant 0 : i32
      %dma_start3A_12 = tpu.memref_slice %arg10[%dma_start3A_8, %dma_start3A_10, %dma_start3A_11] : memref<2x125x128xf32, #tpu.memory_space<vmem>> -> memref<1x125x128xf32, #tpu.memory_space<vmem>>
      %dma_start3A_13 = tpu.memref_squeeze %dma_start3A_12 : memref<1x125x128xf32, #tpu.memory_space<vmem>> -> memref<125x128xf32, #tpu.memory_space<vmem>>
      %dma_start3A_14 = arith.constant 0 : i32
      %dma_start3A_15 = tpu.memref_slice %arg8[%dma_start3A, %dma_start3A_14] : memref<80x125xi32, #tpu.memory_space<vmem>> -> memref<1x125xi32, #tpu.memory_space<vmem>>
      %dma_start3A_16 = tpu.memref_squeeze %dma_start3A_15 : memref<1x125xi32, #tpu.memory_space<vmem>> -> memref<125xi32, #tpu.memory_space<vmem>>
      %dma_start3A_17 = arith.constant 0 : i32
      %dma_start3A_18 = arith.constant 0 : i32
      %dma_start3A_19 = tpu.memref_slice %arg3[%dma_start3A_17, %dma_start3A_18] : memref<10000x128xf32, #tpu.memory_space<hbm>> -> memref<10000x128xf32, #tpu.memory_space<hbm>>
      %dma_start3A_20 = tpu.memref_slice %arg12[%dma_start3A_9] : memref<2x!tpu.dma_semaphore, #tpu.memory_space<semaphore_mem>> -> memref<1x!tpu.dma_semaphore, #tpu.memory_space<semaphore_mem>>
      %dma_start3A_21 = tpu.memref_squeeze %dma_start3A_20 : memref<1x!tpu.dma_semaphore, #tpu.memory_space<semaphore_mem>> -> memref<!tpu.dma_semaphore, #tpu.memory_space<semaphore_mem>>
      tpu.enqueue_indirect_dma source(%dma_start3A_19 : memref<10000x128xf32, #tpu.memory_space<hbm>>) target(%dma_start3A_13 : memref<125x128xf32, #tpu.memory_space<vmem>>) offsets(%dma_start3A_16 : memref<125xi32, #tpu.memory_space<vmem>>) semaphore(%dma_start3A_21 : memref<!tpu.dma_semaphore, #tpu.memory_space<semaphore_mem>>)
      %lt3A = arith.constant 15 : i32
      %lt3A_22 = arith.cmpi slt, %arg1, %lt3A : i32
      %convert_element_type3A_23 = arith.extui %lt3A_22 : i1 to i32
      %cond3A_24 = arith.constant 0 : i32
      %cond3A_25 = arith.cmpi ne, %convert_element_type3A_23, %cond3A_24 : i32
      scf.if %cond3A_25 {
        %mul3A_62 = arith.constant 632 : i32
        %mul3A_63 = arith.muli %arg1, %mul3A_62 : i32
        %mul3A_64 = arith.constant 632 : i32
        %mul3A_65 = arith.muli %arg1, %mul3A_64 : i32
        "tpu.region"() ({
          %run_scoped3A = tpu.sem_alloc : memref<!tpu.dma_semaphore, #tpu.memory_space<semaphore_mem>>
          %dma_start3A_66 = arith.constant 0 : i32
          %dma_start3A_67 = tpu.memref_slice %arg11[%mul3A_65, %dma_start3A_66] : memref<10000x128xf32, #tpu.memory_space<vmem_shared>> -> memref<632x128xf32, #tpu.memory_space<vmem_shared>>
          %dma_start3A_68 = arith.constant 0 : i32
          %dma_start3A_69 = tpu.memref_slice %arg3[%mul3A_63, %dma_start3A_68] : memref<10000x128xf32, #tpu.memory_space<hbm>> -> memref<632x128xf32, #tpu.memory_space<hbm>>
          tpu.enqueue_dma source(%dma_start3A_69 : memref<632x128xf32, #tpu.memory_space<hbm>>) target(%dma_start3A_67 : memref<632x128xf32, #tpu.memory_space<vmem_shared>>) target_semaphore(%run_scoped3A : memref<!tpu.dma_semaphore, #tpu.memory_space<semaphore_mem>>)
          %dma_wait3A_70 = arith.constant 0 : i32
          %dma_wait3A_71 = tpu.memref_slice %arg11[%mul3A_65, %dma_wait3A_70] : memref<10000x128xf32, #tpu.memory_space<vmem_shared>> -> memref<632x128xf32, #tpu.memory_space<vmem_shared>>
          %dma_wait3A_72 = arith.constant 0 : i32
          %dma_wait3A_73 = tpu.memref_slice %arg3[%mul3A_63, %dma_wait3A_72] : memref<10000x128xf32, #tpu.memory_space<hbm>> -> memref<632x128xf32, #tpu.memory_space<hbm>>
          tpu.wait_dma2 semaphore(%run_scoped3A : memref<!tpu.dma_semaphore, #tpu.memory_space<semaphore_mem>>) src(%dma_wait3A_73 : memref<632x128xf32, #tpu.memory_space<hbm>>) dst(%dma_wait3A_71 : memref<632x128xf32, #tpu.memory_space<vmem_shared>>)
          tpu.yield
        }) : () -> ()
      } else {
      }
      %eq3A_26 = arith.constant 15 : i32
      %eq3A_27 = arith.cmpi eq, %arg1, %eq3A_26 : i32
      %convert_element_type3A_28 = arith.extui %eq3A_27 : i1 to i32
      %cond3A_29 = arith.constant 0 : i32
      %cond3A_30 = arith.cmpi ne, %convert_element_type3A_28, %cond3A_29 : i32
      scf.if %cond3A_30 {
        "tpu.region"() ({
          %run_scoped3A = tpu.sem_alloc : memref<!tpu.dma_semaphore, #tpu.memory_space<semaphore_mem>>
          %dma_start3A_62 = arith.constant 9480 : i32
          %dma_start3A_63 = arith.constant 0 : i32
          %dma_start3A_64 = tpu.memref_slice %arg11[%dma_start3A_62, %dma_start3A_63] : memref<10000x128xf32, #tpu.memory_space<vmem_shared>> -> memref<520x128xf32, #tpu.memory_space<vmem_shared>>
          %dma_start3A_65 = arith.constant 9480 : i32
          %dma_start3A_66 = arith.constant 0 : i32
          %dma_start3A_67 = tpu.memref_slice %arg3[%dma_start3A_65, %dma_start3A_66] : memref<10000x128xf32, #tpu.memory_space<hbm>> -> memref<520x128xf32, #tpu.memory_space<hbm>>
          tpu.enqueue_dma source(%dma_start3A_67 : memref<520x128xf32, #tpu.memory_space<hbm>>) target(%dma_start3A_64 : memref<520x128xf32, #tpu.memory_space<vmem_shared>>) target_semaphore(%run_scoped3A : memref<!tpu.dma_semaphore, #tpu.memory_space<semaphore_mem>>)
          %dma_wait3A_68 = arith.constant 9480 : i32
          %dma_wait3A_69 = arith.constant 0 : i32
          %dma_wait3A_70 = tpu.memref_slice %arg11[%dma_wait3A_68, %dma_wait3A_69] : memref<10000x128xf32, #tpu.memory_space<vmem_shared>> -> memref<520x128xf32, #tpu.memory_space<vmem_shared>>
          %dma_wait3A_71 = arith.constant 9480 : i32
          %dma_wait3A_72 = arith.constant 0 : i32
          %dma_wait3A_73 = tpu.memref_slice %arg3[%dma_wait3A_71, %dma_wait3A_72] : memref<10000x128xf32, #tpu.memory_space<hbm>> -> memref<520x128xf32, #tpu.memory_space<hbm>>
          tpu.wait_dma2 semaphore(%run_scoped3A : memref<!tpu.dma_semaphore, #tpu.memory_space<semaphore_mem>>) src(%dma_wait3A_73 : memref<520x128xf32, #tpu.memory_space<hbm>>) dst(%dma_wait3A_70 : memref<520x128xf32, #tpu.memory_space<vmem_shared>>)
          tpu.yield
        }) : () -> ()
      } else {
      }
      %barrier3A = arith.constant 0 : index
      tpu.barrier barrier_id(%barrier3A)
      %scan3A = arith.constant 0 : i32
      %scan3A_31 = arith.constant 0 : i32
      %scan3A_32 = arith.constant 80 : i32
      %scan3A_33 = arith.addi %scan3A_31, %scan3A_32 : i32
      %scan3A_34 = arith.constant 1 : i32
      %scan3A_35 = scf.for %scan3A_62 = %scan3A_31 to %scan3A_33 step %scan3A_34 iter_args(%scan3A_63 = %scan3A) -> (i32)  : i32 {
        %jit3A = arith.constant 2 : i32
        %eq3A_64 = arith.constant 0 : i32
        %eq3A_65 = arith.cmpi eq, %jit3A, %eq3A_64 : i32
        %jit3A_66 = arith.constant 1 : i32
        %select_n3A = arith.select %eq3A_65, %jit3A_66, %jit3A : i32
        %rem3A = arith.remsi %scan3A_62, %select_n3A : i32
        %ne3A = arith.constant 0 : i32
        %ne3A_67 = arith.cmpi ne, %rem3A, %ne3A : i32
        %lt3A_68 = arith.constant 0 : i32
        %lt3A_69 = arith.cmpi slt, %rem3A, %lt3A_68 : i32
        %lt3A_70 = arith.constant 0 : i32
        %lt3A_71 = arith.cmpi slt, %select_n3A, %lt3A_70 : i32
        %ne3A_72 = arith.xori %lt3A_69, %lt3A_71 : i1
        %and3A = arith.andi %ne3A_72, %ne3A_67 : i1
        %add3A = arith.addi %rem3A, %select_n3A : i32
        %select_n3A_73 = arith.select %and3A, %add3A, %rem3A : i32
        %ge3A = arith.constant 1 : i32
        %ge3A_74 = arith.cmpi sge, %scan3A_62, %ge3A : i32
        %convert_element_type3A_75 = arith.extui %ge3A_74 : i1 to i32
        %cond3A_76 = arith.constant 0 : i32
        %cond3A_77 = arith.cmpi ne, %convert_element_type3A_75, %cond3A_76 : i32
        scf.if %cond3A_77 {
          %sub3A = arith.constant 1 : i32
          %sub3A_147 = arith.subi %sub3A, %select_n3A_73 : i32
          %sub3A_148 = arith.constant 1 : i32
          %sub3A_149 = arith.subi %scan3A_62, %sub3A_148 : i32
          %jit3A_150 = arith.constant 40 : i32
          %eq3A_151 = arith.constant 0 : i32
          %eq3A_152 = arith.cmpi eq, %jit3A_150, %eq3A_151 : i32
          %jit3A_153 = arith.constant 1 : i32
          %select_n3A_154 = arith.select %eq3A_152, %jit3A_153, %jit3A_150 : i32
          %rem3A_155 = arith.remsi %sub3A_149, %select_n3A_154 : i32
          %ne3A_156 = arith.constant 0 : i32
          %ne3A_157 = arith.cmpi ne, %rem3A_155, %ne3A_156 : i32
          %lt3A_158 = arith.constant 0 : i32
          %lt3A_159 = arith.cmpi slt, %rem3A_155, %lt3A_158 : i32
          %lt3A_160 = arith.constant 0 : i32
          %lt3A_161 = arith.cmpi slt, %select_n3A_154, %lt3A_160 : i32
          %ne3A_162 = arith.xori %lt3A_159, %lt3A_161 : i1
          %and3A_163 = arith.andi %ne3A_162, %ne3A_157 : i1
          %add3A_164 = arith.addi %rem3A_155, %select_n3A_154 : i32
          %select_n3A_165 = arith.select %and3A_163, %add3A_164, %rem3A_155 : i32
          %sub3A_166 = arith.constant 1 : i32
          %sub3A_167 = arith.subi %sub3A_166, %select_n3A_73 : i32
          %dma_wait3A_168 = arith.constant 0 : i32
          %dma_wait3A_169 = arith.constant 0 : i32
          %dma_wait3A_170 = tpu.memref_slice %arg10[%sub3A_147, %dma_wait3A_168, %dma_wait3A_169] : memref<2x125x128xf32, #tpu.memory_space<vmem>> -> memref<1x125x128xf32, #tpu.memory_space<vmem>>
          %dma_wait3A_171 = tpu.memref_squeeze %dma_wait3A_170 : memref<1x125x128xf32, #tpu.memory_space<vmem>> -> memref<125x128xf32, #tpu.memory_space<vmem>>
          %dma_wait3A_172 = arith.constant 0 : i32
          %dma_wait3A_173 = tpu.memref_slice %arg9[%select_n3A_165, %dma_wait3A_172] : memref<40x125xi32, #tpu.memory_space<vmem>> -> memref<1x125xi32, #tpu.memory_space<vmem>>
          %dma_wait3A_174 = tpu.memref_squeeze %dma_wait3A_173 : memref<1x125xi32, #tpu.memory_space<vmem>> -> memref<125xi32, #tpu.memory_space<vmem>>
          %dma_wait3A_175 = arith.constant 0 : i32
          %dma_wait3A_176 = arith.constant 0 : i32
          %dma_wait3A_177 = tpu.memref_slice %arg11[%dma_wait3A_175, %dma_wait3A_176] : memref<10000x128xf32, #tpu.memory_space<vmem_shared>> -> memref<10000x128xf32, #tpu.memory_space<vmem_shared>>
          %dma_wait3A_178 = tpu.memref_slice %arg13[%sub3A_167] : memref<2x!tpu.dma_semaphore, #tpu.memory_space<semaphore_mem>> -> memref<1x!tpu.dma_semaphore, #tpu.memory_space<semaphore_mem>>
          %dma_wait3A_179 = tpu.memref_squeeze %dma_wait3A_178 : memref<1x!tpu.dma_semaphore, #tpu.memory_space<semaphore_mem>> -> memref<!tpu.dma_semaphore, #tpu.memory_space<semaphore_mem>>
          tpu.wait_indirect_dma semaphore(%dma_wait3A_179 : memref<!tpu.dma_semaphore, #tpu.memory_space<semaphore_mem>>) src(%dma_wait3A_171 : memref<125x128xf32, #tpu.memory_space<vmem>>) dst(%dma_wait3A_177 : memref<10000x128xf32, #tpu.memory_space<vmem_shared>>)
        } else {
        }
        %jit3A_78 = arith.constant 40 : i32
        %eq3A_79 = arith.constant 0 : i32
        %eq3A_80 = arith.cmpi eq, %jit3A_78, %eq3A_79 : i32
        %jit3A_81 = arith.constant 1 : i32
        %select_n3A_82 = arith.select %eq3A_80, %jit3A_81, %jit3A_78 : i32
        %rem3A_83 = arith.remsi %scan3A_62, %select_n3A_82 : i32
        %ne3A_84 = arith.constant 0 : i32
        %ne3A_85 = arith.cmpi ne, %rem3A_83, %ne3A_84 : i32
        %lt3A_86 = arith.constant 0 : i32
        %lt3A_87 = arith.cmpi slt, %rem3A_83, %lt3A_86 : i32
        %lt3A_88 = arith.constant 0 : i32
        %lt3A_89 = arith.cmpi slt, %select_n3A_82, %lt3A_88 : i32
        %ne3A_90 = arith.xori %lt3A_87, %lt3A_89 : i1
        %and3A_91 = arith.andi %ne3A_90, %ne3A_85 : i1
        %add3A_92 = arith.addi %rem3A_83, %select_n3A_82 : i32
        %select_n3A_93 = arith.select %and3A_91, %add3A_92, %rem3A_83 : i32
        %eq3A_94 = arith.constant 0 : i32
        %eq3A_95 = arith.cmpi eq, %select_n3A_93, %eq3A_94 : i32
        %convert_element_type3A_96 = arith.extui %eq3A_95 : i1 to i32
        %cond3A_97 = arith.constant 0 : i32
        %cond3A_98 = arith.cmpi ne, %convert_element_type3A_96, %cond3A_97 : i32
        scf.if %cond3A_98 {
          %multiple_of3A = tpu.assume_multiple %scan3A_62, 40 : i32
          %mul3A_147 = arith.constant 80 : i32
          %mul3A_148 = arith.muli %arg1, %mul3A_147 : i32
          %add3A_149 = arith.addi %mul3A_148, %multiple_of3A : i32
          "tpu.region"() ({
            %run_scoped3A = tpu.sem_alloc : memref<!tpu.dma_semaphore, #tpu.memory_space<semaphore_mem>>
            %dma_start3A_150 = arith.constant 0 : i32
            %dma_start3A_151 = tpu.memref_slice %arg5[%add3A_149, %dma_start3A_150] : memref<1280x125xi32, #tpu.memory_space<hbm>> -> memref<40x125xi32, #tpu.memory_space<hbm>>
            %dma_start3A_152 = arith.constant 0 : i32
            %dma_start3A_153 = tpu.memref_slice %arg5[%add3A_149, %dma_start3A_152] : memref<1280x125xi32, #tpu.memory_space<hbm>> -> memref<40x125xi32, #tpu.memory_space<hbm>>
            tpu.enqueue_dma source(%dma_start3A_153 : memref<40x125xi32, #tpu.memory_space<hbm>>) target(%arg9 : memref<40x125xi32, #tpu.memory_space<vmem>>) target_semaphore(%run_scoped3A : memref<!tpu.dma_semaphore, #tpu.memory_space<semaphore_mem>>)
            %dma_wait3A_154 = arith.constant 0 : i32
            %dma_wait3A_155 = tpu.memref_slice %arg5[%add3A_149, %dma_wait3A_154] : memref<1280x125xi32, #tpu.memory_space<hbm>> -> memref<40x125xi32, #tpu.memory_space<hbm>>
            %dma_wait3A_156 = arith.constant 0 : i32
            %dma_wait3A_157 = tpu.memref_slice %arg5[%add3A_149, %dma_wait3A_156] : memref<1280x125xi32, #tpu.memory_space<hbm>> -> memref<40x125xi32, #tpu.memory_space<hbm>>
            tpu.wait_dma2 semaphore(%run_scoped3A : memref<!tpu.dma_semaphore, #tpu.memory_space<semaphore_mem>>) src(%dma_wait3A_157 : memref<40x125xi32, #tpu.memory_space<hbm>>) dst(%arg9 : memref<40x125xi32, #tpu.memory_space<vmem>>)
            tpu.yield
          }) : () -> ()
        } else {
        }
        %add3A_99 = arith.constant 1 : i32
        %add3A_100 = arith.addi %scan3A_62, %add3A_99 : i32
        %lt3A_101 = arith.constant 80 : i32
        %lt3A_102 = arith.cmpi slt, %add3A_100, %lt3A_101 : i32
        %convert_element_type3A_103 = arith.extui %lt3A_102 : i1 to i32
        %cond3A_104 = arith.constant 0 : i32
        %cond3A_105 = arith.cmpi ne, %convert_element_type3A_103, %cond3A_104 : i32
        scf.if %cond3A_105 {
          %add3A_147 = arith.constant 1 : i32
          %add3A_148 = arith.addi %scan3A_62, %add3A_147 : i32
          %sub3A = arith.constant 1 : i32
          %sub3A_149 = arith.subi %sub3A, %select_n3A_73 : i32
          %sub3A_150 = arith.constant 1 : i32
          %sub3A_151 = arith.subi %sub3A_150, %select_n3A_73 : i32
          %dma_start3A_152 = arith.constant 0 : i32
          %dma_start3A_153 = arith.constant 0 : i32
          %dma_start3A_154 = tpu.memref_slice %arg10[%sub3A_149, %dma_start3A_152, %dma_start3A_153] : memref<2x125x128xf32, #tpu.memory_space<vmem>> -> memref<1x125x128xf32, #tpu.memory_space<vmem>>
          %dma_start3A_155 = tpu.memref_squeeze %dma_start3A_154 : memref<1x125x128xf32, #tpu.memory_space<vmem>> -> memref<125x128xf32, #tpu.memory_space<vmem>>
          %dma_start3A_156 = arith.constant 0 : i32
          %dma_start3A_157 = tpu.memref_slice %arg8[%add3A_148, %dma_start3A_156] : memref<80x125xi32, #tpu.memory_space<vmem>> -> memref<1x125xi32, #tpu.memory_space<vmem>>
          %dma_start3A_158 = tpu.memref_squeeze %dma_start3A_157 : memref<1x125xi32, #tpu.memory_space<vmem>> -> memref<125xi32, #tpu.memory_space<vmem>>
          %dma_start3A_159 = arith.constant 0 : i32
          %dma_start3A_160 = arith.constant 0 : i32
          %dma_start3A_161 = tpu.memref_slice %arg3[%dma_start3A_159, %dma_start3A_160] : memref<10000x128xf32, #tpu.memory_space<hbm>> -> memref<10000x128xf32, #tpu.memory_space<hbm>>
          %dma_start3A_162 = tpu.memref_slice %arg12[%sub3A_151] : memref<2x!tpu.dma_semaphore, #tpu.memory_space<semaphore_mem>> -> memref<1x!tpu.dma_semaphore, #tpu.memory_space<semaphore_mem>>
          %dma_start3A_163 = tpu.memref_squeeze %dma_start3A_162 : memref<1x!tpu.dma_semaphore, #tpu.memory_space<semaphore_mem>> -> memref<!tpu.dma_semaphore, #tpu.memory_space<semaphore_mem>>
          tpu.enqueue_indirect_dma source(%dma_start3A_161 : memref<10000x128xf32, #tpu.memory_space<hbm>>) target(%dma_start3A_155 : memref<125x128xf32, #tpu.memory_space<vmem>>) offsets(%dma_start3A_158 : memref<125xi32, #tpu.memory_space<vmem>>) semaphore(%dma_start3A_163 : memref<!tpu.dma_semaphore, #tpu.memory_space<semaphore_mem>>)
        } else {
        }
        %dma_wait3A_106 = arith.constant 0 : i32
        %dma_wait3A_107 = arith.constant 0 : i32
        %dma_wait3A_108 = tpu.memref_slice %arg10[%select_n3A_73, %dma_wait3A_106, %dma_wait3A_107] : memref<2x125x128xf32, #tpu.memory_space<vmem>> -> memref<1x125x128xf32, #tpu.memory_space<vmem>>
        %dma_wait3A_109 = tpu.memref_squeeze %dma_wait3A_108 : memref<1x125x128xf32, #tpu.memory_space<vmem>> -> memref<125x128xf32, #tpu.memory_space<vmem>>
        %dma_wait3A_110 = arith.constant 0 : i32
        %dma_wait3A_111 = tpu.memref_slice %arg8[%scan3A_62, %dma_wait3A_110] : memref<80x125xi32, #tpu.memory_space<vmem>> -> memref<1x125xi32, #tpu.memory_space<vmem>>
        %dma_wait3A_112 = tpu.memref_squeeze %dma_wait3A_111 : memref<1x125xi32, #tpu.memory_space<vmem>> -> memref<125xi32, #tpu.memory_space<vmem>>
        %dma_wait3A_113 = arith.constant 0 : i32
        %dma_wait3A_114 = arith.constant 0 : i32
        %dma_wait3A_115 = tpu.memref_slice %arg3[%dma_wait3A_113, %dma_wait3A_114] : memref<10000x128xf32, #tpu.memory_space<hbm>> -> memref<10000x128xf32, #tpu.memory_space<hbm>>
        %dma_wait3A_116 = tpu.memref_slice %arg12[%select_n3A_73] : memref<2x!tpu.dma_semaphore, #tpu.memory_space<semaphore_mem>> -> memref<1x!tpu.dma_semaphore, #tpu.memory_space<semaphore_mem>>
        %dma_wait3A_117 = tpu.memref_squeeze %dma_wait3A_116 : memref<1x!tpu.dma_semaphore, #tpu.memory_space<semaphore_mem>> -> memref<!tpu.dma_semaphore, #tpu.memory_space<semaphore_mem>>
        tpu.wait_indirect_dma semaphore(%dma_wait3A_117 : memref<!tpu.dma_semaphore, #tpu.memory_space<semaphore_mem>>) src(%dma_wait3A_115 : memref<10000x128xf32, #tpu.memory_space<hbm>>) dst(%dma_wait3A_109 : memref<125x128xf32, #tpu.memory_space<vmem>>)
        %jit3A_118 = arith.constant 40 : i32
        %eq3A_119 = arith.constant 0 : i32
        %eq3A_120 = arith.cmpi eq, %jit3A_118, %eq3A_119 : i32
        %jit3A_121 = arith.constant 1 : i32
        %select_n3A_122 = arith.select %eq3A_120, %jit3A_121, %jit3A_118 : i32
        %rem3A_123 = arith.remsi %scan3A_62, %select_n3A_122 : i32
        %ne3A_124 = arith.constant 0 : i32
        %ne3A_125 = arith.cmpi ne, %rem3A_123, %ne3A_124 : i32
        %lt3A_126 = arith.constant 0 : i32
        %lt3A_127 = arith.cmpi slt, %rem3A_123, %lt3A_126 : i32
        %lt3A_128 = arith.constant 0 : i32
        %lt3A_129 = arith.cmpi slt, %select_n3A_122, %lt3A_128 : i32
        %ne3A_130 = arith.xori %lt3A_127, %lt3A_129 : i1
        %and3A_131 = arith.andi %ne3A_130, %ne3A_125 : i1
        %add3A_132 = arith.addi %rem3A_123, %select_n3A_122 : i32
        %select_n3A_133 = arith.select %and3A_131, %add3A_132, %rem3A_123 : i32
        %dma_start3A_134 = arith.constant 0 : i32
        %dma_start3A_135 = arith.constant 0 : i32
        %dma_start3A_136 = tpu.memref_slice %arg10[%select_n3A_73, %dma_start3A_134, %dma_start3A_135] : memref<2x125x128xf32, #tpu.memory_space<vmem>> -> memref<1x125x128xf32, #tpu.memory_space<vmem>>
        %dma_start3A_137 = tpu.memref_squeeze %dma_start3A_136 : memref<1x125x128xf32, #tpu.memory_space<vmem>> -> memref<125x128xf32, #tpu.memory_space<vmem>>
        %dma_start3A_138 = arith.constant 0 : i32
        %dma_start3A_139 = tpu.memref_slice %arg9[%select_n3A_133, %dma_start3A_138] : memref<40x125xi32, #tpu.memory_space<vmem>> -> memref<1x125xi32, #tpu.memory_space<vmem>>
        %dma_start3A_140 = tpu.memref_squeeze %dma_start3A_139 : memref<1x125xi32, #tpu.memory_space<vmem>> -> memref<125xi32, #tpu.memory_space<vmem>>
        %dma_start3A_141 = arith.constant 0 : i32
        %dma_start3A_142 = arith.constant 0 : i32
        %dma_start3A_143 = tpu.memref_slice %arg11[%dma_start3A_141, %dma_start3A_142] : memref<10000x128xf32, #tpu.memory_space<vmem_shared>> -> memref<10000x128xf32, #tpu.memory_space<vmem_shared>>
        %dma_start3A_144 = tpu.memref_slice %arg13[%select_n3A_73] : memref<2x!tpu.dma_semaphore, #tpu.memory_space<semaphore_mem>> -> memref<1x!tpu.dma_semaphore, #tpu.memory_space<semaphore_mem>>
        %dma_start3A_145 = tpu.memref_squeeze %dma_start3A_144 : memref<1x!tpu.dma_semaphore, #tpu.memory_space<semaphore_mem>> -> memref<!tpu.dma_semaphore, #tpu.memory_space<semaphore_mem>>
        tpu.enqueue_indirect_dma source(%dma_start3A_137 : memref<125x128xf32, #tpu.memory_space<vmem>>) target(%dma_start3A_143 : memref<10000x128xf32, #tpu.memory_space<vmem_shared>>) offsets(%dma_start3A_140 : memref<125xi32, #tpu.memory_space<vmem>>) semaphore(%dma_start3A_145 : memref<!tpu.dma_semaphore, #tpu.memory_space<semaphore_mem>>) {add = true}
        %scan3A_146 = arith.constant 0 : i32
        scf.yield %scan3A_146 : i32
      }
      %scan3A_36 = arith.constant 80 : i32
      %dma_wait3A = arith.constant 1 : i32
      %dma_wait3A_37 = arith.constant 39 : i32
      %dma_wait3A_38 = arith.constant 1 : i32
      %dma_wait3A_39 = arith.constant 0 : i32
      %dma_wait3A_40 = arith.constant 0 : i32
      %dma_wait3A_41 = tpu.memref_slice %arg10[%dma_wait3A, %dma_wait3A_39, %dma_wait3A_40] : memref<2x125x128xf32, #tpu.memory_space<vmem>> -> memref<1x125x128xf32, #tpu.memory_space<vmem>>
      %dma_wait3A_42 = tpu.memref_squeeze %dma_wait3A_41 : memref<1x125x128xf32, #tpu.memory_space<vmem>> -> memref<125x128xf32, #tpu.memory_space<vmem>>
      %dma_wait3A_43 = arith.constant 0 : i32
      %dma_wait3A_44 = tpu.memref_slice %arg9[%dma_wait3A_37, %dma_wait3A_43] : memref<40x125xi32, #tpu.memory_space<vmem>> -> memref<1x125xi32, #tpu.memory_space<vmem>>
      %dma_wait3A_45 = tpu.memref_squeeze %dma_wait3A_44 : memref<1x125xi32, #tpu.memory_space<vmem>> -> memref<125xi32, #tpu.memory_space<vmem>>
      %dma_wait3A_46 = arith.constant 0 : i32
      %dma_wait3A_47 = arith.constant 0 : i32
      %dma_wait3A_48 = tpu.memref_slice %arg11[%dma_wait3A_46, %dma_wait3A_47] : memref<10000x128xf32, #tpu.memory_space<vmem_shared>> -> memref<10000x128xf32, #tpu.memory_space<vmem_shared>>
      %dma_wait3A_49 = tpu.memref_slice %arg13[%dma_wait3A_38] : memref<2x!tpu.dma_semaphore, #tpu.memory_space<semaphore_mem>> -> memref<1x!tpu.dma_semaphore, #tpu.memory_space<semaphore_mem>>
      %dma_wait3A_50 = tpu.memref_squeeze %dma_wait3A_49 : memref<1x!tpu.dma_semaphore, #tpu.memory_space<semaphore_mem>> -> memref<!tpu.dma_semaphore, #tpu.memory_space<semaphore_mem>>
      tpu.wait_indirect_dma semaphore(%dma_wait3A_50 : memref<!tpu.dma_semaphore, #tpu.memory_space<semaphore_mem>>) src(%dma_wait3A_42 : memref<125x128xf32, #tpu.memory_space<vmem>>) dst(%dma_wait3A_48 : memref<10000x128xf32, #tpu.memory_space<vmem_shared>>)
      %barrier3A_51 = arith.constant 0 : index
      tpu.barrier barrier_id(%barrier3A_51)
      %lt3A_52 = arith.constant 15 : i32
      %lt3A_53 = arith.cmpi slt, %arg1, %lt3A_52 : i32
      %convert_element_type3A_54 = arith.extui %lt3A_53 : i1 to i32
      %cond3A_55 = arith.constant 0 : i32
      %cond3A_56 = arith.cmpi ne, %convert_element_type3A_54, %cond3A_55 : i32
      scf.if %cond3A_56 {
        %mul3A_62 = arith.constant 632 : i32
        %mul3A_63 = arith.muli %arg1, %mul3A_62 : i32
        %mul3A_64 = arith.constant 632 : i32
        %mul3A_65 = arith.muli %arg1, %mul3A_64 : i32
        "tpu.region"() ({
          %run_scoped3A = tpu.sem_alloc : memref<!tpu.dma_semaphore, #tpu.memory_space<semaphore_mem>>
          %dma_start3A_66 = arith.constant 0 : i32
          %dma_start3A_67 = tpu.memref_slice %arg7[%mul3A_65, %dma_start3A_66] : memref<10000x128xf32, #tpu.memory_space<hbm>> -> memref<632x128xf32, #tpu.memory_space<hbm>>
          %dma_start3A_68 = arith.constant 0 : i32
          %dma_start3A_69 = tpu.memref_slice %arg11[%mul3A_63, %dma_start3A_68] : memref<10000x128xf32, #tpu.memory_space<vmem_shared>> -> memref<632x128xf32, #tpu.memory_space<vmem_shared>>
          tpu.enqueue_dma source(%dma_start3A_69 : memref<632x128xf32, #tpu.memory_space<vmem_shared>>) target(%dma_start3A_67 : memref<632x128xf32, #tpu.memory_space<hbm>>) target_semaphore(%run_scoped3A : memref<!tpu.dma_semaphore, #tpu.memory_space<semaphore_mem>>)
          %dma_wait3A_70 = arith.constant 0 : i32
          %dma_wait3A_71 = tpu.memref_slice %arg7[%mul3A_65, %dma_wait3A_70] : memref<10000x128xf32, #tpu.memory_space<hbm>> -> memref<632x128xf32, #tpu.memory_space<hbm>>
          %dma_wait3A_72 = arith.constant 0 : i32
          %dma_wait3A_73 = tpu.memref_slice %arg11[%mul3A_63, %dma_wait3A_72] : memref<10000x128xf32, #tpu.memory_space<vmem_shared>> -> memref<632x128xf32, #tpu.memory_space<vmem_shared>>
          tpu.wait_dma2 semaphore(%run_scoped3A : memref<!tpu.dma_semaphore, #tpu.memory_space<semaphore_mem>>) src(%dma_wait3A_73 : memref<632x128xf32, #tpu.memory_space<vmem_shared>>) dst(%dma_wait3A_71 : memref<632x128xf32, #tpu.memory_space<hbm>>)
          tpu.yield
        }) : () -> ()
      } else {
      }
      %eq3A_57 = arith.constant 15 : i32
      %eq3A_58 = arith.cmpi eq, %arg1, %eq3A_57 : i32
      %convert_element_type3A_59 = arith.extui %eq3A_58 : i1 to i32
      %cond3A_60 = arith.constant 0 : i32
      %cond3A_61 = arith.cmpi ne, %convert_element_type3A_59, %cond3A_60 : i32
      scf.if %cond3A_61 {
        "tpu.region"() ({
          %run_scoped3A = tpu.sem_alloc : memref<!tpu.dma_semaphore, #tpu.memory_space<semaphore_mem>>
          %dma_start3A_62 = arith.constant 9480 : i32
          %dma_start3A_63 = arith.constant 0 : i32
          %dma_start3A_64 = tpu.memref_slice %arg7[%dma_start3A_62, %dma_start3A_63] : memref<10000x128xf32, #tpu.memory_space<hbm>> -> memref<520x128xf32, #tpu.memory_space<hbm>>
          %dma_start3A_65 = arith.constant 9480 : i32
          %dma_start3A_66 = arith.constant 0 : i32
          %dma_start3A_67 = tpu.memref_slice %arg11[%dma_start3A_65, %dma_start3A_66] : memref<10000x128xf32, #tpu.memory_space<vmem_shared>> -> memref<520x128xf32, #tpu.memory_space<vmem_shared>>
          tpu.enqueue_dma source(%dma_start3A_67 : memref<520x128xf32, #tpu.memory_space<vmem_shared>>) target(%dma_start3A_64 : memref<520x128xf32, #tpu.memory_space<hbm>>) target_semaphore(%run_scoped3A : memref<!tpu.dma_semaphore, #tpu.memory_space<semaphore_mem>>)
          %dma_wait3A_68 = arith.constant 9480 : i32
          %dma_wait3A_69 = arith.constant 0 : i32
          %dma_wait3A_70 = tpu.memref_slice %arg7[%dma_wait3A_68, %dma_wait3A_69] : memref<10000x128xf32, #tpu.memory_space<hbm>> -> memref<520x128xf32, #tpu.memory_space<hbm>>
          %dma_wait3A_71 = arith.constant 9480 : i32
          %dma_wait3A_72 = arith.constant 0 : i32
          %dma_wait3A_73 = tpu.memref_slice %arg11[%dma_wait3A_71, %dma_wait3A_72] : memref<10000x128xf32, #tpu.memory_space<vmem_shared>> -> memref<520x128xf32, #tpu.memory_space<vmem_shared>>
          tpu.wait_dma2 semaphore(%run_scoped3A : memref<!tpu.dma_semaphore, #tpu.memory_space<semaphore_mem>>) src(%dma_wait3A_73 : memref<520x128xf32, #tpu.memory_space<vmem_shared>>) dst(%dma_wait3A_70 : memref<520x128xf32, #tpu.memory_space<hbm>>)
          tpu.yield
        }) : () -> ()
      } else {
      }
    } else {
    }
    return
  }
}

#map = affine_map<(d0, d1) -> (0, 0)>
module attributes {stable_mosaic.version = 14 : i64} {
  func.func @_seg_body(%arg0: i32, %arg1: i32, %arg2: memref<10000x128xf32, #tpu.memory_space<hbm>>, %arg3: memref<10000x128xf32, #tpu.memory_space<hbm>>, %arg4: memref<1280x125xi32, #tpu.memory_space<hbm>>, %arg5: memref<1280x125xi32, #tpu.memory_space<hbm>>, %arg6: memref<10000x128xf32, #tpu.memory_space<hbm>>, %arg7: memref<10000x128xf32, #tpu.memory_space<hbm>>, %arg8: memref<80x125xi32, #tpu.memory_space<vmem>>, %arg9: memref<40x125xi32, #tpu.memory_space<vmem>>, %arg10: memref<2x125x128xf32, #tpu.memory_space<vmem>>, %arg11: memref<10000x128xf32, #tpu.memory_space<vmem_shared>>, %arg12: memref<2x!tpu.dma_semaphore, #tpu.memory_space<semaphore_mem>>, %arg13: memref<2x!tpu.dma_semaphore, #tpu.memory_space<semaphore_mem>>) attributes {dimension_semantics = [#tpu.dimension_semantics<core_parallel>, #tpu.dimension_semantics<subcore_parallel>], iteration_bounds = array<i64: 2, 16>, scalar_prefetch = 0 : i64, scratch_operands = 6 : i64, tpu.core_type = #tpu.core_type<sc_vector_subcore>, window_params = [{transform_indices = #map}, {transform_indices = #map}, {transform_indices = #map}, {transform_indices = #map}, {transform_indices = #map}, {transform_indices = #map}]} {
    %mul3A = arith.constant 80 : i32
    %mul3A_0 = arith.muli %arg1, %mul3A : i32
    "tpu.region"() ({
      %run_scoped3A = tpu.sem_alloc : memref<!tpu.dma_semaphore, #tpu.memory_space<semaphore_mem>>
      %dma_start3A = arith.constant 0 : i32
      %dma_start3A_8 = tpu.memref_slice %arg4[%mul3A_0, %dma_start3A] : memref<1280x125xi32, #tpu.memory_space<hbm>> -> memref<80x125xi32, #tpu.memory_space<hbm>>
      %dma_start3A_9 = arith.constant 0 : i32
      %dma_start3A_10 = tpu.memref_slice %arg4[%mul3A_0, %dma_start3A_9] : memref<1280x125xi32, #tpu.memory_space<hbm>> -> memref<80x125xi32, #tpu.memory_space<hbm>>
      tpu.enqueue_dma source(%dma_start3A_10 : memref<80x125xi32, #tpu.memory_space<hbm>>) target(%arg8 : memref<80x125xi32, #tpu.memory_space<vmem>>) target_semaphore(%run_scoped3A : memref<!tpu.dma_semaphore, #tpu.memory_space<semaphore_mem>>)
      %dma_wait3A = arith.constant 0 : i32
      %dma_wait3A_11 = tpu.memref_slice %arg4[%mul3A_0, %dma_wait3A] : memref<1280x125xi32, #tpu.memory_space<hbm>> -> memref<80x125xi32, #tpu.memory_space<hbm>>
      %dma_wait3A_12 = arith.constant 0 : i32
      %dma_wait3A_13 = tpu.memref_slice %arg4[%mul3A_0, %dma_wait3A_12] : memref<1280x125xi32, #tpu.memory_space<hbm>> -> memref<80x125xi32, #tpu.memory_space<hbm>>
      tpu.wait_dma2 semaphore(%run_scoped3A : memref<!tpu.dma_semaphore, #tpu.memory_space<semaphore_mem>>) src(%dma_wait3A_13 : memref<80x125xi32, #tpu.memory_space<hbm>>) dst(%arg8 : memref<80x125xi32, #tpu.memory_space<vmem>>)
      tpu.yield
    }) : () -> ()
    %eq3A = arith.constant 0 : i32
    %eq3A_1 = arith.cmpi eq, %arg0, %eq3A : i32
    %convert_element_type3A = arith.extui %eq3A_1 : i1 to i32
    %cond3A = arith.constant 0 : i32
    %cond3A_2 = arith.cmpi ne, %convert_element_type3A, %cond3A : i32
    scf.if %cond3A_2 {
      %dma_start3A = arith.constant 0 : i32
      %dma_start3A_8 = arith.constant 0 : i32
      %dma_start3A_9 = arith.constant 0 : i32
      %dma_start3A_10 = arith.constant 0 : i32
      %dma_start3A_11 = arith.constant 0 : i32
      %dma_start3A_12 = tpu.memref_slice %arg10[%dma_start3A_8, %dma_start3A_10, %dma_start3A_11] : memref<2x125x128xf32, #tpu.memory_space<vmem>> -> memref<1x125x128xf32, #tpu.memory_space<vmem>>
      %dma_start3A_13 = tpu.memref_squeeze %dma_start3A_12 : memref<1x125x128xf32, #tpu.memory_space<vmem>> -> memref<125x128xf32, #tpu.memory_space<vmem>>
      %dma_start3A_14 = arith.constant 0 : i32
      %dma_start3A_15 = tpu.memref_slice %arg8[%dma_start3A, %dma_start3A_14] : memref<80x125xi32, #tpu.memory_space<vmem>> -> memref<1x125xi32, #tpu.memory_space<vmem>>
      %dma_start3A_16 = tpu.memref_squeeze %dma_start3A_15 : memref<1x125xi32, #tpu.memory_space<vmem>> -> memref<125xi32, #tpu.memory_space<vmem>>
      %dma_start3A_17 = arith.constant 0 : i32
      %dma_start3A_18 = arith.constant 0 : i32
      %dma_start3A_19 = tpu.memref_slice %arg2[%dma_start3A_17, %dma_start3A_18] : memref<10000x128xf32, #tpu.memory_space<hbm>> -> memref<10000x128xf32, #tpu.memory_space<hbm>>
      %dma_start3A_20 = tpu.memref_slice %arg12[%dma_start3A_9] : memref<2x!tpu.dma_semaphore, #tpu.memory_space<semaphore_mem>> -> memref<1x!tpu.dma_semaphore, #tpu.memory_space<semaphore_mem>>
      %dma_start3A_21 = tpu.memref_squeeze %dma_start3A_20 : memref<1x!tpu.dma_semaphore, #tpu.memory_space<semaphore_mem>> -> memref<!tpu.dma_semaphore, #tpu.memory_space<semaphore_mem>>
      tpu.enqueue_indirect_dma source(%dma_start3A_19 : memref<10000x128xf32, #tpu.memory_space<hbm>>) target(%dma_start3A_13 : memref<125x128xf32, #tpu.memory_space<vmem>>) offsets(%dma_start3A_16 : memref<125xi32, #tpu.memory_space<vmem>>) semaphore(%dma_start3A_21 : memref<!tpu.dma_semaphore, #tpu.memory_space<semaphore_mem>>)
      %lt3A = arith.constant 15 : i32
      %lt3A_22 = arith.cmpi slt, %arg1, %lt3A : i32
      %convert_element_type3A_23 = arith.extui %lt3A_22 : i1 to i32
      %cond3A_24 = arith.constant 0 : i32
      %cond3A_25 = arith.cmpi ne, %convert_element_type3A_23, %cond3A_24 : i32
      scf.if %cond3A_25 {
        %mul3A_62 = arith.constant 632 : i32
        %mul3A_63 = arith.muli %arg1, %mul3A_62 : i32
        %mul3A_64 = arith.constant 632 : i32
        %mul3A_65 = arith.muli %arg1, %mul3A_64 : i32
        "tpu.region"() ({
          %run_scoped3A = tpu.sem_alloc : memref<!tpu.dma_semaphore, #tpu.memory_space<semaphore_mem>>
          %dma_start3A_66 = arith.constant 0 : i32
          %dma_start3A_67 = tpu.memref_slice %arg11[%mul3A_65, %dma_start3A_66] : memref<10000x128xf32, #tpu.memory_space<vmem_shared>> -> memref<632x128xf32, #tpu.memory_space<vmem_shared>>
          %dma_start3A_68 = arith.constant 0 : i32
          %dma_start3A_69 = tpu.memref_slice %arg2[%mul3A_63, %dma_start3A_68] : memref<10000x128xf32, #tpu.memory_space<hbm>> -> memref<632x128xf32, #tpu.memory_space<hbm>>
          tpu.enqueue_dma source(%dma_start3A_69 : memref<632x128xf32, #tpu.memory_space<hbm>>) target(%dma_start3A_67 : memref<632x128xf32, #tpu.memory_space<vmem_shared>>) target_semaphore(%run_scoped3A : memref<!tpu.dma_semaphore, #tpu.memory_space<semaphore_mem>>)
          %dma_wait3A_70 = arith.constant 0 : i32
          %dma_wait3A_71 = tpu.memref_slice %arg11[%mul3A_65, %dma_wait3A_70] : memref<10000x128xf32, #tpu.memory_space<vmem_shared>> -> memref<632x128xf32, #tpu.memory_space<vmem_shared>>
          %dma_wait3A_72 = arith.constant 0 : i32
          %dma_wait3A_73 = tpu.memref_slice %arg2[%mul3A_63, %dma_wait3A_72] : memref<10000x128xf32, #tpu.memory_space<hbm>> -> memref<632x128xf32, #tpu.memory_space<hbm>>
          tpu.wait_dma2 semaphore(%run_scoped3A : memref<!tpu.dma_semaphore, #tpu.memory_space<semaphore_mem>>) src(%dma_wait3A_73 : memref<632x128xf32, #tpu.memory_space<hbm>>) dst(%dma_wait3A_71 : memref<632x128xf32, #tpu.memory_space<vmem_shared>>)
          tpu.yield
        }) : () -> ()
      } else {
      }
      %eq3A_26 = arith.constant 15 : i32
      %eq3A_27 = arith.cmpi eq, %arg1, %eq3A_26 : i32
      %convert_element_type3A_28 = arith.extui %eq3A_27 : i1 to i32
      %cond3A_29 = arith.constant 0 : i32
      %cond3A_30 = arith.cmpi ne, %convert_element_type3A_28, %cond3A_29 : i32
      scf.if %cond3A_30 {
        "tpu.region"() ({
          %run_scoped3A = tpu.sem_alloc : memref<!tpu.dma_semaphore, #tpu.memory_space<semaphore_mem>>
          %dma_start3A_62 = arith.constant 9480 : i32
          %dma_start3A_63 = arith.constant 0 : i32
          %dma_start3A_64 = tpu.memref_slice %arg11[%dma_start3A_62, %dma_start3A_63] : memref<10000x128xf32, #tpu.memory_space<vmem_shared>> -> memref<520x128xf32, #tpu.memory_space<vmem_shared>>
          %dma_start3A_65 = arith.constant 9480 : i32
          %dma_start3A_66 = arith.constant 0 : i32
          %dma_start3A_67 = tpu.memref_slice %arg2[%dma_start3A_65, %dma_start3A_66] : memref<10000x128xf32, #tpu.memory_space<hbm>> -> memref<520x128xf32, #tpu.memory_space<hbm>>
          tpu.enqueue_dma source(%dma_start3A_67 : memref<520x128xf32, #tpu.memory_space<hbm>>) target(%dma_start3A_64 : memref<520x128xf32, #tpu.memory_space<vmem_shared>>) target_semaphore(%run_scoped3A : memref<!tpu.dma_semaphore, #tpu.memory_space<semaphore_mem>>)
          %dma_wait3A_68 = arith.constant 9480 : i32
          %dma_wait3A_69 = arith.constant 0 : i32
          %dma_wait3A_70 = tpu.memref_slice %arg11[%dma_wait3A_68, %dma_wait3A_69] : memref<10000x128xf32, #tpu.memory_space<vmem_shared>> -> memref<520x128xf32, #tpu.memory_space<vmem_shared>>
          %dma_wait3A_71 = arith.constant 9480 : i32
          %dma_wait3A_72 = arith.constant 0 : i32
          %dma_wait3A_73 = tpu.memref_slice %arg2[%dma_wait3A_71, %dma_wait3A_72] : memref<10000x128xf32, #tpu.memory_space<hbm>> -> memref<520x128xf32, #tpu.memory_space<hbm>>
          tpu.wait_dma2 semaphore(%run_scoped3A : memref<!tpu.dma_semaphore, #tpu.memory_space<semaphore_mem>>) src(%dma_wait3A_73 : memref<520x128xf32, #tpu.memory_space<hbm>>) dst(%dma_wait3A_70 : memref<520x128xf32, #tpu.memory_space<vmem_shared>>)
          tpu.yield
        }) : () -> ()
      } else {
      }
      %barrier3A = arith.constant 0 : index
      tpu.barrier barrier_id(%barrier3A)
      %scan3A = arith.constant 0 : i32
      %scan3A_31 = arith.constant 0 : i32
      %scan3A_32 = arith.constant 80 : i32
      %scan3A_33 = arith.addi %scan3A_31, %scan3A_32 : i32
      %scan3A_34 = arith.constant 1 : i32
      %scan3A_35 = scf.for %scan3A_62 = %scan3A_31 to %scan3A_33 step %scan3A_34 iter_args(%scan3A_63 = %scan3A) -> (i32)  : i32 {
        %jit3A = arith.constant 2 : i32
        %eq3A_64 = arith.constant 0 : i32
        %eq3A_65 = arith.cmpi eq, %jit3A, %eq3A_64 : i32
        %jit3A_66 = arith.constant 1 : i32
        %select_n3A = arith.select %eq3A_65, %jit3A_66, %jit3A : i32
        %rem3A = arith.remsi %scan3A_62, %select_n3A : i32
        %ne3A = arith.constant 0 : i32
        %ne3A_67 = arith.cmpi ne, %rem3A, %ne3A : i32
        %lt3A_68 = arith.constant 0 : i32
        %lt3A_69 = arith.cmpi slt, %rem3A, %lt3A_68 : i32
        %lt3A_70 = arith.constant 0 : i32
        %lt3A_71 = arith.cmpi slt, %select_n3A, %lt3A_70 : i32
        %ne3A_72 = arith.xori %lt3A_69, %lt3A_71 : i1
        %and3A = arith.andi %ne3A_72, %ne3A_67 : i1
        %add3A = arith.addi %rem3A, %select_n3A : i32
        %select_n3A_73 = arith.select %and3A, %add3A, %rem3A : i32
        %ge3A = arith.constant 1 : i32
        %ge3A_74 = arith.cmpi sge, %scan3A_62, %ge3A : i32
        %convert_element_type3A_75 = arith.extui %ge3A_74 : i1 to i32
        %cond3A_76 = arith.constant 0 : i32
        %cond3A_77 = arith.cmpi ne, %convert_element_type3A_75, %cond3A_76 : i32
        scf.if %cond3A_77 {
          %sub3A = arith.constant 1 : i32
          %sub3A_147 = arith.subi %sub3A, %select_n3A_73 : i32
          %sub3A_148 = arith.constant 1 : i32
          %sub3A_149 = arith.subi %scan3A_62, %sub3A_148 : i32
          %jit3A_150 = arith.constant 40 : i32
          %eq3A_151 = arith.constant 0 : i32
          %eq3A_152 = arith.cmpi eq, %jit3A_150, %eq3A_151 : i32
          %jit3A_153 = arith.constant 1 : i32
          %select_n3A_154 = arith.select %eq3A_152, %jit3A_153, %jit3A_150 : i32
          %rem3A_155 = arith.remsi %sub3A_149, %select_n3A_154 : i32
          %ne3A_156 = arith.constant 0 : i32
          %ne3A_157 = arith.cmpi ne, %rem3A_155, %ne3A_156 : i32
          %lt3A_158 = arith.constant 0 : i32
          %lt3A_159 = arith.cmpi slt, %rem3A_155, %lt3A_158 : i32
          %lt3A_160 = arith.constant 0 : i32
          %lt3A_161 = arith.cmpi slt, %select_n3A_154, %lt3A_160 : i32
          %ne3A_162 = arith.xori %lt3A_159, %lt3A_161 : i1
          %and3A_163 = arith.andi %ne3A_162, %ne3A_157 : i1
          %add3A_164 = arith.addi %rem3A_155, %select_n3A_154 : i32
          %select_n3A_165 = arith.select %and3A_163, %add3A_164, %rem3A_155 : i32
          %sub3A_166 = arith.constant 1 : i32
          %sub3A_167 = arith.subi %sub3A_166, %select_n3A_73 : i32
          %dma_wait3A_168 = arith.constant 0 : i32
          %dma_wait3A_169 = arith.constant 0 : i32
          %dma_wait3A_170 = tpu.memref_slice %arg10[%sub3A_147, %dma_wait3A_168, %dma_wait3A_169] : memref<2x125x128xf32, #tpu.memory_space<vmem>> -> memref<1x125x128xf32, #tpu.memory_space<vmem>>
          %dma_wait3A_171 = tpu.memref_squeeze %dma_wait3A_170 : memref<1x125x128xf32, #tpu.memory_space<vmem>> -> memref<125x128xf32, #tpu.memory_space<vmem>>
          %dma_wait3A_172 = arith.constant 0 : i32
          %dma_wait3A_173 = tpu.memref_slice %arg9[%select_n3A_165, %dma_wait3A_172] : memref<40x125xi32, #tpu.memory_space<vmem>> -> memref<1x125xi32, #tpu.memory_space<vmem>>
          %dma_wait3A_174 = tpu.memref_squeeze %dma_wait3A_173 : memref<1x125xi32, #tpu.memory_space<vmem>> -> memref<125xi32, #tpu.memory_space<vmem>>
          %dma_wait3A_175 = arith.constant 0 : i32
          %dma_wait3A_176 = arith.constant 0 : i32
          %dma_wait3A_177 = tpu.memref_slice %arg11[%dma_wait3A_175, %dma_wait3A_176] : memref<10000x128xf32, #tpu.memory_space<vmem_shared>> -> memref<10000x128xf32, #tpu.memory_space<vmem_shared>>
          %dma_wait3A_178 = tpu.memref_slice %arg13[%sub3A_167] : memref<2x!tpu.dma_semaphore, #tpu.memory_space<semaphore_mem>> -> memref<1x!tpu.dma_semaphore, #tpu.memory_space<semaphore_mem>>
          %dma_wait3A_179 = tpu.memref_squeeze %dma_wait3A_178 : memref<1x!tpu.dma_semaphore, #tpu.memory_space<semaphore_mem>> -> memref<!tpu.dma_semaphore, #tpu.memory_space<semaphore_mem>>
          tpu.wait_indirect_dma semaphore(%dma_wait3A_179 : memref<!tpu.dma_semaphore, #tpu.memory_space<semaphore_mem>>) src(%dma_wait3A_171 : memref<125x128xf32, #tpu.memory_space<vmem>>) dst(%dma_wait3A_177 : memref<10000x128xf32, #tpu.memory_space<vmem_shared>>)
        } else {
        }
        %jit3A_78 = arith.constant 40 : i32
        %eq3A_79 = arith.constant 0 : i32
        %eq3A_80 = arith.cmpi eq, %jit3A_78, %eq3A_79 : i32
        %jit3A_81 = arith.constant 1 : i32
        %select_n3A_82 = arith.select %eq3A_80, %jit3A_81, %jit3A_78 : i32
        %rem3A_83 = arith.remsi %scan3A_62, %select_n3A_82 : i32
        %ne3A_84 = arith.constant 0 : i32
        %ne3A_85 = arith.cmpi ne, %rem3A_83, %ne3A_84 : i32
        %lt3A_86 = arith.constant 0 : i32
        %lt3A_87 = arith.cmpi slt, %rem3A_83, %lt3A_86 : i32
        %lt3A_88 = arith.constant 0 : i32
        %lt3A_89 = arith.cmpi slt, %select_n3A_82, %lt3A_88 : i32
        %ne3A_90 = arith.xori %lt3A_87, %lt3A_89 : i1
        %and3A_91 = arith.andi %ne3A_90, %ne3A_85 : i1
        %add3A_92 = arith.addi %rem3A_83, %select_n3A_82 : i32
        %select_n3A_93 = arith.select %and3A_91, %add3A_92, %rem3A_83 : i32
        %eq3A_94 = arith.constant 0 : i32
        %eq3A_95 = arith.cmpi eq, %select_n3A_93, %eq3A_94 : i32
        %convert_element_type3A_96 = arith.extui %eq3A_95 : i1 to i32
        %cond3A_97 = arith.constant 0 : i32
        %cond3A_98 = arith.cmpi ne, %convert_element_type3A_96, %cond3A_97 : i32
        scf.if %cond3A_98 {
          %multiple_of3A = tpu.assume_multiple %scan3A_62, 40 : i32
          %mul3A_147 = arith.constant 80 : i32
          %mul3A_148 = arith.muli %arg1, %mul3A_147 : i32
          %add3A_149 = arith.addi %mul3A_148, %multiple_of3A : i32
          "tpu.region"() ({
            %run_scoped3A = tpu.sem_alloc : memref<!tpu.dma_semaphore, #tpu.memory_space<semaphore_mem>>
            %dma_start3A_150 = arith.constant 0 : i32
            %dma_start3A_151 = tpu.memref_slice %arg5[%add3A_149, %dma_start3A_150] : memref<1280x125xi32, #tpu.memory_space<hbm>> -> memref<40x125xi32, #tpu.memory_space<hbm>>
            %dma_start3A_152 = arith.constant 0 : i32
            %dma_start3A_153 = tpu.memref_slice %arg5[%add3A_149, %dma_start3A_152] : memref<1280x125xi32, #tpu.memory_space<hbm>> -> memref<40x125xi32, #tpu.memory_space<hbm>>
            tpu.enqueue_dma source(%dma_start3A_153 : memref<40x125xi32, #tpu.memory_space<hbm>>) target(%arg9 : memref<40x125xi32, #tpu.memory_space<vmem>>) target_semaphore(%run_scoped3A : memref<!tpu.dma_semaphore, #tpu.memory_space<semaphore_mem>>)
            %dma_wait3A_154 = arith.constant 0 : i32
            %dma_wait3A_155 = tpu.memref_slice %arg5[%add3A_149, %dma_wait3A_154] : memref<1280x125xi32, #tpu.memory_space<hbm>> -> memref<40x125xi32, #tpu.memory_space<hbm>>
            %dma_wait3A_156 = arith.constant 0 : i32
            %dma_wait3A_157 = tpu.memref_slice %arg5[%add3A_149, %dma_wait3A_156] : memref<1280x125xi32, #tpu.memory_space<hbm>> -> memref<40x125xi32, #tpu.memory_space<hbm>>
            tpu.wait_dma2 semaphore(%run_scoped3A : memref<!tpu.dma_semaphore, #tpu.memory_space<semaphore_mem>>) src(%dma_wait3A_157 : memref<40x125xi32, #tpu.memory_space<hbm>>) dst(%arg9 : memref<40x125xi32, #tpu.memory_space<vmem>>)
            tpu.yield
          }) : () -> ()
        } else {
        }
        %add3A_99 = arith.constant 1 : i32
        %add3A_100 = arith.addi %scan3A_62, %add3A_99 : i32
        %lt3A_101 = arith.constant 80 : i32
        %lt3A_102 = arith.cmpi slt, %add3A_100, %lt3A_101 : i32
        %convert_element_type3A_103 = arith.extui %lt3A_102 : i1 to i32
        %cond3A_104 = arith.constant 0 : i32
        %cond3A_105 = arith.cmpi ne, %convert_element_type3A_103, %cond3A_104 : i32
        scf.if %cond3A_105 {
          %add3A_147 = arith.constant 1 : i32
          %add3A_148 = arith.addi %scan3A_62, %add3A_147 : i32
          %sub3A = arith.constant 1 : i32
          %sub3A_149 = arith.subi %sub3A, %select_n3A_73 : i32
          %sub3A_150 = arith.constant 1 : i32
          %sub3A_151 = arith.subi %sub3A_150, %select_n3A_73 : i32
          %dma_start3A_152 = arith.constant 0 : i32
          %dma_start3A_153 = arith.constant 0 : i32
          %dma_start3A_154 = tpu.memref_slice %arg10[%sub3A_149, %dma_start3A_152, %dma_start3A_153] : memref<2x125x128xf32, #tpu.memory_space<vmem>> -> memref<1x125x128xf32, #tpu.memory_space<vmem>>
          %dma_start3A_155 = tpu.memref_squeeze %dma_start3A_154 : memref<1x125x128xf32, #tpu.memory_space<vmem>> -> memref<125x128xf32, #tpu.memory_space<vmem>>
          %dma_start3A_156 = arith.constant 0 : i32
          %dma_start3A_157 = tpu.memref_slice %arg8[%add3A_148, %dma_start3A_156] : memref<80x125xi32, #tpu.memory_space<vmem>> -> memref<1x125xi32, #tpu.memory_space<vmem>>
          %dma_start3A_158 = tpu.memref_squeeze %dma_start3A_157 : memref<1x125xi32, #tpu.memory_space<vmem>> -> memref<125xi32, #tpu.memory_space<vmem>>
          %dma_start3A_159 = arith.constant 0 : i32
          %dma_start3A_160 = arith.constant 0 : i32
          %dma_start3A_161 = tpu.memref_slice %arg2[%dma_start3A_159, %dma_start3A_160] : memref<10000x128xf32, #tpu.memory_space<hbm>> -> memref<10000x128xf32, #tpu.memory_space<hbm>>
          %dma_start3A_162 = tpu.memref_slice %arg12[%sub3A_151] : memref<2x!tpu.dma_semaphore, #tpu.memory_space<semaphore_mem>> -> memref<1x!tpu.dma_semaphore, #tpu.memory_space<semaphore_mem>>
          %dma_start3A_163 = tpu.memref_squeeze %dma_start3A_162 : memref<1x!tpu.dma_semaphore, #tpu.memory_space<semaphore_mem>> -> memref<!tpu.dma_semaphore, #tpu.memory_space<semaphore_mem>>
          tpu.enqueue_indirect_dma source(%dma_start3A_161 : memref<10000x128xf32, #tpu.memory_space<hbm>>) target(%dma_start3A_155 : memref<125x128xf32, #tpu.memory_space<vmem>>) offsets(%dma_start3A_158 : memref<125xi32, #tpu.memory_space<vmem>>) semaphore(%dma_start3A_163 : memref<!tpu.dma_semaphore, #tpu.memory_space<semaphore_mem>>)
        } else {
        }
        %dma_wait3A_106 = arith.constant 0 : i32
        %dma_wait3A_107 = arith.constant 0 : i32
        %dma_wait3A_108 = tpu.memref_slice %arg10[%select_n3A_73, %dma_wait3A_106, %dma_wait3A_107] : memref<2x125x128xf32, #tpu.memory_space<vmem>> -> memref<1x125x128xf32, #tpu.memory_space<vmem>>
        %dma_wait3A_109 = tpu.memref_squeeze %dma_wait3A_108 : memref<1x125x128xf32, #tpu.memory_space<vmem>> -> memref<125x128xf32, #tpu.memory_space<vmem>>
        %dma_wait3A_110 = arith.constant 0 : i32
        %dma_wait3A_111 = tpu.memref_slice %arg8[%scan3A_62, %dma_wait3A_110] : memref<80x125xi32, #tpu.memory_space<vmem>> -> memref<1x125xi32, #tpu.memory_space<vmem>>
        %dma_wait3A_112 = tpu.memref_squeeze %dma_wait3A_111 : memref<1x125xi32, #tpu.memory_space<vmem>> -> memref<125xi32, #tpu.memory_space<vmem>>
        %dma_wait3A_113 = arith.constant 0 : i32
        %dma_wait3A_114 = arith.constant 0 : i32
        %dma_wait3A_115 = tpu.memref_slice %arg2[%dma_wait3A_113, %dma_wait3A_114] : memref<10000x128xf32, #tpu.memory_space<hbm>> -> memref<10000x128xf32, #tpu.memory_space<hbm>>
        %dma_wait3A_116 = tpu.memref_slice %arg12[%select_n3A_73] : memref<2x!tpu.dma_semaphore, #tpu.memory_space<semaphore_mem>> -> memref<1x!tpu.dma_semaphore, #tpu.memory_space<semaphore_mem>>
        %dma_wait3A_117 = tpu.memref_squeeze %dma_wait3A_116 : memref<1x!tpu.dma_semaphore, #tpu.memory_space<semaphore_mem>> -> memref<!tpu.dma_semaphore, #tpu.memory_space<semaphore_mem>>
        tpu.wait_indirect_dma semaphore(%dma_wait3A_117 : memref<!tpu.dma_semaphore, #tpu.memory_space<semaphore_mem>>) src(%dma_wait3A_115 : memref<10000x128xf32, #tpu.memory_space<hbm>>) dst(%dma_wait3A_109 : memref<125x128xf32, #tpu.memory_space<vmem>>)
        %jit3A_118 = arith.constant 40 : i32
        %eq3A_119 = arith.constant 0 : i32
        %eq3A_120 = arith.cmpi eq, %jit3A_118, %eq3A_119 : i32
        %jit3A_121 = arith.constant 1 : i32
        %select_n3A_122 = arith.select %eq3A_120, %jit3A_121, %jit3A_118 : i32
        %rem3A_123 = arith.remsi %scan3A_62, %select_n3A_122 : i32
        %ne3A_124 = arith.constant 0 : i32
        %ne3A_125 = arith.cmpi ne, %rem3A_123, %ne3A_124 : i32
        %lt3A_126 = arith.constant 0 : i32
        %lt3A_127 = arith.cmpi slt, %rem3A_123, %lt3A_126 : i32
        %lt3A_128 = arith.constant 0 : i32
        %lt3A_129 = arith.cmpi slt, %select_n3A_122, %lt3A_128 : i32
        %ne3A_130 = arith.xori %lt3A_127, %lt3A_129 : i1
        %and3A_131 = arith.andi %ne3A_130, %ne3A_125 : i1
        %add3A_132 = arith.addi %rem3A_123, %select_n3A_122 : i32
        %select_n3A_133 = arith.select %and3A_131, %add3A_132, %rem3A_123 : i32
        %dma_start3A_134 = arith.constant 0 : i32
        %dma_start3A_135 = arith.constant 0 : i32
        %dma_start3A_136 = tpu.memref_slice %arg10[%select_n3A_73, %dma_start3A_134, %dma_start3A_135] : memref<2x125x128xf32, #tpu.memory_space<vmem>> -> memref<1x125x128xf32, #tpu.memory_space<vmem>>
        %dma_start3A_137 = tpu.memref_squeeze %dma_start3A_136 : memref<1x125x128xf32, #tpu.memory_space<vmem>> -> memref<125x128xf32, #tpu.memory_space<vmem>>
        %dma_start3A_138 = arith.constant 0 : i32
        %dma_start3A_139 = tpu.memref_slice %arg9[%select_n3A_133, %dma_start3A_138] : memref<40x125xi32, #tpu.memory_space<vmem>> -> memref<1x125xi32, #tpu.memory_space<vmem>>
        %dma_start3A_140 = tpu.memref_squeeze %dma_start3A_139 : memref<1x125xi32, #tpu.memory_space<vmem>> -> memref<125xi32, #tpu.memory_space<vmem>>
        %dma_start3A_141 = arith.constant 0 : i32
        %dma_start3A_142 = arith.constant 0 : i32
        %dma_start3A_143 = tpu.memref_slice %arg11[%dma_start3A_141, %dma_start3A_142] : memref<10000x128xf32, #tpu.memory_space<vmem_shared>> -> memref<10000x128xf32, #tpu.memory_space<vmem_shared>>
        %dma_start3A_144 = tpu.memref_slice %arg13[%select_n3A_73] : memref<2x!tpu.dma_semaphore, #tpu.memory_space<semaphore_mem>> -> memref<1x!tpu.dma_semaphore, #tpu.memory_space<semaphore_mem>>
        %dma_start3A_145 = tpu.memref_squeeze %dma_start3A_144 : memref<1x!tpu.dma_semaphore, #tpu.memory_space<semaphore_mem>> -> memref<!tpu.dma_semaphore, #tpu.memory_space<semaphore_mem>>
        tpu.enqueue_indirect_dma source(%dma_start3A_137 : memref<125x128xf32, #tpu.memory_space<vmem>>) target(%dma_start3A_143 : memref<10000x128xf32, #tpu.memory_space<vmem_shared>>) offsets(%dma_start3A_140 : memref<125xi32, #tpu.memory_space<vmem>>) semaphore(%dma_start3A_145 : memref<!tpu.dma_semaphore, #tpu.memory_space<semaphore_mem>>) {add = true}
        %scan3A_146 = arith.constant 0 : i32
        scf.yield %scan3A_146 : i32
      }
      %scan3A_36 = arith.constant 80 : i32
      %dma_wait3A = arith.constant 1 : i32
      %dma_wait3A_37 = arith.constant 39 : i32
      %dma_wait3A_38 = arith.constant 1 : i32
      %dma_wait3A_39 = arith.constant 0 : i32
      %dma_wait3A_40 = arith.constant 0 : i32
      %dma_wait3A_41 = tpu.memref_slice %arg10[%dma_wait3A, %dma_wait3A_39, %dma_wait3A_40] : memref<2x125x128xf32, #tpu.memory_space<vmem>> -> memref<1x125x128xf32, #tpu.memory_space<vmem>>
      %dma_wait3A_42 = tpu.memref_squeeze %dma_wait3A_41 : memref<1x125x128xf32, #tpu.memory_space<vmem>> -> memref<125x128xf32, #tpu.memory_space<vmem>>
      %dma_wait3A_43 = arith.constant 0 : i32
      %dma_wait3A_44 = tpu.memref_slice %arg9[%dma_wait3A_37, %dma_wait3A_43] : memref<40x125xi32, #tpu.memory_space<vmem>> -> memref<1x125xi32, #tpu.memory_space<vmem>>
      %dma_wait3A_45 = tpu.memref_squeeze %dma_wait3A_44 : memref<1x125xi32, #tpu.memory_space<vmem>> -> memref<125xi32, #tpu.memory_space<vmem>>
      %dma_wait3A_46 = arith.constant 0 : i32
      %dma_wait3A_47 = arith.constant 0 : i32
      %dma_wait3A_48 = tpu.memref_slice %arg11[%dma_wait3A_46, %dma_wait3A_47] : memref<10000x128xf32, #tpu.memory_space<vmem_shared>> -> memref<10000x128xf32, #tpu.memory_space<vmem_shared>>
      %dma_wait3A_49 = tpu.memref_slice %arg13[%dma_wait3A_38] : memref<2x!tpu.dma_semaphore, #tpu.memory_space<semaphore_mem>> -> memref<1x!tpu.dma_semaphore, #tpu.memory_space<semaphore_mem>>
      %dma_wait3A_50 = tpu.memref_squeeze %dma_wait3A_49 : memref<1x!tpu.dma_semaphore, #tpu.memory_space<semaphore_mem>> -> memref<!tpu.dma_semaphore, #tpu.memory_space<semaphore_mem>>
      tpu.wait_indirect_dma semaphore(%dma_wait3A_50 : memref<!tpu.dma_semaphore, #tpu.memory_space<semaphore_mem>>) src(%dma_wait3A_42 : memref<125x128xf32, #tpu.memory_space<vmem>>) dst(%dma_wait3A_48 : memref<10000x128xf32, #tpu.memory_space<vmem_shared>>)
      %barrier3A_51 = arith.constant 0 : index
      tpu.barrier barrier_id(%barrier3A_51)
      %lt3A_52 = arith.constant 15 : i32
      %lt3A_53 = arith.cmpi slt, %arg1, %lt3A_52 : i32
      %convert_element_type3A_54 = arith.extui %lt3A_53 : i1 to i32
      %cond3A_55 = arith.constant 0 : i32
      %cond3A_56 = arith.cmpi ne, %convert_element_type3A_54, %cond3A_55 : i32
      scf.if %cond3A_56 {
        %mul3A_62 = arith.constant 632 : i32
        %mul3A_63 = arith.muli %arg1, %mul3A_62 : i32
        %mul3A_64 = arith.constant 632 : i32
        %mul3A_65 = arith.muli %arg1, %mul3A_64 : i32
        "tpu.region"() ({
          %run_scoped3A = tpu.sem_alloc : memref<!tpu.dma_semaphore, #tpu.memory_space<semaphore_mem>>
          %dma_start3A_66 = arith.constant 0 : i32
          %dma_start3A_67 = tpu.memref_slice %arg6[%mul3A_65, %dma_start3A_66] : memref<10000x128xf32, #tpu.memory_space<hbm>> -> memref<632x128xf32, #tpu.memory_space<hbm>>
          %dma_start3A_68 = arith.constant 0 : i32
          %dma_start3A_69 = tpu.memref_slice %arg11[%mul3A_63, %dma_start3A_68] : memref<10000x128xf32, #tpu.memory_space<vmem_shared>> -> memref<632x128xf32, #tpu.memory_space<vmem_shared>>
          tpu.enqueue_dma source(%dma_start3A_69 : memref<632x128xf32, #tpu.memory_space<vmem_shared>>) target(%dma_start3A_67 : memref<632x128xf32, #tpu.memory_space<hbm>>) target_semaphore(%run_scoped3A : memref<!tpu.dma_semaphore, #tpu.memory_space<semaphore_mem>>)
          %dma_wait3A_70 = arith.constant 0 : i32
          %dma_wait3A_71 = tpu.memref_slice %arg6[%mul3A_65, %dma_wait3A_70] : memref<10000x128xf32, #tpu.memory_space<hbm>> -> memref<632x128xf32, #tpu.memory_space<hbm>>
          %dma_wait3A_72 = arith.constant 0 : i32
          %dma_wait3A_73 = tpu.memref_slice %arg11[%mul3A_63, %dma_wait3A_72] : memref<10000x128xf32, #tpu.memory_space<vmem_shared>> -> memref<632x128xf32, #tpu.memory_space<vmem_shared>>
          tpu.wait_dma2 semaphore(%run_scoped3A : memref<!tpu.dma_semaphore, #tpu.memory_space<semaphore_mem>>) src(%dma_wait3A_73 : memref<632x128xf32, #tpu.memory_space<vmem_shared>>) dst(%dma_wait3A_71 : memref<632x128xf32, #tpu.memory_space<hbm>>)
          tpu.yield
        }) : () -> ()
      } else {
      }
      %eq3A_57 = arith.constant 15 : i32
      %eq3A_58 = arith.cmpi eq, %arg1, %eq3A_57 : i32
      %convert_element_type3A_59 = arith.extui %eq3A_58 : i1 to i32
      %cond3A_60 = arith.constant 0 : i32
      %cond3A_61 = arith.cmpi ne, %convert_element_type3A_59, %cond3A_60 : i32
      scf.if %cond3A_61 {
        "tpu.region"() ({
          %run_scoped3A = tpu.sem_alloc : memref<!tpu.dma_semaphore, #tpu.memory_space<semaphore_mem>>
          %dma_start3A_62 = arith.constant 9480 : i32
          %dma_start3A_63 = arith.constant 0 : i32
          %dma_start3A_64 = tpu.memref_slice %arg6[%dma_start3A_62, %dma_start3A_63] : memref<10000x128xf32, #tpu.memory_space<hbm>> -> memref<520x128xf32, #tpu.memory_space<hbm>>
          %dma_start3A_65 = arith.constant 9480 : i32
          %dma_start3A_66 = arith.constant 0 : i32
          %dma_start3A_67 = tpu.memref_slice %arg11[%dma_start3A_65, %dma_start3A_66] : memref<10000x128xf32, #tpu.memory_space<vmem_shared>> -> memref<520x128xf32, #tpu.memory_space<vmem_shared>>
          tpu.enqueue_dma source(%dma_start3A_67 : memref<520x128xf32, #tpu.memory_space<vmem_shared>>) target(%dma_start3A_64 : memref<520x128xf32, #tpu.memory_space<hbm>>) target_semaphore(%run_scoped3A : memref<!tpu.dma_semaphore, #tpu.memory_space<semaphore_mem>>)
          %dma_wait3A_68 = arith.constant 9480 : i32
          %dma_wait3A_69 = arith.constant 0 : i32
          %dma_wait3A_70 = tpu.memref_slice %arg6[%dma_wait3A_68, %dma_wait3A_69] : memref<10000x128xf32, #tpu.memory_space<hbm>> -> memref<520x128xf32, #tpu.memory_space<hbm>>
          %dma_wait3A_71 = arith.constant 9480 : i32
          %dma_wait3A_72 = arith.constant 0 : i32
          %dma_wait3A_73 = tpu.memref_slice %arg11[%dma_wait3A_71, %dma_wait3A_72] : memref<10000x128xf32, #tpu.memory_space<vmem_shared>> -> memref<520x128xf32, #tpu.memory_space<vmem_shared>>
          tpu.wait_dma2 semaphore(%run_scoped3A : memref<!tpu.dma_semaphore, #tpu.memory_space<semaphore_mem>>) src(%dma_wait3A_73 : memref<520x128xf32, #tpu.memory_space<vmem_shared>>) dst(%dma_wait3A_70 : memref<520x128xf32, #tpu.memory_space<hbm>>)
          tpu.yield
        }) : () -> ()
      } else {
      }
    } else {
    }
    %eq3A_3 = arith.constant 1 : i32
    %eq3A_4 = arith.cmpi eq, %arg0, %eq3A_3 : i32
    %convert_element_type3A_5 = arith.extui %eq3A_4 : i1 to i32
    %cond3A_6 = arith.constant 0 : i32
    %cond3A_7 = arith.cmpi ne, %convert_element_type3A_5, %cond3A_6 : i32
    scf.if %cond3A_7 {
      %dma_start3A = arith.constant 0 : i32
      %dma_start3A_8 = arith.constant 0 : i32
      %dma_start3A_9 = arith.constant 0 : i32
      %dma_start3A_10 = arith.constant 0 : i32
      %dma_start3A_11 = arith.constant 0 : i32
      %dma_start3A_12 = tpu.memref_slice %arg10[%dma_start3A_8, %dma_start3A_10, %dma_start3A_11] : memref<2x125x128xf32, #tpu.memory_space<vmem>> -> memref<1x125x128xf32, #tpu.memory_space<vmem>>
      %dma_start3A_13 = tpu.memref_squeeze %dma_start3A_12 : memref<1x125x128xf32, #tpu.memory_space<vmem>> -> memref<125x128xf32, #tpu.memory_space<vmem>>
      %dma_start3A_14 = arith.constant 0 : i32
      %dma_start3A_15 = tpu.memref_slice %arg8[%dma_start3A, %dma_start3A_14] : memref<80x125xi32, #tpu.memory_space<vmem>> -> memref<1x125xi32, #tpu.memory_space<vmem>>
      %dma_start3A_16 = tpu.memref_squeeze %dma_start3A_15 : memref<1x125xi32, #tpu.memory_space<vmem>> -> memref<125xi32, #tpu.memory_space<vmem>>
      %dma_start3A_17 = arith.constant 0 : i32
      %dma_start3A_18 = arith.constant 0 : i32
      %dma_start3A_19 = tpu.memref_slice %arg3[%dma_start3A_17, %dma_start3A_18] : memref<10000x128xf32, #tpu.memory_space<hbm>> -> memref<10000x128xf32, #tpu.memory_space<hbm>>
      %dma_start3A_20 = tpu.memref_slice %arg12[%dma_start3A_9] : memref<2x!tpu.dma_semaphore, #tpu.memory_space<semaphore_mem>> -> memref<1x!tpu.dma_semaphore, #tpu.memory_space<semaphore_mem>>
      %dma_start3A_21 = tpu.memref_squeeze %dma_start3A_20 : memref<1x!tpu.dma_semaphore, #tpu.memory_space<semaphore_mem>> -> memref<!tpu.dma_semaphore, #tpu.memory_space<semaphore_mem>>
      tpu.enqueue_indirect_dma source(%dma_start3A_19 : memref<10000x128xf32, #tpu.memory_space<hbm>>) target(%dma_start3A_13 : memref<125x128xf32, #tpu.memory_space<vmem>>) offsets(%dma_start3A_16 : memref<125xi32, #tpu.memory_space<vmem>>) semaphore(%dma_start3A_21 : memref<!tpu.dma_semaphore, #tpu.memory_space<semaphore_mem>>)
      %lt3A = arith.constant 15 : i32
      %lt3A_22 = arith.cmpi slt, %arg1, %lt3A : i32
      %convert_element_type3A_23 = arith.extui %lt3A_22 : i1 to i32
      %cond3A_24 = arith.constant 0 : i32
      %cond3A_25 = arith.cmpi ne, %convert_element_type3A_23, %cond3A_24 : i32
      scf.if %cond3A_25 {
        %mul3A_62 = arith.constant 632 : i32
        %mul3A_63 = arith.muli %arg1, %mul3A_62 : i32
        %mul3A_64 = arith.constant 632 : i32
        %mul3A_65 = arith.muli %arg1, %mul3A_64 : i32
        "tpu.region"() ({
          %run_scoped3A = tpu.sem_alloc : memref<!tpu.dma_semaphore, #tpu.memory_space<semaphore_mem>>
          %dma_start3A_66 = arith.constant 0 : i32
          %dma_start3A_67 = tpu.memref_slice %arg11[%mul3A_65, %dma_start3A_66] : memref<10000x128xf32, #tpu.memory_space<vmem_shared>> -> memref<632x128xf32, #tpu.memory_space<vmem_shared>>
          %dma_start3A_68 = arith.constant 0 : i32
          %dma_start3A_69 = tpu.memref_slice %arg3[%mul3A_63, %dma_start3A_68] : memref<10000x128xf32, #tpu.memory_space<hbm>> -> memref<632x128xf32, #tpu.memory_space<hbm>>
          tpu.enqueue_dma source(%dma_start3A_69 : memref<632x128xf32, #tpu.memory_space<hbm>>) target(%dma_start3A_67 : memref<632x128xf32, #tpu.memory_space<vmem_shared>>) target_semaphore(%run_scoped3A : memref<!tpu.dma_semaphore, #tpu.memory_space<semaphore_mem>>)
          %dma_wait3A_70 = arith.constant 0 : i32
          %dma_wait3A_71 = tpu.memref_slice %arg11[%mul3A_65, %dma_wait3A_70] : memref<10000x128xf32, #tpu.memory_space<vmem_shared>> -> memref<632x128xf32, #tpu.memory_space<vmem_shared>>
          %dma_wait3A_72 = arith.constant 0 : i32
          %dma_wait3A_73 = tpu.memref_slice %arg3[%mul3A_63, %dma_wait3A_72] : memref<10000x128xf32, #tpu.memory_space<hbm>> -> memref<632x128xf32, #tpu.memory_space<hbm>>
          tpu.wait_dma2 semaphore(%run_scoped3A : memref<!tpu.dma_semaphore, #tpu.memory_space<semaphore_mem>>) src(%dma_wait3A_73 : memref<632x128xf32, #tpu.memory_space<hbm>>) dst(%dma_wait3A_71 : memref<632x128xf32, #tpu.memory_space<vmem_shared>>)
          tpu.yield
        }) : () -> ()
      } else {
      }
      %eq3A_26 = arith.constant 15 : i32
      %eq3A_27 = arith.cmpi eq, %arg1, %eq3A_26 : i32
      %convert_element_type3A_28 = arith.extui %eq3A_27 : i1 to i32
      %cond3A_29 = arith.constant 0 : i32
      %cond3A_30 = arith.cmpi ne, %convert_element_type3A_28, %cond3A_29 : i32
      scf.if %cond3A_30 {
        "tpu.region"() ({
          %run_scoped3A = tpu.sem_alloc : memref<!tpu.dma_semaphore, #tpu.memory_space<semaphore_mem>>
          %dma_start3A_62 = arith.constant 9480 : i32
          %dma_start3A_63 = arith.constant 0 : i32
          %dma_start3A_64 = tpu.memref_slice %arg11[%dma_start3A_62, %dma_start3A_63] : memref<10000x128xf32, #tpu.memory_space<vmem_shared>> -> memref<520x128xf32, #tpu.memory_space<vmem_shared>>
          %dma_start3A_65 = arith.constant 9480 : i32
          %dma_start3A_66 = arith.constant 0 : i32
          %dma_start3A_67 = tpu.memref_slice %arg3[%dma_start3A_65, %dma_start3A_66] : memref<10000x128xf32, #tpu.memory_space<hbm>> -> memref<520x128xf32, #tpu.memory_space<hbm>>
          tpu.enqueue_dma source(%dma_start3A_67 : memref<520x128xf32, #tpu.memory_space<hbm>>) target(%dma_start3A_64 : memref<520x128xf32, #tpu.memory_space<vmem_shared>>) target_semaphore(%run_scoped3A : memref<!tpu.dma_semaphore, #tpu.memory_space<semaphore_mem>>)
          %dma_wait3A_68 = arith.constant 9480 : i32
          %dma_wait3A_69 = arith.constant 0 : i32
          %dma_wait3A_70 = tpu.memref_slice %arg11[%dma_wait3A_68, %dma_wait3A_69] : memref<10000x128xf32, #tpu.memory_space<vmem_shared>> -> memref<520x128xf32, #tpu.memory_space<vmem_shared>>
          %dma_wait3A_71 = arith.constant 9480 : i32
          %dma_wait3A_72 = arith.constant 0 : i32
          %dma_wait3A_73 = tpu.memref_slice %arg3[%dma_wait3A_71, %dma_wait3A_72] : memref<10000x128xf32, #tpu.memory_space<hbm>> -> memref<520x128xf32, #tpu.memory_space<hbm>>
          tpu.wait_dma2 semaphore(%run_scoped3A : memref<!tpu.dma_semaphore, #tpu.memory_space<semaphore_mem>>) src(%dma_wait3A_73 : memref<520x128xf32, #tpu.memory_space<hbm>>) dst(%dma_wait3A_70 : memref<520x128xf32, #tpu.memory_space<vmem_shared>>)
          tpu.yield
        }) : () -> ()
      } else {
      }
      %barrier3A = arith.constant 0 : index
      tpu.barrier barrier_id(%barrier3A)
      %scan3A = arith.constant 0 : i32
      %scan3A_31 = arith.constant 0 : i32
      %scan3A_32 = arith.constant 80 : i32
      %scan3A_33 = arith.addi %scan3A_31, %scan3A_32 : i32
      %scan3A_34 = arith.constant 1 : i32
      %scan3A_35 = scf.for %scan3A_62 = %scan3A_31 to %scan3A_33 step %scan3A_34 iter_args(%scan3A_63 = %scan3A) -> (i32)  : i32 {
        %jit3A = arith.constant 2 : i32
        %eq3A_64 = arith.constant 0 : i32
        %eq3A_65 = arith.cmpi eq, %jit3A, %eq3A_64 : i32
        %jit3A_66 = arith.constant 1 : i32
        %select_n3A = arith.select %eq3A_65, %jit3A_66, %jit3A : i32
        %rem3A = arith.remsi %scan3A_62, %select_n3A : i32
        %ne3A = arith.constant 0 : i32
        %ne3A_67 = arith.cmpi ne, %rem3A, %ne3A : i32
        %lt3A_68 = arith.constant 0 : i32
        %lt3A_69 = arith.cmpi slt, %rem3A, %lt3A_68 : i32
        %lt3A_70 = arith.constant 0 : i32
        %lt3A_71 = arith.cmpi slt, %select_n3A, %lt3A_70 : i32
        %ne3A_72 = arith.xori %lt3A_69, %lt3A_71 : i1
        %and3A = arith.andi %ne3A_72, %ne3A_67 : i1
        %add3A = arith.addi %rem3A, %select_n3A : i32
        %select_n3A_73 = arith.select %and3A, %add3A, %rem3A : i32
        %ge3A = arith.constant 1 : i32
        %ge3A_74 = arith.cmpi sge, %scan3A_62, %ge3A : i32
        %convert_element_type3A_75 = arith.extui %ge3A_74 : i1 to i32
        %cond3A_76 = arith.constant 0 : i32
        %cond3A_77 = arith.cmpi ne, %convert_element_type3A_75, %cond3A_76 : i32
        scf.if %cond3A_77 {
          %sub3A = arith.constant 1 : i32
          %sub3A_147 = arith.subi %sub3A, %select_n3A_73 : i32
          %sub3A_148 = arith.constant 1 : i32
          %sub3A_149 = arith.subi %scan3A_62, %sub3A_148 : i32
          %jit3A_150 = arith.constant 40 : i32
          %eq3A_151 = arith.constant 0 : i32
          %eq3A_152 = arith.cmpi eq, %jit3A_150, %eq3A_151 : i32
          %jit3A_153 = arith.constant 1 : i32
          %select_n3A_154 = arith.select %eq3A_152, %jit3A_153, %jit3A_150 : i32
          %rem3A_155 = arith.remsi %sub3A_149, %select_n3A_154 : i32
          %ne3A_156 = arith.constant 0 : i32
          %ne3A_157 = arith.cmpi ne, %rem3A_155, %ne3A_156 : i32
          %lt3A_158 = arith.constant 0 : i32
          %lt3A_159 = arith.cmpi slt, %rem3A_155, %lt3A_158 : i32
          %lt3A_160 = arith.constant 0 : i32
          %lt3A_161 = arith.cmpi slt, %select_n3A_154, %lt3A_160 : i32
          %ne3A_162 = arith.xori %lt3A_159, %lt3A_161 : i1
          %and3A_163 = arith.andi %ne3A_162, %ne3A_157 : i1
          %add3A_164 = arith.addi %rem3A_155, %select_n3A_154 : i32
          %select_n3A_165 = arith.select %and3A_163, %add3A_164, %rem3A_155 : i32
          %sub3A_166 = arith.constant 1 : i32
          %sub3A_167 = arith.subi %sub3A_166, %select_n3A_73 : i32
          %dma_wait3A_168 = arith.constant 0 : i32
          %dma_wait3A_169 = arith.constant 0 : i32
          %dma_wait3A_170 = tpu.memref_slice %arg10[%sub3A_147, %dma_wait3A_168, %dma_wait3A_169] : memref<2x125x128xf32, #tpu.memory_space<vmem>> -> memref<1x125x128xf32, #tpu.memory_space<vmem>>
          %dma_wait3A_171 = tpu.memref_squeeze %dma_wait3A_170 : memref<1x125x128xf32, #tpu.memory_space<vmem>> -> memref<125x128xf32, #tpu.memory_space<vmem>>
          %dma_wait3A_172 = arith.constant 0 : i32
          %dma_wait3A_173 = tpu.memref_slice %arg9[%select_n3A_165, %dma_wait3A_172] : memref<40x125xi32, #tpu.memory_space<vmem>> -> memref<1x125xi32, #tpu.memory_space<vmem>>
          %dma_wait3A_174 = tpu.memref_squeeze %dma_wait3A_173 : memref<1x125xi32, #tpu.memory_space<vmem>> -> memref<125xi32, #tpu.memory_space<vmem>>
          %dma_wait3A_175 = arith.constant 0 : i32
          %dma_wait3A_176 = arith.constant 0 : i32
          %dma_wait3A_177 = tpu.memref_slice %arg11[%dma_wait3A_175, %dma_wait3A_176] : memref<10000x128xf32, #tpu.memory_space<vmem_shared>> -> memref<10000x128xf32, #tpu.memory_space<vmem_shared>>
          %dma_wait3A_178 = tpu.memref_slice %arg13[%sub3A_167] : memref<2x!tpu.dma_semaphore, #tpu.memory_space<semaphore_mem>> -> memref<1x!tpu.dma_semaphore, #tpu.memory_space<semaphore_mem>>
          %dma_wait3A_179 = tpu.memref_squeeze %dma_wait3A_178 : memref<1x!tpu.dma_semaphore, #tpu.memory_space<semaphore_mem>> -> memref<!tpu.dma_semaphore, #tpu.memory_space<semaphore_mem>>
          tpu.wait_indirect_dma semaphore(%dma_wait3A_179 : memref<!tpu.dma_semaphore, #tpu.memory_space<semaphore_mem>>) src(%dma_wait3A_171 : memref<125x128xf32, #tpu.memory_space<vmem>>) dst(%dma_wait3A_177 : memref<10000x128xf32, #tpu.memory_space<vmem_shared>>)
        } else {
        }
        %jit3A_78 = arith.constant 40 : i32
        %eq3A_79 = arith.constant 0 : i32
        %eq3A_80 = arith.cmpi eq, %jit3A_78, %eq3A_79 : i32
        %jit3A_81 = arith.constant 1 : i32
        %select_n3A_82 = arith.select %eq3A_80, %jit3A_81, %jit3A_78 : i32
        %rem3A_83 = arith.remsi %scan3A_62, %select_n3A_82 : i32
        %ne3A_84 = arith.constant 0 : i32
        %ne3A_85 = arith.cmpi ne, %rem3A_83, %ne3A_84 : i32
        %lt3A_86 = arith.constant 0 : i32
        %lt3A_87 = arith.cmpi slt, %rem3A_83, %lt3A_86 : i32
        %lt3A_88 = arith.constant 0 : i32
        %lt3A_89 = arith.cmpi slt, %select_n3A_82, %lt3A_88 : i32
        %ne3A_90 = arith.xori %lt3A_87, %lt3A_89 : i1
        %and3A_91 = arith.andi %ne3A_90, %ne3A_85 : i1
        %add3A_92 = arith.addi %rem3A_83, %select_n3A_82 : i32
        %select_n3A_93 = arith.select %and3A_91, %add3A_92, %rem3A_83 : i32
        %eq3A_94 = arith.constant 0 : i32
        %eq3A_95 = arith.cmpi eq, %select_n3A_93, %eq3A_94 : i32
        %convert_element_type3A_96 = arith.extui %eq3A_95 : i1 to i32
        %cond3A_97 = arith.constant 0 : i32
        %cond3A_98 = arith.cmpi ne, %convert_element_type3A_96, %cond3A_97 : i32
        scf.if %cond3A_98 {
          %multiple_of3A = tpu.assume_multiple %scan3A_62, 40 : i32
          %mul3A_147 = arith.constant 80 : i32
          %mul3A_148 = arith.muli %arg1, %mul3A_147 : i32
          %add3A_149 = arith.addi %mul3A_148, %multiple_of3A : i32
          "tpu.region"() ({
            %run_scoped3A = tpu.sem_alloc : memref<!tpu.dma_semaphore, #tpu.memory_space<semaphore_mem>>
            %dma_start3A_150 = arith.constant 0 : i32
            %dma_start3A_151 = tpu.memref_slice %arg5[%add3A_149, %dma_start3A_150] : memref<1280x125xi32, #tpu.memory_space<hbm>> -> memref<40x125xi32, #tpu.memory_space<hbm>>
            %dma_start3A_152 = arith.constant 0 : i32
            %dma_start3A_153 = tpu.memref_slice %arg5[%add3A_149, %dma_start3A_152] : memref<1280x125xi32, #tpu.memory_space<hbm>> -> memref<40x125xi32, #tpu.memory_space<hbm>>
            tpu.enqueue_dma source(%dma_start3A_153 : memref<40x125xi32, #tpu.memory_space<hbm>>) target(%arg9 : memref<40x125xi32, #tpu.memory_space<vmem>>) target_semaphore(%run_scoped3A : memref<!tpu.dma_semaphore, #tpu.memory_space<semaphore_mem>>)
            %dma_wait3A_154 = arith.constant 0 : i32
            %dma_wait3A_155 = tpu.memref_slice %arg5[%add3A_149, %dma_wait3A_154] : memref<1280x125xi32, #tpu.memory_space<hbm>> -> memref<40x125xi32, #tpu.memory_space<hbm>>
            %dma_wait3A_156 = arith.constant 0 : i32
            %dma_wait3A_157 = tpu.memref_slice %arg5[%add3A_149, %dma_wait3A_156] : memref<1280x125xi32, #tpu.memory_space<hbm>> -> memref<40x125xi32, #tpu.memory_space<hbm>>
            tpu.wait_dma2 semaphore(%run_scoped3A : memref<!tpu.dma_semaphore, #tpu.memory_space<semaphore_mem>>) src(%dma_wait3A_157 : memref<40x125xi32, #tpu.memory_space<hbm>>) dst(%arg9 : memref<40x125xi32, #tpu.memory_space<vmem>>)
            tpu.yield
          }) : () -> ()
        } else {
        }
        %add3A_99 = arith.constant 1 : i32
        %add3A_100 = arith.addi %scan3A_62, %add3A_99 : i32
        %lt3A_101 = arith.constant 80 : i32
        %lt3A_102 = arith.cmpi slt, %add3A_100, %lt3A_101 : i32
        %convert_element_type3A_103 = arith.extui %lt3A_102 : i1 to i32
        %cond3A_104 = arith.constant 0 : i32
        %cond3A_105 = arith.cmpi ne, %convert_element_type3A_103, %cond3A_104 : i32
        scf.if %cond3A_105 {
          %add3A_147 = arith.constant 1 : i32
          %add3A_148 = arith.addi %scan3A_62, %add3A_147 : i32
          %sub3A = arith.constant 1 : i32
          %sub3A_149 = arith.subi %sub3A, %select_n3A_73 : i32
          %sub3A_150 = arith.constant 1 : i32
          %sub3A_151 = arith.subi %sub3A_150, %select_n3A_73 : i32
          %dma_start3A_152 = arith.constant 0 : i32
          %dma_start3A_153 = arith.constant 0 : i32
          %dma_start3A_154 = tpu.memref_slice %arg10[%sub3A_149, %dma_start3A_152, %dma_start3A_153] : memref<2x125x128xf32, #tpu.memory_space<vmem>> -> memref<1x125x128xf32, #tpu.memory_space<vmem>>
          %dma_start3A_155 = tpu.memref_squeeze %dma_start3A_154 : memref<1x125x128xf32, #tpu.memory_space<vmem>> -> memref<125x128xf32, #tpu.memory_space<vmem>>
          %dma_start3A_156 = arith.constant 0 : i32
          %dma_start3A_157 = tpu.memref_slice %arg8[%add3A_148, %dma_start3A_156] : memref<80x125xi32, #tpu.memory_space<vmem>> -> memref<1x125xi32, #tpu.memory_space<vmem>>
          %dma_start3A_158 = tpu.memref_squeeze %dma_start3A_157 : memref<1x125xi32, #tpu.memory_space<vmem>> -> memref<125xi32, #tpu.memory_space<vmem>>
          %dma_start3A_159 = arith.constant 0 : i32
          %dma_start3A_160 = arith.constant 0 : i32
          %dma_start3A_161 = tpu.memref_slice %arg3[%dma_start3A_159, %dma_start3A_160] : memref<10000x128xf32, #tpu.memory_space<hbm>> -> memref<10000x128xf32, #tpu.memory_space<hbm>>
          %dma_start3A_162 = tpu.memref_slice %arg12[%sub3A_151] : memref<2x!tpu.dma_semaphore, #tpu.memory_space<semaphore_mem>> -> memref<1x!tpu.dma_semaphore, #tpu.memory_space<semaphore_mem>>
          %dma_start3A_163 = tpu.memref_squeeze %dma_start3A_162 : memref<1x!tpu.dma_semaphore, #tpu.memory_space<semaphore_mem>> -> memref<!tpu.dma_semaphore, #tpu.memory_space<semaphore_mem>>
          tpu.enqueue_indirect_dma source(%dma_start3A_161 : memref<10000x128xf32, #tpu.memory_space<hbm>>) target(%dma_start3A_155 : memref<125x128xf32, #tpu.memory_space<vmem>>) offsets(%dma_start3A_158 : memref<125xi32, #tpu.memory_space<vmem>>) semaphore(%dma_start3A_163 : memref<!tpu.dma_semaphore, #tpu.memory_space<semaphore_mem>>)
        } else {
        }
        %dma_wait3A_106 = arith.constant 0 : i32
        %dma_wait3A_107 = arith.constant 0 : i32
        %dma_wait3A_108 = tpu.memref_slice %arg10[%select_n3A_73, %dma_wait3A_106, %dma_wait3A_107] : memref<2x125x128xf32, #tpu.memory_space<vmem>> -> memref<1x125x128xf32, #tpu.memory_space<vmem>>
        %dma_wait3A_109 = tpu.memref_squeeze %dma_wait3A_108 : memref<1x125x128xf32, #tpu.memory_space<vmem>> -> memref<125x128xf32, #tpu.memory_space<vmem>>
        %dma_wait3A_110 = arith.constant 0 : i32
        %dma_wait3A_111 = tpu.memref_slice %arg8[%scan3A_62, %dma_wait3A_110] : memref<80x125xi32, #tpu.memory_space<vmem>> -> memref<1x125xi32, #tpu.memory_space<vmem>>
        %dma_wait3A_112 = tpu.memref_squeeze %dma_wait3A_111 : memref<1x125xi32, #tpu.memory_space<vmem>> -> memref<125xi32, #tpu.memory_space<vmem>>
        %dma_wait3A_113 = arith.constant 0 : i32
        %dma_wait3A_114 = arith.constant 0 : i32
        %dma_wait3A_115 = tpu.memref_slice %arg3[%dma_wait3A_113, %dma_wait3A_114] : memref<10000x128xf32, #tpu.memory_space<hbm>> -> memref<10000x128xf32, #tpu.memory_space<hbm>>
        %dma_wait3A_116 = tpu.memref_slice %arg12[%select_n3A_73] : memref<2x!tpu.dma_semaphore, #tpu.memory_space<semaphore_mem>> -> memref<1x!tpu.dma_semaphore, #tpu.memory_space<semaphore_mem>>
        %dma_wait3A_117 = tpu.memref_squeeze %dma_wait3A_116 : memref<1x!tpu.dma_semaphore, #tpu.memory_space<semaphore_mem>> -> memref<!tpu.dma_semaphore, #tpu.memory_space<semaphore_mem>>
        tpu.wait_indirect_dma semaphore(%dma_wait3A_117 : memref<!tpu.dma_semaphore, #tpu.memory_space<semaphore_mem>>) src(%dma_wait3A_115 : memref<10000x128xf32, #tpu.memory_space<hbm>>) dst(%dma_wait3A_109 : memref<125x128xf32, #tpu.memory_space<vmem>>)
        %jit3A_118 = arith.constant 40 : i32
        %eq3A_119 = arith.constant 0 : i32
        %eq3A_120 = arith.cmpi eq, %jit3A_118, %eq3A_119 : i32
        %jit3A_121 = arith.constant 1 : i32
        %select_n3A_122 = arith.select %eq3A_120, %jit3A_121, %jit3A_118 : i32
        %rem3A_123 = arith.remsi %scan3A_62, %select_n3A_122 : i32
        %ne3A_124 = arith.constant 0 : i32
        %ne3A_125 = arith.cmpi ne, %rem3A_123, %ne3A_124 : i32
        %lt3A_126 = arith.constant 0 : i32
        %lt3A_127 = arith.cmpi slt, %rem3A_123, %lt3A_126 : i32
        %lt3A_128 = arith.constant 0 : i32
        %lt3A_129 = arith.cmpi slt, %select_n3A_122, %lt3A_128 : i32
        %ne3A_130 = arith.xori %lt3A_127, %lt3A_129 : i1
        %and3A_131 = arith.andi %ne3A_130, %ne3A_125 : i1
        %add3A_132 = arith.addi %rem3A_123, %select_n3A_122 : i32
        %select_n3A_133 = arith.select %and3A_131, %add3A_132, %rem3A_123 : i32
        %dma_start3A_134 = arith.constant 0 : i32
        %dma_start3A_135 = arith.constant 0 : i32
        %dma_start3A_136 = tpu.memref_slice %arg10[%select_n3A_73, %dma_start3A_134, %dma_start3A_135] : memref<2x125x128xf32, #tpu.memory_space<vmem>> -> memref<1x125x128xf32, #tpu.memory_space<vmem>>
        %dma_start3A_137 = tpu.memref_squeeze %dma_start3A_136 : memref<1x125x128xf32, #tpu.memory_space<vmem>> -> memref<125x128xf32, #tpu.memory_space<vmem>>
        %dma_start3A_138 = arith.constant 0 : i32
        %dma_start3A_139 = tpu.memref_slice %arg9[%select_n3A_133, %dma_start3A_138] : memref<40x125xi32, #tpu.memory_space<vmem>> -> memref<1x125xi32, #tpu.memory_space<vmem>>
        %dma_start3A_140 = tpu.memref_squeeze %dma_start3A_139 : memref<1x125xi32, #tpu.memory_space<vmem>> -> memref<125xi32, #tpu.memory_space<vmem>>
        %dma_start3A_141 = arith.constant 0 : i32
        %dma_start3A_142 = arith.constant 0 : i32
        %dma_start3A_143 = tpu.memref_slice %arg11[%dma_start3A_141, %dma_start3A_142] : memref<10000x128xf32, #tpu.memory_space<vmem_shared>> -> memref<10000x128xf32, #tpu.memory_space<vmem_shared>>
        %dma_start3A_144 = tpu.memref_slice %arg13[%select_n3A_73] : memref<2x!tpu.dma_semaphore, #tpu.memory_space<semaphore_mem>> -> memref<1x!tpu.dma_semaphore, #tpu.memory_space<semaphore_mem>>
        %dma_start3A_145 = tpu.memref_squeeze %dma_start3A_144 : memref<1x!tpu.dma_semaphore, #tpu.memory_space<semaphore_mem>> -> memref<!tpu.dma_semaphore, #tpu.memory_space<semaphore_mem>>
        tpu.enqueue_indirect_dma source(%dma_start3A_137 : memref<125x128xf32, #tpu.memory_space<vmem>>) target(%dma_start3A_143 : memref<10000x128xf32, #tpu.memory_space<vmem_shared>>) offsets(%dma_start3A_140 : memref<125xi32, #tpu.memory_space<vmem>>) semaphore(%dma_start3A_145 : memref<!tpu.dma_semaphore, #tpu.memory_space<semaphore_mem>>) {add = true}
        %scan3A_146 = arith.constant 0 : i32
        scf.yield %scan3A_146 : i32
      }
      %scan3A_36 = arith.constant 80 : i32
      %dma_wait3A = arith.constant 1 : i32
      %dma_wait3A_37 = arith.constant 39 : i32
      %dma_wait3A_38 = arith.constant 1 : i32
      %dma_wait3A_39 = arith.constant 0 : i32
      %dma_wait3A_40 = arith.constant 0 : i32
      %dma_wait3A_41 = tpu.memref_slice %arg10[%dma_wait3A, %dma_wait3A_39, %dma_wait3A_40] : memref<2x125x128xf32, #tpu.memory_space<vmem>> -> memref<1x125x128xf32, #tpu.memory_space<vmem>>
      %dma_wait3A_42 = tpu.memref_squeeze %dma_wait3A_41 : memref<1x125x128xf32, #tpu.memory_space<vmem>> -> memref<125x128xf32, #tpu.memory_space<vmem>>
      %dma_wait3A_43 = arith.constant 0 : i32
      %dma_wait3A_44 = tpu.memref_slice %arg9[%dma_wait3A_37, %dma_wait3A_43] : memref<40x125xi32, #tpu.memory_space<vmem>> -> memref<1x125xi32, #tpu.memory_space<vmem>>
      %dma_wait3A_45 = tpu.memref_squeeze %dma_wait3A_44 : memref<1x125xi32, #tpu.memory_space<vmem>> -> memref<125xi32, #tpu.memory_space<vmem>>
      %dma_wait3A_46 = arith.constant 0 : i32
      %dma_wait3A_47 = arith.constant 0 : i32
      %dma_wait3A_48 = tpu.memref_slice %arg11[%dma_wait3A_46, %dma_wait3A_47] : memref<10000x128xf32, #tpu.memory_space<vmem_shared>> -> memref<10000x128xf32, #tpu.memory_space<vmem_shared>>
      %dma_wait3A_49 = tpu.memref_slice %arg13[%dma_wait3A_38] : memref<2x!tpu.dma_semaphore, #tpu.memory_space<semaphore_mem>> -> memref<1x!tpu.dma_semaphore, #tpu.memory_space<semaphore_mem>>
      %dma_wait3A_50 = tpu.memref_squeeze %dma_wait3A_49 : memref<1x!tpu.dma_semaphore, #tpu.memory_space<semaphore_mem>> -> memref<!tpu.dma_semaphore, #tpu.memory_space<semaphore_mem>>
      tpu.wait_indirect_dma semaphore(%dma_wait3A_50 : memref<!tpu.dma_semaphore, #tpu.memory_space<semaphore_mem>>) src(%dma_wait3A_42 : memref<125x128xf32, #tpu.memory_space<vmem>>) dst(%dma_wait3A_48 : memref<10000x128xf32, #tpu.memory_space<vmem_shared>>)
      %barrier3A_51 = arith.constant 0 : index
      tpu.barrier barrier_id(%barrier3A_51)
      %lt3A_52 = arith.constant 15 : i32
      %lt3A_53 = arith.cmpi slt, %arg1, %lt3A_52 : i32
      %convert_element_type3A_54 = arith.extui %lt3A_53 : i1 to i32
      %cond3A_55 = arith.constant 0 : i32
      %cond3A_56 = arith.cmpi ne, %convert_element_type3A_54, %cond3A_55 : i32
      scf.if %cond3A_56 {
        %mul3A_62 = arith.constant 632 : i32
        %mul3A_63 = arith.muli %arg1, %mul3A_62 : i32
        %mul3A_64 = arith.constant 632 : i32
        %mul3A_65 = arith.muli %arg1, %mul3A_64 : i32
        "tpu.region"() ({
          %run_scoped3A = tpu.sem_alloc : memref<!tpu.dma_semaphore, #tpu.memory_space<semaphore_mem>>
          %dma_start3A_66 = arith.constant 0 : i32
          %dma_start3A_67 = tpu.memref_slice %arg7[%mul3A_65, %dma_start3A_66] : memref<10000x128xf32, #tpu.memory_space<hbm>> -> memref<632x128xf32, #tpu.memory_space<hbm>>
          %dma_start3A_68 = arith.constant 0 : i32
          %dma_start3A_69 = tpu.memref_slice %arg11[%mul3A_63, %dma_start3A_68] : memref<10000x128xf32, #tpu.memory_space<vmem_shared>> -> memref<632x128xf32, #tpu.memory_space<vmem_shared>>
          tpu.enqueue_dma source(%dma_start3A_69 : memref<632x128xf32, #tpu.memory_space<vmem_shared>>) target(%dma_start3A_67 : memref<632x128xf32, #tpu.memory_space<hbm>>) target_semaphore(%run_scoped3A : memref<!tpu.dma_semaphore, #tpu.memory_space<semaphore_mem>>)
          %dma_wait3A_70 = arith.constant 0 : i32
          %dma_wait3A_71 = tpu.memref_slice %arg7[%mul3A_65, %dma_wait3A_70] : memref<10000x128xf32, #tpu.memory_space<hbm>> -> memref<632x128xf32, #tpu.memory_space<hbm>>
          %dma_wait3A_72 = arith.constant 0 : i32
          %dma_wait3A_73 = tpu.memref_slice %arg11[%mul3A_63, %dma_wait3A_72] : memref<10000x128xf32, #tpu.memory_space<vmem_shared>> -> memref<632x128xf32, #tpu.memory_space<vmem_shared>>
          tpu.wait_dma2 semaphore(%run_scoped3A : memref<!tpu.dma_semaphore, #tpu.memory_space<semaphore_mem>>) src(%dma_wait3A_73 : memref<632x128xf32, #tpu.memory_space<vmem_shared>>) dst(%dma_wait3A_71 : memref<632x128xf32, #tpu.memory_space<hbm>>)
          tpu.yield
        }) : () -> ()
      } else {
      }
      %eq3A_57 = arith.constant 15 : i32
      %eq3A_58 = arith.cmpi eq, %arg1, %eq3A_57 : i32
      %convert_element_type3A_59 = arith.extui %eq3A_58 : i1 to i32
      %cond3A_60 = arith.constant 0 : i32
      %cond3A_61 = arith.cmpi ne, %convert_element_type3A_59, %cond3A_60 : i32
      scf.if %cond3A_61 {
        "tpu.region"() ({
          %run_scoped3A = tpu.sem_alloc : memref<!tpu.dma_semaphore, #tpu.memory_space<semaphore_mem>>
          %dma_start3A_62 = arith.constant 9480 : i32
          %dma_start3A_63 = arith.constant 0 : i32
          %dma_start3A_64 = tpu.memref_slice %arg7[%dma_start3A_62, %dma_start3A_63] : memref<10000x128xf32, #tpu.memory_space<hbm>> -> memref<520x128xf32, #tpu.memory_space<hbm>>
          %dma_start3A_65 = arith.constant 9480 : i32
          %dma_start3A_66 = arith.constant 0 : i32
          %dma_start3A_67 = tpu.memref_slice %arg11[%dma_start3A_65, %dma_start3A_66] : memref<10000x128xf32, #tpu.memory_space<vmem_shared>> -> memref<520x128xf32, #tpu.memory_space<vmem_shared>>
          tpu.enqueue_dma source(%dma_start3A_67 : memref<520x128xf32, #tpu.memory_space<vmem_shared>>) target(%dma_start3A_64 : memref<520x128xf32, #tpu.memory_space<hbm>>) target_semaphore(%run_scoped3A : memref<!tpu.dma_semaphore, #tpu.memory_space<semaphore_mem>>)
          %dma_wait3A_68 = arith.constant 9480 : i32
          %dma_wait3A_69 = arith.constant 0 : i32
          %dma_wait3A_70 = tpu.memref_slice %arg7[%dma_wait3A_68, %dma_wait3A_69] : memref<10000x128xf32, #tpu.memory_space<hbm>> -> memref<520x128xf32, #tpu.memory_space<hbm>>
          %dma_wait3A_71 = arith.constant 9480 : i32
          %dma_wait3A_72 = arith.constant 0 : i32
          %dma_wait3A_73 = tpu.memref_slice %arg11[%dma_wait3A_71, %dma_wait3A_72] : memref<10000x128xf32, #tpu.memory_space<vmem_shared>> -> memref<520x128xf32, #tpu.memory_space<vmem_shared>>
          tpu.wait_dma2 semaphore(%run_scoped3A : memref<!tpu.dma_semaphore, #tpu.memory_space<semaphore_mem>>) src(%dma_wait3A_73 : memref<520x128xf32, #tpu.memory_space<vmem_shared>>) dst(%dma_wait3A_70 : memref<520x128xf32, #tpu.memory_space<hbm>>)
          tpu.yield
        }) : () -> ()
      } else {
      }
    } else {
    }
    return
  }
}

module attributes {stable_mosaic.version = 14 : i64} {
  func.func @_k1b_body(%arg0: i32, %arg1: memref<2000x128xf32, #tpu.memory_space<vmem>>, %arg2: memref<2000x128xf32, #tpu.memory_space<vmem>>, %arg3: memref<2000x128xf32, #tpu.memory_space<vmem>>, %arg4: memref<2000x128xf32, #tpu.memory_space<vmem>>, %arg5: memref<2000x128xf32, #tpu.memory_space<vmem>>, %arg6: memref<2000x128xf32, #tpu.memory_space<vmem>>, %arg7: memref<2000x8xf32, #tpu.memory_space<vmem>>) attributes {dimension_semantics = [#tpu.dimension_semantics<arbitrary>], iteration_bounds = array<i64: 5>, scalar_prefetch = 0 : i64, scratch_operands = 0 : i64, tpu.core_type = #tpu.core_type<tc>, window_params = [{transform_indices = @transform_0, window_bounds = array<i64: 2000, 128>}, {transform_indices = @transform_1, window_bounds = array<i64: 2000, 128>}, {transform_indices = @transform_2, window_bounds = array<i64: 2000, 128>}, {transform_indices = @transform_3, window_bounds = array<i64: 2000, 128>}, {transform_indices = @transform_4, window_bounds = array<i64: 2000, 128>}, {transform_indices = @transform_5, window_bounds = array<i64: 2000, 128>}, {transform_indices = @transform_6, window_bounds = array<i64: 2000, 8>}]} {
    %get3A = arith.constant 0 : index
    %get3A_0 = arith.constant 0 : index
    %get3A_1 = vector.load %arg3[%get3A, %get3A_0] : memref<2000x128xf32, #tpu.memory_space<vmem>>, vector<2000x1xf32>
    %add3A = arith.constant 1.000000e+00 : f32
    %add3A_2 = vector.broadcast %add3A : f32 to vector<2000x1xf32>
    %add3A_3 = arith.addf %add3A_2, %get3A_1 : vector<2000x1xf32>
    %get3A_4 = arith.constant 0 : index
    %get3A_5 = arith.constant 0 : index
    %get3A_6 = vector.load %arg4[%get3A_4, %get3A_5] : memref<2000x128xf32, #tpu.memory_space<vmem>>, vector<2000x1xf32>
    %add3A_7 = arith.addf %add3A_3, %get3A_6 : vector<2000x1xf32>
    %rsqrt3A = math.rsqrt %add3A_7 : vector<2000x1xf32>
    %get3A_8 = arith.constant 0 : index
    %get3A_9 = arith.constant 0 : index
    %get3A_10 = vector.load %arg1[%get3A_8, %get3A_9] : memref<2000x128xf32, #tpu.memory_space<vmem>>, vector<2000x128xf32>
    %mul3A = vector.broadcast %rsqrt3A : vector<2000x1xf32> to vector<2000x128xf32>
    %mul3A_11 = arith.mulf %get3A_10, %mul3A : vector<2000x128xf32>
    %swap3A = arith.constant 0 : index
    %swap3A_12 = arith.constant 0 : index
    %swap3A_13 = vector.load %arg5[%swap3A, %swap3A_12] : memref<2000x128xf32, #tpu.memory_space<vmem>>, vector<2000x128xf32>
    tpu.vector_store %arg5[%swap3A, %swap3A_12], %mul3A_11 {strides = array<i32>} : memref<2000x128xf32, #tpu.memory_space<vmem>>, vector<2000x128xf32>,
    %get3A_14 = arith.constant 0 : index
    %get3A_15 = arith.constant 0 : index
    %get3A_16 = vector.load %arg2[%get3A_14, %get3A_15] : memref<2000x128xf32, #tpu.memory_space<vmem>>, vector<2000x128xf32>
    %mul3A_17 = vector.broadcast %rsqrt3A : vector<2000x1xf32> to vector<2000x128xf32>
    %mul3A_18 = arith.mulf %get3A_16, %mul3A_17 : vector<2000x128xf32>
    %swap3A_19 = arith.constant 0 : index
    %swap3A_20 = arith.constant 0 : index
    %swap3A_21 = vector.load %arg6[%swap3A_19, %swap3A_20] : memref<2000x128xf32, #tpu.memory_space<vmem>>, vector<2000x128xf32>
    tpu.vector_store %arg6[%swap3A_19, %swap3A_20], %mul3A_18 {strides = array<i32>} : memref<2000x128xf32, #tpu.memory_space<vmem>>, vector<2000x128xf32>,
    %broadcast_in_dim3A = vector.shape_cast %rsqrt3A : vector<2000x1xf32> to vector<2000x1xf32>
    %broadcast_in_dim3A_22 = vector.broadcast %broadcast_in_dim3A : vector<2000x1xf32> to vector<2000x8xf32>
    %swap3A_23 = arith.constant 0 : index
    %swap3A_24 = arith.constant 0 : index
    %swap3A_25 = vector.load %arg7[%swap3A_23, %swap3A_24] : memref<2000x8xf32, #tpu.memory_space<vmem>>, vector<2000x8xf32>
    tpu.vector_store %arg7[%swap3A_23, %swap3A_24], %broadcast_in_dim3A_22 {strides = array<i32>} : memref<2000x8xf32, #tpu.memory_space<vmem>>, vector<2000x8xf32>,
    return
  }
  func.func @transform_0(%arg0: i32) -> (i32, i32) {
    %c0_i32 = arith.constant 0 : i32
    %c0_i32_0 = arith.constant 0 : i32
    return %arg0, %c0_i32 : i32, i32
  }
  func.func @transform_1(%arg0: i32) -> (i32, i32) {
    %c0_i32 = arith.constant 0 : i32
    %c0_i32_0 = arith.constant 0 : i32
    return %arg0, %c0_i32 : i32, i32
  }
  func.func @transform_2(%arg0: i32) -> (i32, i32) {
    %c0_i32 = arith.constant 0 : i32
    %c0_i32_0 = arith.constant 0 : i32
    return %arg0, %c0_i32 : i32, i32
  }
  func.func @transform_3(%arg0: i32) -> (i32, i32) {
    %c0_i32 = arith.constant 0 : i32
    %c0_i32_0 = arith.constant 0 : i32
    return %arg0, %c0_i32 : i32, i32
  }
  func.func @transform_4(%arg0: i32) -> (i32, i32) {
    %c0_i32 = arith.constant 0 : i32
    %c0_i32_0 = arith.constant 0 : i32
    return %arg0, %c0_i32 : i32, i32
  }
  func.func @transform_5(%arg0: i32) -> (i32, i32) {
    %c0_i32 = arith.constant 0 : i32
    %c0_i32_0 = arith.constant 0 : i32
    return %arg0, %c0_i32 : i32, i32
  }
  func.func @transform_6(%arg0: i32) -> (i32, i32) {
    %c0_i32 = arith.constant 0 : i32
    %c0_i32_0 = arith.constant 0 : i32
    return %arg0, %c0_i32 : i32, i32
  }
}

module attributes {stable_mosaic.version = 14 : i64} {
  func.func @_k1a_body(%arg0: i32, %arg1: memref<2000x256xf32, #tpu.memory_space<vmem>>, %arg2: memref<256x256xf32, #tpu.memory_space<vmem>>, %arg3: memref<256x256xf32, #tpu.memory_space<vmem>>, %arg4: memref<2000x128xf32, #tpu.memory_space<vmem>>, %arg5: memref<2000x128xf32, #tpu.memory_space<vmem>>) attributes {dimension_semantics = [#tpu.dimension_semantics<arbitrary>], iteration_bounds = array<i64: 5>, scalar_prefetch = 0 : i64, scratch_operands = 0 : i64, tpu.core_type = #tpu.core_type<tc>, window_params = [{transform_indices = @transform_0, window_bounds = array<i64: 2000, 256>}, {pipeline_mode = #tpu.pipeline_mode<synchronous>, transform_indices = @transform_1, window_bounds = array<i64: 256, 256>}, {pipeline_mode = #tpu.pipeline_mode<synchronous>, transform_indices = @transform_2, window_bounds = array<i64: 256, 256>}, {transform_indices = @transform_3, window_bounds = array<i64: 2000, 128>}, {transform_indices = @transform_4, window_bounds = array<i64: 2000, 128>}]} {
    %get3A = arith.constant 0 : index
    %get3A_0 = arith.constant 0 : index
    %get3A_1 = vector.load %arg1[%get3A, %get3A_0] : memref<2000x256xf32, #tpu.memory_space<vmem>>, vector<2000x256xf32>
    %get3A_2 = arith.constant 0 : index
    %get3A_3 = arith.constant 0 : index
    %get3A_4 = vector.load %arg2[%get3A_2, %get3A_3] : memref<256x256xf32, #tpu.memory_space<vmem>>, vector<256x256xf32>
    %dot_general3A = arith.constant dense<0.000000e+00> : vector<2000x256xf32>
    %dot_general3A_5 = tpu.matmul %get3A_1, %get3A_4, %dot_general3A {dimension_numbers = #tpu.dot_dimension_numbers<[1], [0], [0], [1], [0, 0, 1, 1], [], []>, transpose_lhs_hint = false} : vector<2000x256xf32>, vector<256x256xf32>, vector<2000x256xf32> -> vector<2000x256xf32>
    %get3A_6 = arith.constant 0 : index
    %get3A_7 = arith.constant 0 : index
    %get3A_8 = vector.load %arg3[%get3A_6, %get3A_7] : memref<256x256xf32, #tpu.memory_space<vmem>>, vector<256x256xf32>
    %dot_general3A_9 = arith.constant dense<0.000000e+00> : vector<2000x256xf32>
    %dot_general3A_10 = tpu.matmul %dot_general3A_5, %get3A_8, %dot_general3A_9 {dimension_numbers = #tpu.dot_dimension_numbers<[1], [0], [0], [1], [0, 0, 1, 1], [], []>, transpose_lhs_hint = false} : vector<2000x256xf32>, vector<256x256xf32>, vector<2000x256xf32> -> vector<2000x256xf32>
    %slice3A = vector.extract_strided_slice %dot_general3A_10 {offsets = [0, 0], sizes = [2000, 128], strides = [1, 1]} : vector<2000x256xf32> to vector<2000x128xf32>
    %swap3A = arith.constant 0 : index
    %swap3A_11 = arith.constant 0 : index
    %swap3A_12 = vector.load %arg4[%swap3A, %swap3A_11] : memref<2000x128xf32, #tpu.memory_space<vmem>>, vector<2000x128xf32>
    tpu.vector_store %arg4[%swap3A, %swap3A_11], %slice3A {strides = array<i32>} : memref<2000x128xf32, #tpu.memory_space<vmem>>, vector<2000x128xf32>,
    %slice3A_13 = vector.extract_strided_slice %dot_general3A_10 {offsets = [0, 128], sizes = [2000, 128], strides = [1, 1]} : vector<2000x256xf32> to vector<2000x128xf32>
    %swap3A_14 = arith.constant 0 : index
    %swap3A_15 = arith.constant 0 : index
    %swap3A_16 = vector.load %arg5[%swap3A_14, %swap3A_15] : memref<2000x128xf32, #tpu.memory_space<vmem>>, vector<2000x128xf32>
    tpu.vector_store %arg5[%swap3A_14, %swap3A_15], %slice3A_13 {strides = array<i32>} : memref<2000x128xf32, #tpu.memory_space<vmem>>, vector<2000x128xf32>,
    return
  }
  func.func @transform_0(%arg0: i32) -> (i32, i32) {
    %c0_i32 = arith.constant 0 : i32
    %c0_i32_0 = arith.constant 0 : i32
    return %arg0, %c0_i32 : i32, i32
  }
  func.func @transform_1(%arg0: i32) -> (i32, i32) {
    %c0_i32 = arith.constant 0 : i32
    %c0_i32_0 = arith.constant 0 : i32
    %c0_i32_1 = arith.constant 0 : i32
    return %c0_i32, %c0_i32_0 : i32, i32
  }
  func.func @transform_2(%arg0: i32) -> (i32, i32) {
    %c0_i32 = arith.constant 0 : i32
    %c0_i32_0 = arith.constant 0 : i32
    %c0_i32_1 = arith.constant 0 : i32
    return %c0_i32, %c0_i32_0 : i32, i32
  }
  func.func @transform_3(%arg0: i32) -> (i32, i32) {
    %c0_i32 = arith.constant 0 : i32
    %c0_i32_0 = arith.constant 0 : i32
    return %arg0, %c0_i32 : i32, i32
  }
  func.func @transform_4(%arg0: i32) -> (i32, i32) {
    %c0_i32 = arith.constant 0 : i32
    %c0_i32_0 = arith.constant 0 : i32
    return %arg0, %c0_i32 : i32, i32
  }
}

module attributes {stable_mosaic.version = 14 : i64} {
  func.func @_kmid_body(%arg0: i32, %arg1: memref<2000x128xf32, #tpu.memory_space<vmem>>, %arg2: memref<2000x128xf32, #tpu.memory_space<vmem>>, %arg3: memref<2000x8xf32, #tpu.memory_space<vmem>>, %arg4: memref<1x256xf32, #tpu.memory_space<vmem>>, %arg5: memref<256x256xf32, #tpu.memory_space<vmem>>, %arg6: memref<2000x128xf32, #tpu.memory_space<vmem>>, %arg7: memref<2000x128xf32, #tpu.memory_space<vmem>>) attributes {dimension_semantics = [#tpu.dimension_semantics<arbitrary>], iteration_bounds = array<i64: 5>, scalar_prefetch = 0 : i64, scratch_operands = 0 : i64, tpu.core_type = #tpu.core_type<tc>, window_params = [{transform_indices = @transform_0, window_bounds = array<i64: 2000, 128>}, {transform_indices = @transform_1, window_bounds = array<i64: 2000, 128>}, {transform_indices = @transform_2, window_bounds = array<i64: 2000, 8>}, {pipeline_mode = #tpu.pipeline_mode<synchronous>, transform_indices = @transform_3, window_bounds = array<i64: 1, 256>}, {pipeline_mode = #tpu.pipeline_mode<synchronous>, transform_indices = @transform_4, window_bounds = array<i64: 256, 256>}, {transform_indices = @transform_5, window_bounds = array<i64: 2000, 128>}, {transform_indices = @transform_6, window_bounds = array<i64: 2000, 128>}]} {
    %get3A = arith.constant 0 : index
    %get3A_0 = arith.constant 0 : index
    %get3A_1 = vector.load %arg3[%get3A, %get3A_0] : memref<2000x8xf32, #tpu.memory_space<vmem>>, vector<2000x1xf32>
    %get3A_2 = arith.constant 0 : index
    %get3A_3 = arith.constant 0 : index
    %get3A_4 = vector.load %arg1[%get3A_2, %get3A_3] : memref<2000x128xf32, #tpu.memory_space<vmem>>, vector<2000x128xf32>
    %get3A_5 = arith.constant 0 : index
    %get3A_6 = arith.constant 0 : index
    %get3A_7 = vector.load %arg2[%get3A_5, %get3A_6] : memref<2000x128xf32, #tpu.memory_space<vmem>>, vector<2000x128xf32>
    %concatenate3A = tpu.concatenate %get3A_4, %get3A_7 in 1 : vector<2000x128xf32>, vector<2000x128xf32> -> vector<2000x256xf32>
    %mul3A = vector.broadcast %get3A_1 : vector<2000x1xf32> to vector<2000x256xf32>
    %mul3A_8 = arith.mulf %mul3A, %concatenate3A : vector<2000x256xf32>
    %get3A_9 = arith.constant 0 : index
    %get3A_10 = arith.constant 0 : index
    %get3A_11 = vector.load %arg4[%get3A_9, %get3A_10] : memref<1x256xf32, #tpu.memory_space<vmem>>, vector<1x256xf32>
    %add3A = vector.broadcast %get3A_11 : vector<1x256xf32> to vector<2000x256xf32>
    %add3A_12 = arith.addf %mul3A_8, %add3A : vector<2000x256xf32>
    %max3A = arith.constant 0.000000e+00 : f32
    %max3A_13 = vector.broadcast %max3A : f32 to vector<2000x256xf32>
    %max3A_14 = arith.maximumf %add3A_12, %max3A_13 : vector<2000x256xf32>
    %get3A_15 = arith.constant 0 : index
    %get3A_16 = arith.constant 0 : index
    %get3A_17 = vector.load %arg5[%get3A_15, %get3A_16] : memref<256x256xf32, #tpu.memory_space<vmem>>, vector<256x256xf32>
    %dot_general3A = arith.constant dense<0.000000e+00> : vector<2000x256xf32>
    %dot_general3A_18 = tpu.matmul %max3A_14, %get3A_17, %dot_general3A {dimension_numbers = #tpu.dot_dimension_numbers<[1], [0], [0], [1], [0, 0, 1, 1], [], []>, transpose_lhs_hint = false} : vector<2000x256xf32>, vector<256x256xf32>, vector<2000x256xf32> -> vector<2000x256xf32>
    %mul3A_19 = vector.broadcast %get3A_1 : vector<2000x1xf32> to vector<2000x256xf32>
    %mul3A_20 = arith.mulf %dot_general3A_18, %mul3A_19 : vector<2000x256xf32>
    %slice3A = vector.extract_strided_slice %mul3A_20 {offsets = [0, 0], sizes = [2000, 128], strides = [1, 1]} : vector<2000x256xf32> to vector<2000x128xf32>
    %swap3A = arith.constant 0 : index
    %swap3A_21 = arith.constant 0 : index
    %swap3A_22 = vector.load %arg6[%swap3A, %swap3A_21] : memref<2000x128xf32, #tpu.memory_space<vmem>>, vector<2000x128xf32>
    tpu.vector_store %arg6[%swap3A, %swap3A_21], %slice3A {strides = array<i32>} : memref<2000x128xf32, #tpu.memory_space<vmem>>, vector<2000x128xf32>,
    %slice3A_23 = vector.extract_strided_slice %mul3A_20 {offsets = [0, 128], sizes = [2000, 128], strides = [1, 1]} : vector<2000x256xf32> to vector<2000x128xf32>
    %swap3A_24 = arith.constant 0 : index
    %swap3A_25 = arith.constant 0 : index
    %swap3A_26 = vector.load %arg7[%swap3A_24, %swap3A_25] : memref<2000x128xf32, #tpu.memory_space<vmem>>, vector<2000x128xf32>
    tpu.vector_store %arg7[%swap3A_24, %swap3A_25], %slice3A_23 {strides = array<i32>} : memref<2000x128xf32, #tpu.memory_space<vmem>>, vector<2000x128xf32>,
    return
  }
  func.func @transform_0(%arg0: i32) -> (i32, i32) {
    %c0_i32 = arith.constant 0 : i32
    %c0_i32_0 = arith.constant 0 : i32
    return %arg0, %c0_i32 : i32, i32
  }
  func.func @transform_1(%arg0: i32) -> (i32, i32) {
    %c0_i32 = arith.constant 0 : i32
    %c0_i32_0 = arith.constant 0 : i32
    return %arg0, %c0_i32 : i32, i32
  }
  func.func @transform_2(%arg0: i32) -> (i32, i32) {
    %c0_i32 = arith.constant 0 : i32
    %c0_i32_0 = arith.constant 0 : i32
    return %arg0, %c0_i32 : i32, i32
  }
  func.func @transform_3(%arg0: i32) -> (i32, i32) {
    %c0_i32 = arith.constant 0 : i32
    %c0_i32_0 = arith.constant 0 : i32
    %c0_i32_1 = arith.constant 0 : i32
    return %c0_i32, %c0_i32_0 : i32, i32
  }
  func.func @transform_4(%arg0: i32) -> (i32, i32) {
    %c0_i32 = arith.constant 0 : i32
    %c0_i32_0 = arith.constant 0 : i32
    %c0_i32_1 = arith.constant 0 : i32
    return %c0_i32, %c0_i32_0 : i32, i32
  }
  func.func @transform_5(%arg0: i32) -> (i32, i32) {
    %c0_i32 = arith.constant 0 : i32
    %c0_i32_0 = arith.constant 0 : i32
    return %arg0, %c0_i32 : i32, i32
  }
  func.func @transform_6(%arg0: i32) -> (i32, i32) {
    %c0_i32 = arith.constant 0 : i32
    %c0_i32_0 = arith.constant 0 : i32
    return %arg0, %c0_i32 : i32, i32
  }
}

module attributes {stable_mosaic.version = 14 : i64} {
  func.func @_kfin_body(%arg0: i32, %arg1: memref<2000x128xf32, #tpu.memory_space<vmem>>, %arg2: memref<2000x128xf32, #tpu.memory_space<vmem>>, %arg3: memref<2000x8xf32, #tpu.memory_space<vmem>>, %arg4: memref<1x256xf32, #tpu.memory_space<vmem>>, %arg5: memref<1x1x2000xi32, #tpu.memory_space<vmem>>, %arg6: memref<64x256xf32, #tpu.memory_space<vmem>>, %arg7: memref<64x384xf32, #tpu.memory_space<vmem>>) attributes {dimension_semantics = [#tpu.dimension_semantics<arbitrary>], iteration_bounds = array<i64: 5>, scalar_prefetch = 0 : i64, scratch_operands = 1 : i64, tpu.core_type = #tpu.core_type<tc>, window_params = [{transform_indices = @transform_0, window_bounds = array<i64: 2000, 128>}, {transform_indices = @transform_1, window_bounds = array<i64: 2000, 128>}, {transform_indices = @transform_2, window_bounds = array<i64: 2000, 8>}, {pipeline_mode = #tpu.pipeline_mode<synchronous>, transform_indices = @transform_3, window_bounds = array<i64: 1, 256>}, {transform_indices = @transform_4, window_bounds = array<i64: 1, 1, 2000>}, {pipeline_mode = #tpu.pipeline_mode<synchronous>, transform_indices = @transform_5, window_bounds = array<i64: 64, 256>}]} {
    %get3A = arith.constant 0 : index
    %get3A_0 = arith.constant 0 : index
    %get3A_1 = vector.load %arg3[%get3A, %get3A_0] : memref<2000x8xf32, #tpu.memory_space<vmem>>, vector<2000x1xf32>
    %get3A_2 = arith.constant 0 : index
    %get3A_3 = arith.constant 0 : index
    %get3A_4 = vector.load %arg1[%get3A_2, %get3A_3] : memref<2000x128xf32, #tpu.memory_space<vmem>>, vector<2000x128xf32>
    %get3A_5 = arith.constant 0 : index
    %get3A_6 = arith.constant 0 : index
    %get3A_7 = vector.load %arg2[%get3A_5, %get3A_6] : memref<2000x128xf32, #tpu.memory_space<vmem>>, vector<2000x128xf32>
    %concatenate3A = tpu.concatenate %get3A_4, %get3A_7 in 1 : vector<2000x128xf32>, vector<2000x128xf32> -> vector<2000x256xf32>
    %mul3A = vector.broadcast %get3A_1 : vector<2000x1xf32> to vector<2000x256xf32>
    %mul3A_8 = arith.mulf %mul3A, %concatenate3A : vector<2000x256xf32>
    %get3A_9 = arith.constant 0 : index
    %get3A_10 = arith.constant 0 : index
    %get3A_11 = vector.load %arg4[%get3A_9, %get3A_10] : memref<1x256xf32, #tpu.memory_space<vmem>>, vector<1x256xf32>
    %add3A = vector.broadcast %get3A_11 : vector<1x256xf32> to vector<2000x256xf32>
    %add3A_12 = arith.addf %mul3A_8, %add3A : vector<2000x256xf32>
    %broadcast_in_dim3A = arith.constant 1.000000e+00 : f32
    %broadcast_in_dim3A_13 = vector.broadcast %broadcast_in_dim3A : f32 to vector<2000x128xf32>
    %concatenate3A_14 = tpu.concatenate %add3A_12, %broadcast_in_dim3A_13 in 1 : vector<2000x256xf32>, vector<2000x128xf32> -> vector<2000x384xf32>
    %get3A_15 = arith.constant 0 : index
    %get3A_16 = arith.constant 0 : index
    %get3A_17 = arith.constant 0 : index
    %get3A_18 = vector.load %arg5[%get3A_15, %get3A_16, %get3A_17] : memref<1x1x2000xi32, #tpu.memory_space<vmem>>, vector<1x1x2000xi32>
    %reshape3A = vector.shape_cast %get3A_18 : vector<1x1x2000xi32> to vector<2000xi32>
    %broadcast_in_dim3A_19 = vector.shape_cast %reshape3A : vector<2000xi32> to vector<2000x1xi32>
    %iota3A = tpu.iota {dimensions = array<i32: 1>} : vector<2000x64xi32>
    %eq3A = vector.broadcast %broadcast_in_dim3A_19 : vector<2000x1xi32> to vector<2000x64xi32>
    %eq3A_20 = arith.cmpi eq, %eq3A, %iota3A : vector<2000x64xi32>
    %convert_element_type3A = arith.extui %eq3A_20 : vector<2000x64xi1> to vector<2000x64xi32>
    %convert_element_type3A_21 = arith.sitofp %convert_element_type3A : vector<2000x64xi32> to vector<2000x64xf32>
    %dot_general3A = arith.constant dense<0.000000e+00> : vector<64x384xf32>
    %dot_general3A_22 = tpu.matmul %convert_element_type3A_21, %concatenate3A_14, %dot_general3A {dimension_numbers = #tpu.dot_dimension_numbers<[0], [0], [1], [1], [0, 1, 1, 1], [], []>, transpose_lhs_hint = false} : vector<2000x64xf32>, vector<2000x384xf32>, vector<64x384xf32> -> vector<64x384xf32>
    %eq3A_23 = arith.constant 0 : i32
    %eq3A_24 = arith.cmpi eq, %arg0, %eq3A_23 : i32
    %convert_element_type3A_25 = arith.extui %eq3A_24 : i1 to i32
    %cond3A = arith.constant 0 : i32
    %cond3A_26 = arith.cmpi ne, %convert_element_type3A_25, %cond3A : i32
    scf.if %cond3A_26 {
      %broadcast_in_dim3A_38 = arith.constant 0.000000e+00 : f32
      %broadcast_in_dim3A_39 = vector.broadcast %broadcast_in_dim3A_38 : f32 to vector<64x384xf32>
      %swap3A_40 = arith.constant 0 : index
      %swap3A_41 = arith.constant 0 : index
      %swap3A_42 = vector.load %arg7[%swap3A_40, %swap3A_41] : memref<64x384xf32, #tpu.memory_space<vmem>>, vector<64x384xf32>
      tpu.vector_store %arg7[%swap3A_40, %swap3A_41], %broadcast_in_dim3A_39 {strides = array<i32>} : memref<64x384xf32, #tpu.memory_space<vmem>>, vector<64x384xf32>,
    } else {
    }
    %get3A_27 = arith.constant 0 : index
    %get3A_28 = arith.constant 0 : index
    %get3A_29 = vector.load %arg7[%get3A_27, %get3A_28] : memref<64x384xf32, #tpu.memory_space<vmem>>, vector<64x384xf32>
    %add3A_30 = arith.addf %get3A_29, %dot_general3A_22 : vector<64x384xf32>
    %swap3A = arith.constant 0 : index
    %swap3A_31 = arith.constant 0 : index
    %swap3A_32 = vector.load %arg7[%swap3A, %swap3A_31] : memref<64x384xf32, #tpu.memory_space<vmem>>, vector<64x384xf32>
    tpu.vector_store %arg7[%swap3A, %swap3A_31], %add3A_30 {strides = array<i32>} : memref<64x384xf32, #tpu.memory_space<vmem>>, vector<64x384xf32>,
    %eq3A_33 = arith.constant 4 : i32
    %eq3A_34 = arith.cmpi eq, %arg0, %eq3A_33 : i32
    %convert_element_type3A_35 = arith.extui %eq3A_34 : i1 to i32
    %cond3A_36 = arith.constant 0 : i32
    %cond3A_37 = arith.cmpi ne, %convert_element_type3A_35, %cond3A_36 : i32
    scf.if %cond3A_37 {
      %get3A_38 = arith.constant 0 : index
      %get3A_39 = arith.constant 0 : index
      %get3A_40 = vector.load %arg7[%get3A_38, %get3A_39] : memref<64x384xf32, #tpu.memory_space<vmem>>, vector<64x256xf32>
      %get3A_41 = arith.constant 0 : index
      %get3A_42 = arith.constant 256 : index
      %get3A_43 = vector.load %arg7[%get3A_41, %get3A_42] : memref<64x384xf32, #tpu.memory_space<vmem>>, vector<64x1xf32>
      %max3A = arith.constant 1.000000e+00 : f32
      %max3A_44 = vector.broadcast %max3A : f32 to vector<64x1xf32>
      %max3A_45 = arith.maximumf %get3A_43, %max3A_44 : vector<64x1xf32>
      %div3A = vector.broadcast %max3A_45 : vector<64x1xf32> to vector<64x256xf32>
      %div3A_46 = arith.divf %get3A_40, %div3A : vector<64x256xf32>
      %swap3A_47 = arith.constant 0 : index
      %swap3A_48 = arith.constant 0 : index
      %swap3A_49 = vector.load %arg6[%swap3A_47, %swap3A_48] : memref<64x256xf32, #tpu.memory_space<vmem>>, vector<64x256xf32>
      tpu.vector_store %arg6[%swap3A_47, %swap3A_48], %div3A_46 {strides = array<i32>} : memref<64x256xf32, #tpu.memory_space<vmem>>, vector<64x256xf32>,
    } else {
    }
    return
  }
  func.func @transform_0(%arg0: i32) -> (i32, i32) {
    %c0_i32 = arith.constant 0 : i32
    %c0_i32_0 = arith.constant 0 : i32
    return %arg0, %c0_i32 : i32, i32
  }
  func.func @transform_1(%arg0: i32) -> (i32, i32) {
    %c0_i32 = arith.constant 0 : i32
    %c0_i32_0 = arith.constant 0 : i32
    return %arg0, %c0_i32 : i32, i32
  }
  func.func @transform_2(%arg0: i32) -> (i32, i32) {
    %c0_i32 = arith.constant 0 : i32
    %c0_i32_0 = arith.constant 0 : i32
    return %arg0, %c0_i32 : i32, i32
  }
  func.func @transform_3(%arg0: i32) -> (i32, i32) {
    %c0_i32 = arith.constant 0 : i32
    %c0_i32_0 = arith.constant 0 : i32
    %c0_i32_1 = arith.constant 0 : i32
    return %c0_i32, %c0_i32_0 : i32, i32
  }
  func.func @transform_4(%arg0: i32) -> (i32, i32, i32) {
    %c0_i32 = arith.constant 0 : i32
    %c0_i32_0 = arith.constant 0 : i32
    %c0_i32_1 = arith.constant 0 : i32
    return %arg0, %c0_i32, %c0_i32_0 : i32, i32, i32
  }
  func.func @transform_5(%arg0: i32) -> (i32, i32) {
    %c0_i32 = arith.constant 0 : i32
    %c0_i32_0 = arith.constant 0 : i32
    %c0_i32_1 = arith.constant 0 : i32
    return %c0_i32, %c0_i32_0 : i32, i32
  }
}

</mosaic_0001>

<sc_bundles>
// kernel: kernel.13.cloned.1.call-start
scs
__scs_entry_jumppad:
0x0: {  	(pc) =	sbr.rel $0x88, $3  }
0x1: {  	(tag) =	ssettag $0x0;
	lr =	simm.s32 $0x1  }
0x2: {  	[smem:$0x3F95] =	sst lr;
	_ =	strace $0xD0000000  }
0x3: {  	_ = 	snop  }
0x4: {  	_ = 	snop  }
0x5: {  	_ = 	snop  }
0x6: {  	_ = 	snop  }
0x7: {  	_ = 	snop  }
__scs_overlays_trampoline_lowered:
0x8: {  	[smem:$0x3FA4] =	sst s0  }
0x9: {  	[smem:$0x3FA5] =	sst s1  }
0xa: {  	[smem:$0x3FA6] =	sst s2  }
0xb: {  	[smem:$0x3FA7] =	sst s3  }
0xc: {  	[smem:$0x3FA8] =	sst s4  }
0xd: {  	[smem:$0x3FA9] =	sst s5  }
0xe: {  	[smem:$0x3FAA] =	sst s6  }
0xf: {  	[smem:$0x3FAB] =	sst s7  }
0x10: {  	[smem:$0x3FAC] =	sst s8  }
0x11: {  	[smem:$0x3FAD] =	sst s9;
	s0 =	simm.s32 @!p0 $0x0  }
0x12: {  	s1 =	sld [smem:$0x3F93];
	s0 =	simm.s32 @p0 $0x1  }
0x13: {  	[smem:$0x3FAE] =	sst s0;
	s0 =	simm.s32 @!p1 $0x0  }
0x14: {  	s2 =	sld [smem:$0x3F92];
	s0 =	simm.s32 @p1 $0x1  }
0x15: {  	[smem:$0x3FAF] =	sst s0;
	s0 =	simm.s32 @!p2 $0x0  }
0x16: {  	s3 =	sld [smem:$0x3FDB];
	s0 =	simm.s32 @p2 $0x1  }
0x17: {  	s4 =	simm.s32 $0x1BF5;
	[smem:$0x3FB1] =	sst s0  }
0x18: {  	s0 =	sld [smem:$0x3F94];
	_ =	swait.ge [sflag:s4], $0x0  }
0x19: {  	s7 =	sld [smem:$0x3F95]  }
0x1a: {  	s8 =	sadd.s32 $0xFFFFE003, lr  }
0x1b: {  	s9 =	sadd.s32 $0xFFFFFEF7, lr;
	s5 =	simm.s32 $0xFFFFFFFF;
	p2 =	slt.u32 s8, $0xFFFFF086  }
0x1c: {  	p1 =	slt.u32 s9, $0xF7A;
	s5 =	simm.s32 @!p2 $0x0  }
0x1d: {  	s5 =	simm.s32 @p1 $0x1;
	p0 =	seq.s32 s7, s2  }
0x1e: {  	s7 =	smul.u32 @!p0 $0xF7A, s2;
	p2 =	seq.s32 @!p0 s5, $0x0  }
0x1f: {  	s9 =	smul.u32 $0xF7A, s1;
	s8 =	simm.s32 @!p0 $0x1BF5;
	p2 =	por !p2, p0  }
0x20: {  	[sflag:s8] =	ssyncset.s32 @!p0 $0xFFFFF086;
	s6 =	sadd.s32 @!p0 s3, s7;
	s7 =	simm.s32 @!p0 $0x108  }
0x21: {  	s3 =	sadd.s32 s3, s9;
	s6 =	sadd.s32 @!p0 $0x88, s6;
	s7 =	simm.s32 @p2 $0x1082  }
0x22: {  	[simem:s7], [sflag:s8] =	dma.local @!p0 [hbm:s6], $0xF7A  }
0x23: {  	s9 =	sor.u32 $0xD0000000, s2;
	s6 =	simm.s32 $0x108;
	_ =	swait.ge @!p0 [sflag:s8], $0x0  }
0x24: {  	s3 =	sadd.s32 $0x88, s3;
	s6 =	simm.s32 @!p1 $0x1082;
	[sflag:s4] =	ssyncset.s32 $0xFFFFF086  }
0x25: {  	[simem:s6], [sflag:s4] =	dma.local [hbm:s3], $0xF7A  }
0x26: {  	[smem:$0x3F95] =	sst s1;
	(tag) =	ssettag s2;
	_ =	strace s9  }
0x27: {  	s1 =	sld [smem:$0x3FA5]  }
0x28: {  	s2 =	sld [smem:$0x3FA6]  }
0x29: {  	s4 =	sld [smem:$0x3FA8]  }
0x2a: {  	p0 =	seq.s32 s5, $0x0;
	s5 =	sld [smem:$0x3FA9]  }
0x2b: {  	s6 =	sld [smem:$0x3FAA]  }
0x2c: {  	s7 =	sld [smem:$0x3FAB]  }
0x2d: {  	s3 =	simm.s32 $0x108;
	s8 =	sld [smem:$0x3FAC]  }
0x2e: {  	s3 =	simm.s32 @!p0 $0x1082;
	s9 =	sld [smem:$0x3FAD]  }
0x2f: {  	lr =	sadd.s32 s0, s3;
	s0 =	sld [smem:$0x3FA4]  }
0x30: {  	s3 =	sld [smem:$0x3FA7]  }
0x31: {  	[smem:$0x3FB0] =	sst s10  }
0x32: {  	s10 =	sld [smem:$0x3FAE];
	_ =	sdelay $0x3  }
0x33: {  	p0 =	seq.s32 s10, $0x1;
	s10 =	sld [smem:$0x3FB0];
	_ =	sdelay $0x3  }
0x34: {  	[smem:$0x3FB0] =	sst s10  }
0x35: {  	s10 =	sld [smem:$0x3FAF];
	_ =	sdelay $0x3  }
0x36: {  	p1 =	seq.s32 s10, $0x1;
	s10 =	sld [smem:$0x3FB0];
	_ =	sdelay $0x3  }
0x37: {  	[smem:$0x3FB0] =	sst s10  }
0x38: {  	s10 =	sld [smem:$0x3FB1]  }
0x39: {  	_ = 	snop;
	(pc) =	sbr.ind lr, $3  }
0x3a: {  	_ = 	snop  }
0x3b: {  	_ = 	snop  }
0x3c: {  	p2 =	seq.s32 s10, $0x1;
	s10 =	sld [smem:$0x3FB0]  }
0x3d: {  	_ =	shalt  }
0x3e: {  	_ =	shalt  }
0x3f: {  	_ =	shalt  }
0x40: {  	_ =	shalt  }
0x41: {  	_ =	shalt  }
0x42: {  	_ =	shalt  }
0x43: {  	_ =	shalt  }
0x44: {  	_ =	shalt  }
0x45: {  	_ =	shalt  }
0x46: {  	_ =	shalt  }
0x47: {  	_ =	shalt  }
0x48: {  	_ =	shalt  }
0x49: {  	_ =	shalt  }
0x4a: {  	_ =	shalt  }
0x4b: {  	_ =	shalt  }
0x4c: {  	_ =	shalt  }
0x4d: {  	_ =	shalt  }
0x4e: {  	_ =	shalt  }
0x4f: {  	_ =	shalt  }
0x50: {  	_ =	shalt  }
0x51: {  	_ =	shalt  }
0x52: {  	_ =	shalt  }
0x53: {  	_ =	shalt  }
0x54: {  	_ =	shalt  }
0x55: {  	_ =	shalt  }
0x56: {  	_ =	shalt  }
0x57: {  	_ =	shalt  }
0x58: {  	_ =	shalt  }
0x59: {  	_ =	shalt  }
0x5a: {  	_ =	shalt  }
0x5b: {  	_ =	shalt  }
0x5c: {  	_ =	shalt  }
0x5d: {  	_ =	shalt  }
0x5e: {  	_ =	shalt  }
0x5f: {  	_ =	shalt  }
0x60: {  	_ =	shalt  }
0x61: {  	_ =	shalt  }
0x62: {  	_ =	shalt  }
0x63: {  	_ =	shalt  }
0x64: {  	_ =	shalt  }
0x65: {  	_ =	shalt  }
0x66: {  	_ =	shalt  }
0x67: {  	_ =	shalt  }
0x68: {  	_ =	shalt  }
0x69: {  	_ =	shalt  }
0x6a: {  	_ =	shalt  }
0x6b: {  	_ =	shalt  }
0x6c: {  	_ =	shalt  }
0x6d: {  	_ =	shalt  }
0x6e: {  	_ =	shalt  }
0x6f: {  	_ =	shalt  }
0x70: {  	_ =	shalt  }
0x71: {  	_ =	shalt  }
0x72: {  	_ =	shalt  }
0x73: {  	_ =	shalt  }
0x74: {  	_ =	shalt  }
0x75: {  	_ =	shalt  }
0x76: {  	_ =	shalt  }
0x77: {  	_ =	shalt  }
0x78: {  	_ =	shalt  }
0x79: {  	_ =	shalt  }
0x7a: {  	_ =	shalt  }
0x7b: {  	_ =	shalt  }
0x7c: {  	_ =	shalt  }
0x7d: {  	_ =	shalt  }
0x7e: {  	_ =	shalt  }
0x7f: {  	_ =	shalt  }
0x80: {  	_ =	shalt  }
0x81: {  	_ =	shalt  }
0x82: {  	_ =	shalt  }
0x83: {  	_ =	shalt  }
0x84: {  	_ =	shalt  }
0x85: {  	_ =	shalt  }
0x86: {  	_ =	shalt  }
0x87: {  	_ =	shalt  }
.Lfunc_end0:
.L_simem_size_0:
called_computation_lowered:
.L_overlay_start_0:
0x88: {  	s2 =	sld [smem:$0x3FD9]  }
0x89: {  	s3 =	sld [smem:$0x3FFE];
	_ =	sdelay $0x1  }
0x8a: {  	s1 =	srdreg.scid  }
0x8b: {  	s0 =	sand.u32 $0x1, s1  }
0x8c: {  	s16 =	sshll.u32 s0, $0xA;
	s2 =	sadd.s32 s3, s2  }
0x8d: {  	s2 =	sadd.s32 s2, s16  }
0x8e: {  	[smem:$0x3FBC] =	sst s2  }
0x8f: {  	_ = 	snop  }
0x90: {  	(tm) =	ssettm $0x1  }
0x91: {  	s17 =	sld [smem:$0x3FFB];
	_ =	sdelay $0x3  }
0x92: {  	_ =	strace s17  }
0x93: {  	s2 =	sld [smem:$0x3FFC];
	_ =	sdelay $0x3  }
0x94: {  	_ =	strace s2  }
0x95: {  	s2 =	sld [smem:$0x3FFD];
	_ =	sdelay $0x3  }
0x96: {  	_ =	strace s2  }
0x97: {  	_ =	strace $0x8FFFFFFF  }
0x98: {  	s18 =	sld [smem:$0x3FDB];
	_ =	sdelay $0x1  }
0x99: {  	s19 =	simm.s32 $_scs_section_size  }
0x9a: {  	s4 =	simm.s32 $_size__tile_overlayer_lowered;
	s5 =	simm.s32 $_tile_overlayer_lowered  }
0x9b: {  	s22 =	simm.s32 $0x1BFF;
	s21 =	sshll.u32 s5, $0x1;
	s2 =	sadd.s32 s19, s18  }
0x9c: {  	s6 =	simm.s32 $0x0;
	s20 =	sshll.u32 s4, $0x1;
	s4 =	sadd.s32 s21, s2  }
0x9d: {  	[timem:s6], [sflag:s22] =	dma.local [hbm:s4], s20  }
0x9e: {  	_ =	swait.ge [sflag:s22], s20  }
0x9f: {  	s3 =	ssub.s32 $0x0, s20;
	[sflag:s22] =	ssyncset.done $0x0  }
0xa0: {  	[sflag:s22] =	ssyncadd.s32 s3;
	_ =	sdelay $0x1  }
0xa1: {  	s23 =	simm.s32 $0x1B8B  }
0xa2: {  	_ =	swait.ge [sflag:s23], $0x1  }
0xa3: {  	[sflag:s23] =	ssyncset.done $0x0  }
0xa4: {  	s25 =	simm.s32 $0x1B8E;
	s24 =	sld [smem:$0x3FFE];
	[sflag:s23] =	ssyncadd.s32 $0xFFFFFFFF  }
0xa5: {  	s26 =	simm.s32 $execute0_lowered;
	[smem:$0x3FD2] =	sst s25  }
0xa6: {  	s4 =	sshll.u32 s26, $0x1;
	_ =	strace $0x80000046;
	[dreg:$0x1] =	wrdreg $0xFFFFFFFF  }
0xa7: {  	s28 =	simm.s32 $_size_execute0_lowered;
	s2 =	sadd.s32 s2, s4;
	[dreg:$0x0] =	wrdreg $0x0  }
0xa8: {  	s4 =	sshll.u32 s28, $0x1;
	[dreg:$0x2] =	wrdreg s2  }
0xa9: {  	[dreg:$0x3] =	wrdreg s4  }
0xaa: {  	[dreg:$0x4] =	wrdreg $0xC0  }
0xab: {  	_ =	task [dreg:s6], $0x5FFFF  }
0xac: {  	[dreg:$0x1] =	wrdreg $0xFFFFFFFF  }
0xad: {  	[dreg:$0x0] =	wrdreg $0x60  }
0xae: {  	[dreg:$0x2] =	wrdreg s24  }
0xaf: {  	[dreg:$0x3] =	wrdreg $0x7C000  }
0xb0: {  	[dreg:$0x4] =	wrdreg $0x9  }
0xb1: {  	_ =	task.clear_ibuf [dreg:s6], $0x5FFFF;
	_ =	strace $0x90000046  }
0xb2: {  	s29 =	simm.s32 $0x9;
	_ =	strace $0x80000048  }
0xb3: {  	_ =	swait.ge [sflag:s29], $0x1  }
0xb4: {  	[sflag:s29] =	ssyncadd.s32 $0xFFFFFFFF  }
0xb5: {  	_ =	strace $0x90000048  }
0xb6: {  	_ =	sfence  }
0xb7: {  	s30 =	sld [smem:$0x0];
	_ =	sdelay $0x2  }
0xb8: {  	s31 =	sshll.u32 s1, $0xD;
	s1 =	sshrl.u32 s1, $0x2  }
0xb9: {  	s3 =	sand.u32 $0x4000, s31;
	s1 =	sadd.s32 s1, s30  }
0xba: {  	s0 =	sor.u32 s3, s0;
	s1 =	sshll.u32 s1, $0x11  }
0xbb: {  	s0 =	sor.u32 s1, s0  }
0xbc: {  	s0 =	sadd.s32 $0x8F2B, s0  }
0xbd: {  	[sflag:s0] =	ssyncadd.remote.s32 $0x1  }
0xbe: {  	_ =	sfence.sel $0xFFFF  }
0xbf: {  	[dreg:$0x0] =	wrdreg $0xFFFFFFFF;
	(pc) =	sbr.abs _section_cstart, $3  }
0xc0: {  	[dreg:$0x1] =	wrdreg $0xFFFFFFFF  }
0xc1: {  	_ =	task.clear_ibuf [dreg:s6], $0x2FFFF;
	_ =	strace $0x9FFFFFFF  }
0xc2: {  	(tm) =	ssettm $0x7FFFFFFF  }
0xc3: {  	_ =	shalt  }
tec
execute0_lowered:
.L_overlay_start_1:
0x0: {  	(tag) =	ssettag $0x1  }
0x1: {  	s1 =	srdreg.scid;
	s23 =	rddreg [dreg:$0x0]  }
0x2: {  	s0 =	stileid.u32;
	s2 =	rddreg [dreg:$0x1]  }
0x3: {  	s3 =	simm.s32 $0x0;
	s25 =	simm.s32 $0x1;
	s26 =	simm.s32 $0x7D  }
0x4: {  	s28 =	simm.s32 $0x1400;
	s20 =	sand.u32 $0x1, s1;
	s5 =	smul.u32 $0x4F000, s0  }
0x5: {  	[smem:$0x7FF] =	sst s3;
	s7 =	smul.u32 $0x2780, s0;
	s12 =	sadd.s32 $0x128400, s2  }
0x6: {  	s30 =	sshll.u32 s0, $0x1;
	s13 =	sadd.s32 $0x12AC00, s2;
	s14 =	sadd.s32 $0x12D400, s2  }
0x7: {  	s1 =	rddreg [dreg:$0x2];
	s15 =	sadd.s32 $0x12FC00, s2;
	s18 =	sadd.s32 $0x137400, s2  }
0x8: {  	s21 =	sadd.s32 $0x30C80, s23;
	p0 =	seq.s32 s0, $0xF;
	s4 =	sor.u32 s20, s30  }
0x9: {  	_ =	strace $0x80000047;
	s16 =	ssub.s32 $0x2, s20;
	p4 =	seq.s32 s20, $0x1  }
0xa: {  	s6 =	smul.u32 $0x280, s4;
	s31 =	sshrl.u32 s5, $0x2;
	s22 =	sadd.s32 s7, s23  }
0xb: {  	s17 =	sshrl.u32 s16, $0x1;
	p2 =	seq.s32 @p4 s0, $0xF;
	p5 =	seq.s32 @!p4 s0, $0xF  }
0xc: {  	s4 =	sadd.s32 s31, s2;
	s24 =	ssub.s32 s16, s17;
	s16 =	sadd.s32 $0x132400, s2  }
0xd: {  	s17 =	sadd.s32 $0x134C00, s2;
	s20 =	sadd.s32 $0xBC00, s22;
	s22 =	sadd.s32 $0x32E00, s22  }
0xe: {  	p1 =	por !p2, !p4;
	p2 =	por p2, !p4;
	p3 =	por !p5, p4  }
0xf: {  	p4 =	por p5, p4;
	s19 =	sadd.s32 s6, s23;
	s5 =	sadd.s32 $0x2800, s4  }
0x10: {  	s6 =	sadd.s32 $0x5000, s4;
	s7 =	sadd.s32 $0x7800, s4;
	s8 =	sadd.s32 $0xA000, s4  }
0x11: {  	s9 =	sadd.s32 $0xC800, s4;
	s10 =	sadd.s32 $0xF000, s4;
	s11 =	sadd.s32 $0x11800, s4  }
0x12: {  	v0 =	vimm.f32 $1.000000000e+00;
	v1 =	vimm.f32 $0.0e+00;
	s23 =	sadd.s32 $0x57E80, s23;
	s24 =	smax.u32 s24, $0x1;
	s19 =	sadd.s32 $0x6C00, s19  }
.LBB2_1:
0x13: {  	s29 =	simm.s32 $0x0;
	s30 =	simm.s32 $0x200  }
.LBB2_2:
0x14: {  	p5 =	sne.s32 s30, $0xF800;
	[tilespmem:s29+$0x1470] =	vst v0  }
0x15: {  	[tilespmem:s29+$0x1400] =	vst v0  }
0x16: {  	[tilespmem:s29+$0x1410] =	vst v0  }
.Ltmp0:
0x17: {  	[tilespmem:s29+$0x1420] =	vst v0;
	(pc) =	sbr.rel @p5 .LBB2_2-.Ltmp0, $4  }
0x18: {  	[tilespmem:s29+$0x1430] =	vst v0  }
0x19: {  	[tilespmem:s29+$0x1440] =	vst v0  }
0x1a: {  	[tilespmem:s29+$0x1450] =	vst v0  }
0x1b: {  	[tilespmem:s29+$0x1460] =	vst v0;
	s29 =	sshra.s32 s30, $0x2;
	s30 =	sadd.s32 $0x200, s30  }
0x1c: {  	[tilespmem:s29+$0x1470] =	vst v0  }
0x1d: {  	[tilespmem:s29+$0x1400] =	vst v0  }
0x1e: {  	[tilespmem:s29+$0x1410] =	vst v0  }
0x1f: {  	[tilespmem:s29+$0x1420] =	vst v0  }
0x20: {  	[tilespmem:s29+$0x1430] =	vst v0  }
0x21: {  	[tilespmem:s29+$0x1440] =	vst v0  }
0x22: {  	[tilespmem:s29+$0x1450] =	vst v0  }
0x23: {  	[tilespmem:s29+$0x1460] =	vst v0;
	s29 =	simm.s32 $0x0;
	s30 =	simm.s32 $0x200  }
.LBB2_4:
0x24: {  	p5 =	sne.s32 s30, $0x9E00;
	[tilespmem:s29+$0x5470] =	vst v1  }
0x25: {  	[tilespmem:s29+$0x5400] =	vst v1  }
0x26: {  	[tilespmem:s29+$0x5410] =	vst v1  }
.Ltmp1:
0x27: {  	[tilespmem:s29+$0x5420] =	vst v1;
	(pc) =	sbr.rel @p5 .LBB2_4-.Ltmp1, $4  }
0x28: {  	[tilespmem:s29+$0x5430] =	vst v1  }
0x29: {  	[tilespmem:s29+$0x5440] =	vst v1  }
0x2a: {  	[tilespmem:s29+$0x5450] =	vst v1  }
0x2b: {  	[tilespmem:s29+$0x5460] =	vst v1;
	s29 =	sshra.s32 s30, $0x2;
	s30 =	sadd.s32 $0x200, s30  }
0x2c: {  	[tilespmem:s29+$0x5470] =	vst v1  }
0x2d: {  	[tilespmem:s29+$0x5400] =	vst v1  }
0x2e: {  	[tilespmem:s29+$0x5410] =	vst v1  }
0x2f: {  	[tilespmem:s29+$0x5420] =	vst v1  }
0x30: {  	[tilespmem:s29+$0x5430] =	vst v1  }
0x31: {  	[tilespmem:s29+$0x5440] =	vst v1  }
0x32: {  	[tilespmem:s29+$0x5450] =	vst v1  }
0x33: {  	[tilespmem:s29+$0x5460] =	vst v1;
	s29 =	simm.s32 @p0 $0x5400;
	s30 =	simm.s32 @p0 $0x1  }
0x34: {  	[spmem:s12] =	stream.linear.scatter @p0 [tilespmem:s29], [sflag:$0x1], $0x2800, $0x38;
	[tilespmem:$0x1B480] =	vst v63  }
0x35: {  	_ =	swait.ge @p0 [sflag:s30], $0x2800  }
0x36: {  	[sflag:s30] =	ssyncset.done @p0 $0x0  }
0x37: {  	[sflag:s30] =	ssyncadd.s32 @p0 $0xFFFFD800  }
0x38: {  	[spmem:s13] =	stream.linear.scatter @p0 [tilespmem:s29], [sflag:$0x1], $0x2800, $0x38;
	[tilespmem:$0x1B480] =	vst v63  }
0x39: {  	_ =	swait.ge @p0 [sflag:s30], $0x2800  }
0x3a: {  	[sflag:s30] =	ssyncset.done @p0 $0x0  }
0x3b: {  	[sflag:s30] =	ssyncadd.s32 @p0 $0xFFFFD800  }
0x3c: {  	[spmem:s14] =	stream.linear.scatter @p0 [tilespmem:s29], [sflag:$0x1], $0x2800, $0x38;
	[tilespmem:$0x1B480] =	vst v63  }
0x3d: {  	_ =	swait.ge @p0 [sflag:s30], $0x2800  }
0x3e: {  	[sflag:s30] =	ssyncset.done @p0 $0x0  }
0x3f: {  	[sflag:s30] =	ssyncadd.s32 @p0 $0xFFFFD800  }
0x40: {  	[spmem:s15] =	stream.linear.scatter @p0 [tilespmem:s29], [sflag:$0x1], $0x2800, $0x38;
	[tilespmem:$0x1B480] =	vst v63  }
0x41: {  	_ =	swait.ge @p0 [sflag:s30], $0x2800  }
0x42: {  	[sflag:s30] =	ssyncset.done @p0 $0x0  }
0x43: {  	[sflag:s30] =	ssyncadd.s32 @p0 $0xFFFFD800  }
0x44: {  	[spmem:s16] =	stream.linear.scatter @p0 [tilespmem:s29], [sflag:$0x1], $0x2800, $0x38;
	[tilespmem:$0x1B480] =	vst v63  }
0x45: {  	_ =	swait.ge @p0 [sflag:s30], $0x2800  }
0x46: {  	[sflag:s30] =	ssyncset.done @p0 $0x0  }
0x47: {  	[sflag:s30] =	ssyncadd.s32 @p0 $0xFFFFD800  }
0x48: {  	[spmem:s17] =	stream.linear.scatter @p0 [tilespmem:s29], [sflag:$0x1], $0x2800, $0x38;
	[tilespmem:$0x1B480] =	vst v63  }
0x49: {  	_ =	swait.ge @p0 [sflag:s30], $0x2800  }
0x4a: {  	[sflag:s30] =	ssyncset.done @p0 $0x0  }
0x4b: {  	[sflag:s30] =	ssyncadd.s32 @p0 $0xFFFFD800  }
0x4c: {  	[spmem:s18] =	stream.linear.scatter @p0 [tilespmem:s29], [sflag:$0x1], $0x1400, $0x38;
	[tilespmem:$0x1B480] =	vst v63  }
0x4d: {  	_ =	swait.ge @p0 [sflag:s30], $0x1400  }
0x4e: {  	[sflag:s30] =	ssyncset.done @p0 $0x0  }
0x4f: {  	s29 =	simm.s32 @!p0 $0x5400;
	[sflag:s30] =	ssyncadd.s32 @p0 $0xFFFFEC00;
	s30 =	simm.s32 @!p0 $0x1  }
0x50: {  	[spmem:s4] =	stream.linear.scatter @!p0 [tilespmem:s29], [sflag:$0x1], $0x2800, $0x38;
	[tilespmem:$0x1B480] =	vst v63  }
0x51: {  	_ =	swait.ge @!p0 [sflag:s30], $0x2800  }
0x52: {  	[sflag:s30] =	ssyncset.done @!p0 $0x0  }
0x53: {  	[sflag:s30] =	ssyncadd.s32 @!p0 $0xFFFFD800  }
0x54: {  	[spmem:s5] =	stream.linear.scatter @!p0 [tilespmem:s29], [sflag:$0x1], $0x2800, $0x38;
	[tilespmem:$0x1B480] =	vst v63  }
0x55: {  	_ =	swait.ge @!p0 [sflag:s30], $0x2800  }
0x56: {  	[sflag:s30] =	ssyncset.done @!p0 $0x0  }
0x57: {  	[sflag:s30] =	ssyncadd.s32 @!p0 $0xFFFFD800  }
0x58: {  	[spmem:s6] =	stream.linear.scatter @!p0 [tilespmem:s29], [sflag:$0x1], $0x2800, $0x38;
	[tilespmem:$0x1B480] =	vst v63  }
0x59: {  	_ =	swait.ge @!p0 [sflag:s30], $0x2800  }
0x5a: {  	[sflag:s30] =	ssyncset.done @!p0 $0x0  }
0x5b: {  	[sflag:s30] =	ssyncadd.s32 @!p0 $0xFFFFD800  }
0x5c: {  	[spmem:s7] =	stream.linear.scatter @!p0 [tilespmem:s29], [sflag:$0x1], $0x2800, $0x38;
	[tilespmem:$0x1B480] =	vst v63  }
0x5d: {  	_ =	swait.ge @!p0 [sflag:s30], $0x2800  }
0x5e: {  	[sflag:s30] =	ssyncset.done @!p0 $0x0  }
0x5f: {  	[sflag:s30] =	ssyncadd.s32 @!p0 $0xFFFFD800  }
0x60: {  	[spmem:s8] =	stream.linear.scatter @!p0 [tilespmem:s29], [sflag:$0x1], $0x2800, $0x38;
	[tilespmem:$0x1B480] =	vst v63  }
0x61: {  	_ =	swait.ge @!p0 [sflag:s30], $0x2800  }
0x62: {  	[sflag:s30] =	ssyncset.done @!p0 $0x0  }
0x63: {  	[sflag:s30] =	ssyncadd.s32 @!p0 $0xFFFFD800  }
0x64: {  	[spmem:s9] =	stream.linear.scatter @!p0 [tilespmem:s29], [sflag:$0x1], $0x2800, $0x38;
	[tilespmem:$0x1B480] =	vst v63  }
0x65: {  	_ =	swait.ge @!p0 [sflag:s30], $0x2800  }
0x66: {  	[sflag:s30] =	ssyncset.done @!p0 $0x0  }
0x67: {  	[sflag:s30] =	ssyncadd.s32 @!p0 $0xFFFFD800  }
0x68: {  	[spmem:s10] =	stream.linear.scatter @!p0 [tilespmem:s29], [sflag:$0x1], $0x2800, $0x38;
	[tilespmem:$0x1B480] =	vst v63  }
0x69: {  	_ =	swait.ge @!p0 [sflag:s30], $0x2800  }
0x6a: {  	[sflag:s30] =	ssyncset.done @!p0 $0x0  }
0x6b: {  	[sflag:s30] =	ssyncadd.s32 @!p0 $0xFFFFD800  }
0x6c: {  	[spmem:s11] =	stream.linear.scatter @!p0 [tilespmem:s29], [sflag:$0x1], $0x2400, $0x38;
	[tilespmem:$0x1B480] =	vst v63  }
0x6d: {  	_ =	swait.ge @!p0 [sflag:s30], $0x2400  }
0x6e: {  	[sflag:s30] =	ssyncset.done @!p0 $0x0  }
0x6f: {  	s29 =	simm.s32 $0x0;
	[sflag:s30] =	ssyncadd.s32 @!p0 $0xFFFFDC00  }
0x70: {  	[tilespmem:s29], [sflag:$0x1] =	stream.linear.gather [hbm4b:s19+s29], $0x1400, $0x38;
	[tilespmem:$0x1B480] =	vst v63  }
0x71: {  	_ =	swait.ge [sflag:s25], $0x1400  }
0x72: {  	[sflag:s25] =	ssyncset.done $0x0  }
0x73: {  	[sflag:s25] =	ssyncadd.s32 $0xFFFFEC00  }
0x74: {  	s29 =	simm.s32 $0x0;
	[bflag:$0x0] =	sbarrier.arrive $0xFFFF  }
0x75: {  	[spmem:s2] =	stream.indirect.scatter.add.f32 [tilespmem:s28], [sflag:$0x1], $0x80, s29, s26, $0xb8;
	[tilespmem:$0x1B480] =	vst v63  }
0x76: {  	_ =	swait.ge [sflag:s25], $0x3E80  }
0x77: {  	s29 =	simm.s32 $0x200;
	[sflag:s25] =	ssyncset.done $0x0  }
.LBB2_6:
0x78: {  	s30 =	sshra.s32 s29, $0x2;
	[sflag:s25] =	ssyncadd.s32 $0xFFFFC180;
	p5 =	sne.s32 s29, $0x4E00  }
0x79: {  	[spmem:s2] =	stream.indirect.scatter.add.f32 [tilespmem:s28], [sflag:$0x1], $0x80, s30, s26, $0xb8;
	[tilespmem:$0x1B480] =	vst v63  }
.Ltmp2:
0x7a: {  	_ = 	snop;
	(pc) =	sbr.rel @p5 .LBB2_6-.Ltmp2, $4  }
0x7b: {  	_ = 	snop  }
0x7c: {  	s29 =	sadd.s32 $0x200, s29  }
0x7d: {  	_ =	swait.ge [sflag:s25], $0x3E80  }
0x7e: {  	[sflag:s25] =	ssyncset.done $0x0  }
0x7f: {  	[sflag:s25] =	ssyncadd.s32 $0xFFFFC180  }
0x80: {  	s29 =	sshrl.u32 @!p1 s12, $0x3;
	s30 =	simm.s32 @!p1 $0x1FC1;
	[bflag:$0x0] =	sbarrier.arrive $0xFFFF  }
0x81: {  	[hbm:s23], [sflag:s30] =	dma.local @!p1 [spmem:s29], $0x2080  }
0x82: {  	s29 =	simm.s32 @!p1 $0x1  }
0x83: {  	_ =	swait.ge @!p1 [sflag:s29], $0x2080  }
0x84: {  	s30 =	sshll.u32 @!p2 s0, $0x6;
	[sflag:s29] =	ssyncset.done @!p1 $0x0  }
0x85: {  	[sflag:s29] =	ssyncadd.s32 @!p1 $0xFFFFDF80;
	s29 =	sor.u32 @!p2 $0x1C01, s30;
	s30 =	sshrl.u32 @!p2 s4, $0x3  }
0x86: {  	[hbm:s22], [sflag:s29] =	dma.local @!p2 [spmem:s30], $0x2780  }
0x87: {  	s29 =	simm.s32 @!p2 $0x1  }
0x88: {  	_ =	swait.ge @!p2 [sflag:s29], $0x2780  }
0x89: {  	[sflag:s29] =	ssyncset.done @!p2 $0x0  }
0x8a: {  	s30 =	simm.s32 @!p3 $0x1FC1;
	[sflag:s29] =	ssyncadd.s32 @!p2 $0xFFFFD880;
	s29 =	sshrl.u32 @!p3 s12, $0x3  }
0x8b: {  	[hbm:s21], [sflag:s30] =	dma.local @!p3 [spmem:s29], $0x2080  }
0x8c: {  	s29 =	simm.s32 @!p3 $0x1  }
0x8d: {  	s3 =	sadd.s32 $0x1, s3;
	_ =	swait.ge @!p3 [sflag:s29], $0x2080  }
0x8e: {  	p5 =	sne.s32 s3, s24;
	s30 =	sshll.u32 @!p4 s0, $0x6;
	[sflag:s29] =	ssyncset.done @!p3 $0x0  }
0x8f: {  	[sflag:s29] =	ssyncadd.s32 @!p3 $0xFFFFDF80;
	s29 =	sor.u32 @!p4 $0x1C01, s30;
	s30 =	sshrl.u32 @!p4 s4, $0x3  }
0x90: {  	[hbm:s20], [sflag:s29] =	dma.local @!p4 [spmem:s30], $0x2780  }
.Ltmp3:
0x91: {  	_ = 	snop;
	(pc) =	sbr.rel @p5 .LBB2_1-.Ltmp3, $4  }
0x92: {  	s29 =	simm.s32 @!p4 $0x1  }
0x93: {  	_ =	swait.ge @!p4 [sflag:s29], $0x2780  }
0x94: {  	[sflag:s29] =	ssyncset.done @!p4 $0x0  }
0x95: {  	[sflag:s29] =	ssyncadd.s32 @!p4 $0xFFFFD880  }
0x96: {  	_ =	sfence.sel $0x180000  }
0x97: {  	[bflag:$0x0] =	sbarrier.arrive $0xFFFF  }
0x98: {  	p0 =	sne.s32 s0, $0x0;
	_ =	strace $0x90000047  }
0x99: {  	s0 =	sadd.s32 @!p0 $0x100000, s1;
	[bflag:$0x2] =	sbarrier.arrive $0xFFFF  }
0x9a: {  	[sflag:s0] =	ssyncadd.tile.s32 @!p0 $0x1;
	_ =	shalt  }
.Lfunc_end2:
_tile_overlayer_lowered:
.L_overlay_start_2:
0x9b: {  	(tag) =	ssettag $0x2  }
0x9c: {  	s0 =	rddreg [dreg:$0x0];
	s2 =	stileid.u32  }
0x9d: {  	s1 =	rddreg [dreg:$0x1];
	p0 =	sne.s32 s2, $0x0  }
0x9e: {  	s3 =	rddreg [dreg:$0x2];
	[bflag:$0x3] =	sbarrier.arrive $0xFFFF;
	s2 =	simm.s32 @!p0 $0x1C01  }
0x9f: {  	[timem:s3], [sflag:s2] =	dma.local @!p0 [hbm:s0], s1  }
0xa0: {  	s0 =	simm.s32 @!p0 $0x1  }
0xa1: {  	_ =	swait.ge @!p0 [sflag:s0], s1  }
0xa2: {  	s1 =	ssub.s32 @!p0 $0x0, s1;
	[sflag:s0] =	ssyncset.done @!p0 $0x0  }
0xa3: {  	[sflag:s0] =	ssyncadd.s32 @!p0 s1  }
0xa4: {  	[bflag:$0x3] =	sbarrier.arrive $0xFFFF  }
0xa5: {  	_ =	shalt  }

// kernel: kernel.16.cloned.1.call-start
scs
__scs_entry_jumppad:
0x0: {  	(pc) =	sbr.rel $0x88, $3  }
0x1: {  	(tag) =	ssettag $0x0;
	lr =	simm.s32 $0x1  }
0x2: {  	[smem:$0x3F95] =	sst lr;
	_ =	strace $0xD0000000  }
0x3: {  	_ = 	snop  }
0x4: {  	_ = 	snop  }
0x5: {  	_ = 	snop  }
0x6: {  	_ = 	snop  }
0x7: {  	_ = 	snop  }
__scs_overlays_trampoline_lowered:
0x8: {  	[smem:$0x3FA4] =	sst s0  }
0x9: {  	[smem:$0x3FA5] =	sst s1  }
0xa: {  	[smem:$0x3FA6] =	sst s2  }
0xb: {  	[smem:$0x3FA7] =	sst s3  }
0xc: {  	[smem:$0x3FA8] =	sst s4  }
0xd: {  	[smem:$0x3FA9] =	sst s5  }
0xe: {  	[smem:$0x3FAA] =	sst s6  }
0xf: {  	[smem:$0x3FAB] =	sst s7  }
0x10: {  	[smem:$0x3FAC] =	sst s8  }
0x11: {  	[smem:$0x3FAD] =	sst s9;
	s0 =	simm.s32 @!p0 $0x0  }
0x12: {  	s1 =	sld [smem:$0x3F93];
	s0 =	simm.s32 @p0 $0x1  }
0x13: {  	[smem:$0x3FAE] =	sst s0;
	s0 =	simm.s32 @!p1 $0x0  }
0x14: {  	s2 =	sld [smem:$0x3F92];
	s0 =	simm.s32 @p1 $0x1  }
0x15: {  	[smem:$0x3FAF] =	sst s0;
	s0 =	simm.s32 @!p2 $0x0  }
0x16: {  	s3 =	sld [smem:$0x3FDB];
	s0 =	simm.s32 @p2 $0x1  }
0x17: {  	s4 =	simm.s32 $0x1BF5;
	[smem:$0x3FB1] =	sst s0  }
0x18: {  	s0 =	sld [smem:$0x3F94];
	_ =	swait.ge [sflag:s4], $0x0  }
0x19: {  	s7 =	sld [smem:$0x3F95]  }
0x1a: {  	s8 =	sadd.s32 $0xFFFFE003, lr  }
0x1b: {  	s9 =	sadd.s32 $0xFFFFFEF7, lr;
	s5 =	simm.s32 $0xFFFFFFFF;
	p2 =	slt.u32 s8, $0xFFFFF086  }
0x1c: {  	p1 =	slt.u32 s9, $0xF7A;
	s5 =	simm.s32 @!p2 $0x0  }
0x1d: {  	s5 =	simm.s32 @p1 $0x1;
	p0 =	seq.s32 s7, s2  }
0x1e: {  	s7 =	smul.u32 @!p0 $0xF7A, s2;
	p2 =	seq.s32 @!p0 s5, $0x0  }
0x1f: {  	s9 =	smul.u32 $0xF7A, s1;
	s8 =	simm.s32 @!p0 $0x1BF5;
	p2 =	por !p2, p0  }
0x20: {  	[sflag:s8] =	ssyncset.s32 @!p0 $0xFFFFF086;
	s6 =	sadd.s32 @!p0 s3, s7;
	s7 =	simm.s32 @!p0 $0x108  }
0x21: {  	s3 =	sadd.s32 s3, s9;
	s6 =	sadd.s32 @!p0 $0x88, s6;
	s7 =	simm.s32 @p2 $0x1082  }
0x22: {  	[simem:s7], [sflag:s8] =	dma.local @!p0 [hbm:s6], $0xF7A  }
0x23: {  	s9 =	sor.u32 $0xD0000000, s2;
	s6 =	simm.s32 $0x108;
	_ =	swait.ge @!p0 [sflag:s8], $0x0  }
0x24: {  	s3 =	sadd.s32 $0x88, s3;
	s6 =	simm.s32 @!p1 $0x1082;
	[sflag:s4] =	ssyncset.s32 $0xFFFFF086  }
0x25: {  	[simem:s6], [sflag:s4] =	dma.local [hbm:s3], $0xF7A  }
0x26: {  	[smem:$0x3F95] =	sst s1;
	(tag) =	ssettag s2;
	_ =	strace s9  }
0x27: {  	s1 =	sld [smem:$0x3FA5]  }
0x28: {  	s2 =	sld [smem:$0x3FA6]  }
0x29: {  	s4 =	sld [smem:$0x3FA8]  }
0x2a: {  	p0 =	seq.s32 s5, $0x0;
	s5 =	sld [smem:$0x3FA9]  }
0x2b: {  	s6 =	sld [smem:$0x3FAA]  }
0x2c: {  	s7 =	sld [smem:$0x3FAB]  }
0x2d: {  	s3 =	simm.s32 $0x108;
	s8 =	sld [smem:$0x3FAC]  }
0x2e: {  	s3 =	simm.s32 @!p0 $0x1082;
	s9 =	sld [smem:$0x3FAD]  }
0x2f: {  	lr =	sadd.s32 s0, s3;
	s0 =	sld [smem:$0x3FA4]  }
0x30: {  	s3 =	sld [smem:$0x3FA7]  }
0x31: {  	[smem:$0x3FB0] =	sst s10  }
0x32: {  	s10 =	sld [smem:$0x3FAE];
	_ =	sdelay $0x3  }
0x33: {  	p0 =	seq.s32 s10, $0x1;
	s10 =	sld [smem:$0x3FB0];
	_ =	sdelay $0x3  }
0x34: {  	[smem:$0x3FB0] =	sst s10  }
0x35: {  	s10 =	sld [smem:$0x3FAF];
	_ =	sdelay $0x3  }
0x36: {  	p1 =	seq.s32 s10, $0x1;
	s10 =	sld [smem:$0x3FB0];
	_ =	sdelay $0x3  }
0x37: {  	[smem:$0x3FB0] =	sst s10  }
0x38: {  	s10 =	sld [smem:$0x3FB1]  }
0x39: {  	_ = 	snop;
	(pc) =	sbr.ind lr, $3  }
0x3a: {  	_ = 	snop  }
0x3b: {  	_ = 	snop  }
0x3c: {  	p2 =	seq.s32 s10, $0x1;
	s10 =	sld [smem:$0x3FB0]  }
0x3d: {  	_ =	shalt  }
0x3e: {  	_ =	shalt  }
0x3f: {  	_ =	shalt  }
0x40: {  	_ =	shalt  }
0x41: {  	_ =	shalt  }
0x42: {  	_ =	shalt  }
0x43: {  	_ =	shalt  }
0x44: {  	_ =	shalt  }
0x45: {  	_ =	shalt  }
0x46: {  	_ =	shalt  }
0x47: {  	_ =	shalt  }
0x48: {  	_ =	shalt  }
0x49: {  	_ =	shalt  }
0x4a: {  	_ =	shalt  }
0x4b: {  	_ =	shalt  }
0x4c: {  	_ =	shalt  }
0x4d: {  	_ =	shalt  }
0x4e: {  	_ =	shalt  }
0x4f: {  	_ =	shalt  }
0x50: {  	_ =	shalt  }
0x51: {  	_ =	shalt  }
0x52: {  	_ =	shalt  }
0x53: {  	_ =	shalt  }
0x54: {  	_ =	shalt  }
0x55: {  	_ =	shalt  }
0x56: {  	_ =	shalt  }
0x57: {  	_ =	shalt  }
0x58: {  	_ =	shalt  }
0x59: {  	_ =	shalt  }
0x5a: {  	_ =	shalt  }
0x5b: {  	_ =	shalt  }
0x5c: {  	_ =	shalt  }
0x5d: {  	_ =	shalt  }
0x5e: {  	_ =	shalt  }
0x5f: {  	_ =	shalt  }
0x60: {  	_ =	shalt  }
0x61: {  	_ =	shalt  }
0x62: {  	_ =	shalt  }
0x63: {  	_ =	shalt  }
0x64: {  	_ =	shalt  }
0x65: {  	_ =	shalt  }
0x66: {  	_ =	shalt  }
0x67: {  	_ =	shalt  }
0x68: {  	_ =	shalt  }
0x69: {  	_ =	shalt  }
0x6a: {  	_ =	shalt  }
0x6b: {  	_ =	shalt  }
0x6c: {  	_ =	shalt  }
0x6d: {  	_ =	shalt  }
0x6e: {  	_ =	shalt  }
0x6f: {  	_ =	shalt  }
0x70: {  	_ =	shalt  }
0x71: {  	_ =	shalt  }
0x72: {  	_ =	shalt  }
0x73: {  	_ =	shalt  }
0x74: {  	_ =	shalt  }
0x75: {  	_ =	shalt  }
0x76: {  	_ =	shalt  }
0x77: {  	_ =	shalt  }
0x78: {  	_ =	shalt  }
0x79: {  	_ =	shalt  }
0x7a: {  	_ =	shalt  }
0x7b: {  	_ =	shalt  }
0x7c: {  	_ =	shalt  }
0x7d: {  	_ =	shalt  }
0x7e: {  	_ =	shalt  }
0x7f: {  	_ =	shalt  }
0x80: {  	_ =	shalt  }
0x81: {  	_ =	shalt  }
0x82: {  	_ =	shalt  }
0x83: {  	_ =	shalt  }
0x84: {  	_ =	shalt  }
0x85: {  	_ =	shalt  }
0x86: {  	_ =	shalt  }
0x87: {  	_ =	shalt  }
.Lfunc_end0:
.L_simem_size_0:
called_computation.1_lowered:
.L_overlay_start_0:
0x88: {  	s2 =	sld [smem:$0x3FD9]  }
0x89: {  	s3 =	sld [smem:$0x3FFE];
	_ =	sdelay $0x1  }
0x8a: {  	s1 =	srdreg.scid  }
0x8b: {  	s0 =	sand.u32 $0x1, s1  }
0x8c: {  	s16 =	sshll.u32 s0, $0xA;
	s2 =	sadd.s32 s3, s2  }
0x8d: {  	s2 =	sadd.s32 s2, s16  }
0x8e: {  	[smem:$0x3FBC] =	sst s2  }
0x8f: {  	_ = 	snop  }
0x90: {  	(tm) =	ssettm $0x1  }
0x91: {  	s17 =	sld [smem:$0x3FFB];
	_ =	sdelay $0x3  }
0x92: {  	_ =	strace s17  }
0x93: {  	s2 =	sld [smem:$0x3FFC];
	_ =	sdelay $0x3  }
0x94: {  	_ =	strace s2  }
0x95: {  	s2 =	sld [smem:$0x3FFD];
	_ =	sdelay $0x3  }
0x96: {  	_ =	strace s2  }
0x97: {  	_ =	strace $0x8FFFFFFF  }
0x98: {  	s18 =	sld [smem:$0x3FDB];
	_ =	sdelay $0x1  }
0x99: {  	s19 =	simm.s32 $_scs_section_size  }
0x9a: {  	s4 =	simm.s32 $_size__tile_overlayer_lowered;
	s5 =	simm.s32 $_tile_overlayer_lowered  }
0x9b: {  	s22 =	simm.s32 $0x1BFF;
	s21 =	sshll.u32 s5, $0x1;
	s2 =	sadd.s32 s19, s18  }
0x9c: {  	s6 =	simm.s32 $0x0;
	s20 =	sshll.u32 s4, $0x1;
	s4 =	sadd.s32 s21, s2  }
0x9d: {  	[timem:s6], [sflag:s22] =	dma.local [hbm:s4], s20  }
0x9e: {  	_ =	swait.ge [sflag:s22], s20  }
0x9f: {  	s3 =	ssub.s32 $0x0, s20;
	[sflag:s22] =	ssyncset.done $0x0  }
0xa0: {  	[sflag:s22] =	ssyncadd.s32 s3;
	_ =	sdelay $0x1  }
0xa1: {  	s23 =	simm.s32 $0x1B8B  }
0xa2: {  	_ =	swait.ge [sflag:s23], $0x1  }
0xa3: {  	[sflag:s23] =	ssyncset.done $0x0  }
0xa4: {  	s25 =	simm.s32 $0x1B8E;
	s24 =	sld [smem:$0x3FFE];
	[sflag:s23] =	ssyncadd.s32 $0xFFFFFFFF  }
0xa5: {  	s26 =	simm.s32 $execute0_lowered;
	[smem:$0x3FD2] =	sst s25  }
0xa6: {  	s4 =	sshll.u32 s26, $0x1;
	_ =	strace $0x80000049;
	[dreg:$0x1] =	wrdreg $0xFFFFFFFF  }
0xa7: {  	s28 =	simm.s32 $_size_execute0_lowered;
	s2 =	sadd.s32 s2, s4;
	[dreg:$0x0] =	wrdreg $0x0  }
0xa8: {  	s4 =	sshll.u32 s28, $0x1;
	[dreg:$0x2] =	wrdreg s2  }
0xa9: {  	[dreg:$0x3] =	wrdreg s4  }
0xaa: {  	[dreg:$0x4] =	wrdreg $0xC0  }
0xab: {  	_ =	task [dreg:s6], $0x5FFFF  }
0xac: {  	[dreg:$0x1] =	wrdreg $0xFFFFFFFF  }
0xad: {  	[dreg:$0x0] =	wrdreg $0x60  }
0xae: {  	[dreg:$0x2] =	wrdreg s24  }
0xaf: {  	[dreg:$0x3] =	wrdreg $0xBC000  }
0xb0: {  	[dreg:$0x4] =	wrdreg $0x9  }
0xb1: {  	_ =	task.clear_ibuf [dreg:s6], $0x5FFFF;
	_ =	strace $0x90000049  }
0xb2: {  	s29 =	simm.s32 $0x9;
	_ =	strace $0x8000004B  }
0xb3: {  	_ =	swait.ge [sflag:s29], $0x1  }
0xb4: {  	[sflag:s29] =	ssyncadd.s32 $0xFFFFFFFF  }
0xb5: {  	_ =	strace $0x9000004B  }
0xb6: {  	_ =	sfence  }
0xb7: {  	s30 =	sld [smem:$0x0];
	_ =	sdelay $0x2  }
0xb8: {  	s31 =	sshll.u32 s1, $0xD;
	s1 =	sshrl.u32 s1, $0x2  }
0xb9: {  	s3 =	sand.u32 $0x4000, s31;
	s1 =	sadd.s32 s1, s30  }
0xba: {  	s0 =	sor.u32 s3, s0;
	s1 =	sshll.u32 s1, $0x11  }
0xbb: {  	s0 =	sor.u32 s1, s0  }
0xbc: {  	s0 =	sadd.s32 $0x8F2B, s0  }
0xbd: {  	[sflag:s0] =	ssyncadd.remote.s32 $0x1  }
0xbe: {  	_ =	sfence.sel $0xFFFF  }
0xbf: {  	[dreg:$0x0] =	wrdreg $0xFFFFFFFF;
	(pc) =	sbr.abs _section_cstart, $3  }
0xc0: {  	[dreg:$0x1] =	wrdreg $0xFFFFFFFF  }
0xc1: {  	_ =	task.clear_ibuf [dreg:s6], $0x2FFFF;
	_ =	strace $0x9FFFFFFF  }
0xc2: {  	(tm) =	ssettm $0x7FFFFFFF  }
0xc3: {  	_ =	shalt  }
tec
execute0_lowered:
.L_overlay_start_1:
0x0: {  	(tag) =	ssettag $0x1  }
0x1: {  	s0 =	rddreg [dreg:$0x0]  }
0x2: {  	s2 =	rddreg [dreg:$0x1];
	s15 =	simm.s32 $0x0  }
0x3: {  	s3 =	stileid.u32;
	s1 =	srdreg.scid;
	s30 =	simm.s32 $0x2  }
0x4: {  	s31 =	simm.s32 $0x4;
	[smem:$0x7FF] =	sst s15;
	s4 =	smul.u32 $0x500, s3  }
0x5: {  	s5 =	sadd.s32 $0xBC00, s0;
	s8 =	smul.u32 $0x2780, s3;
	s1 =	sand.u32 $0x1, s1  }
0x6: {  	s6 =	sadd.s32 $0x32E00, s0;
	s10 =	smul.u32 $0x4F000, s3;
	s7 =	sadd.s32 $0x6C00, s0  }
0x7: {  	s21 =	sadd.s32 $0x30C80, s0;
	s23 =	sadd.s32 $0xAB280, s0;
	s24 =	sadd.s32 $0x57E80, s0  }
0x8: {  	s26 =	sadd.s32 $0xD2480, s0;
	_ =	strace $0x8000004A;
	[dreg:$0x6] =	wrdreg s21  }
0x9: {  	p1 =	seq.s32 s3, $0xF;
	s9 =	ssub.s32 $0x2, s1;
	[dreg:$0x8] =	wrdreg s23  }
0xa: {  	p0 =	seq.s32 s1, $0x1;
	s1 =	sadd.s32 $0x128400, s2;
	[dreg:$0xa] =	wrdreg s24  }
0xb: {  	[dreg:$0xc] =	wrdreg s26;
	s21 =	simm.s32 $0x5;
	s20 =	sadd.s32 s5, s8  }
0xc: {  	s13 =	sadd.s32 s8, s0;
	s8 =	sadd.s32 s6, s8;
	[dreg:$0x5] =	wrdreg s20  }
0xd: {  	s11 =	sadd.s32 s4, s0;
	s29 =	sadd.s32 s4, s7;
	[dreg:$0x9] =	wrdreg s8  }
0xe: {  	s12 =	sshrl.u32 s9, $0x1;
	s0 =	sadd.s32 $0x6C70, s0;
	[dreg:$0xe] =	wrdreg s29  }
0xf: {  	s10 =	sshrl.u32 s10, $0x2;
	s11 =	sadd.s32 $0x5A000, s11;
	[dreg:$0xf] =	wrdreg s0  }
.Ltmp0:
0x10: {  	s19 =	sadd.s32 s10, s2;
	[dreg:$0x3] =	wrdreg s11;
	(pc) =	sbr.rel .LBB2_1-.Ltmp0, $4  }
0x11: {  	s24 =	sshrl.u32 @p1 s1, $0x3;
	s22 =	sadd.s32 $0x86200, s13;
	[dreg:$0x4] =	wrdreg s19  }
0x12: {  	s9 =	ssub.s32 s9, s12;
	s25 =	sadd.s32 $0xAD400, s13;
	[dreg:$0x7] =	wrdreg s22  }
0x13: {  	s0 =	simm.s32 $0x0;
	[dreg:$0xb] =	wrdreg s25;
	s28 =	smax.u32 s9, $0x1  }
0x14: {  	s22 =	simm.s32 $0x7D;
	s9 =	simm.s32 $0x7C00;
	[dreg:$0xd] =	wrdreg s28  }
.LBB2_4:
0x15: {  	[sflag:s8] =	ssyncadd.s32 $0xFFFFC180;
	s1 =	sadd.s32 $0x1, s1  }
0x16: {  	[spmem:s2] =	stream.indirect.scatter.add.f32 [tilespmem:s18], [sflag:s9], $0x80, s23, s22, $0xb8;
	[tilespmem:$0x1F480] =	vst v63  }
0x17: {  	s3 =	sadd.s32 $0x10, s16;
	s28 =	simm.s32 $0x3;
	p2 =	sne.s32 s1, $0x28  }
0x18: {  	_ =	swait.ge [sflag:s28], $0x3E80;
	s1 =	sadd.s32 @!p2 s3, s4;
	s8 =	simm.s32 @!p2 $0x2800  }
0x19: {  	[sflag:s28] =	ssyncset.done $0x0;
	s1 =	sand.u32 @!p2 $0xFF80, s1;
	s3 =	rddreg [dreg:$0xf]  }
0x1a: {  	[sflag:s28] =	ssyncadd.s32 $0xFFFFC180;
	s1 =	sadd.s32 @!p2 s1, s3;
	s3 =	simm.s32 @!p2 $0x0  }
0x1b: {  	[tilespmem:s8], [sflag:$0x5] =	stream.linear.gather @!p2 [hbm4b:s1+s3], $0x1400, $0x38;
	[tilespmem:$0x1F480] =	vst v63  }
0x1c: {  	s1 =	simm.s32 @!p2 $0x5  }
0x1d: {  	_ =	swait.ge @!p2 [sflag:s1], $0x1400  }
0x1e: {  	[sflag:s1] =	ssyncset.done @!p2 $0x0  }
0x1f: {  	[sflag:s1] =	ssyncadd.s32 @!p2 $0xFFFFEC00  }
0x20: {  	_ =	swait.ge [sflag:s30], $0x3E80  }
0x21: {  	[sflag:s30] =	ssyncset.done $0x0  }
0x22: {  	s29 =	sadd.s32 $0x80, s26;
	s9 =	simm.s32 $0x7C00;
	[sflag:s30] =	ssyncadd.s32 $0xFFFFC180  }
0x23: {  	[spmem:s2] =	stream.indirect.scatter.add.f32 [tilespmem:s9], [sflag:$0x4], $0x80, s29, s22, $0xb8;
	[tilespmem:$0x1F480] =	vst v63  }
0x24: {  	_ =	swait.ge [sflag:s31], $0x3E80  }
0x25: {  	[sflag:s31] =	ssyncset.done $0x0  }
0x26: {  	[sflag:s31] =	ssyncadd.s32 $0xFFFFC180  }
0x27: {  	[bflag:$0x0] =	sbarrier.arrive $0xFFFF  }
0x28: {  	s1 =	rddreg [dreg:$0x8]  }
0x29: {  	[hbm:s1], [sflag:s12] =	dma.local @p1 [spmem:s24], $0x2080  }
0x2a: {  	_ =	swait.ge @p1 [sflag:s11], $0x2080  }
0x2b: {  	[sflag:s11] =	ssyncset.done @p1 $0x0  }
0x2c: {  	s1 =	rddreg [dreg:$0x7];
	[sflag:s11] =	ssyncadd.s32 @p1 $0xFFFFDF80  }
0x2d: {  	[hbm:s1], [sflag:s14] =	dma.local @!p1 [spmem:s10], $0x2780  }
0x2e: {  	_ =	swait.ge @!p1 [sflag:s13], $0x2780  }
0x2f: {  	[sflag:s13] =	ssyncset.done @!p1 $0x0  }
0x30: {  	[sflag:s13] =	ssyncadd.s32 @!p1 $0xFFFFD880  }
.LBB2_8:
0x31: {  	s0 =	sadd.s32 $0x1, s0;
	s1 =	rddreg [dreg:$0xd]  }
0x32: {  	p2 =	sne.s32 s0, s1  }
.Ltmp1:
0x33: {  	_ = 	snop;
	(pc) =	sbr.rel @!p2 .LBB2_9-.Ltmp1, $2  }
0x34: {  	_ =	sdelay $0x2  }
0x35: {  	s15 =	simm.s32 $0x0  }
.LBB2_1:
.Ltmp2:
0x36: {  	s1 =	rddreg [dreg:$0x3];
	(pc) =	sbr.rel @!p0 .LBB2_2-.Ltmp2, $4  }
0x37: {  	[tilespmem:s15], [sflag:$0x5] =	stream.linear.gather [hbm4b:s1+s15], $0x2800, $0x38;
	[tilespmem:$0x1F480] =	vst v63  }
0x38: {  	s8 =	simm.s32 $0x3C00;
	_ =	swait.ge [sflag:s21], $0x2800  }
0x39: {  	s1 =	stileid.u32;
	[sflag:s21] =	ssyncset.done $0x0;
	s3 =	rddreg [dreg:$0x4]  }
0x3a: {  	s1 =	sshll.u32 @!p1 s1, $0x6;
	[sflag:s21] =	ssyncadd.s32 $0xFFFFD800;
	s10 =	sshrl.u32 @!p1 s3, $0x3  }
0x3b: {  	[tilespmem:s8], [sflag:$0x1] =	stream.indirect.gather [hbm4b:s6+s22], $0x80, s15, s22, $0xb8;
	[tilespmem:$0x1F480] =	vst v63  }
0x3c: {  	s12 =	simm.s32 @p1 $0x1FC5;
	s3 =	rddreg [dreg:$0xa];
	s11 =	simm.s32 @p1 $0x5  }
0x3d: {  	[spmem:s24], [sflag:s12] =	dma.local @p1 [hbm:s3], $0x2080  }
0x3e: {  	_ =	swait.ge @p1 [sflag:s11], $0x2080  }
0x3f: {  	s14 =	sor.u32 @!p1 $0x1C05, s1;
	[sflag:s11] =	ssyncset.done @p1 $0x0  }
0x40: {  	s13 =	simm.s32 @!p1 $0x5;
	s1 =	rddreg [dreg:$0x9];
	[sflag:s11] =	ssyncadd.s32 @p1 $0xFFFFDF80  }
0x41: {  	[spmem:s10], [sflag:s14] =	dma.local @!p1 [hbm:s1], $0x2780  }
0x42: {  	_ =	swait.ge @!p1 [sflag:s13], $0x2780  }
0x43: {  	[sflag:s13] =	ssyncset.done @!p1 $0x0  }
0x44: {  	[sflag:s13] =	ssyncadd.s32 @!p1 $0xFFFFD880  }
0x45: {  	[bflag:$0x0] =	sbarrier.arrive $0xFFFF  }
0x46: {  	s25 =	simm.s32 $0x2800;
	s23 =	rddreg [dreg:$0xe]  }
0x47: {  	[tilespmem:s25], [sflag:$0x5] =	stream.linear.gather [hbm4b:s23+s15], $0x1400, $0x38;
	[tilespmem:$0x1F480] =	vst v63  }
0x48: {  	s26 =	simm.s32 $0x80;
	_ =	swait.ge [sflag:s21], $0x1400  }
0x49: {  	s28 =	simm.s32 $0xFFFFFFD9;
	s15 =	simm.s32 $0x1;
	[sflag:s21] =	ssyncset.done $0x0  }
0x4a: {  	s16 =	simm.s32 $0x10;
	s3 =	sand.u32 $0x1, s15;
	[sflag:s21] =	ssyncadd.s32 $0xFFFFEC00  }
0x4b: {  	[tilespmem:s9], [sflag:$0x2] =	stream.indirect.gather [hbm4b:s6+s22], $0x80, s26, s22, $0xb8;
	[tilespmem:$0x1F480] =	vst v63  }
0x4c: {  	s1 =	smin.u32 s15, s28;
	s29 =	sxor.u32 $0x1, s3;
	_ =	swait.ge [sflag:s15], $0x3E80  }
0x4d: {  	p2 =	sne.s32 s1, $0x0;
	s20 =	sadd.s32 $0x3, s29;
	[sflag:s15] =	ssyncset.done $0x0  }
0x4e: {  	s17 =	sadd.s32 @!p2 $0x10, s4;
	s18 =	simm.s32 @!p2 $0x0;
	[sflag:s15] =	ssyncadd.s32 $0xFFFFC180  }
0x4f: {  	[spmem:s2] =	stream.indirect.scatter.add.f32 [tilespmem:s8], [sflag:$0x3], $0x80, s25, s22, $0xb8;
	[tilespmem:$0x1F480] =	vst v63  }
0x50: {  	s19 =	sand.u32 @!p2 $0x70, s16;
	s17 =	sand.u32 @!p2 $0xFF80, s17;
	_ =	swait.ge [sflag:s20], $0x3E80  }
0x51: {  	s9 =	sadd.s32 @!p2 s7, s19;
	s19 =	simm.s32 @!p2 $0x2800;
	[sflag:s20] =	ssyncset.done $0x0  }
0x52: {  	s9 =	sadd.s32 @!p2 s17, s9;
	s17 =	simm.s32 @!p2 $0x5;
	[sflag:s20] =	ssyncadd.s32 $0xFFFFC180  }
0x53: {  	[tilespmem:s19], [sflag:$0x5] =	stream.linear.gather @!p2 [hbm4b:s9+s18], $0x1400, $0x38;
	[tilespmem:$0x1F480] =	vst v63  }
0x54: {  	s23 =	simm.s32 $0x100;
	s28 =	sshll.u32 s3, $0xE;
	_ =	swait.ge @!p2 [sflag:s17], $0x1400  }
0x55: {  	s1 =	sshll.u32 s1, $0x7;
	s26 =	simm.s32 $0x1480;
	[sflag:s17] =	ssyncset.done @!p2 $0x0  }
0x56: {  	s25 =	sshll.u32 s29, $0xE;
	[sflag:s17] =	ssyncadd.s32 @!p2 $0xFFFFEC00;
	p2 =	por $0x1, $0x1  }
.Ltmp3:
0x57: {  	s8 =	sadd.s32 $0x1, s29;
	s18 =	sor.u32 $0x3C00, s25;
	(pc) =	sbr.rel @!p2 .LBB2_7-.Ltmp3, $4  }
0x58: {  	[tilespmem:s18], [sflag:s8] =	stream.indirect.gather [hbm4b:s6+s22], $0x80, s23, s22, $0xb8;
	[tilespmem:$0x1F480] =	vst v63  }
0x59: {  	s29 =	sand.u32 $0x3FFFFF80, s1;
	s1 =	simm.s32 $0x2;
	s8 =	sadd.s32 $0x1, s3  }
0x5a: {  	s9 =	sadd.s32 $0x3, s3;
	s17 =	simm.s32 $0x180;
	_ =	swait.ge [sflag:s8], $0x3E80  }
0x5b: {  	s18 =	sor.u32 $0x3C00, s28;
	s23 =	sadd.s32 $0x2800, s29;
	[sflag:s8] =	ssyncset.done $0x0  }
.LBB2_6:
0x5c: {  	s15 =	smov.u32 s1;
	s26 =	sadd.s32 $0x80, s26  }
0x5d: {  	s16 =	sadd.s32 $0x10, s16;
	s3 =	smov.u32 s17;
	[sflag:s8] =	ssyncadd.s32 $0xFFFFC180  }
0x5e: {  	[spmem:s2] =	stream.indirect.scatter.add.f32 [tilespmem:s18], [sflag:s9], $0x80, s23, s22, $0xb8;
	[tilespmem:$0x1F480] =	vst v63  }
0x5f: {  	s17 =	sadd.s32 $0x80, s17;
	s9 =	sand.u32 $0x1, s1;
	s18 =	sadd.s32 $0xFFFFFFD8, s1  }
0x60: {  	s8 =	sxor.u32 $0x1, s9;
	s1 =	smin.u32 s1, s18;
	s19 =	sshll.u32 s9, $0xE  }
0x61: {  	s20 =	sadd.s32 $0x3, s8;
	p2 =	sne.s32 s1, $0x0;
	s23 =	sshll.u32 s8, $0xE  }
0x62: {  	s25 =	sadd.s32 @!p2 s16, s4;
	s28 =	simm.s32 @!p2 $0x0;
	_ =	swait.ge [sflag:s20], $0x3E80  }
0x63: {  	s29 =	sand.u32 @!p2 $0x70, s16;
	s25 =	sand.u32 @!p2 $0xFF80, s25;
	[sflag:s20] =	ssyncset.done $0x0  }
0x64: {  	[sflag:s20] =	ssyncadd.s32 $0xFFFFC180;
	s20 =	sadd.s32 @!p2 s7, s29;
	s29 =	simm.s32 @!p2 $0x2800  }
0x65: {  	s1 =	sshll.u32 s1, $0x7;
	s20 =	sadd.s32 @!p2 s25, s20;
	s25 =	simm.s32 @!p2 $0x5  }
0x66: {  	[tilespmem:s29], [sflag:$0x5] =	stream.linear.gather @!p2 [hbm4b:s20+s28], $0x1400, $0x38;
	[tilespmem:$0x1F480] =	vst v63  }
0x67: {  	s20 =	sadd.s32 $0x1, s8;
	s28 =	sand.u32 $0x3FFFFF80, s1;
	_ =	swait.ge @!p2 [sflag:s25], $0x1400  }
0x68: {  	s23 =	sor.u32 $0x3C00, s23;
	s1 =	sadd.s32 $0x29, s18;
	[sflag:s25] =	ssyncset.done @!p2 $0x0  }
0x69: {  	[sflag:s25] =	ssyncadd.s32 @!p2 $0xFFFFEC00;
	p2 =	sne.s32 s1, $0x4F  }
.Ltmp4:
0x6a: {  	_ = 	snop;
	(pc) =	sbr.rel @p2 .LBB2_6-.Ltmp4, $4  }
0x6b: {  	s8 =	sadd.s32 $0x1, s9  }
0x6c: {  	[tilespmem:s23], [sflag:s20] =	stream.indirect.gather [hbm4b:s6+s22], $0x80, s3, s22, $0xb8;
	[tilespmem:$0x1F480] =	vst v63  }
0x6d: {  	s9 =	sadd.s32 $0x3, s9;
	_ =	swait.ge [sflag:s8], $0x3E80  }
0x6e: {  	s18 =	sor.u32 $0x3C00, s19;
	s23 =	sadd.s32 $0x2800, s28;
	[sflag:s8] =	ssyncset.done $0x0  }
.LBB2_7:
0x6f: {  	[sflag:s8] =	ssyncadd.s32 $0xFFFFC180;
	s1 =	sadd.s32 $0x1, s15  }
0x70: {  	[spmem:s2] =	stream.indirect.scatter.add.f32 [tilespmem:s18], [sflag:s9], $0x80, s23, s22, $0xb8;
	[tilespmem:$0x1F480] =	vst v63  }
0x71: {  	s3 =	sadd.s32 $0x10, s16;
	s28 =	simm.s32 $0x3;
	p2 =	sne.s32 s1, $0x28  }
0x72: {  	_ =	swait.ge [sflag:s28], $0x3E80;
	s1 =	sadd.s32 @!p2 s3, s4;
	s8 =	simm.s32 @!p2 $0x2800  }
0x73: {  	[sflag:s28] =	ssyncset.done $0x0;
	s1 =	sand.u32 @!p2 $0xFF80, s1;
	s3 =	rddreg [dreg:$0xf]  }
0x74: {  	[sflag:s28] =	ssyncadd.s32 $0xFFFFC180;
	s1 =	sadd.s32 @!p2 s1, s3;
	s3 =	simm.s32 @!p2 $0x0  }
0x75: {  	[tilespmem:s8], [sflag:$0x5] =	stream.linear.gather @!p2 [hbm4b:s1+s3], $0x1400, $0x38;
	[tilespmem:$0x1F480] =	vst v63  }
0x76: {  	s1 =	simm.s32 @!p2 $0x5  }
0x77: {  	_ =	swait.ge @!p2 [sflag:s1], $0x1400  }
0x78: {  	[sflag:s1] =	ssyncset.done @!p2 $0x0  }
0x79: {  	[sflag:s1] =	ssyncadd.s32 @!p2 $0xFFFFEC00  }
0x7a: {  	_ =	swait.ge [sflag:s30], $0x3E80  }
0x7b: {  	[sflag:s30] =	ssyncset.done $0x0  }
0x7c: {  	s29 =	sadd.s32 $0x80, s26;
	s9 =	simm.s32 $0x7C00;
	[sflag:s30] =	ssyncadd.s32 $0xFFFFC180  }
0x7d: {  	[spmem:s2] =	stream.indirect.scatter.add.f32 [tilespmem:s9], [sflag:$0x4], $0x80, s29, s22, $0xb8;
	[tilespmem:$0x1F480] =	vst v63  }
0x7e: {  	_ =	swait.ge [sflag:s31], $0x3E80  }
0x7f: {  	[sflag:s31] =	ssyncset.done $0x0  }
0x80: {  	[sflag:s31] =	ssyncadd.s32 $0xFFFFC180  }
0x81: {  	[bflag:$0x0] =	sbarrier.arrive $0xFFFF  }
0x82: {  	s1 =	rddreg [dreg:$0xc]  }
0x83: {  	[hbm:s1], [sflag:s12] =	dma.local @p1 [spmem:s24], $0x2080  }
0x84: {  	_ =	swait.ge @p1 [sflag:s11], $0x2080  }
0x85: {  	[sflag:s11] =	ssyncset.done @p1 $0x0  }
.Ltmp5:
0x86: {  	s1 =	rddreg [dreg:$0xb];
	[sflag:s11] =	ssyncadd.s32 @p1 $0xFFFFDF80;
	(pc) =	sbr.rel .LBB2_8-.Ltmp5, $4  }
0x87: {  	[hbm:s1], [sflag:s14] =	dma.local @!p1 [spmem:s10], $0x2780  }
0x88: {  	_ =	swait.ge @!p1 [sflag:s13], $0x2780  }
0x89: {  	[sflag:s13] =	ssyncset.done @!p1 $0x0  }
0x8a: {  	[sflag:s13] =	ssyncadd.s32 @!p1 $0xFFFFD880  }
.LBB2_2:
0x8b: {  	[tilespmem:s8], [sflag:$0x1] =	stream.indirect.gather [hbm4b:s5+s22], $0x80, s15, s22, $0xb8;
	[tilespmem:$0x1F480] =	vst v63  }
0x8c: {  	s12 =	simm.s32 @p1 $0x1FC5;
	s3 =	rddreg [dreg:$0x6];
	s11 =	simm.s32 @p1 $0x5  }
0x8d: {  	[spmem:s24], [sflag:s12] =	dma.local @p1 [hbm:s3], $0x2080  }
0x8e: {  	_ =	swait.ge @p1 [sflag:s11], $0x2080  }
0x8f: {  	s14 =	sor.u32 @!p1 $0x1C05, s1;
	[sflag:s11] =	ssyncset.done @p1 $0x0  }
0x90: {  	s13 =	simm.s32 @!p1 $0x5;
	s1 =	rddreg [dreg:$0x5];
	[sflag:s11] =	ssyncadd.s32 @p1 $0xFFFFDF80  }
0x91: {  	[spmem:s10], [sflag:s14] =	dma.local @!p1 [hbm:s1], $0x2780  }
0x92: {  	_ =	swait.ge @!p1 [sflag:s13], $0x2780  }
0x93: {  	[sflag:s13] =	ssyncset.done @!p1 $0x0  }
0x94: {  	[sflag:s13] =	ssyncadd.s32 @!p1 $0xFFFFD880  }
0x95: {  	[bflag:$0x0] =	sbarrier.arrive $0xFFFF  }
0x96: {  	s28 =	simm.s32 $0x2800;
	s26 =	rddreg [dreg:$0xe]  }
0x97: {  	[tilespmem:s28], [sflag:$0x5] =	stream.linear.gather [hbm4b:s26+s15], $0x1400, $0x38;
	[tilespmem:$0x1F480] =	vst v63  }
0x98: {  	_ =	swait.ge [sflag:s21], $0x1400  }
0x99: {  	[sflag:s21] =	ssyncset.done $0x0  }
0x9a: {  	s29 =	simm.s32 $0x80;
	s1 =	simm.s32 $0x1;
	[sflag:s21] =	ssyncadd.s32 $0xFFFFEC00  }
0x9b: {  	[tilespmem:s9], [sflag:$0x2] =	stream.indirect.gather [hbm4b:s5+s22], $0x80, s29, s22, $0xb8;
	[tilespmem:$0x1F480] =	vst v63  }
0x9c: {  	_ =	swait.ge [sflag:s1], $0x3E80  }
0x9d: {  	[sflag:s1] =	ssyncset.done $0x0  }
0x9e: {  	s18 =	simm.s32 $0xFFFFFFD9;
	s3 =	sand.u32 $0x1, s1;
	[sflag:s1] =	ssyncadd.s32 $0xFFFFC180  }
0x9f: {  	[spmem:s2] =	stream.indirect.scatter.add.f32 [tilespmem:s8], [sflag:$0x3], $0x80, s28, s22, $0xb8;
	[tilespmem:$0x1F480] =	vst v63  }
0xa0: {  	s19 =	sxor.u32 $0x1, s3;
	s8 =	smin.u32 s1, s18  }
0xa1: {  	s17 =	sadd.s32 $0x3, s19;
	p2 =	sne.s32 s8, $0x0  }
0xa2: {  	s16 =	simm.s32 $0x10;
	_ =	swait.ge [sflag:s17], $0x3E80;
	s18 =	sadd.s32 @!p2 $0x10, s4  }
0xa3: {  	s23 =	simm.s32 @!p2 $0x0;
	[sflag:s17] =	ssyncset.done $0x0;
	s26 =	sand.u32 @!p2 $0x70, s16  }
0xa4: {  	s18 =	sand.u32 @!p2 $0xFF80, s18;
	[sflag:s17] =	ssyncadd.s32 $0xFFFFC180;
	s17 =	sadd.s32 @!p2 s7, s26  }
0xa5: {  	s26 =	simm.s32 @!p2 $0x2800;
	s17 =	sadd.s32 @!p2 s18, s17;
	s18 =	simm.s32 @!p2 $0x5  }
0xa6: {  	[tilespmem:s26], [sflag:$0x5] =	stream.linear.gather @!p2 [hbm4b:s17+s23], $0x1400, $0x38;
	[tilespmem:$0x1F480] =	vst v63  }
0xa7: {  	s20 =	simm.s32 $0x100;
	s25 =	sshll.u32 s19, $0xE;
	_ =	swait.ge @!p2 [sflag:s18], $0x1400  }
0xa8: {  	s15 =	sadd.s32 $0x1, s19;
	s9 =	sadd.s32 $0x3, s3;
	[sflag:s18] =	ssyncset.done @!p2 $0x0  }
0xa9: {  	s8 =	sshll.u32 s8, $0x7;
	[sflag:s18] =	ssyncadd.s32 @!p2 $0xFFFFEC00;
	p2 =	por $0x1, $0x1  }
.Ltmp6:
0xaa: {  	s28 =	sshll.u32 s3, $0xE;
	s29 =	sand.u32 $0x3FFFFF80, s8;
	(pc) =	sbr.rel @!p2 .LBB2_4-.Ltmp6, $4  }
0xab: {  	s8 =	sadd.s32 $0x1, s3;
	s26 =	simm.s32 $0x1480;
	s23 =	sor.u32 $0x3C00, s25  }
0xac: {  	[tilespmem:s23], [sflag:s15] =	stream.indirect.gather [hbm4b:s5+s22], $0x80, s20, s22, $0xb8;
	[tilespmem:$0x1F480] =	vst v63  }
0xad: {  	s17 =	simm.s32 $0x180;
	s18 =	sor.u32 $0x3C00, s28;
	_ =	swait.ge [sflag:s8], $0x3E80  }
0xae: {  	s15 =	simm.s32 $0x2;
	s23 =	sadd.s32 $0x2800, s29;
	[sflag:s8] =	ssyncset.done $0x0  }
.LBB2_3:
0xaf: {  	s1 =	smov.u32 s15;
	s26 =	sadd.s32 $0x80, s26  }
0xb0: {  	s16 =	sadd.s32 $0x10, s16;
	s19 =	smov.u32 s17;
	[sflag:s8] =	ssyncadd.s32 $0xFFFFC180  }
0xb1: {  	[spmem:s2] =	stream.indirect.scatter.add.f32 [tilespmem:s18], [sflag:s9], $0x80, s23, s22, $0xb8;
	[tilespmem:$0x1F480] =	vst v63  }
0xb2: {  	s17 =	sadd.s32 $0x80, s17;
	s9 =	sand.u32 $0x1, s15;
	s18 =	sadd.s32 $0xFFFFFFD8, s15  }
0xb3: {  	s8 =	sxor.u32 $0x1, s9;
	s15 =	smin.u32 s15, s18;
	s23 =	sshll.u32 s9, $0xE  }
0xb4: {  	s20 =	sadd.s32 $0x3, s8;
	p2 =	sne.s32 s15, $0x0;
	s25 =	sshll.u32 s8, $0xE  }
0xb5: {  	s28 =	sadd.s32 @!p2 s16, s4;
	s3 =	simm.s32 @!p2 $0x0;
	_ =	swait.ge [sflag:s20], $0x3E80  }
0xb6: {  	s29 =	sand.u32 @!p2 $0x70, s16;
	s28 =	sand.u32 @!p2 $0xFF80, s28;
	[sflag:s20] =	ssyncset.done $0x0  }
0xb7: {  	[sflag:s20] =	ssyncadd.s32 $0xFFFFC180;
	s20 =	sadd.s32 @!p2 s7, s29;
	s29 =	simm.s32 @!p2 $0x2800  }
0xb8: {  	s15 =	sshll.u32 s15, $0x7;
	s20 =	sadd.s32 @!p2 s28, s20;
	s28 =	simm.s32 @!p2 $0x5  }
0xb9: {  	[tilespmem:s29], [sflag:$0x5] =	stream.linear.gather @!p2 [hbm4b:s20+s3], $0x1400, $0x38;
	[tilespmem:$0x1F480] =	vst v63  }
0xba: {  	s3 =	sadd.s32 $0x1, s8;
	s20 =	sand.u32 $0x3FFFFF80, s15;
	_ =	swait.ge @!p2 [sflag:s28], $0x1400  }
0xbb: {  	s25 =	sor.u32 $0x3C00, s25;
	s15 =	sadd.s32 $0x29, s18;
	[sflag:s28] =	ssyncset.done @!p2 $0x0  }
0xbc: {  	[sflag:s28] =	ssyncadd.s32 @!p2 $0xFFFFEC00;
	p2 =	sne.s32 s15, $0x4F  }
.Ltmp7:
0xbd: {  	_ = 	snop;
	(pc) =	sbr.rel @p2 .LBB2_3-.Ltmp7, $4  }
0xbe: {  	s8 =	sadd.s32 $0x1, s9  }
0xbf: {  	[tilespmem:s25], [sflag:s3] =	stream.indirect.gather [hbm4b:s5+s22], $0x80, s19, s22, $0xb8;
	[tilespmem:$0x1F480] =	vst v63  }
0xc0: {  	s9 =	sadd.s32 $0x3, s9;
	_ =	swait.ge [sflag:s8], $0x3E80  }
0xc1: {  	s18 =	sor.u32 $0x3C00, s23;
	s23 =	sadd.s32 $0x2800, s20;
	[sflag:s8] =	ssyncset.done $0x0  }
.Ltmp8:
0xc2: {  	_ = 	snop;
	(pc) =	sbr.rel .LBB2_4-.Ltmp8, $1  }
0xc3: {  	_ =	sdelay $0x3  }
.LBB2_9:
0xc4: {  	_ =	sfence.sel $0x180000  }
0xc5: {  	[bflag:$0x0] =	sbarrier.arrive $0xFFFF  }
0xc6: {  	_ =	strace $0x9000004A  }
0xc7: {  	s0 =	stileid.u32;
	[bflag:$0x2] =	sbarrier.arrive $0xFFFF  }
0xc8: {  	p0 =	sne.s32 s0, $0x0;
	s0 =	rddreg [dreg:$0x2]  }
0xc9: {  	s0 =	sadd.s32 @!p0 $0x100000, s0  }
0xca: {  	[sflag:s0] =	ssyncadd.tile.s32 @!p0 $0x1;
	_ =	shalt  }
.Lfunc_end2:
_tile_overlayer_lowered:
.L_overlay_start_2:
0xcb: {  	(tag) =	ssettag $0x2  }
0xcc: {  	s0 =	rddreg [dreg:$0x0];
	s2 =	stileid.u32  }
0xcd: {  	s1 =	rddreg [dreg:$0x1];
	p0 =	sne.s32 s2, $0x0  }
0xce: {  	s3 =	rddreg [dreg:$0x2];
	[bflag:$0x3] =	sbarrier.arrive $0xFFFF;
	s2 =	simm.s32 @!p0 $0x1C05  }
0xcf: {  	[timem:s3], [sflag:s2] =	dma.local @!p0 [hbm:s0], s1  }
0xd0: {  	s0 =	simm.s32 @!p0 $0x5  }
0xd1: {  	_ =	swait.ge @!p0 [sflag:s0], s1  }
0xd2: {  	s1 =	ssub.s32 @!p0 $0x0, s1;
	[sflag:s0] =	ssyncset.done @!p0 $0x0  }
0xd3: {  	[sflag:s0] =	ssyncadd.s32 @!p0 s1  }
0xd4: {  	[bflag:$0x3] =	sbarrier.arrive $0xFFFF  }
0xd5: {  	_ =	shalt  }

// kernel: kernel.19.cloned.1.call-start
scs
__scs_entry_jumppad:
0x0: {  	(pc) =	sbr.rel $0x88, $3  }
0x1: {  	(tag) =	ssettag $0x0;
	lr =	simm.s32 $0x1  }
0x2: {  	[smem:$0x3F95] =	sst lr;
	_ =	strace $0xD0000000  }
0x3: {  	_ = 	snop  }
0x4: {  	_ = 	snop  }
0x5: {  	_ = 	snop  }
0x6: {  	_ = 	snop  }
0x7: {  	_ = 	snop  }
__scs_overlays_trampoline_lowered:
0x8: {  	[smem:$0x3FA4] =	sst s0  }
0x9: {  	[smem:$0x3FA5] =	sst s1  }
0xa: {  	[smem:$0x3FA6] =	sst s2  }
0xb: {  	[smem:$0x3FA7] =	sst s3  }
0xc: {  	[smem:$0x3FA8] =	sst s4  }
0xd: {  	[smem:$0x3FA9] =	sst s5  }
0xe: {  	[smem:$0x3FAA] =	sst s6  }
0xf: {  	[smem:$0x3FAB] =	sst s7  }
0x10: {  	[smem:$0x3FAC] =	sst s8  }
0x11: {  	[smem:$0x3FAD] =	sst s9;
	s0 =	simm.s32 @!p0 $0x0  }
0x12: {  	s1 =	sld [smem:$0x3F93];
	s0 =	simm.s32 @p0 $0x1  }
0x13: {  	[smem:$0x3FAE] =	sst s0;
	s0 =	simm.s32 @!p1 $0x0  }
0x14: {  	s2 =	sld [smem:$0x3F92];
	s0 =	simm.s32 @p1 $0x1  }
0x15: {  	[smem:$0x3FAF] =	sst s0;
	s0 =	simm.s32 @!p2 $0x0  }
0x16: {  	s3 =	sld [smem:$0x3FDB];
	s0 =	simm.s32 @p2 $0x1  }
0x17: {  	s4 =	simm.s32 $0x1BF5;
	[smem:$0x3FB1] =	sst s0  }
0x18: {  	s0 =	sld [smem:$0x3F94];
	_ =	swait.ge [sflag:s4], $0x0  }
0x19: {  	s7 =	sld [smem:$0x3F95]  }
0x1a: {  	s8 =	sadd.s32 $0xFFFFE003, lr  }
0x1b: {  	s9 =	sadd.s32 $0xFFFFFEF7, lr;
	s5 =	simm.s32 $0xFFFFFFFF;
	p2 =	slt.u32 s8, $0xFFFFF086  }
0x1c: {  	p1 =	slt.u32 s9, $0xF7A;
	s5 =	simm.s32 @!p2 $0x0  }
0x1d: {  	s5 =	simm.s32 @p1 $0x1;
	p0 =	seq.s32 s7, s2  }
0x1e: {  	s7 =	smul.u32 @!p0 $0xF7A, s2;
	p2 =	seq.s32 @!p0 s5, $0x0  }
0x1f: {  	s9 =	smul.u32 $0xF7A, s1;
	s8 =	simm.s32 @!p0 $0x1BF5;
	p2 =	por !p2, p0  }
0x20: {  	[sflag:s8] =	ssyncset.s32 @!p0 $0xFFFFF086;
	s6 =	sadd.s32 @!p0 s3, s7;
	s7 =	simm.s32 @!p0 $0x108  }
0x21: {  	s3 =	sadd.s32 s3, s9;
	s6 =	sadd.s32 @!p0 $0x88, s6;
	s7 =	simm.s32 @p2 $0x1082  }
0x22: {  	[simem:s7], [sflag:s8] =	dma.local @!p0 [hbm:s6], $0xF7A  }
0x23: {  	s9 =	sor.u32 $0xD0000000, s2;
	s6 =	simm.s32 $0x108;
	_ =	swait.ge @!p0 [sflag:s8], $0x0  }
0x24: {  	s3 =	sadd.s32 $0x88, s3;
	s6 =	simm.s32 @!p1 $0x1082;
	[sflag:s4] =	ssyncset.s32 $0xFFFFF086  }
0x25: {  	[simem:s6], [sflag:s4] =	dma.local [hbm:s3], $0xF7A  }
0x26: {  	[smem:$0x3F95] =	sst s1;
	(tag) =	ssettag s2;
	_ =	strace s9  }
0x27: {  	s1 =	sld [smem:$0x3FA5]  }
0x28: {  	s2 =	sld [smem:$0x3FA6]  }
0x29: {  	s4 =	sld [smem:$0x3FA8]  }
0x2a: {  	p0 =	seq.s32 s5, $0x0;
	s5 =	sld [smem:$0x3FA9]  }
0x2b: {  	s6 =	sld [smem:$0x3FAA]  }
0x2c: {  	s7 =	sld [smem:$0x3FAB]  }
0x2d: {  	s3 =	simm.s32 $0x108;
	s8 =	sld [smem:$0x3FAC]  }
0x2e: {  	s3 =	simm.s32 @!p0 $0x1082;
	s9 =	sld [smem:$0x3FAD]  }
0x2f: {  	lr =	sadd.s32 s0, s3;
	s0 =	sld [smem:$0x3FA4]  }
0x30: {  	s3 =	sld [smem:$0x3FA7]  }
0x31: {  	[smem:$0x3FB0] =	sst s10  }
0x32: {  	s10 =	sld [smem:$0x3FAE];
	_ =	sdelay $0x3  }
0x33: {  	p0 =	seq.s32 s10, $0x1;
	s10 =	sld [smem:$0x3FB0];
	_ =	sdelay $0x3  }
0x34: {  	[smem:$0x3FB0] =	sst s10  }
0x35: {  	s10 =	sld [smem:$0x3FAF];
	_ =	sdelay $0x3  }
0x36: {  	p1 =	seq.s32 s10, $0x1;
	s10 =	sld [smem:$0x3FB0];
	_ =	sdelay $0x3  }
0x37: {  	[smem:$0x3FB0] =	sst s10  }
0x38: {  	s10 =	sld [smem:$0x3FB1]  }
0x39: {  	_ = 	snop;
	(pc) =	sbr.ind lr, $3  }
0x3a: {  	_ = 	snop  }
0x3b: {  	_ = 	snop  }
0x3c: {  	p2 =	seq.s32 s10, $0x1;
	s10 =	sld [smem:$0x3FB0]  }
0x3d: {  	_ =	shalt  }
0x3e: {  	_ =	shalt  }
0x3f: {  	_ =	shalt  }
0x40: {  	_ =	shalt  }
0x41: {  	_ =	shalt  }
0x42: {  	_ =	shalt  }
0x43: {  	_ =	shalt  }
0x44: {  	_ =	shalt  }
0x45: {  	_ =	shalt  }
0x46: {  	_ =	shalt  }
0x47: {  	_ =	shalt  }
0x48: {  	_ =	shalt  }
0x49: {  	_ =	shalt  }
0x4a: {  	_ =	shalt  }
0x4b: {  	_ =	shalt  }
0x4c: {  	_ =	shalt  }
0x4d: {  	_ =	shalt  }
0x4e: {  	_ =	shalt  }
0x4f: {  	_ =	shalt  }
0x50: {  	_ =	shalt  }
0x51: {  	_ =	shalt  }
0x52: {  	_ =	shalt  }
0x53: {  	_ =	shalt  }
0x54: {  	_ =	shalt  }
0x55: {  	_ =	shalt  }
0x56: {  	_ =	shalt  }
0x57: {  	_ =	shalt  }
0x58: {  	_ =	shalt  }
0x59: {  	_ =	shalt  }
0x5a: {  	_ =	shalt  }
0x5b: {  	_ =	shalt  }
0x5c: {  	_ =	shalt  }
0x5d: {  	_ =	shalt  }
0x5e: {  	_ =	shalt  }
0x5f: {  	_ =	shalt  }
0x60: {  	_ =	shalt  }
0x61: {  	_ =	shalt  }
0x62: {  	_ =	shalt  }
0x63: {  	_ =	shalt  }
0x64: {  	_ =	shalt  }
0x65: {  	_ =	shalt  }
0x66: {  	_ =	shalt  }
0x67: {  	_ =	shalt  }
0x68: {  	_ =	shalt  }
0x69: {  	_ =	shalt  }
0x6a: {  	_ =	shalt  }
0x6b: {  	_ =	shalt  }
0x6c: {  	_ =	shalt  }
0x6d: {  	_ =	shalt  }
0x6e: {  	_ =	shalt  }
0x6f: {  	_ =	shalt  }
0x70: {  	_ =	shalt  }
0x71: {  	_ =	shalt  }
0x72: {  	_ =	shalt  }
0x73: {  	_ =	shalt  }
0x74: {  	_ =	shalt  }
0x75: {  	_ =	shalt  }
0x76: {  	_ =	shalt  }
0x77: {  	_ =	shalt  }
0x78: {  	_ =	shalt  }
0x79: {  	_ =	shalt  }
0x7a: {  	_ =	shalt  }
0x7b: {  	_ =	shalt  }
0x7c: {  	_ =	shalt  }
0x7d: {  	_ =	shalt  }
0x7e: {  	_ =	shalt  }
0x7f: {  	_ =	shalt  }
0x80: {  	_ =	shalt  }
0x81: {  	_ =	shalt  }
0x82: {  	_ =	shalt  }
0x83: {  	_ =	shalt  }
0x84: {  	_ =	shalt  }
0x85: {  	_ =	shalt  }
0x86: {  	_ =	shalt  }
0x87: {  	_ =	shalt  }
.Lfunc_end0:
.L_simem_size_0:
called_computation.2_lowered:
.L_overlay_start_0:
0x88: {  	s2 =	sld [smem:$0x3FD9]  }
0x89: {  	s3 =	sld [smem:$0x3FFE];
	_ =	sdelay $0x1  }
0x8a: {  	s1 =	srdreg.scid  }
0x8b: {  	s0 =	sand.u32 $0x1, s1  }
0x8c: {  	s16 =	sshll.u32 s0, $0xA;
	s2 =	sadd.s32 s3, s2  }
0x8d: {  	s2 =	sadd.s32 s2, s16  }
0x8e: {  	[smem:$0x3FBC] =	sst s2  }
0x8f: {  	_ = 	snop  }
0x90: {  	(tm) =	ssettm $0x1  }
0x91: {  	s17 =	sld [smem:$0x3FFB];
	_ =	sdelay $0x3  }
0x92: {  	_ =	strace s17  }
0x93: {  	s2 =	sld [smem:$0x3FFC];
	_ =	sdelay $0x3  }
0x94: {  	_ =	strace s2  }
0x95: {  	s2 =	sld [smem:$0x3FFD];
	_ =	sdelay $0x3  }
0x96: {  	_ =	strace s2  }
0x97: {  	_ =	strace $0x8FFFFFFF  }
0x98: {  	s18 =	sld [smem:$0x3FDB];
	_ =	sdelay $0x1  }
0x99: {  	s19 =	simm.s32 $_scs_section_size  }
0x9a: {  	s4 =	simm.s32 $_size__tile_overlayer_lowered;
	s5 =	simm.s32 $_tile_overlayer_lowered  }
0x9b: {  	s22 =	simm.s32 $0x1BFF;
	s21 =	sshll.u32 s5, $0x1;
	s2 =	sadd.s32 s19, s18  }
0x9c: {  	s6 =	simm.s32 $0x0;
	s20 =	sshll.u32 s4, $0x1;
	s4 =	sadd.s32 s21, s2  }
0x9d: {  	[timem:s6], [sflag:s22] =	dma.local [hbm:s4], s20  }
0x9e: {  	_ =	swait.ge [sflag:s22], s20  }
0x9f: {  	s3 =	ssub.s32 $0x0, s20;
	[sflag:s22] =	ssyncset.done $0x0  }
0xa0: {  	[sflag:s22] =	ssyncadd.s32 s3;
	_ =	sdelay $0x1  }
0xa1: {  	s23 =	simm.s32 $0x1B8B  }
0xa2: {  	_ =	swait.ge [sflag:s23], $0x1  }
0xa3: {  	[sflag:s23] =	ssyncset.done $0x0  }
0xa4: {  	s25 =	simm.s32 $0x1B8E;
	s24 =	sld [smem:$0x3FFE];
	[sflag:s23] =	ssyncadd.s32 $0xFFFFFFFF  }
0xa5: {  	s26 =	simm.s32 $execute0_lowered;
	[smem:$0x3FD2] =	sst s25  }
0xa6: {  	s4 =	sshll.u32 s26, $0x1;
	_ =	strace $0x8000004C;
	[dreg:$0x1] =	wrdreg $0xFFFFFFFF  }
0xa7: {  	s28 =	simm.s32 $_size_execute0_lowered;
	s2 =	sadd.s32 s2, s4;
	[dreg:$0x0] =	wrdreg $0x0  }
0xa8: {  	s4 =	sshll.u32 s28, $0x1;
	[dreg:$0x2] =	wrdreg s2  }
0xa9: {  	[dreg:$0x3] =	wrdreg s4  }
0xaa: {  	[dreg:$0x4] =	wrdreg $0xC0  }
0xab: {  	_ =	task [dreg:s6], $0x5FFFF  }
0xac: {  	[dreg:$0x1] =	wrdreg $0xFFFFFFFF  }
0xad: {  	[dreg:$0x0] =	wrdreg $0x60  }
0xae: {  	[dreg:$0x2] =	wrdreg s24  }
0xaf: {  	[dreg:$0x3] =	wrdreg $0xBC000  }
0xb0: {  	[dreg:$0x4] =	wrdreg $0x9  }
0xb1: {  	_ =	task.clear_ibuf [dreg:s6], $0x5FFFF;
	_ =	strace $0x9000004C  }
0xb2: {  	s29 =	simm.s32 $0x9;
	_ =	strace $0x8000004E  }
0xb3: {  	_ =	swait.ge [sflag:s29], $0x1  }
0xb4: {  	[sflag:s29] =	ssyncadd.s32 $0xFFFFFFFF  }
0xb5: {  	_ =	strace $0x9000004E  }
0xb6: {  	_ =	sfence  }
0xb7: {  	s30 =	sld [smem:$0x0];
	_ =	sdelay $0x2  }
0xb8: {  	s31 =	sshll.u32 s1, $0xD;
	s1 =	sshrl.u32 s1, $0x2  }
0xb9: {  	s3 =	sand.u32 $0x4000, s31;
	s1 =	sadd.s32 s1, s30  }
0xba: {  	s0 =	sor.u32 s3, s0;
	s1 =	sshll.u32 s1, $0x11  }
0xbb: {  	s0 =	sor.u32 s1, s0  }
0xbc: {  	s0 =	sadd.s32 $0x8F2B, s0  }
0xbd: {  	[sflag:s0] =	ssyncadd.remote.s32 $0x1  }
0xbe: {  	_ =	sfence.sel $0xFFFF  }
0xbf: {  	[dreg:$0x0] =	wrdreg $0xFFFFFFFF;
	(pc) =	sbr.abs _section_cstart, $3  }
0xc0: {  	[dreg:$0x1] =	wrdreg $0xFFFFFFFF  }
0xc1: {  	_ =	task.clear_ibuf [dreg:s6], $0x2FFFF;
	_ =	strace $0x9FFFFFFF  }
0xc2: {  	(tm) =	ssettm $0x7FFFFFFF  }
0xc3: {  	_ =	shalt  }
tec
execute0_lowered:
.L_overlay_start_1:
0x0: {  	(tag) =	ssettag $0x1  }
0x1: {  	s0 =	rddreg [dreg:$0x0]  }
0x2: {  	s2 =	rddreg [dreg:$0x1];
	s15 =	simm.s32 $0x0  }
0x3: {  	s3 =	stileid.u32;
	s1 =	srdreg.scid;
	s30 =	simm.s32 $0x2  }
0x4: {  	s31 =	simm.s32 $0x4;
	[smem:$0x7FF] =	sst s15;
	s4 =	smul.u32 $0x500, s3  }
0x5: {  	s5 =	sadd.s32 $0xBC00, s0;
	s8 =	smul.u32 $0x2780, s3;
	s1 =	sand.u32 $0x1, s1  }
0x6: {  	s6 =	sadd.s32 $0x32E00, s0;
	s10 =	smul.u32 $0x4F000, s3;
	s7 =	sadd.s32 $0x6C00, s0  }
0x7: {  	s21 =	sadd.s32 $0x30C80, s0;
	s23 =	sadd.s32 $0xAB280, s0;
	s24 =	sadd.s32 $0x57E80, s0  }
0x8: {  	s26 =	sadd.s32 $0xD2480, s0;
	_ =	strace $0x8000004D;
	[dreg:$0x6] =	wrdreg s21  }
0x9: {  	p1 =	seq.s32 s3, $0xF;
	s9 =	ssub.s32 $0x2, s1;
	[dreg:$0x8] =	wrdreg s23  }
0xa: {  	p0 =	seq.s32 s1, $0x1;
	s1 =	sadd.s32 $0x128400, s2;
	[dreg:$0xa] =	wrdreg s24  }
0xb: {  	[dreg:$0xc] =	wrdreg s26;
	s21 =	simm.s32 $0x5;
	s20 =	sadd.s32 s5, s8  }
0xc: {  	s13 =	sadd.s32 s8, s0;
	s8 =	sadd.s32 s6, s8;
	[dreg:$0x5] =	wrdreg s20  }
0xd: {  	s11 =	sadd.s32 s4, s0;
	s29 =	sadd.s32 s4, s7;
	[dreg:$0x9] =	wrdreg s8  }
0xe: {  	s12 =	sshrl.u32 s9, $0x1;
	s0 =	sadd.s32 $0x6C70, s0;
	[dreg:$0xe] =	wrdreg s29  }
0xf: {  	s10 =	sshrl.u32 s10, $0x2;
	s11 =	sadd.s32 $0x5A000, s11;
	[dreg:$0xf] =	wrdreg s0  }
.Ltmp0:
0x10: {  	s19 =	sadd.s32 s10, s2;
	[dreg:$0x3] =	wrdreg s11;
	(pc) =	sbr.rel .LBB2_1-.Ltmp0, $4  }
0x11: {  	s24 =	sshrl.u32 @p1 s1, $0x3;
	s22 =	sadd.s32 $0x86200, s13;
	[dreg:$0x4] =	wrdreg s19  }
0x12: {  	s9 =	ssub.s32 s9, s12;
	s25 =	sadd.s32 $0xAD400, s13;
	[dreg:$0x7] =	wrdreg s22  }
0x13: {  	s0 =	simm.s32 $0x0;
	[dreg:$0xb] =	wrdreg s25;
	s28 =	smax.u32 s9, $0x1  }
0x14: {  	s22 =	simm.s32 $0x7D;
	s9 =	simm.s32 $0x7C00;
	[dreg:$0xd] =	wrdreg s28  }
.LBB2_4:
0x15: {  	[sflag:s8] =	ssyncadd.s32 $0xFFFFC180;
	s1 =	sadd.s32 $0x1, s1  }
0x16: {  	[spmem:s2] =	stream.indirect.scatter.add.f32 [tilespmem:s18], [sflag:s9], $0x80, s23, s22, $0xb8;
	[tilespmem:$0x1F480] =	vst v63  }
0x17: {  	s3 =	sadd.s32 $0x10, s16;
	s28 =	simm.s32 $0x3;
	p2 =	sne.s32 s1, $0x28  }
0x18: {  	_ =	swait.ge [sflag:s28], $0x3E80;
	s1 =	sadd.s32 @!p2 s3, s4;
	s8 =	simm.s32 @!p2 $0x2800  }
0x19: {  	[sflag:s28] =	ssyncset.done $0x0;
	s1 =	sand.u32 @!p2 $0xFF80, s1;
	s3 =	rddreg [dreg:$0xf]  }
0x1a: {  	[sflag:s28] =	ssyncadd.s32 $0xFFFFC180;
	s1 =	sadd.s32 @!p2 s1, s3;
	s3 =	simm.s32 @!p2 $0x0  }
0x1b: {  	[tilespmem:s8], [sflag:$0x5] =	stream.linear.gather @!p2 [hbm4b:s1+s3], $0x1400, $0x38;
	[tilespmem:$0x1F480] =	vst v63  }
0x1c: {  	s1 =	simm.s32 @!p2 $0x5  }
0x1d: {  	_ =	swait.ge @!p2 [sflag:s1], $0x1400  }
0x1e: {  	[sflag:s1] =	ssyncset.done @!p2 $0x0  }
0x1f: {  	[sflag:s1] =	ssyncadd.s32 @!p2 $0xFFFFEC00  }
0x20: {  	_ =	swait.ge [sflag:s30], $0x3E80  }
0x21: {  	[sflag:s30] =	ssyncset.done $0x0  }
0x22: {  	s29 =	sadd.s32 $0x80, s26;
	s9 =	simm.s32 $0x7C00;
	[sflag:s30] =	ssyncadd.s32 $0xFFFFC180  }
0x23: {  	[spmem:s2] =	stream.indirect.scatter.add.f32 [tilespmem:s9], [sflag:$0x4], $0x80, s29, s22, $0xb8;
	[tilespmem:$0x1F480] =	vst v63  }
0x24: {  	_ =	swait.ge [sflag:s31], $0x3E80  }
0x25: {  	[sflag:s31] =	ssyncset.done $0x0  }
0x26: {  	[sflag:s31] =	ssyncadd.s32 $0xFFFFC180  }
0x27: {  	[bflag:$0x0] =	sbarrier.arrive $0xFFFF  }
0x28: {  	s1 =	rddreg [dreg:$0x8]  }
0x29: {  	[hbm:s1], [sflag:s12] =	dma.local @p1 [spmem:s24], $0x2080  }
0x2a: {  	_ =	swait.ge @p1 [sflag:s11], $0x2080  }
0x2b: {  	[sflag:s11] =	ssyncset.done @p1 $0x0  }
0x2c: {  	s1 =	rddreg [dreg:$0x7];
	[sflag:s11] =	ssyncadd.s32 @p1 $0xFFFFDF80  }
0x2d: {  	[hbm:s1], [sflag:s14] =	dma.local @!p1 [spmem:s10], $0x2780  }
0x2e: {  	_ =	swait.ge @!p1 [sflag:s13], $0x2780  }
0x2f: {  	[sflag:s13] =	ssyncset.done @!p1 $0x0  }
0x30: {  	[sflag:s13] =	ssyncadd.s32 @!p1 $0xFFFFD880  }
.LBB2_8:
0x31: {  	s0 =	sadd.s32 $0x1, s0;
	s1 =	rddreg [dreg:$0xd]  }
0x32: {  	p2 =	sne.s32 s0, s1  }
.Ltmp1:
0x33: {  	_ = 	snop;
	(pc) =	sbr.rel @!p2 .LBB2_9-.Ltmp1, $2  }
0x34: {  	_ =	sdelay $0x2  }
0x35: {  	s15 =	simm.s32 $0x0  }
.LBB2_1:
.Ltmp2:
0x36: {  	s1 =	rddreg [dreg:$0x3];
	(pc) =	sbr.rel @!p0 .LBB2_2-.Ltmp2, $4  }
0x37: {  	[tilespmem:s15], [sflag:$0x5] =	stream.linear.gather [hbm4b:s1+s15], $0x2800, $0x38;
	[tilespmem:$0x1F480] =	vst v63  }
0x38: {  	s8 =	simm.s32 $0x3C00;
	_ =	swait.ge [sflag:s21], $0x2800  }
0x39: {  	s1 =	stileid.u32;
	[sflag:s21] =	ssyncset.done $0x0;
	s3 =	rddreg [dreg:$0x4]  }
0x3a: {  	s1 =	sshll.u32 @!p1 s1, $0x6;
	[sflag:s21] =	ssyncadd.s32 $0xFFFFD800;
	s10 =	sshrl.u32 @!p1 s3, $0x3  }
0x3b: {  	[tilespmem:s8], [sflag:$0x1] =	stream.indirect.gather [hbm4b:s6+s22], $0x80, s15, s22, $0xb8;
	[tilespmem:$0x1F480] =	vst v63  }
0x3c: {  	s12 =	simm.s32 @p1 $0x1FC5;
	s3 =	rddreg [dreg:$0xa];
	s11 =	simm.s32 @p1 $0x5  }
0x3d: {  	[spmem:s24], [sflag:s12] =	dma.local @p1 [hbm:s3], $0x2080  }
0x3e: {  	_ =	swait.ge @p1 [sflag:s11], $0x2080  }
0x3f: {  	s14 =	sor.u32 @!p1 $0x1C05, s1;
	[sflag:s11] =	ssyncset.done @p1 $0x0  }
0x40: {  	s13 =	simm.s32 @!p1 $0x5;
	s1 =	rddreg [dreg:$0x9];
	[sflag:s11] =	ssyncadd.s32 @p1 $0xFFFFDF80  }
0x41: {  	[spmem:s10], [sflag:s14] =	dma.local @!p1 [hbm:s1], $0x2780  }
0x42: {  	_ =	swait.ge @!p1 [sflag:s13], $0x2780  }
0x43: {  	[sflag:s13] =	ssyncset.done @!p1 $0x0  }
0x44: {  	[sflag:s13] =	ssyncadd.s32 @!p1 $0xFFFFD880  }
0x45: {  	[bflag:$0x0] =	sbarrier.arrive $0xFFFF  }
0x46: {  	s25 =	simm.s32 $0x2800;
	s23 =	rddreg [dreg:$0xe]  }
0x47: {  	[tilespmem:s25], [sflag:$0x5] =	stream.linear.gather [hbm4b:s23+s15], $0x1400, $0x38;
	[tilespmem:$0x1F480] =	vst v63  }
0x48: {  	s26 =	simm.s32 $0x80;
	_ =	swait.ge [sflag:s21], $0x1400  }
0x49: {  	s28 =	simm.s32 $0xFFFFFFD9;
	s15 =	simm.s32 $0x1;
	[sflag:s21] =	ssyncset.done $0x0  }
0x4a: {  	s16 =	simm.s32 $0x10;
	s3 =	sand.u32 $0x1, s15;
	[sflag:s21] =	ssyncadd.s32 $0xFFFFEC00  }
0x4b: {  	[tilespmem:s9], [sflag:$0x2] =	stream.indirect.gather [hbm4b:s6+s22], $0x80, s26, s22, $0xb8;
	[tilespmem:$0x1F480] =	vst v63  }
0x4c: {  	s1 =	smin.u32 s15, s28;
	s29 =	sxor.u32 $0x1, s3;
	_ =	swait.ge [sflag:s15], $0x3E80  }
0x4d: {  	p2 =	sne.s32 s1, $0x0;
	s20 =	sadd.s32 $0x3, s29;
	[sflag:s15] =	ssyncset.done $0x0  }
0x4e: {  	s17 =	sadd.s32 @!p2 $0x10, s4;
	s18 =	simm.s32 @!p2 $0x0;
	[sflag:s15] =	ssyncadd.s32 $0xFFFFC180  }
0x4f: {  	[spmem:s2] =	stream.indirect.scatter.add.f32 [tilespmem:s8], [sflag:$0x3], $0x80, s25, s22, $0xb8;
	[tilespmem:$0x1F480] =	vst v63  }
0x50: {  	s19 =	sand.u32 @!p2 $0x70, s16;
	s17 =	sand.u32 @!p2 $0xFF80, s17;
	_ =	swait.ge [sflag:s20], $0x3E80  }
0x51: {  	s9 =	sadd.s32 @!p2 s7, s19;
	s19 =	simm.s32 @!p2 $0x2800;
	[sflag:s20] =	ssyncset.done $0x0  }
0x52: {  	s9 =	sadd.s32 @!p2 s17, s9;
	s17 =	simm.s32 @!p2 $0x5;
	[sflag:s20] =	ssyncadd.s32 $0xFFFFC180  }
0x53: {  	[tilespmem:s19], [sflag:$0x5] =	stream.linear.gather @!p2 [hbm4b:s9+s18], $0x1400, $0x38;
	[tilespmem:$0x1F480] =	vst v63  }
0x54: {  	s23 =	simm.s32 $0x100;
	s28 =	sshll.u32 s3, $0xE;
	_ =	swait.ge @!p2 [sflag:s17], $0x1400  }
0x55: {  	s1 =	sshll.u32 s1, $0x7;
	s26 =	simm.s32 $0x1480;
	[sflag:s17] =	ssyncset.done @!p2 $0x0  }
0x56: {  	s25 =	sshll.u32 s29, $0xE;
	[sflag:s17] =	ssyncadd.s32 @!p2 $0xFFFFEC00;
	p2 =	por $0x1, $0x1  }
.Ltmp3:
0x57: {  	s8 =	sadd.s32 $0x1, s29;
	s18 =	sor.u32 $0x3C00, s25;
	(pc) =	sbr.rel @!p2 .LBB2_7-.Ltmp3, $4  }
0x58: {  	[tilespmem:s18], [sflag:s8] =	stream.indirect.gather [hbm4b:s6+s22], $0x80, s23, s22, $0xb8;
	[tilespmem:$0x1F480] =	vst v63  }
0x59: {  	s29 =	sand.u32 $0x3FFFFF80, s1;
	s1 =	simm.s32 $0x2;
	s8 =	sadd.s32 $0x1, s3  }
0x5a: {  	s9 =	sadd.s32 $0x3, s3;
	s17 =	simm.s32 $0x180;
	_ =	swait.ge [sflag:s8], $0x3E80  }
0x5b: {  	s18 =	sor.u32 $0x3C00, s28;
	s23 =	sadd.s32 $0x2800, s29;
	[sflag:s8] =	ssyncset.done $0x0  }
.LBB2_6:
0x5c: {  	s15 =	smov.u32 s1;
	s26 =	sadd.s32 $0x80, s26  }
0x5d: {  	s16 =	sadd.s32 $0x10, s16;
	s3 =	smov.u32 s17;
	[sflag:s8] =	ssyncadd.s32 $0xFFFFC180  }
0x5e: {  	[spmem:s2] =	stream.indirect.scatter.add.f32 [tilespmem:s18], [sflag:s9], $0x80, s23, s22, $0xb8;
	[tilespmem:$0x1F480] =	vst v63  }
0x5f: {  	s17 =	sadd.s32 $0x80, s17;
	s9 =	sand.u32 $0x1, s1;
	s18 =	sadd.s32 $0xFFFFFFD8, s1  }
0x60: {  	s8 =	sxor.u32 $0x1, s9;
	s1 =	smin.u32 s1, s18;
	s19 =	sshll.u32 s9, $0xE  }
0x61: {  	s20 =	sadd.s32 $0x3, s8;
	p2 =	sne.s32 s1, $0x0;
	s23 =	sshll.u32 s8, $0xE  }
0x62: {  	s25 =	sadd.s32 @!p2 s16, s4;
	s28 =	simm.s32 @!p2 $0x0;
	_ =	swait.ge [sflag:s20], $0x3E80  }
0x63: {  	s29 =	sand.u32 @!p2 $0x70, s16;
	s25 =	sand.u32 @!p2 $0xFF80, s25;
	[sflag:s20] =	ssyncset.done $0x0  }
0x64: {  	[sflag:s20] =	ssyncadd.s32 $0xFFFFC180;
	s20 =	sadd.s32 @!p2 s7, s29;
	s29 =	simm.s32 @!p2 $0x2800  }
0x65: {  	s1 =	sshll.u32 s1, $0x7;
	s20 =	sadd.s32 @!p2 s25, s20;
	s25 =	simm.s32 @!p2 $0x5  }
0x66: {  	[tilespmem:s29], [sflag:$0x5] =	stream.linear.gather @!p2 [hbm4b:s20+s28], $0x1400, $0x38;
	[tilespmem:$0x1F480] =	vst v63  }
0x67: {  	s20 =	sadd.s32 $0x1, s8;
	s28 =	sand.u32 $0x3FFFFF80, s1;
	_ =	swait.ge @!p2 [sflag:s25], $0x1400  }
0x68: {  	s23 =	sor.u32 $0x3C00, s23;
	s1 =	sadd.s32 $0x29, s18;
	[sflag:s25] =	ssyncset.done @!p2 $0x0  }
0x69: {  	[sflag:s25] =	ssyncadd.s32 @!p2 $0xFFFFEC00;
	p2 =	sne.s32 s1, $0x4F  }
.Ltmp4:
0x6a: {  	_ = 	snop;
	(pc) =	sbr.rel @p2 .LBB2_6-.Ltmp4, $4  }
0x6b: {  	s8 =	sadd.s32 $0x1, s9  }
0x6c: {  	[tilespmem:s23], [sflag:s20] =	stream.indirect.gather [hbm4b:s6+s22], $0x80, s3, s22, $0xb8;
	[tilespmem:$0x1F480] =	vst v63  }
0x6d: {  	s9 =	sadd.s32 $0x3, s9;
	_ =	swait.ge [sflag:s8], $0x3E80  }
0x6e: {  	s18 =	sor.u32 $0x3C00, s19;
	s23 =	sadd.s32 $0x2800, s28;
	[sflag:s8] =	ssyncset.done $0x0  }
.LBB2_7:
0x6f: {  	[sflag:s8] =	ssyncadd.s32 $0xFFFFC180;
	s1 =	sadd.s32 $0x1, s15  }
0x70: {  	[spmem:s2] =	stream.indirect.scatter.add.f32 [tilespmem:s18], [sflag:s9], $0x80, s23, s22, $0xb8;
	[tilespmem:$0x1F480] =	vst v63  }
0x71: {  	s3 =	sadd.s32 $0x10, s16;
	s28 =	simm.s32 $0x3;
	p2 =	sne.s32 s1, $0x28  }
0x72: {  	_ =	swait.ge [sflag:s28], $0x3E80;
	s1 =	sadd.s32 @!p2 s3, s4;
	s8 =	simm.s32 @!p2 $0x2800  }
0x73: {  	[sflag:s28] =	ssyncset.done $0x0;
	s1 =	sand.u32 @!p2 $0xFF80, s1;
	s3 =	rddreg [dreg:$0xf]  }
0x74: {  	[sflag:s28] =	ssyncadd.s32 $0xFFFFC180;
	s1 =	sadd.s32 @!p2 s1, s3;
	s3 =	simm.s32 @!p2 $0x0  }
0x75: {  	[tilespmem:s8], [sflag:$0x5] =	stream.linear.gather @!p2 [hbm4b:s1+s3], $0x1400, $0x38;
	[tilespmem:$0x1F480] =	vst v63  }
0x76: {  	s1 =	simm.s32 @!p2 $0x5  }
0x77: {  	_ =	swait.ge @!p2 [sflag:s1], $0x1400  }
0x78: {  	[sflag:s1] =	ssyncset.done @!p2 $0x0  }
0x79: {  	[sflag:s1] =	ssyncadd.s32 @!p2 $0xFFFFEC00  }
0x7a: {  	_ =	swait.ge [sflag:s30], $0x3E80  }
0x7b: {  	[sflag:s30] =	ssyncset.done $0x0  }
0x7c: {  	s29 =	sadd.s32 $0x80, s26;
	s9 =	simm.s32 $0x7C00;
	[sflag:s30] =	ssyncadd.s32 $0xFFFFC180  }
0x7d: {  	[spmem:s2] =	stream.indirect.scatter.add.f32 [tilespmem:s9], [sflag:$0x4], $0x80, s29, s22, $0xb8;
	[tilespmem:$0x1F480] =	vst v63  }
0x7e: {  	_ =	swait.ge [sflag:s31], $0x3E80  }
0x7f: {  	[sflag:s31] =	ssyncset.done $0x0  }
0x80: {  	[sflag:s31] =	ssyncadd.s32 $0xFFFFC180  }
0x81: {  	[bflag:$0x0] =	sbarrier.arrive $0xFFFF  }
0x82: {  	s1 =	rddreg [dreg:$0xc]  }
0x83: {  	[hbm:s1], [sflag:s12] =	dma.local @p1 [spmem:s24], $0x2080  }
0x84: {  	_ =	swait.ge @p1 [sflag:s11], $0x2080  }
0x85: {  	[sflag:s11] =	ssyncset.done @p1 $0x0  }
.Ltmp5:
0x86: {  	s1 =	rddreg [dreg:$0xb];
	[sflag:s11] =	ssyncadd.s32 @p1 $0xFFFFDF80;
	(pc) =	sbr.rel .LBB2_8-.Ltmp5, $4  }
0x87: {  	[hbm:s1], [sflag:s14] =	dma.local @!p1 [spmem:s10], $0x2780  }
0x88: {  	_ =	swait.ge @!p1 [sflag:s13], $0x2780  }
0x89: {  	[sflag:s13] =	ssyncset.done @!p1 $0x0  }
0x8a: {  	[sflag:s13] =	ssyncadd.s32 @!p1 $0xFFFFD880  }
.LBB2_2:
0x8b: {  	[tilespmem:s8], [sflag:$0x1] =	stream.indirect.gather [hbm4b:s5+s22], $0x80, s15, s22, $0xb8;
	[tilespmem:$0x1F480] =	vst v63  }
0x8c: {  	s12 =	simm.s32 @p1 $0x1FC5;
	s3 =	rddreg [dreg:$0x6];
	s11 =	simm.s32 @p1 $0x5  }
0x8d: {  	[spmem:s24], [sflag:s12] =	dma.local @p1 [hbm:s3], $0x2080  }
0x8e: {  	_ =	swait.ge @p1 [sflag:s11], $0x2080  }
0x8f: {  	s14 =	sor.u32 @!p1 $0x1C05, s1;
	[sflag:s11] =	ssyncset.done @p1 $0x0  }
0x90: {  	s13 =	simm.s32 @!p1 $0x5;
	s1 =	rddreg [dreg:$0x5];
	[sflag:s11] =	ssyncadd.s32 @p1 $0xFFFFDF80  }
0x91: {  	[spmem:s10], [sflag:s14] =	dma.local @!p1 [hbm:s1], $0x2780  }
0x92: {  	_ =	swait.ge @!p1 [sflag:s13], $0x2780  }
0x93: {  	[sflag:s13] =	ssyncset.done @!p1 $0x0  }
0x94: {  	[sflag:s13] =	ssyncadd.s32 @!p1 $0xFFFFD880  }
0x95: {  	[bflag:$0x0] =	sbarrier.arrive $0xFFFF  }
0x96: {  	s28 =	simm.s32 $0x2800;
	s26 =	rddreg [dreg:$0xe]  }
0x97: {  	[tilespmem:s28], [sflag:$0x5] =	stream.linear.gather [hbm4b:s26+s15], $0x1400, $0x38;
	[tilespmem:$0x1F480] =	vst v63  }
0x98: {  	_ =	swait.ge [sflag:s21], $0x1400  }
0x99: {  	[sflag:s21] =	ssyncset.done $0x0  }
0x9a: {  	s29 =	simm.s32 $0x80;
	s1 =	simm.s32 $0x1;
	[sflag:s21] =	ssyncadd.s32 $0xFFFFEC00  }
0x9b: {  	[tilespmem:s9], [sflag:$0x2] =	stream.indirect.gather [hbm4b:s5+s22], $0x80, s29, s22, $0xb8;
	[tilespmem:$0x1F480] =	vst v63  }
0x9c: {  	_ =	swait.ge [sflag:s1], $0x3E80  }
0x9d: {  	[sflag:s1] =	ssyncset.done $0x0  }
0x9e: {  	s18 =	simm.s32 $0xFFFFFFD9;
	s3 =	sand.u32 $0x1, s1;
	[sflag:s1] =	ssyncadd.s32 $0xFFFFC180  }
0x9f: {  	[spmem:s2] =	stream.indirect.scatter.add.f32 [tilespmem:s8], [sflag:$0x3], $0x80, s28, s22, $0xb8;
	[tilespmem:$0x1F480] =	vst v63  }
0xa0: {  	s19 =	sxor.u32 $0x1, s3;
	s8 =	smin.u32 s1, s18  }
0xa1: {  	s17 =	sadd.s32 $0x3, s19;
	p2 =	sne.s32 s8, $0x0  }
0xa2: {  	s16 =	simm.s32 $0x10;
	_ =	swait.ge [sflag:s17], $0x3E80;
	s18 =	sadd.s32 @!p2 $0x10, s4  }
0xa3: {  	s23 =	simm.s32 @!p2 $0x0;
	[sflag:s17] =	ssyncset.done $0x0;
	s26 =	sand.u32 @!p2 $0x70, s16  }
0xa4: {  	s18 =	sand.u32 @!p2 $0xFF80, s18;
	[sflag:s17] =	ssyncadd.s32 $0xFFFFC180;
	s17 =	sadd.s32 @!p2 s7, s26  }
0xa5: {  	s26 =	simm.s32 @!p2 $0x2800;
	s17 =	sadd.s32 @!p2 s18, s17;
	s18 =	simm.s32 @!p2 $0x5  }
0xa6: {  	[tilespmem:s26], [sflag:$0x5] =	stream.linear.gather @!p2 [hbm4b:s17+s23], $0x1400, $0x38;
	[tilespmem:$0x1F480] =	vst v63  }
0xa7: {  	s20 =	simm.s32 $0x100;
	s25 =	sshll.u32 s19, $0xE;
	_ =	swait.ge @!p2 [sflag:s18], $0x1400  }
0xa8: {  	s15 =	sadd.s32 $0x1, s19;
	s9 =	sadd.s32 $0x3, s3;
	[sflag:s18] =	ssyncset.done @!p2 $0x0  }
0xa9: {  	s8 =	sshll.u32 s8, $0x7;
	[sflag:s18] =	ssyncadd.s32 @!p2 $0xFFFFEC00;
	p2 =	por $0x1, $0x1  }
.Ltmp6:
0xaa: {  	s28 =	sshll.u32 s3, $0xE;
	s29 =	sand.u32 $0x3FFFFF80, s8;
	(pc) =	sbr.rel @!p2 .LBB2_4-.Ltmp6, $4  }
0xab: {  	s8 =	sadd.s32 $0x1, s3;
	s26 =	simm.s32 $0x1480;
	s23 =	sor.u32 $0x3C00, s25  }
0xac: {  	[tilespmem:s23], [sflag:s15] =	stream.indirect.gather [hbm4b:s5+s22], $0x80, s20, s22, $0xb8;
	[tilespmem:$0x1F480] =	vst v63  }
0xad: {  	s17 =	simm.s32 $0x180;
	s18 =	sor.u32 $0x3C00, s28;
	_ =	swait.ge [sflag:s8], $0x3E80  }
0xae: {  	s15 =	simm.s32 $0x2;
	s23 =	sadd.s32 $0x2800, s29;
	[sflag:s8] =	ssyncset.done $0x0  }
.LBB2_3:
0xaf: {  	s1 =	smov.u32 s15;
	s26 =	sadd.s32 $0x80, s26  }
0xb0: {  	s16 =	sadd.s32 $0x10, s16;
	s19 =	smov.u32 s17;
	[sflag:s8] =	ssyncadd.s32 $0xFFFFC180  }
0xb1: {  	[spmem:s2] =	stream.indirect.scatter.add.f32 [tilespmem:s18], [sflag:s9], $0x80, s23, s22, $0xb8;
	[tilespmem:$0x1F480] =	vst v63  }
0xb2: {  	s17 =	sadd.s32 $0x80, s17;
	s9 =	sand.u32 $0x1, s15;
	s18 =	sadd.s32 $0xFFFFFFD8, s15  }
0xb3: {  	s8 =	sxor.u32 $0x1, s9;
	s15 =	smin.u32 s15, s18;
	s23 =	sshll.u32 s9, $0xE  }
0xb4: {  	s20 =	sadd.s32 $0x3, s8;
	p2 =	sne.s32 s15, $0x0;
	s25 =	sshll.u32 s8, $0xE  }
0xb5: {  	s28 =	sadd.s32 @!p2 s16, s4;
	s3 =	simm.s32 @!p2 $0x0;
	_ =	swait.ge [sflag:s20], $0x3E80  }
0xb6: {  	s29 =	sand.u32 @!p2 $0x70, s16;
	s28 =	sand.u32 @!p2 $0xFF80, s28;
	[sflag:s20] =	ssyncset.done $0x0  }
0xb7: {  	[sflag:s20] =	ssyncadd.s32 $0xFFFFC180;
	s20 =	sadd.s32 @!p2 s7, s29;
	s29 =	simm.s32 @!p2 $0x2800  }
0xb8: {  	s15 =	sshll.u32 s15, $0x7;
	s20 =	sadd.s32 @!p2 s28, s20;
	s28 =	simm.s32 @!p2 $0x5  }
0xb9: {  	[tilespmem:s29], [sflag:$0x5] =	stream.linear.gather @!p2 [hbm4b:s20+s3], $0x1400, $0x38;
	[tilespmem:$0x1F480] =	vst v63  }
0xba: {  	s3 =	sadd.s32 $0x1, s8;
	s20 =	sand.u32 $0x3FFFFF80, s15;
	_ =	swait.ge @!p2 [sflag:s28], $0x1400  }
0xbb: {  	s25 =	sor.u32 $0x3C00, s25;
	s15 =	sadd.s32 $0x29, s18;
	[sflag:s28] =	ssyncset.done @!p2 $0x0  }
0xbc: {  	[sflag:s28] =	ssyncadd.s32 @!p2 $0xFFFFEC00;
	p2 =	sne.s32 s15, $0x4F  }
.Ltmp7:
0xbd: {  	_ = 	snop;
	(pc) =	sbr.rel @p2 .LBB2_3-.Ltmp7, $4  }
0xbe: {  	s8 =	sadd.s32 $0x1, s9  }
0xbf: {  	[tilespmem:s25], [sflag:s3] =	stream.indirect.gather [hbm4b:s5+s22], $0x80, s19, s22, $0xb8;
	[tilespmem:$0x1F480] =	vst v63  }
0xc0: {  	s9 =	sadd.s32 $0x3, s9;
	_ =	swait.ge [sflag:s8], $0x3E80  }
0xc1: {  	s18 =	sor.u32 $0x3C00, s23;
	s23 =	sadd.s32 $0x2800, s20;
	[sflag:s8] =	ssyncset.done $0x0  }
.Ltmp8:
0xc2: {  	_ = 	snop;
	(pc) =	sbr.rel .LBB2_4-.Ltmp8, $1  }
0xc3: {  	_ =	sdelay $0x3  }
.LBB2_9:
0xc4: {  	_ =	sfence.sel $0x180000  }
0xc5: {  	[bflag:$0x0] =	sbarrier.arrive $0xFFFF  }
0xc6: {  	_ =	strace $0x9000004D  }
0xc7: {  	s0 =	stileid.u32;
	[bflag:$0x2] =	sbarrier.arrive $0xFFFF  }
0xc8: {  	p0 =	sne.s32 s0, $0x0;
	s0 =	rddreg [dreg:$0x2]  }
0xc9: {  	s0 =	sadd.s32 @!p0 $0x100000, s0  }
0xca: {  	[sflag:s0] =	ssyncadd.tile.s32 @!p0 $0x1;
	_ =	shalt  }
.Lfunc_end2:
_tile_overlayer_lowered:
.L_overlay_start_2:
0xcb: {  	(tag) =	ssettag $0x2  }
0xcc: {  	s0 =	rddreg [dreg:$0x0];
	s2 =	stileid.u32  }
0xcd: {  	s1 =	rddreg [dreg:$0x1];
	p0 =	sne.s32 s2, $0x0  }
0xce: {  	s3 =	rddreg [dreg:$0x2];
	[bflag:$0x3] =	sbarrier.arrive $0xFFFF;
	s2 =	simm.s32 @!p0 $0x1C05  }
0xcf: {  	[timem:s3], [sflag:s2] =	dma.local @!p0 [hbm:s0], s1  }
0xd0: {  	s0 =	simm.s32 @!p0 $0x5  }
0xd1: {  	_ =	swait.ge @!p0 [sflag:s0], s1  }
0xd2: {  	s1 =	ssub.s32 @!p0 $0x0, s1;
	[sflag:s0] =	ssyncset.done @!p0 $0x0  }
0xd3: {  	[sflag:s0] =	ssyncadd.s32 @!p0 s1  }
0xd4: {  	[bflag:$0x3] =	sbarrier.arrive $0xFFFF  }
0xd5: {  	_ =	shalt  }

// kernel: kernel.22.cloned.1.call-start
scs
__scs_entry_jumppad:
0x0: {  	(pc) =	sbr.rel $0x88, $3  }
0x1: {  	(tag) =	ssettag $0x0;
	lr =	simm.s32 $0x1  }
0x2: {  	[smem:$0x3F95] =	sst lr;
	_ =	strace $0xD0000000  }
0x3: {  	_ = 	snop  }
0x4: {  	_ = 	snop  }
0x5: {  	_ = 	snop  }
0x6: {  	_ = 	snop  }
0x7: {  	_ = 	snop  }
__scs_overlays_trampoline_lowered:
0x8: {  	[smem:$0x3FA4] =	sst s0  }
0x9: {  	[smem:$0x3FA5] =	sst s1  }
0xa: {  	[smem:$0x3FA6] =	sst s2  }
0xb: {  	[smem:$0x3FA7] =	sst s3  }
0xc: {  	[smem:$0x3FA8] =	sst s4  }
0xd: {  	[smem:$0x3FA9] =	sst s5  }
0xe: {  	[smem:$0x3FAA] =	sst s6  }
0xf: {  	[smem:$0x3FAB] =	sst s7  }
0x10: {  	[smem:$0x3FAC] =	sst s8  }
0x11: {  	[smem:$0x3FAD] =	sst s9;
	s0 =	simm.s32 @!p0 $0x0  }
0x12: {  	s1 =	sld [smem:$0x3F93];
	s0 =	simm.s32 @p0 $0x1  }
0x13: {  	[smem:$0x3FAE] =	sst s0;
	s0 =	simm.s32 @!p1 $0x0  }
0x14: {  	s2 =	sld [smem:$0x3F92];
	s0 =	simm.s32 @p1 $0x1  }
0x15: {  	[smem:$0x3FAF] =	sst s0;
	s0 =	simm.s32 @!p2 $0x0  }
0x16: {  	s3 =	sld [smem:$0x3FDB];
	s0 =	simm.s32 @p2 $0x1  }
0x17: {  	s4 =	simm.s32 $0x1BF5;
	[smem:$0x3FB1] =	sst s0  }
0x18: {  	s0 =	sld [smem:$0x3F94];
	_ =	swait.ge [sflag:s4], $0x0  }
0x19: {  	s7 =	sld [smem:$0x3F95]  }
0x1a: {  	s8 =	sadd.s32 $0xFFFFE003, lr  }
0x1b: {  	s9 =	sadd.s32 $0xFFFFFEF7, lr;
	s5 =	simm.s32 $0xFFFFFFFF;
	p2 =	slt.u32 s8, $0xFFFFF086  }
0x1c: {  	p1 =	slt.u32 s9, $0xF7A;
	s5 =	simm.s32 @!p2 $0x0  }
0x1d: {  	s5 =	simm.s32 @p1 $0x1;
	p0 =	seq.s32 s7, s2  }
0x1e: {  	s7 =	smul.u32 @!p0 $0xF7A, s2;
	p2 =	seq.s32 @!p0 s5, $0x0  }
0x1f: {  	s9 =	smul.u32 $0xF7A, s1;
	s8 =	simm.s32 @!p0 $0x1BF5;
	p2 =	por !p2, p0  }
0x20: {  	[sflag:s8] =	ssyncset.s32 @!p0 $0xFFFFF086;
	s6 =	sadd.s32 @!p0 s3, s7;
	s7 =	simm.s32 @!p0 $0x108  }
0x21: {  	s3 =	sadd.s32 s3, s9;
	s6 =	sadd.s32 @!p0 $0x88, s6;
	s7 =	simm.s32 @p2 $0x1082  }
0x22: {  	[simem:s7], [sflag:s8] =	dma.local @!p0 [hbm:s6], $0xF7A  }
0x23: {  	s9 =	sor.u32 $0xD0000000, s2;
	s6 =	simm.s32 $0x108;
	_ =	swait.ge @!p0 [sflag:s8], $0x0  }
0x24: {  	s3 =	sadd.s32 $0x88, s3;
	s6 =	simm.s32 @!p1 $0x1082;
	[sflag:s4] =	ssyncset.s32 $0xFFFFF086  }
0x25: {  	[simem:s6], [sflag:s4] =	dma.local [hbm:s3], $0xF7A  }
0x26: {  	[smem:$0x3F95] =	sst s1;
	(tag) =	ssettag s2;
	_ =	strace s9  }
0x27: {  	s1 =	sld [smem:$0x3FA5]  }
0x28: {  	s2 =	sld [smem:$0x3FA6]  }
0x29: {  	s4 =	sld [smem:$0x3FA8]  }
0x2a: {  	p0 =	seq.s32 s5, $0x0;
	s5 =	sld [smem:$0x3FA9]  }
0x2b: {  	s6 =	sld [smem:$0x3FAA]  }
0x2c: {  	s7 =	sld [smem:$0x3FAB]  }
0x2d: {  	s3 =	simm.s32 $0x108;
	s8 =	sld [smem:$0x3FAC]  }
0x2e: {  	s3 =	simm.s32 @!p0 $0x1082;
	s9 =	sld [smem:$0x3FAD]  }
0x2f: {  	lr =	sadd.s32 s0, s3;
	s0 =	sld [smem:$0x3FA4]  }
0x30: {  	s3 =	sld [smem:$0x3FA7]  }
0x31: {  	[smem:$0x3FB0] =	sst s10  }
0x32: {  	s10 =	sld [smem:$0x3FAE];
	_ =	sdelay $0x3  }
0x33: {  	p0 =	seq.s32 s10, $0x1;
	s10 =	sld [smem:$0x3FB0];
	_ =	sdelay $0x3  }
0x34: {  	[smem:$0x3FB0] =	sst s10  }
0x35: {  	s10 =	sld [smem:$0x3FAF];
	_ =	sdelay $0x3  }
0x36: {  	p1 =	seq.s32 s10, $0x1;
	s10 =	sld [smem:$0x3FB0];
	_ =	sdelay $0x3  }
0x37: {  	[smem:$0x3FB0] =	sst s10  }
0x38: {  	s10 =	sld [smem:$0x3FB1]  }
0x39: {  	_ = 	snop;
	(pc) =	sbr.ind lr, $3  }
0x3a: {  	_ = 	snop  }
0x3b: {  	_ = 	snop  }
0x3c: {  	p2 =	seq.s32 s10, $0x1;
	s10 =	sld [smem:$0x3FB0]  }
0x3d: {  	_ =	shalt  }
0x3e: {  	_ =	shalt  }
0x3f: {  	_ =	shalt  }
0x40: {  	_ =	shalt  }
0x41: {  	_ =	shalt  }
0x42: {  	_ =	shalt  }
0x43: {  	_ =	shalt  }
0x44: {  	_ =	shalt  }
0x45: {  	_ =	shalt  }
0x46: {  	_ =	shalt  }
0x47: {  	_ =	shalt  }
0x48: {  	_ =	shalt  }
0x49: {  	_ =	shalt  }
0x4a: {  	_ =	shalt  }
0x4b: {  	_ =	shalt  }
0x4c: {  	_ =	shalt  }
0x4d: {  	_ =	shalt  }
0x4e: {  	_ =	shalt  }
0x4f: {  	_ =	shalt  }
0x50: {  	_ =	shalt  }
0x51: {  	_ =	shalt  }
0x52: {  	_ =	shalt  }
0x53: {  	_ =	shalt  }
0x54: {  	_ =	shalt  }
0x55: {  	_ =	shalt  }
0x56: {  	_ =	shalt  }
0x57: {  	_ =	shalt  }
0x58: {  	_ =	shalt  }
0x59: {  	_ =	shalt  }
0x5a: {  	_ =	shalt  }
0x5b: {  	_ =	shalt  }
0x5c: {  	_ =	shalt  }
0x5d: {  	_ =	shalt  }
0x5e: {  	_ =	shalt  }
0x5f: {  	_ =	shalt  }
0x60: {  	_ =	shalt  }
0x61: {  	_ =	shalt  }
0x62: {  	_ =	shalt  }
0x63: {  	_ =	shalt  }
0x64: {  	_ =	shalt  }
0x65: {  	_ =	shalt  }
0x66: {  	_ =	shalt  }
0x67: {  	_ =	shalt  }
0x68: {  	_ =	shalt  }
0x69: {  	_ =	shalt  }
0x6a: {  	_ =	shalt  }
0x6b: {  	_ =	shalt  }
0x6c: {  	_ =	shalt  }
0x6d: {  	_ =	shalt  }
0x6e: {  	_ =	shalt  }
0x6f: {  	_ =	shalt  }
0x70: {  	_ =	shalt  }
0x71: {  	_ =	shalt  }
0x72: {  	_ =	shalt  }
0x73: {  	_ =	shalt  }
0x74: {  	_ =	shalt  }
0x75: {  	_ =	shalt  }
0x76: {  	_ =	shalt  }
0x77: {  	_ =	shalt  }
0x78: {  	_ =	shalt  }
0x79: {  	_ =	shalt  }
0x7a: {  	_ =	shalt  }
0x7b: {  	_ =	shalt  }
0x7c: {  	_ =	shalt  }
0x7d: {  	_ =	shalt  }
0x7e: {  	_ =	shalt  }
0x7f: {  	_ =	shalt  }
0x80: {  	_ =	shalt  }
0x81: {  	_ =	shalt  }
0x82: {  	_ =	shalt  }
0x83: {  	_ =	shalt  }
0x84: {  	_ =	shalt  }
0x85: {  	_ =	shalt  }
0x86: {  	_ =	shalt  }
0x87: {  	_ =	shalt  }
.Lfunc_end0:
.L_simem_size_0:
called_computation.3_lowered:
.L_overlay_start_0:
0x88: {  	s2 =	sld [smem:$0x3FD9]  }
0x89: {  	s3 =	sld [smem:$0x3FFE];
	_ =	sdelay $0x1  }
0x8a: {  	s1 =	srdreg.scid  }
0x8b: {  	s0 =	sand.u32 $0x1, s1  }
0x8c: {  	s16 =	sshll.u32 s0, $0xA;
	s2 =	sadd.s32 s3, s2  }
0x8d: {  	s2 =	sadd.s32 s2, s16  }
0x8e: {  	[smem:$0x3FBC] =	sst s2  }
0x8f: {  	_ = 	snop  }
0x90: {  	(tm) =	ssettm $0x1  }
0x91: {  	s17 =	sld [smem:$0x3FFB];
	_ =	sdelay $0x3  }
0x92: {  	_ =	strace s17  }
0x93: {  	s2 =	sld [smem:$0x3FFC];
	_ =	sdelay $0x3  }
0x94: {  	_ =	strace s2  }
0x95: {  	s2 =	sld [smem:$0x3FFD];
	_ =	sdelay $0x3  }
0x96: {  	_ =	strace s2  }
0x97: {  	_ =	strace $0x8FFFFFFF  }
0x98: {  	s18 =	sld [smem:$0x3FDB];
	_ =	sdelay $0x1  }
0x99: {  	s19 =	simm.s32 $_scs_section_size  }
0x9a: {  	s4 =	simm.s32 $_size__tile_overlayer_lowered;
	s5 =	simm.s32 $_tile_overlayer_lowered  }
0x9b: {  	s22 =	simm.s32 $0x1BFF;
	s21 =	sshll.u32 s5, $0x1;
	s2 =	sadd.s32 s19, s18  }
0x9c: {  	s6 =	simm.s32 $0x0;
	s20 =	sshll.u32 s4, $0x1;
	s4 =	sadd.s32 s21, s2  }
0x9d: {  	[timem:s6], [sflag:s22] =	dma.local [hbm:s4], s20  }
0x9e: {  	_ =	swait.ge [sflag:s22], s20  }
0x9f: {  	s3 =	ssub.s32 $0x0, s20;
	[sflag:s22] =	ssyncset.done $0x0  }
0xa0: {  	[sflag:s22] =	ssyncadd.s32 s3;
	_ =	sdelay $0x1  }
0xa1: {  	s23 =	simm.s32 $0x1B8B  }
0xa2: {  	_ =	swait.ge [sflag:s23], $0x1  }
0xa3: {  	[sflag:s23] =	ssyncset.done $0x0  }
0xa4: {  	s25 =	simm.s32 $0x1B8E;
	s24 =	sld [smem:$0x3FFE];
	[sflag:s23] =	ssyncadd.s32 $0xFFFFFFFF  }
0xa5: {  	s26 =	simm.s32 $execute0_lowered;
	[smem:$0x3FD2] =	sst s25  }
0xa6: {  	s4 =	sshll.u32 s26, $0x1;
	_ =	strace $0x8000004F;
	[dreg:$0x1] =	wrdreg $0xFFFFFFFF  }
0xa7: {  	s28 =	simm.s32 $_size_execute0_lowered;
	s2 =	sadd.s32 s2, s4;
	[dreg:$0x0] =	wrdreg $0x0  }
0xa8: {  	s4 =	sshll.u32 s28, $0x1;
	[dreg:$0x2] =	wrdreg s2  }
0xa9: {  	[dreg:$0x3] =	wrdreg s4  }
0xaa: {  	[dreg:$0x4] =	wrdreg $0xC0  }
0xab: {  	_ =	task [dreg:s6], $0x5FFFF  }
0xac: {  	[dreg:$0x1] =	wrdreg $0xFFFFFFFF  }
0xad: {  	[dreg:$0x0] =	wrdreg $0x60  }
0xae: {  	[dreg:$0x2] =	wrdreg s24  }
0xaf: {  	[dreg:$0x3] =	wrdreg $0xBC000  }
0xb0: {  	[dreg:$0x4] =	wrdreg $0x9  }
0xb1: {  	_ =	task.clear_ibuf [dreg:s6], $0x5FFFF;
	_ =	strace $0x9000004F  }
0xb2: {  	s29 =	simm.s32 $0x9;
	_ =	strace $0x80000051  }
0xb3: {  	_ =	swait.ge [sflag:s29], $0x1  }
0xb4: {  	[sflag:s29] =	ssyncadd.s32 $0xFFFFFFFF  }
0xb5: {  	_ =	strace $0x90000051  }
0xb6: {  	_ =	sfence  }
0xb7: {  	s30 =	sld [smem:$0x0];
	_ =	sdelay $0x2  }
0xb8: {  	s31 =	sshll.u32 s1, $0xD;
	s1 =	sshrl.u32 s1, $0x2  }
0xb9: {  	s3 =	sand.u32 $0x4000, s31;
	s1 =	sadd.s32 s1, s30  }
0xba: {  	s0 =	sor.u32 s3, s0;
	s1 =	sshll.u32 s1, $0x11  }
0xbb: {  	s0 =	sor.u32 s1, s0  }
0xbc: {  	s0 =	sadd.s32 $0x8F2B, s0  }
0xbd: {  	[sflag:s0] =	ssyncadd.remote.s32 $0x1  }
0xbe: {  	_ =	sfence.sel $0xFFFF  }
0xbf: {  	[dreg:$0x0] =	wrdreg $0xFFFFFFFF;
	(pc) =	sbr.abs _section_cstart, $3  }
0xc0: {  	[dreg:$0x1] =	wrdreg $0xFFFFFFFF  }
0xc1: {  	_ =	task.clear_ibuf [dreg:s6], $0x2FFFF;
	_ =	strace $0x9FFFFFFF  }
0xc2: {  	(tm) =	ssettm $0x7FFFFFFF  }
0xc3: {  	_ =	shalt  }
tec
execute0_lowered:
.L_overlay_start_1:
0x0: {  	(tag) =	ssettag $0x1  }
0x1: {  	s0 =	rddreg [dreg:$0x0]  }
0x2: {  	s2 =	rddreg [dreg:$0x1];
	s15 =	simm.s32 $0x0  }
0x3: {  	s3 =	stileid.u32;
	s1 =	srdreg.scid;
	s30 =	simm.s32 $0x2  }
0x4: {  	s31 =	simm.s32 $0x4;
	[smem:$0x7FF] =	sst s15;
	s4 =	smul.u32 $0x500, s3  }
0x5: {  	s5 =	sadd.s32 $0xBC00, s0;
	s8 =	smul.u32 $0x2780, s3;
	s1 =	sand.u32 $0x1, s1  }
0x6: {  	s6 =	sadd.s32 $0x32E00, s0;
	s10 =	smul.u32 $0x4F000, s3;
	s7 =	sadd.s32 $0x6C00, s0  }
0x7: {  	s21 =	sadd.s32 $0x30C80, s0;
	s23 =	sadd.s32 $0xAB280, s0;
	s24 =	sadd.s32 $0x57E80, s0  }
0x8: {  	s26 =	sadd.s32 $0xD2480, s0;
	_ =	strace $0x80000050;
	[dreg:$0x6] =	wrdreg s21  }
0x9: {  	p1 =	seq.s32 s3, $0xF;
	s9 =	ssub.s32 $0x2, s1;
	[dreg:$0x8] =	wrdreg s23  }
0xa: {  	p0 =	seq.s32 s1, $0x1;
	s1 =	sadd.s32 $0x128400, s2;
	[dreg:$0xa] =	wrdreg s24  }
0xb: {  	[dreg:$0xc] =	wrdreg s26;
	s21 =	simm.s32 $0x5;
	s20 =	sadd.s32 s5, s8  }
0xc: {  	s13 =	sadd.s32 s8, s0;
	s8 =	sadd.s32 s6, s8;
	[dreg:$0x5] =	wrdreg s20  }
0xd: {  	s11 =	sadd.s32 s4, s0;
	s29 =	sadd.s32 s4, s7;
	[dreg:$0x9] =	wrdreg s8  }
0xe: {  	s12 =	sshrl.u32 s9, $0x1;
	s0 =	sadd.s32 $0x6C70, s0;
	[dreg:$0xe] =	wrdreg s29  }
0xf: {  	s10 =	sshrl.u32 s10, $0x2;
	s11 =	sadd.s32 $0x5A000, s11;
	[dreg:$0xf] =	wrdreg s0  }
.Ltmp0:
0x10: {  	s19 =	sadd.s32 s10, s2;
	[dreg:$0x3] =	wrdreg s11;
	(pc) =	sbr.rel .LBB2_1-.Ltmp0, $4  }
0x11: {  	s24 =	sshrl.u32 @p1 s1, $0x3;
	s22 =	sadd.s32 $0x86200, s13;
	[dreg:$0x4] =	wrdreg s19  }
0x12: {  	s9 =	ssub.s32 s9, s12;
	s25 =	sadd.s32 $0xAD400, s13;
	[dreg:$0x7] =	wrdreg s22  }
0x13: {  	s0 =	simm.s32 $0x0;
	[dreg:$0xb] =	wrdreg s25;
	s28 =	smax.u32 s9, $0x1  }
0x14: {  	s22 =	simm.s32 $0x7D;
	s9 =	simm.s32 $0x7C00;
	[dreg:$0xd] =	wrdreg s28  }
.LBB2_4:
0x15: {  	[sflag:s8] =	ssyncadd.s32 $0xFFFFC180;
	s1 =	sadd.s32 $0x1, s1  }
0x16: {  	[spmem:s2] =	stream.indirect.scatter.add.f32 [tilespmem:s18], [sflag:s9], $0x80, s23, s22, $0xb8;
	[tilespmem:$0x1F480] =	vst v63  }
0x17: {  	s3 =	sadd.s32 $0x10, s16;
	s28 =	simm.s32 $0x3;
	p2 =	sne.s32 s1, $0x28  }
0x18: {  	_ =	swait.ge [sflag:s28], $0x3E80;
	s1 =	sadd.s32 @!p2 s3, s4;
	s8 =	simm.s32 @!p2 $0x2800  }
0x19: {  	[sflag:s28] =	ssyncset.done $0x0;
	s1 =	sand.u32 @!p2 $0xFF80, s1;
	s3 =	rddreg [dreg:$0xf]  }
0x1a: {  	[sflag:s28] =	ssyncadd.s32 $0xFFFFC180;
	s1 =	sadd.s32 @!p2 s1, s3;
	s3 =	simm.s32 @!p2 $0x0  }
0x1b: {  	[tilespmem:s8], [sflag:$0x5] =	stream.linear.gather @!p2 [hbm4b:s1+s3], $0x1400, $0x38;
	[tilespmem:$0x1F480] =	vst v63  }
0x1c: {  	s1 =	simm.s32 @!p2 $0x5  }
0x1d: {  	_ =	swait.ge @!p2 [sflag:s1], $0x1400  }
0x1e: {  	[sflag:s1] =	ssyncset.done @!p2 $0x0  }
0x1f: {  	[sflag:s1] =	ssyncadd.s32 @!p2 $0xFFFFEC00  }
0x20: {  	_ =	swait.ge [sflag:s30], $0x3E80  }
0x21: {  	[sflag:s30] =	ssyncset.done $0x0  }
0x22: {  	s29 =	sadd.s32 $0x80, s26;
	s9 =	simm.s32 $0x7C00;
	[sflag:s30] =	ssyncadd.s32 $0xFFFFC180  }
0x23: {  	[spmem:s2] =	stream.indirect.scatter.add.f32 [tilespmem:s9], [sflag:$0x4], $0x80, s29, s22, $0xb8;
	[tilespmem:$0x1F480] =	vst v63  }
0x24: {  	_ =	swait.ge [sflag:s31], $0x3E80  }
0x25: {  	[sflag:s31] =	ssyncset.done $0x0  }
0x26: {  	[sflag:s31] =	ssyncadd.s32 $0xFFFFC180  }
0x27: {  	[bflag:$0x0] =	sbarrier.arrive $0xFFFF  }
0x28: {  	s1 =	rddreg [dreg:$0x8]  }
0x29: {  	[hbm:s1], [sflag:s12] =	dma.local @p1 [spmem:s24], $0x2080  }
0x2a: {  	_ =	swait.ge @p1 [sflag:s11], $0x2080  }
0x2b: {  	[sflag:s11] =	ssyncset.done @p1 $0x0  }
0x2c: {  	s1 =	rddreg [dreg:$0x7];
	[sflag:s11] =	ssyncadd.s32 @p1 $0xFFFFDF80  }
0x2d: {  	[hbm:s1], [sflag:s14] =	dma.local @!p1 [spmem:s10], $0x2780  }
0x2e: {  	_ =	swait.ge @!p1 [sflag:s13], $0x2780  }
0x2f: {  	[sflag:s13] =	ssyncset.done @!p1 $0x0  }
0x30: {  	[sflag:s13] =	ssyncadd.s32 @!p1 $0xFFFFD880  }
.LBB2_8:
0x31: {  	s0 =	sadd.s32 $0x1, s0;
	s1 =	rddreg [dreg:$0xd]  }
0x32: {  	p2 =	sne.s32 s0, s1  }
.Ltmp1:
0x33: {  	_ = 	snop;
	(pc) =	sbr.rel @!p2 .LBB2_9-.Ltmp1, $2  }
0x34: {  	_ =	sdelay $0x2  }
0x35: {  	s15 =	simm.s32 $0x0  }
.LBB2_1:
.Ltmp2:
0x36: {  	s1 =	rddreg [dreg:$0x3];
	(pc) =	sbr.rel @!p0 .LBB2_2-.Ltmp2, $4  }
0x37: {  	[tilespmem:s15], [sflag:$0x5] =	stream.linear.gather [hbm4b:s1+s15], $0x2800, $0x38;
	[tilespmem:$0x1F480] =	vst v63  }
0x38: {  	s8 =	simm.s32 $0x3C00;
	_ =	swait.ge [sflag:s21], $0x2800  }
0x39: {  	s1 =	stileid.u32;
	[sflag:s21] =	ssyncset.done $0x0;
	s3 =	rddreg [dreg:$0x4]  }
0x3a: {  	s1 =	sshll.u32 @!p1 s1, $0x6;
	[sflag:s21] =	ssyncadd.s32 $0xFFFFD800;
	s10 =	sshrl.u32 @!p1 s3, $0x3  }
0x3b: {  	[tilespmem:s8], [sflag:$0x1] =	stream.indirect.gather [hbm4b:s6+s22], $0x80, s15, s22, $0xb8;
	[tilespmem:$0x1F480] =	vst v63  }
0x3c: {  	s12 =	simm.s32 @p1 $0x1FC5;
	s3 =	rddreg [dreg:$0xa];
	s11 =	simm.s32 @p1 $0x5  }
0x3d: {  	[spmem:s24], [sflag:s12] =	dma.local @p1 [hbm:s3], $0x2080  }
0x3e: {  	_ =	swait.ge @p1 [sflag:s11], $0x2080  }
0x3f: {  	s14 =	sor.u32 @!p1 $0x1C05, s1;
	[sflag:s11] =	ssyncset.done @p1 $0x0  }
0x40: {  	s13 =	simm.s32 @!p1 $0x5;
	s1 =	rddreg [dreg:$0x9];
	[sflag:s11] =	ssyncadd.s32 @p1 $0xFFFFDF80  }
0x41: {  	[spmem:s10], [sflag:s14] =	dma.local @!p1 [hbm:s1], $0x2780  }
0x42: {  	_ =	swait.ge @!p1 [sflag:s13], $0x2780  }
0x43: {  	[sflag:s13] =	ssyncset.done @!p1 $0x0  }
0x44: {  	[sflag:s13] =	ssyncadd.s32 @!p1 $0xFFFFD880  }
0x45: {  	[bflag:$0x0] =	sbarrier.arrive $0xFFFF  }
0x46: {  	s25 =	simm.s32 $0x2800;
	s23 =	rddreg [dreg:$0xe]  }
0x47: {  	[tilespmem:s25], [sflag:$0x5] =	stream.linear.gather [hbm4b:s23+s15], $0x1400, $0x38;
	[tilespmem:$0x1F480] =	vst v63  }
0x48: {  	s26 =	simm.s32 $0x80;
	_ =	swait.ge [sflag:s21], $0x1400  }
0x49: {  	s28 =	simm.s32 $0xFFFFFFD9;
	s15 =	simm.s32 $0x1;
	[sflag:s21] =	ssyncset.done $0x0  }
0x4a: {  	s16 =	simm.s32 $0x10;
	s3 =	sand.u32 $0x1, s15;
	[sflag:s21] =	ssyncadd.s32 $0xFFFFEC00  }
0x4b: {  	[tilespmem:s9], [sflag:$0x2] =	stream.indirect.gather [hbm4b:s6+s22], $0x80, s26, s22, $0xb8;
	[tilespmem:$0x1F480] =	vst v63  }
0x4c: {  	s1 =	smin.u32 s15, s28;
	s29 =	sxor.u32 $0x1, s3;
	_ =	swait.ge [sflag:s15], $0x3E80  }
0x4d: {  	p2 =	sne.s32 s1, $0x0;
	s20 =	sadd.s32 $0x3, s29;
	[sflag:s15] =	ssyncset.done $0x0  }
0x4e: {  	s17 =	sadd.s32 @!p2 $0x10, s4;
	s18 =	simm.s32 @!p2 $0x0;
	[sflag:s15] =	ssyncadd.s32 $0xFFFFC180  }
0x4f: {  	[spmem:s2] =	stream.indirect.scatter.add.f32 [tilespmem:s8], [sflag:$0x3], $0x80, s25, s22, $0xb8;
	[tilespmem:$0x1F480] =	vst v63  }
0x50: {  	s19 =	sand.u32 @!p2 $0x70, s16;
	s17 =	sand.u32 @!p2 $0xFF80, s17;
	_ =	swait.ge [sflag:s20], $0x3E80  }
0x51: {  	s9 =	sadd.s32 @!p2 s7, s19;
	s19 =	simm.s32 @!p2 $0x2800;
	[sflag:s20] =	ssyncset.done $0x0  }
0x52: {  	s9 =	sadd.s32 @!p2 s17, s9;
	s17 =	simm.s32 @!p2 $0x5;
	[sflag:s20] =	ssyncadd.s32 $0xFFFFC180  }
0x53: {  	[tilespmem:s19], [sflag:$0x5] =	stream.linear.gather @!p2 [hbm4b:s9+s18], $0x1400, $0x38;
	[tilespmem:$0x1F480] =	vst v63  }
0x54: {  	s23 =	simm.s32 $0x100;
	s28 =	sshll.u32 s3, $0xE;
	_ =	swait.ge @!p2 [sflag:s17], $0x1400  }
0x55: {  	s1 =	sshll.u32 s1, $0x7;
	s26 =	simm.s32 $0x1480;
	[sflag:s17] =	ssyncset.done @!p2 $0x0  }
0x56: {  	s25 =	sshll.u32 s29, $0xE;
	[sflag:s17] =	ssyncadd.s32 @!p2 $0xFFFFEC00;
	p2 =	por $0x1, $0x1  }
.Ltmp3:
0x57: {  	s8 =	sadd.s32 $0x1, s29;
	s18 =	sor.u32 $0x3C00, s25;
	(pc) =	sbr.rel @!p2 .LBB2_7-.Ltmp3, $4  }
0x58: {  	[tilespmem:s18], [sflag:s8] =	stream.indirect.gather [hbm4b:s6+s22], $0x80, s23, s22, $0xb8;
	[tilespmem:$0x1F480] =	vst v63  }
0x59: {  	s29 =	sand.u32 $0x3FFFFF80, s1;
	s1 =	simm.s32 $0x2;
	s8 =	sadd.s32 $0x1, s3  }
0x5a: {  	s9 =	sadd.s32 $0x3, s3;
	s17 =	simm.s32 $0x180;
	_ =	swait.ge [sflag:s8], $0x3E80  }
0x5b: {  	s18 =	sor.u32 $0x3C00, s28;
	s23 =	sadd.s32 $0x2800, s29;
	[sflag:s8] =	ssyncset.done $0x0  }
.LBB2_6:
0x5c: {  	s15 =	smov.u32 s1;
	s26 =	sadd.s32 $0x80, s26  }
0x5d: {  	s16 =	sadd.s32 $0x10, s16;
	s3 =	smov.u32 s17;
	[sflag:s8] =	ssyncadd.s32 $0xFFFFC180  }
0x5e: {  	[spmem:s2] =	stream.indirect.scatter.add.f32 [tilespmem:s18], [sflag:s9], $0x80, s23, s22, $0xb8;
	[tilespmem:$0x1F480] =	vst v63  }
0x5f: {  	s17 =	sadd.s32 $0x80, s17;
	s9 =	sand.u32 $0x1, s1;
	s18 =	sadd.s32 $0xFFFFFFD8, s1  }
0x60: {  	s8 =	sxor.u32 $0x1, s9;
	s1 =	smin.u32 s1, s18;
	s19 =	sshll.u32 s9, $0xE  }
0x61: {  	s20 =	sadd.s32 $0x3, s8;
	p2 =	sne.s32 s1, $0x0;
	s23 =	sshll.u32 s8, $0xE  }
0x62: {  	s25 =	sadd.s32 @!p2 s16, s4;
	s28 =	simm.s32 @!p2 $0x0;
	_ =	swait.ge [sflag:s20], $0x3E80  }
0x63: {  	s29 =	sand.u32 @!p2 $0x70, s16;
	s25 =	sand.u32 @!p2 $0xFF80, s25;
	[sflag:s20] =	ssyncset.done $0x0  }
0x64: {  	[sflag:s20] =	ssyncadd.s32 $0xFFFFC180;
	s20 =	sadd.s32 @!p2 s7, s29;
	s29 =	simm.s32 @!p2 $0x2800  }
0x65: {  	s1 =	sshll.u32 s1, $0x7;
	s20 =	sadd.s32 @!p2 s25, s20;
	s25 =	simm.s32 @!p2 $0x5  }
0x66: {  	[tilespmem:s29], [sflag:$0x5] =	stream.linear.gather @!p2 [hbm4b:s20+s28], $0x1400, $0x38;
	[tilespmem:$0x1F480] =	vst v63  }
0x67: {  	s20 =	sadd.s32 $0x1, s8;
	s28 =	sand.u32 $0x3FFFFF80, s1;
	_ =	swait.ge @!p2 [sflag:s25], $0x1400  }
0x68: {  	s23 =	sor.u32 $0x3C00, s23;
	s1 =	sadd.s32 $0x29, s18;
	[sflag:s25] =	ssyncset.done @!p2 $0x0  }
0x69: {  	[sflag:s25] =	ssyncadd.s32 @!p2 $0xFFFFEC00;
	p2 =	sne.s32 s1, $0x4F  }
.Ltmp4:
0x6a: {  	_ = 	snop;
	(pc) =	sbr.rel @p2 .LBB2_6-.Ltmp4, $4  }
0x6b: {  	s8 =	sadd.s32 $0x1, s9  }
0x6c: {  	[tilespmem:s23], [sflag:s20] =	stream.indirect.gather [hbm4b:s6+s22], $0x80, s3, s22, $0xb8;
	[tilespmem:$0x1F480] =	vst v63  }
0x6d: {  	s9 =	sadd.s32 $0x3, s9;
	_ =	swait.ge [sflag:s8], $0x3E80  }
0x6e: {  	s18 =	sor.u32 $0x3C00, s19;
	s23 =	sadd.s32 $0x2800, s28;
	[sflag:s8] =	ssyncset.done $0x0  }
.LBB2_7:
0x6f: {  	[sflag:s8] =	ssyncadd.s32 $0xFFFFC180;
	s1 =	sadd.s32 $0x1, s15  }
0x70: {  	[spmem:s2] =	stream.indirect.scatter.add.f32 [tilespmem:s18], [sflag:s9], $0x80, s23, s22, $0xb8;
	[tilespmem:$0x1F480] =	vst v63  }
0x71: {  	s3 =	sadd.s32 $0x10, s16;
	s28 =	simm.s32 $0x3;
	p2 =	sne.s32 s1, $0x28  }
0x72: {  	_ =	swait.ge [sflag:s28], $0x3E80;
	s1 =	sadd.s32 @!p2 s3, s4;
	s8 =	simm.s32 @!p2 $0x2800  }
0x73: {  	[sflag:s28] =	ssyncset.done $0x0;
	s1 =	sand.u32 @!p2 $0xFF80, s1;
	s3 =	rddreg [dreg:$0xf]  }
0x74: {  	[sflag:s28] =	ssyncadd.s32 $0xFFFFC180;
	s1 =	sadd.s32 @!p2 s1, s3;
	s3 =	simm.s32 @!p2 $0x0  }
0x75: {  	[tilespmem:s8], [sflag:$0x5] =	stream.linear.gather @!p2 [hbm4b:s1+s3], $0x1400, $0x38;
	[tilespmem:$0x1F480] =	vst v63  }
0x76: {  	s1 =	simm.s32 @!p2 $0x5  }
0x77: {  	_ =	swait.ge @!p2 [sflag:s1], $0x1400  }
0x78: {  	[sflag:s1] =	ssyncset.done @!p2 $0x0  }
0x79: {  	[sflag:s1] =	ssyncadd.s32 @!p2 $0xFFFFEC00  }
0x7a: {  	_ =	swait.ge [sflag:s30], $0x3E80  }
0x7b: {  	[sflag:s30] =	ssyncset.done $0x0  }
0x7c: {  	s29 =	sadd.s32 $0x80, s26;
	s9 =	simm.s32 $0x7C00;
	[sflag:s30] =	ssyncadd.s32 $0xFFFFC180  }
0x7d: {  	[spmem:s2] =	stream.indirect.scatter.add.f32 [tilespmem:s9], [sflag:$0x4], $0x80, s29, s22, $0xb8;
	[tilespmem:$0x1F480] =	vst v63  }
0x7e: {  	_ =	swait.ge [sflag:s31], $0x3E80  }
0x7f: {  	[sflag:s31] =	ssyncset.done $0x0  }
0x80: {  	[sflag:s31] =	ssyncadd.s32 $0xFFFFC180  }
0x81: {  	[bflag:$0x0] =	sbarrier.arrive $0xFFFF  }
0x82: {  	s1 =	rddreg [dreg:$0xc]  }
0x83: {  	[hbm:s1], [sflag:s12] =	dma.local @p1 [spmem:s24], $0x2080  }
0x84: {  	_ =	swait.ge @p1 [sflag:s11], $0x2080  }
0x85: {  	[sflag:s11] =	ssyncset.done @p1 $0x0  }
.Ltmp5:
0x86: {  	s1 =	rddreg [dreg:$0xb];
	[sflag:s11] =	ssyncadd.s32 @p1 $0xFFFFDF80;
	(pc) =	sbr.rel .LBB2_8-.Ltmp5, $4  }
0x87: {  	[hbm:s1], [sflag:s14] =	dma.local @!p1 [spmem:s10], $0x2780  }
0x88: {  	_ =	swait.ge @!p1 [sflag:s13], $0x2780  }
0x89: {  	[sflag:s13] =	ssyncset.done @!p1 $0x0  }
0x8a: {  	[sflag:s13] =	ssyncadd.s32 @!p1 $0xFFFFD880  }
.LBB2_2:
0x8b: {  	[tilespmem:s8], [sflag:$0x1] =	stream.indirect.gather [hbm4b:s5+s22], $0x80, s15, s22, $0xb8;
	[tilespmem:$0x1F480] =	vst v63  }
0x8c: {  	s12 =	simm.s32 @p1 $0x1FC5;
	s3 =	rddreg [dreg:$0x6];
	s11 =	simm.s32 @p1 $0x5  }
0x8d: {  	[spmem:s24], [sflag:s12] =	dma.local @p1 [hbm:s3], $0x2080  }
0x8e: {  	_ =	swait.ge @p1 [sflag:s11], $0x2080  }
0x8f: {  	s14 =	sor.u32 @!p1 $0x1C05, s1;
	[sflag:s11] =	ssyncset.done @p1 $0x0  }
0x90: {  	s13 =	simm.s32 @!p1 $0x5;
	s1 =	rddreg [dreg:$0x5];
	[sflag:s11] =	ssyncadd.s32 @p1 $0xFFFFDF80  }
0x91: {  	[spmem:s10], [sflag:s14] =	dma.local @!p1 [hbm:s1], $0x2780  }
0x92: {  	_ =	swait.ge @!p1 [sflag:s13], $0x2780  }
0x93: {  	[sflag:s13] =	ssyncset.done @!p1 $0x0  }
0x94: {  	[sflag:s13] =	ssyncadd.s32 @!p1 $0xFFFFD880  }
0x95: {  	[bflag:$0x0] =	sbarrier.arrive $0xFFFF  }
0x96: {  	s28 =	simm.s32 $0x2800;
	s26 =	rddreg [dreg:$0xe]  }
0x97: {  	[tilespmem:s28], [sflag:$0x5] =	stream.linear.gather [hbm4b:s26+s15], $0x1400, $0x38;
	[tilespmem:$0x1F480] =	vst v63  }
0x98: {  	_ =	swait.ge [sflag:s21], $0x1400  }
0x99: {  	[sflag:s21] =	ssyncset.done $0x0  }
0x9a: {  	s29 =	simm.s32 $0x80;
	s1 =	simm.s32 $0x1;
	[sflag:s21] =	ssyncadd.s32 $0xFFFFEC00  }
0x9b: {  	[tilespmem:s9], [sflag:$0x2] =	stream.indirect.gather [hbm4b:s5+s22], $0x80, s29, s22, $0xb8;
	[tilespmem:$0x1F480] =	vst v63  }
0x9c: {  	_ =	swait.ge [sflag:s1], $0x3E80  }
0x9d: {  	[sflag:s1] =	ssyncset.done $0x0  }
0x9e: {  	s18 =	simm.s32 $0xFFFFFFD9;
	s3 =	sand.u32 $0x1, s1;
	[sflag:s1] =	ssyncadd.s32 $0xFFFFC180  }
0x9f: {  	[spmem:s2] =	stream.indirect.scatter.add.f32 [tilespmem:s8], [sflag:$0x3], $0x80, s28, s22, $0xb8;
	[tilespmem:$0x1F480] =	vst v63  }
0xa0: {  	s19 =	sxor.u32 $0x1, s3;
	s8 =	smin.u32 s1, s18  }
0xa1: {  	s17 =	sadd.s32 $0x3, s19;
	p2 =	sne.s32 s8, $0x0  }
0xa2: {  	s16 =	simm.s32 $0x10;
	_ =	swait.ge [sflag:s17], $0x3E80;
	s18 =	sadd.s32 @!p2 $0x10, s4  }
0xa3: {  	s23 =	simm.s32 @!p2 $0x0;
	[sflag:s17] =	ssyncset.done $0x0;
	s26 =	sand.u32 @!p2 $0x70, s16  }
0xa4: {  	s18 =	sand.u32 @!p2 $0xFF80, s18;
	[sflag:s17] =	ssyncadd.s32 $0xFFFFC180;
	s17 =	sadd.s32 @!p2 s7, s26  }
0xa5: {  	s26 =	simm.s32 @!p2 $0x2800;
	s17 =	sadd.s32 @!p2 s18, s17;
	s18 =	simm.s32 @!p2 $0x5  }
0xa6: {  	[tilespmem:s26], [sflag:$0x5] =	stream.linear.gather @!p2 [hbm4b:s17+s23], $0x1400, $0x38;
	[tilespmem:$0x1F480] =	vst v63  }
0xa7: {  	s20 =	simm.s32 $0x100;
	s25 =	sshll.u32 s19, $0xE;
	_ =	swait.ge @!p2 [sflag:s18], $0x1400  }
0xa8: {  	s15 =	sadd.s32 $0x1, s19;
	s9 =	sadd.s32 $0x3, s3;
	[sflag:s18] =	ssyncset.done @!p2 $0x0  }
0xa9: {  	s8 =	sshll.u32 s8, $0x7;
	[sflag:s18] =	ssyncadd.s32 @!p2 $0xFFFFEC00;
	p2 =	por $0x1, $0x1  }
.Ltmp6:
0xaa: {  	s28 =	sshll.u32 s3, $0xE;
	s29 =	sand.u32 $0x3FFFFF80, s8;
	(pc) =	sbr.rel @!p2 .LBB2_4-.Ltmp6, $4  }
0xab: {  	s8 =	sadd.s32 $0x1, s3;
	s26 =	simm.s32 $0x1480;
	s23 =	sor.u32 $0x3C00, s25  }
0xac: {  	[tilespmem:s23], [sflag:s15] =	stream.indirect.gather [hbm4b:s5+s22], $0x80, s20, s22, $0xb8;
	[tilespmem:$0x1F480] =	vst v63  }
0xad: {  	s17 =	simm.s32 $0x180;
	s18 =	sor.u32 $0x3C00, s28;
	_ =	swait.ge [sflag:s8], $0x3E80  }
0xae: {  	s15 =	simm.s32 $0x2;
	s23 =	sadd.s32 $0x2800, s29;
	[sflag:s8] =	ssyncset.done $0x0  }
.LBB2_3:
0xaf: {  	s1 =	smov.u32 s15;
	s26 =	sadd.s32 $0x80, s26  }
0xb0: {  	s16 =	sadd.s32 $0x10, s16;
	s19 =	smov.u32 s17;
	[sflag:s8] =	ssyncadd.s32 $0xFFFFC180  }
0xb1: {  	[spmem:s2] =	stream.indirect.scatter.add.f32 [tilespmem:s18], [sflag:s9], $0x80, s23, s22, $0xb8;
	[tilespmem:$0x1F480] =	vst v63  }
0xb2: {  	s17 =	sadd.s32 $0x80, s17;
	s9 =	sand.u32 $0x1, s15;
	s18 =	sadd.s32 $0xFFFFFFD8, s15  }
0xb3: {  	s8 =	sxor.u32 $0x1, s9;
	s15 =	smin.u32 s15, s18;
	s23 =	sshll.u32 s9, $0xE  }
0xb4: {  	s20 =	sadd.s32 $0x3, s8;
	p2 =	sne.s32 s15, $0x0;
	s25 =	sshll.u32 s8, $0xE  }
0xb5: {  	s28 =	sadd.s32 @!p2 s16, s4;
	s3 =	simm.s32 @!p2 $0x0;
	_ =	swait.ge [sflag:s20], $0x3E80  }
0xb6: {  	s29 =	sand.u32 @!p2 $0x70, s16;
	s28 =	sand.u32 @!p2 $0xFF80, s28;
	[sflag:s20] =	ssyncset.done $0x0  }
0xb7: {  	[sflag:s20] =	ssyncadd.s32 $0xFFFFC180;
	s20 =	sadd.s32 @!p2 s7, s29;
	s29 =	simm.s32 @!p2 $0x2800  }
0xb8: {  	s15 =	sshll.u32 s15, $0x7;
	s20 =	sadd.s32 @!p2 s28, s20;
	s28 =	simm.s32 @!p2 $0x5  }
0xb9: {  	[tilespmem:s29], [sflag:$0x5] =	stream.linear.gather @!p2 [hbm4b:s20+s3], $0x1400, $0x38;
	[tilespmem:$0x1F480] =	vst v63  }
0xba: {  	s3 =	sadd.s32 $0x1, s8;
	s20 =	sand.u32 $0x3FFFFF80, s15;
	_ =	swait.ge @!p2 [sflag:s28], $0x1400  }
0xbb: {  	s25 =	sor.u32 $0x3C00, s25;
	s15 =	sadd.s32 $0x29, s18;
	[sflag:s28] =	ssyncset.done @!p2 $0x0  }
0xbc: {  	[sflag:s28] =	ssyncadd.s32 @!p2 $0xFFFFEC00;
	p2 =	sne.s32 s15, $0x4F  }
.Ltmp7:
0xbd: {  	_ = 	snop;
	(pc) =	sbr.rel @p2 .LBB2_3-.Ltmp7, $4  }
0xbe: {  	s8 =	sadd.s32 $0x1, s9  }
0xbf: {  	[tilespmem:s25], [sflag:s3] =	stream.indirect.gather [hbm4b:s5+s22], $0x80, s19, s22, $0xb8;
	[tilespmem:$0x1F480] =	vst v63  }
0xc0: {  	s9 =	sadd.s32 $0x3, s9;
	_ =	swait.ge [sflag:s8], $0x3E80  }
0xc1: {  	s18 =	sor.u32 $0x3C00, s23;
	s23 =	sadd.s32 $0x2800, s20;
	[sflag:s8] =	ssyncset.done $0x0  }
.Ltmp8:
0xc2: {  	_ = 	snop;
	(pc) =	sbr.rel .LBB2_4-.Ltmp8, $1  }
0xc3: {  	_ =	sdelay $0x3  }
.LBB2_9:
0xc4: {  	_ =	sfence.sel $0x180000  }
0xc5: {  	[bflag:$0x0] =	sbarrier.arrive $0xFFFF  }
0xc6: {  	_ =	strace $0x90000050  }
0xc7: {  	s0 =	stileid.u32;
	[bflag:$0x2] =	sbarrier.arrive $0xFFFF  }
0xc8: {  	p0 =	sne.s32 s0, $0x0;
	s0 =	rddreg [dreg:$0x2]  }
0xc9: {  	s0 =	sadd.s32 @!p0 $0x100000, s0  }
0xca: {  	[sflag:s0] =	ssyncadd.tile.s32 @!p0 $0x1;
	_ =	shalt  }
.Lfunc_end2:
_tile_overlayer_lowered:
.L_overlay_start_2:
0xcb: {  	(tag) =	ssettag $0x2  }
0xcc: {  	s0 =	rddreg [dreg:$0x0];
	s2 =	stileid.u32  }
0xcd: {  	s1 =	rddreg [dreg:$0x1];
	p0 =	sne.s32 s2, $0x0  }
0xce: {  	s3 =	rddreg [dreg:$0x2];
	[bflag:$0x3] =	sbarrier.arrive $0xFFFF;
	s2 =	simm.s32 @!p0 $0x1C05  }
0xcf: {  	[timem:s3], [sflag:s2] =	dma.local @!p0 [hbm:s0], s1  }
0xd0: {  	s0 =	simm.s32 @!p0 $0x5  }
0xd1: {  	_ =	swait.ge @!p0 [sflag:s0], s1  }
0xd2: {  	s1 =	ssub.s32 @!p0 $0x0, s1;
	[sflag:s0] =	ssyncset.done @!p0 $0x0  }
0xd3: {  	[sflag:s0] =	ssyncadd.s32 @!p0 s1  }
0xd4: {  	[bflag:$0x3] =	sbarrier.arrive $0xFFFF  }
0xd5: {  	_ =	shalt  }

// kernel: kernel.25.cloned.1.call-start
scs
__scs_entry_jumppad:
0x0: {  	(pc) =	sbr.rel $0x88, $3  }
0x1: {  	(tag) =	ssettag $0x0;
	lr =	simm.s32 $0x1  }
0x2: {  	[smem:$0x3F95] =	sst lr;
	_ =	strace $0xD0000000  }
0x3: {  	_ = 	snop  }
0x4: {  	_ = 	snop  }
0x5: {  	_ = 	snop  }
0x6: {  	_ = 	snop  }
0x7: {  	_ = 	snop  }
__scs_overlays_trampoline_lowered:
0x8: {  	[smem:$0x3FA4] =	sst s0  }
0x9: {  	[smem:$0x3FA5] =	sst s1  }
0xa: {  	[smem:$0x3FA6] =	sst s2  }
0xb: {  	[smem:$0x3FA7] =	sst s3  }
0xc: {  	[smem:$0x3FA8] =	sst s4  }
0xd: {  	[smem:$0x3FA9] =	sst s5  }
0xe: {  	[smem:$0x3FAA] =	sst s6  }
0xf: {  	[smem:$0x3FAB] =	sst s7  }
0x10: {  	[smem:$0x3FAC] =	sst s8  }
0x11: {  	[smem:$0x3FAD] =	sst s9;
	s0 =	simm.s32 @!p0 $0x0  }
0x12: {  	s1 =	sld [smem:$0x3F93];
	s0 =	simm.s32 @p0 $0x1  }
0x13: {  	[smem:$0x3FAE] =	sst s0;
	s0 =	simm.s32 @!p1 $0x0  }
0x14: {  	s2 =	sld [smem:$0x3F92];
	s0 =	simm.s32 @p1 $0x1  }
0x15: {  	[smem:$0x3FAF] =	sst s0;
	s0 =	simm.s32 @!p2 $0x0  }
0x16: {  	s3 =	sld [smem:$0x3FDB];
	s0 =	simm.s32 @p2 $0x1  }
0x17: {  	s4 =	simm.s32 $0x1BF5;
	[smem:$0x3FB1] =	sst s0  }
0x18: {  	s0 =	sld [smem:$0x3F94];
	_ =	swait.ge [sflag:s4], $0x0  }
0x19: {  	s7 =	sld [smem:$0x3F95]  }
0x1a: {  	s8 =	sadd.s32 $0xFFFFE003, lr  }
0x1b: {  	s9 =	sadd.s32 $0xFFFFFEF7, lr;
	s5 =	simm.s32 $0xFFFFFFFF;
	p2 =	slt.u32 s8, $0xFFFFF086  }
0x1c: {  	p1 =	slt.u32 s9, $0xF7A;
	s5 =	simm.s32 @!p2 $0x0  }
0x1d: {  	s5 =	simm.s32 @p1 $0x1;
	p0 =	seq.s32 s7, s2  }
0x1e: {  	s7 =	smul.u32 @!p0 $0xF7A, s2;
	p2 =	seq.s32 @!p0 s5, $0x0  }
0x1f: {  	s9 =	smul.u32 $0xF7A, s1;
	s8 =	simm.s32 @!p0 $0x1BF5;
	p2 =	por !p2, p0  }
0x20: {  	[sflag:s8] =	ssyncset.s32 @!p0 $0xFFFFF086;
	s6 =	sadd.s32 @!p0 s3, s7;
	s7 =	simm.s32 @!p0 $0x108  }
0x21: {  	s3 =	sadd.s32 s3, s9;
	s6 =	sadd.s32 @!p0 $0x88, s6;
	s7 =	simm.s32 @p2 $0x1082  }
0x22: {  	[simem:s7], [sflag:s8] =	dma.local @!p0 [hbm:s6], $0xF7A  }
0x23: {  	s9 =	sor.u32 $0xD0000000, s2;
	s6 =	simm.s32 $0x108;
	_ =	swait.ge @!p0 [sflag:s8], $0x0  }
0x24: {  	s3 =	sadd.s32 $0x88, s3;
	s6 =	simm.s32 @!p1 $0x1082;
	[sflag:s4] =	ssyncset.s32 $0xFFFFF086  }
0x25: {  	[simem:s6], [sflag:s4] =	dma.local [hbm:s3], $0xF7A  }
0x26: {  	[smem:$0x3F95] =	sst s1;
	(tag) =	ssettag s2;
	_ =	strace s9  }
0x27: {  	s1 =	sld [smem:$0x3FA5]  }
0x28: {  	s2 =	sld [smem:$0x3FA6]  }
0x29: {  	s4 =	sld [smem:$0x3FA8]  }
0x2a: {  	p0 =	seq.s32 s5, $0x0;
	s5 =	sld [smem:$0x3FA9]  }
0x2b: {  	s6 =	sld [smem:$0x3FAA]  }
0x2c: {  	s7 =	sld [smem:$0x3FAB]  }
0x2d: {  	s3 =	simm.s32 $0x108;
	s8 =	sld [smem:$0x3FAC]  }
0x2e: {  	s3 =	simm.s32 @!p0 $0x1082;
	s9 =	sld [smem:$0x3FAD]  }
0x2f: {  	lr =	sadd.s32 s0, s3;
	s0 =	sld [smem:$0x3FA4]  }
0x30: {  	s3 =	sld [smem:$0x3FA7]  }
0x31: {  	[smem:$0x3FB0] =	sst s10  }
0x32: {  	s10 =	sld [smem:$0x3FAE];
	_ =	sdelay $0x3  }
0x33: {  	p0 =	seq.s32 s10, $0x1;
	s10 =	sld [smem:$0x3FB0];
	_ =	sdelay $0x3  }
0x34: {  	[smem:$0x3FB0] =	sst s10  }
0x35: {  	s10 =	sld [smem:$0x3FAF];
	_ =	sdelay $0x3  }
0x36: {  	p1 =	seq.s32 s10, $0x1;
	s10 =	sld [smem:$0x3FB0];
	_ =	sdelay $0x3  }
0x37: {  	[smem:$0x3FB0] =	sst s10  }
0x38: {  	s10 =	sld [smem:$0x3FB1]  }
0x39: {  	_ = 	snop;
	(pc) =	sbr.ind lr, $3  }
0x3a: {  	_ = 	snop  }
0x3b: {  	_ = 	snop  }
0x3c: {  	p2 =	seq.s32 s10, $0x1;
	s10 =	sld [smem:$0x3FB0]  }
0x3d: {  	_ =	shalt  }
0x3e: {  	_ =	shalt  }
0x3f: {  	_ =	shalt  }
0x40: {  	_ =	shalt  }
0x41: {  	_ =	shalt  }
0x42: {  	_ =	shalt  }
0x43: {  	_ =	shalt  }
0x44: {  	_ =	shalt  }
0x45: {  	_ =	shalt  }
0x46: {  	_ =	shalt  }
0x47: {  	_ =	shalt  }
0x48: {  	_ =	shalt  }
0x49: {  	_ =	shalt  }
0x4a: {  	_ =	shalt  }
0x4b: {  	_ =	shalt  }
0x4c: {  	_ =	shalt  }
0x4d: {  	_ =	shalt  }
0x4e: {  	_ =	shalt  }
0x4f: {  	_ =	shalt  }
0x50: {  	_ =	shalt  }
0x51: {  	_ =	shalt  }
0x52: {  	_ =	shalt  }
0x53: {  	_ =	shalt  }
0x54: {  	_ =	shalt  }
0x55: {  	_ =	shalt  }
0x56: {  	_ =	shalt  }
0x57: {  	_ =	shalt  }
0x58: {  	_ =	shalt  }
0x59: {  	_ =	shalt  }
0x5a: {  	_ =	shalt  }
0x5b: {  	_ =	shalt  }
0x5c: {  	_ =	shalt  }
0x5d: {  	_ =	shalt  }
0x5e: {  	_ =	shalt  }
0x5f: {  	_ =	shalt  }
0x60: {  	_ =	shalt  }
0x61: {  	_ =	shalt  }
0x62: {  	_ =	shalt  }
0x63: {  	_ =	shalt  }
0x64: {  	_ =	shalt  }
0x65: {  	_ =	shalt  }
0x66: {  	_ =	shalt  }
0x67: {  	_ =	shalt  }
0x68: {  	_ =	shalt  }
0x69: {  	_ =	shalt  }
0x6a: {  	_ =	shalt  }
0x6b: {  	_ =	shalt  }
0x6c: {  	_ =	shalt  }
0x6d: {  	_ =	shalt  }
0x6e: {  	_ =	shalt  }
0x6f: {  	_ =	shalt  }
0x70: {  	_ =	shalt  }
0x71: {  	_ =	shalt  }
0x72: {  	_ =	shalt  }
0x73: {  	_ =	shalt  }
0x74: {  	_ =	shalt  }
0x75: {  	_ =	shalt  }
0x76: {  	_ =	shalt  }
0x77: {  	_ =	shalt  }
0x78: {  	_ =	shalt  }
0x79: {  	_ =	shalt  }
0x7a: {  	_ =	shalt  }
0x7b: {  	_ =	shalt  }
0x7c: {  	_ =	shalt  }
0x7d: {  	_ =	shalt  }
0x7e: {  	_ =	shalt  }
0x7f: {  	_ =	shalt  }
0x80: {  	_ =	shalt  }
0x81: {  	_ =	shalt  }
0x82: {  	_ =	shalt  }
0x83: {  	_ =	shalt  }
0x84: {  	_ =	shalt  }
0x85: {  	_ =	shalt  }
0x86: {  	_ =	shalt  }
0x87: {  	_ =	shalt  }
.Lfunc_end0:
.L_simem_size_0:
called_computation.4_lowered:
.L_overlay_start_0:
0x88: {  	s2 =	sld [smem:$0x3FD9]  }
0x89: {  	s3 =	sld [smem:$0x3FFE];
	_ =	sdelay $0x1  }
0x8a: {  	s1 =	srdreg.scid  }
0x8b: {  	s0 =	sand.u32 $0x1, s1  }
0x8c: {  	s16 =	sshll.u32 s0, $0xA;
	s2 =	sadd.s32 s3, s2  }
0x8d: {  	s2 =	sadd.s32 s2, s16  }
0x8e: {  	[smem:$0x3FBC] =	sst s2  }
0x8f: {  	_ = 	snop  }
0x90: {  	(tm) =	ssettm $0x1  }
0x91: {  	s17 =	sld [smem:$0x3FFB];
	_ =	sdelay $0x3  }
0x92: {  	_ =	strace s17  }
0x93: {  	s2 =	sld [smem:$0x3FFC];
	_ =	sdelay $0x3  }
0x94: {  	_ =	strace s2  }
0x95: {  	s2 =	sld [smem:$0x3FFD];
	_ =	sdelay $0x3  }
0x96: {  	_ =	strace s2  }
0x97: {  	_ =	strace $0x8FFFFFFF  }
0x98: {  	s18 =	sld [smem:$0x3FDB];
	_ =	sdelay $0x1  }
0x99: {  	s19 =	simm.s32 $_scs_section_size  }
0x9a: {  	s4 =	simm.s32 $_size__tile_overlayer_lowered;
	s5 =	simm.s32 $_tile_overlayer_lowered  }
0x9b: {  	s22 =	simm.s32 $0x1BFF;
	s21 =	sshll.u32 s5, $0x1;
	s2 =	sadd.s32 s19, s18  }
0x9c: {  	s6 =	simm.s32 $0x0;
	s20 =	sshll.u32 s4, $0x1;
	s4 =	sadd.s32 s21, s2  }
0x9d: {  	[timem:s6], [sflag:s22] =	dma.local [hbm:s4], s20  }
0x9e: {  	_ =	swait.ge [sflag:s22], s20  }
0x9f: {  	s3 =	ssub.s32 $0x0, s20;
	[sflag:s22] =	ssyncset.done $0x0  }
0xa0: {  	[sflag:s22] =	ssyncadd.s32 s3;
	_ =	sdelay $0x1  }
0xa1: {  	s23 =	simm.s32 $0x1B8B  }
0xa2: {  	_ =	swait.ge [sflag:s23], $0x1  }
0xa3: {  	[sflag:s23] =	ssyncset.done $0x0  }
0xa4: {  	s25 =	simm.s32 $0x1B8E;
	s24 =	sld [smem:$0x3FFE];
	[sflag:s23] =	ssyncadd.s32 $0xFFFFFFFF  }
0xa5: {  	s26 =	simm.s32 $execute0_lowered;
	[smem:$0x3FD2] =	sst s25  }
0xa6: {  	s4 =	sshll.u32 s26, $0x1;
	_ =	strace $0x80000052;
	[dreg:$0x1] =	wrdreg $0xFFFFFFFF  }
0xa7: {  	s28 =	simm.s32 $_size_execute0_lowered;
	s2 =	sadd.s32 s2, s4;
	[dreg:$0x0] =	wrdreg $0x0  }
0xa8: {  	s4 =	sshll.u32 s28, $0x1;
	[dreg:$0x2] =	wrdreg s2  }
0xa9: {  	[dreg:$0x3] =	wrdreg s4  }
0xaa: {  	[dreg:$0x4] =	wrdreg $0xC0  }
0xab: {  	_ =	task [dreg:s6], $0x5FFFF  }
0xac: {  	[dreg:$0x1] =	wrdreg $0xFFFFFFFF  }
0xad: {  	[dreg:$0x0] =	wrdreg $0x60  }
0xae: {  	[dreg:$0x2] =	wrdreg s24  }
0xaf: {  	[dreg:$0x3] =	wrdreg $0xBC000  }
0xb0: {  	[dreg:$0x4] =	wrdreg $0x9  }
0xb1: {  	_ =	task.clear_ibuf [dreg:s6], $0x5FFFF;
	_ =	strace $0x90000052  }
0xb2: {  	s29 =	simm.s32 $0x9;
	_ =	strace $0x80000054  }
0xb3: {  	_ =	swait.ge [sflag:s29], $0x1  }
0xb4: {  	[sflag:s29] =	ssyncadd.s32 $0xFFFFFFFF  }
0xb5: {  	_ =	strace $0x90000054  }
0xb6: {  	_ =	sfence  }
0xb7: {  	s30 =	sld [smem:$0x0];
	_ =	sdelay $0x2  }
0xb8: {  	s31 =	sshll.u32 s1, $0xD;
	s1 =	sshrl.u32 s1, $0x2  }
0xb9: {  	s3 =	sand.u32 $0x4000, s31;
	s1 =	sadd.s32 s1, s30  }
0xba: {  	s0 =	sor.u32 s3, s0;
	s1 =	sshll.u32 s1, $0x11  }
0xbb: {  	s0 =	sor.u32 s1, s0  }
0xbc: {  	s0 =	sadd.s32 $0x8F2B, s0  }
0xbd: {  	[sflag:s0] =	ssyncadd.remote.s32 $0x1  }
0xbe: {  	_ =	sfence.sel $0xFFFF  }
0xbf: {  	[dreg:$0x0] =	wrdreg $0xFFFFFFFF;
	(pc) =	sbr.abs _section_cstart, $3  }
0xc0: {  	[dreg:$0x1] =	wrdreg $0xFFFFFFFF  }
0xc1: {  	_ =	task.clear_ibuf [dreg:s6], $0x2FFFF;
	_ =	strace $0x9FFFFFFF  }
0xc2: {  	(tm) =	ssettm $0x7FFFFFFF  }
0xc3: {  	_ =	shalt  }
tec
execute0_lowered:
.L_overlay_start_1:
0x0: {  	(tag) =	ssettag $0x1  }
0x1: {  	s0 =	rddreg [dreg:$0x0]  }
0x2: {  	s2 =	rddreg [dreg:$0x1];
	s15 =	simm.s32 $0x0  }
0x3: {  	s3 =	stileid.u32;
	s1 =	srdreg.scid;
	s30 =	simm.s32 $0x2  }
0x4: {  	s31 =	simm.s32 $0x4;
	[smem:$0x7FF] =	sst s15;
	s4 =	smul.u32 $0x500, s3  }
0x5: {  	s5 =	sadd.s32 $0xBC00, s0;
	s8 =	smul.u32 $0x2780, s3;
	s1 =	sand.u32 $0x1, s1  }
0x6: {  	s6 =	sadd.s32 $0x32E00, s0;
	s10 =	smul.u32 $0x4F000, s3;
	s7 =	sadd.s32 $0x6C00, s0  }
0x7: {  	s21 =	sadd.s32 $0x30C80, s0;
	s23 =	sadd.s32 $0xAB280, s0;
	s24 =	sadd.s32 $0x57E80, s0  }
0x8: {  	s26 =	sadd.s32 $0xD2480, s0;
	_ =	strace $0x80000053;
	[dreg:$0x6] =	wrdreg s21  }
0x9: {  	p1 =	seq.s32 s3, $0xF;
	s9 =	ssub.s32 $0x2, s1;
	[dreg:$0x8] =	wrdreg s23  }
0xa: {  	p0 =	seq.s32 s1, $0x1;
	s1 =	sadd.s32 $0x128400, s2;
	[dreg:$0xa] =	wrdreg s24  }
0xb: {  	[dreg:$0xc] =	wrdreg s26;
	s21 =	simm.s32 $0x5;
	s20 =	sadd.s32 s5, s8  }
0xc: {  	s13 =	sadd.s32 s8, s0;
	s8 =	sadd.s32 s6, s8;
	[dreg:$0x5] =	wrdreg s20  }
0xd: {  	s11 =	sadd.s32 s4, s0;
	s29 =	sadd.s32 s4, s7;
	[dreg:$0x9] =	wrdreg s8  }
0xe: {  	s12 =	sshrl.u32 s9, $0x1;
	s0 =	sadd.s32 $0x6C70, s0;
	[dreg:$0xe] =	wrdreg s29  }
0xf: {  	s10 =	sshrl.u32 s10, $0x2;
	s11 =	sadd.s32 $0x5A000, s11;
	[dreg:$0xf] =	wrdreg s0  }
.Ltmp0:
0x10: {  	s19 =	sadd.s32 s10, s2;
	[dreg:$0x3] =	wrdreg s11;
	(pc) =	sbr.rel .LBB2_1-.Ltmp0, $4  }
0x11: {  	s24 =	sshrl.u32 @p1 s1, $0x3;
	s22 =	sadd.s32 $0x86200, s13;
	[dreg:$0x4] =	wrdreg s19  }
0x12: {  	s9 =	ssub.s32 s9, s12;
	s25 =	sadd.s32 $0xAD400, s13;
	[dreg:$0x7] =	wrdreg s22  }
0x13: {  	s0 =	simm.s32 $0x0;
	[dreg:$0xb] =	wrdreg s25;
	s28 =	smax.u32 s9, $0x1  }
0x14: {  	s22 =	simm.s32 $0x7D;
	s9 =	simm.s32 $0x7C00;
	[dreg:$0xd] =	wrdreg s28  }
.LBB2_4:
0x15: {  	[sflag:s8] =	ssyncadd.s32 $0xFFFFC180;
	s1 =	sadd.s32 $0x1, s1  }
0x16: {  	[spmem:s2] =	stream.indirect.scatter.add.f32 [tilespmem:s18], [sflag:s9], $0x80, s23, s22, $0xb8;
	[tilespmem:$0x1F480] =	vst v63  }
0x17: {  	s3 =	sadd.s32 $0x10, s16;
	s28 =	simm.s32 $0x3;
	p2 =	sne.s32 s1, $0x28  }
0x18: {  	_ =	swait.ge [sflag:s28], $0x3E80;
	s1 =	sadd.s32 @!p2 s3, s4;
	s8 =	simm.s32 @!p2 $0x2800  }
0x19: {  	[sflag:s28] =	ssyncset.done $0x0;
	s1 =	sand.u32 @!p2 $0xFF80, s1;
	s3 =	rddreg [dreg:$0xf]  }
0x1a: {  	[sflag:s28] =	ssyncadd.s32 $0xFFFFC180;
	s1 =	sadd.s32 @!p2 s1, s3;
	s3 =	simm.s32 @!p2 $0x0  }
0x1b: {  	[tilespmem:s8], [sflag:$0x5] =	stream.linear.gather @!p2 [hbm4b:s1+s3], $0x1400, $0x38;
	[tilespmem:$0x1F480] =	vst v63  }
0x1c: {  	s1 =	simm.s32 @!p2 $0x5  }
0x1d: {  	_ =	swait.ge @!p2 [sflag:s1], $0x1400  }
0x1e: {  	[sflag:s1] =	ssyncset.done @!p2 $0x0  }
0x1f: {  	[sflag:s1] =	ssyncadd.s32 @!p2 $0xFFFFEC00  }
0x20: {  	_ =	swait.ge [sflag:s30], $0x3E80  }
0x21: {  	[sflag:s30] =	ssyncset.done $0x0  }
0x22: {  	s29 =	sadd.s32 $0x80, s26;
	s9 =	simm.s32 $0x7C00;
	[sflag:s30] =	ssyncadd.s32 $0xFFFFC180  }
0x23: {  	[spmem:s2] =	stream.indirect.scatter.add.f32 [tilespmem:s9], [sflag:$0x4], $0x80, s29, s22, $0xb8;
	[tilespmem:$0x1F480] =	vst v63  }
0x24: {  	_ =	swait.ge [sflag:s31], $0x3E80  }
0x25: {  	[sflag:s31] =	ssyncset.done $0x0  }
0x26: {  	[sflag:s31] =	ssyncadd.s32 $0xFFFFC180  }
0x27: {  	[bflag:$0x0] =	sbarrier.arrive $0xFFFF  }
0x28: {  	s1 =	rddreg [dreg:$0x8]  }
0x29: {  	[hbm:s1], [sflag:s12] =	dma.local @p1 [spmem:s24], $0x2080  }
0x2a: {  	_ =	swait.ge @p1 [sflag:s11], $0x2080  }
0x2b: {  	[sflag:s11] =	ssyncset.done @p1 $0x0  }
0x2c: {  	s1 =	rddreg [dreg:$0x7];
	[sflag:s11] =	ssyncadd.s32 @p1 $0xFFFFDF80  }
0x2d: {  	[hbm:s1], [sflag:s14] =	dma.local @!p1 [spmem:s10], $0x2780  }
0x2e: {  	_ =	swait.ge @!p1 [sflag:s13], $0x2780  }
0x2f: {  	[sflag:s13] =	ssyncset.done @!p1 $0x0  }
0x30: {  	[sflag:s13] =	ssyncadd.s32 @!p1 $0xFFFFD880  }
.LBB2_8:
0x31: {  	s0 =	sadd.s32 $0x1, s0;
	s1 =	rddreg [dreg:$0xd]  }
0x32: {  	p2 =	sne.s32 s0, s1  }
.Ltmp1:
0x33: {  	_ = 	snop;
	(pc) =	sbr.rel @!p2 .LBB2_9-.Ltmp1, $2  }
0x34: {  	_ =	sdelay $0x2  }
0x35: {  	s15 =	simm.s32 $0x0  }
.LBB2_1:
.Ltmp2:
0x36: {  	s1 =	rddreg [dreg:$0x3];
	(pc) =	sbr.rel @!p0 .LBB2_2-.Ltmp2, $4  }
0x37: {  	[tilespmem:s15], [sflag:$0x5] =	stream.linear.gather [hbm4b:s1+s15], $0x2800, $0x38;
	[tilespmem:$0x1F480] =	vst v63  }
0x38: {  	s8 =	simm.s32 $0x3C00;
	_ =	swait.ge [sflag:s21], $0x2800  }
0x39: {  	s1 =	stileid.u32;
	[sflag:s21] =	ssyncset.done $0x0;
	s3 =	rddreg [dreg:$0x4]  }
0x3a: {  	s1 =	sshll.u32 @!p1 s1, $0x6;
	[sflag:s21] =	ssyncadd.s32 $0xFFFFD800;
	s10 =	sshrl.u32 @!p1 s3, $0x3  }
0x3b: {  	[tilespmem:s8], [sflag:$0x1] =	stream.indirect.gather [hbm4b:s6+s22], $0x80, s15, s22, $0xb8;
	[tilespmem:$0x1F480] =	vst v63  }
0x3c: {  	s12 =	simm.s32 @p1 $0x1FC5;
	s3 =	rddreg [dreg:$0xa];
	s11 =	simm.s32 @p1 $0x5  }
0x3d: {  	[spmem:s24], [sflag:s12] =	dma.local @p1 [hbm:s3], $0x2080  }
0x3e: {  	_ =	swait.ge @p1 [sflag:s11], $0x2080  }
0x3f: {  	s14 =	sor.u32 @!p1 $0x1C05, s1;
	[sflag:s11] =	ssyncset.done @p1 $0x0  }
0x40: {  	s13 =	simm.s32 @!p1 $0x5;
	s1 =	rddreg [dreg:$0x9];
	[sflag:s11] =	ssyncadd.s32 @p1 $0xFFFFDF80  }
0x41: {  	[spmem:s10], [sflag:s14] =	dma.local @!p1 [hbm:s1], $0x2780  }
0x42: {  	_ =	swait.ge @!p1 [sflag:s13], $0x2780  }
0x43: {  	[sflag:s13] =	ssyncset.done @!p1 $0x0  }
0x44: {  	[sflag:s13] =	ssyncadd.s32 @!p1 $0xFFFFD880  }
0x45: {  	[bflag:$0x0] =	sbarrier.arrive $0xFFFF  }
0x46: {  	s25 =	simm.s32 $0x2800;
	s23 =	rddreg [dreg:$0xe]  }
0x47: {  	[tilespmem:s25], [sflag:$0x5] =	stream.linear.gather [hbm4b:s23+s15], $0x1400, $0x38;
	[tilespmem:$0x1F480] =	vst v63  }
0x48: {  	s26 =	simm.s32 $0x80;
	_ =	swait.ge [sflag:s21], $0x1400  }
0x49: {  	s28 =	simm.s32 $0xFFFFFFD9;
	s15 =	simm.s32 $0x1;
	[sflag:s21] =	ssyncset.done $0x0  }
0x4a: {  	s16 =	simm.s32 $0x10;
	s3 =	sand.u32 $0x1, s15;
	[sflag:s21] =	ssyncadd.s32 $0xFFFFEC00  }
0x4b: {  	[tilespmem:s9], [sflag:$0x2] =	stream.indirect.gather [hbm4b:s6+s22], $0x80, s26, s22, $0xb8;
	[tilespmem:$0x1F480] =	vst v63  }
0x4c: {  	s1 =	smin.u32 s15, s28;
	s29 =	sxor.u32 $0x1, s3;
	_ =	swait.ge [sflag:s15], $0x3E80  }
0x4d: {  	p2 =	sne.s32 s1, $0x0;
	s20 =	sadd.s32 $0x3, s29;
	[sflag:s15] =	ssyncset.done $0x0  }
0x4e: {  	s17 =	sadd.s32 @!p2 $0x10, s4;
	s18 =	simm.s32 @!p2 $0x0;
	[sflag:s15] =	ssyncadd.s32 $0xFFFFC180  }
0x4f: {  	[spmem:s2] =	stream.indirect.scatter.add.f32 [tilespmem:s8], [sflag:$0x3], $0x80, s25, s22, $0xb8;
	[tilespmem:$0x1F480] =	vst v63  }
0x50: {  	s19 =	sand.u32 @!p2 $0x70, s16;
	s17 =	sand.u32 @!p2 $0xFF80, s17;
	_ =	swait.ge [sflag:s20], $0x3E80  }
0x51: {  	s9 =	sadd.s32 @!p2 s7, s19;
	s19 =	simm.s32 @!p2 $0x2800;
	[sflag:s20] =	ssyncset.done $0x0  }
0x52: {  	s9 =	sadd.s32 @!p2 s17, s9;
	s17 =	simm.s32 @!p2 $0x5;
	[sflag:s20] =	ssyncadd.s32 $0xFFFFC180  }
0x53: {  	[tilespmem:s19], [sflag:$0x5] =	stream.linear.gather @!p2 [hbm4b:s9+s18], $0x1400, $0x38;
	[tilespmem:$0x1F480] =	vst v63  }
0x54: {  	s23 =	simm.s32 $0x100;
	s28 =	sshll.u32 s3, $0xE;
	_ =	swait.ge @!p2 [sflag:s17], $0x1400  }
0x55: {  	s1 =	sshll.u32 s1, $0x7;
	s26 =	simm.s32 $0x1480;
	[sflag:s17] =	ssyncset.done @!p2 $0x0  }
0x56: {  	s25 =	sshll.u32 s29, $0xE;
	[sflag:s17] =	ssyncadd.s32 @!p2 $0xFFFFEC00;
	p2 =	por $0x1, $0x1  }
.Ltmp3:
0x57: {  	s8 =	sadd.s32 $0x1, s29;
	s18 =	sor.u32 $0x3C00, s25;
	(pc) =	sbr.rel @!p2 .LBB2_7-.Ltmp3, $4  }
0x58: {  	[tilespmem:s18], [sflag:s8] =	stream.indirect.gather [hbm4b:s6+s22], $0x80, s23, s22, $0xb8;
	[tilespmem:$0x1F480] =	vst v63  }
0x59: {  	s29 =	sand.u32 $0x3FFFFF80, s1;
	s1 =	simm.s32 $0x2;
	s8 =	sadd.s32 $0x1, s3  }
0x5a: {  	s9 =	sadd.s32 $0x3, s3;
	s17 =	simm.s32 $0x180;
	_ =	swait.ge [sflag:s8], $0x3E80  }
0x5b: {  	s18 =	sor.u32 $0x3C00, s28;
	s23 =	sadd.s32 $0x2800, s29;
	[sflag:s8] =	ssyncset.done $0x0  }
.LBB2_6:
0x5c: {  	s15 =	smov.u32 s1;
	s26 =	sadd.s32 $0x80, s26  }
0x5d: {  	s16 =	sadd.s32 $0x10, s16;
	s3 =	smov.u32 s17;
	[sflag:s8] =	ssyncadd.s32 $0xFFFFC180  }
0x5e: {  	[spmem:s2] =	stream.indirect.scatter.add.f32 [tilespmem:s18], [sflag:s9], $0x80, s23, s22, $0xb8;
	[tilespmem:$0x1F480] =	vst v63  }
0x5f: {  	s17 =	sadd.s32 $0x80, s17;
	s9 =	sand.u32 $0x1, s1;
	s18 =	sadd.s32 $0xFFFFFFD8, s1  }
0x60: {  	s8 =	sxor.u32 $0x1, s9;
	s1 =	smin.u32 s1, s18;
	s19 =	sshll.u32 s9, $0xE  }
0x61: {  	s20 =	sadd.s32 $0x3, s8;
	p2 =	sne.s32 s1, $0x0;
	s23 =	sshll.u32 s8, $0xE  }
0x62: {  	s25 =	sadd.s32 @!p2 s16, s4;
	s28 =	simm.s32 @!p2 $0x0;
	_ =	swait.ge [sflag:s20], $0x3E80  }
0x63: {  	s29 =	sand.u32 @!p2 $0x70, s16;
	s25 =	sand.u32 @!p2 $0xFF80, s25;
	[sflag:s20] =	ssyncset.done $0x0  }
0x64: {  	[sflag:s20] =	ssyncadd.s32 $0xFFFFC180;
	s20 =	sadd.s32 @!p2 s7, s29;
	s29 =	simm.s32 @!p2 $0x2800  }
0x65: {  	s1 =	sshll.u32 s1, $0x7;
	s20 =	sadd.s32 @!p2 s25, s20;
	s25 =	simm.s32 @!p2 $0x5  }
0x66: {  	[tilespmem:s29], [sflag:$0x5] =	stream.linear.gather @!p2 [hbm4b:s20+s28], $0x1400, $0x38;
	[tilespmem:$0x1F480] =	vst v63  }
0x67: {  	s20 =	sadd.s32 $0x1, s8;
	s28 =	sand.u32 $0x3FFFFF80, s1;
	_ =	swait.ge @!p2 [sflag:s25], $0x1400  }
0x68: {  	s23 =	sor.u32 $0x3C00, s23;
	s1 =	sadd.s32 $0x29, s18;
	[sflag:s25] =	ssyncset.done @!p2 $0x0  }
0x69: {  	[sflag:s25] =	ssyncadd.s32 @!p2 $0xFFFFEC00;
	p2 =	sne.s32 s1, $0x4F  }
.Ltmp4:
0x6a: {  	_ = 	snop;
	(pc) =	sbr.rel @p2 .LBB2_6-.Ltmp4, $4  }
0x6b: {  	s8 =	sadd.s32 $0x1, s9  }
0x6c: {  	[tilespmem:s23], [sflag:s20] =	stream.indirect.gather [hbm4b:s6+s22], $0x80, s3, s22, $0xb8;
	[tilespmem:$0x1F480] =	vst v63  }
0x6d: {  	s9 =	sadd.s32 $0x3, s9;
	_ =	swait.ge [sflag:s8], $0x3E80  }
0x6e: {  	s18 =	sor.u32 $0x3C00, s19;
	s23 =	sadd.s32 $0x2800, s28;
	[sflag:s8] =	ssyncset.done $0x0  }
.LBB2_7:
0x6f: {  	[sflag:s8] =	ssyncadd.s32 $0xFFFFC180;
	s1 =	sadd.s32 $0x1, s15  }
0x70: {  	[spmem:s2] =	stream.indirect.scatter.add.f32 [tilespmem:s18], [sflag:s9], $0x80, s23, s22, $0xb8;
	[tilespmem:$0x1F480] =	vst v63  }
0x71: {  	s3 =	sadd.s32 $0x10, s16;
	s28 =	simm.s32 $0x3;
	p2 =	sne.s32 s1, $0x28  }
0x72: {  	_ =	swait.ge [sflag:s28], $0x3E80;
	s1 =	sadd.s32 @!p2 s3, s4;
	s8 =	simm.s32 @!p2 $0x2800  }
0x73: {  	[sflag:s28] =	ssyncset.done $0x0;
	s1 =	sand.u32 @!p2 $0xFF80, s1;
	s3 =	rddreg [dreg:$0xf]  }
0x74: {  	[sflag:s28] =	ssyncadd.s32 $0xFFFFC180;
	s1 =	sadd.s32 @!p2 s1, s3;
	s3 =	simm.s32 @!p2 $0x0  }
0x75: {  	[tilespmem:s8], [sflag:$0x5] =	stream.linear.gather @!p2 [hbm4b:s1+s3], $0x1400, $0x38;
	[tilespmem:$0x1F480] =	vst v63  }
0x76: {  	s1 =	simm.s32 @!p2 $0x5  }
0x77: {  	_ =	swait.ge @!p2 [sflag:s1], $0x1400  }
0x78: {  	[sflag:s1] =	ssyncset.done @!p2 $0x0  }
0x79: {  	[sflag:s1] =	ssyncadd.s32 @!p2 $0xFFFFEC00  }
0x7a: {  	_ =	swait.ge [sflag:s30], $0x3E80  }
0x7b: {  	[sflag:s30] =	ssyncset.done $0x0  }
0x7c: {  	s29 =	sadd.s32 $0x80, s26;
	s9 =	simm.s32 $0x7C00;
	[sflag:s30] =	ssyncadd.s32 $0xFFFFC180  }
0x7d: {  	[spmem:s2] =	stream.indirect.scatter.add.f32 [tilespmem:s9], [sflag:$0x4], $0x80, s29, s22, $0xb8;
	[tilespmem:$0x1F480] =	vst v63  }
0x7e: {  	_ =	swait.ge [sflag:s31], $0x3E80  }
0x7f: {  	[sflag:s31] =	ssyncset.done $0x0  }
0x80: {  	[sflag:s31] =	ssyncadd.s32 $0xFFFFC180  }
0x81: {  	[bflag:$0x0] =	sbarrier.arrive $0xFFFF  }
0x82: {  	s1 =	rddreg [dreg:$0xc]  }
0x83: {  	[hbm:s1], [sflag:s12] =	dma.local @p1 [spmem:s24], $0x2080  }
0x84: {  	_ =	swait.ge @p1 [sflag:s11], $0x2080  }
0x85: {  	[sflag:s11] =	ssyncset.done @p1 $0x0  }
.Ltmp5:
0x86: {  	s1 =	rddreg [dreg:$0xb];
	[sflag:s11] =	ssyncadd.s32 @p1 $0xFFFFDF80;
	(pc) =	sbr.rel .LBB2_8-.Ltmp5, $4  }
0x87: {  	[hbm:s1], [sflag:s14] =	dma.local @!p1 [spmem:s10], $0x2780  }
0x88: {  	_ =	swait.ge @!p1 [sflag:s13], $0x2780  }
0x89: {  	[sflag:s13] =	ssyncset.done @!p1 $0x0  }
0x8a: {  	[sflag:s13] =	ssyncadd.s32 @!p1 $0xFFFFD880  }
.LBB2_2:
0x8b: {  	[tilespmem:s8], [sflag:$0x1] =	stream.indirect.gather [hbm4b:s5+s22], $0x80, s15, s22, $0xb8;
	[tilespmem:$0x1F480] =	vst v63  }
0x8c: {  	s12 =	simm.s32 @p1 $0x1FC5;
	s3 =	rddreg [dreg:$0x6];
	s11 =	simm.s32 @p1 $0x5  }
0x8d: {  	[spmem:s24], [sflag:s12] =	dma.local @p1 [hbm:s3], $0x2080  }
0x8e: {  	_ =	swait.ge @p1 [sflag:s11], $0x2080  }
0x8f: {  	s14 =	sor.u32 @!p1 $0x1C05, s1;
	[sflag:s11] =	ssyncset.done @p1 $0x0  }
0x90: {  	s13 =	simm.s32 @!p1 $0x5;
	s1 =	rddreg [dreg:$0x5];
	[sflag:s11] =	ssyncadd.s32 @p1 $0xFFFFDF80  }
0x91: {  	[spmem:s10], [sflag:s14] =	dma.local @!p1 [hbm:s1], $0x2780  }
0x92: {  	_ =	swait.ge @!p1 [sflag:s13], $0x2780  }
0x93: {  	[sflag:s13] =	ssyncset.done @!p1 $0x0  }
0x94: {  	[sflag:s13] =	ssyncadd.s32 @!p1 $0xFFFFD880  }
0x95: {  	[bflag:$0x0] =	sbarrier.arrive $0xFFFF  }
0x96: {  	s28 =	simm.s32 $0x2800;
	s26 =	rddreg [dreg:$0xe]  }
0x97: {  	[tilespmem:s28], [sflag:$0x5] =	stream.linear.gather [hbm4b:s26+s15], $0x1400, $0x38;
	[tilespmem:$0x1F480] =	vst v63  }
0x98: {  	_ =	swait.ge [sflag:s21], $0x1400  }
0x99: {  	[sflag:s21] =	ssyncset.done $0x0  }
0x9a: {  	s29 =	simm.s32 $0x80;
	s1 =	simm.s32 $0x1;
	[sflag:s21] =	ssyncadd.s32 $0xFFFFEC00  }
0x9b: {  	[tilespmem:s9], [sflag:$0x2] =	stream.indirect.gather [hbm4b:s5+s22], $0x80, s29, s22, $0xb8;
	[tilespmem:$0x1F480] =	vst v63  }
0x9c: {  	_ =	swait.ge [sflag:s1], $0x3E80  }
0x9d: {  	[sflag:s1] =	ssyncset.done $0x0  }
0x9e: {  	s18 =	simm.s32 $0xFFFFFFD9;
	s3 =	sand.u32 $0x1, s1;
	[sflag:s1] =	ssyncadd.s32 $0xFFFFC180  }
0x9f: {  	[spmem:s2] =	stream.indirect.scatter.add.f32 [tilespmem:s8], [sflag:$0x3], $0x80, s28, s22, $0xb8;
	[tilespmem:$0x1F480] =	vst v63  }
0xa0: {  	s19 =	sxor.u32 $0x1, s3;
	s8 =	smin.u32 s1, s18  }
0xa1: {  	s17 =	sadd.s32 $0x3, s19;
	p2 =	sne.s32 s8, $0x0  }
0xa2: {  	s16 =	simm.s32 $0x10;
	_ =	swait.ge [sflag:s17], $0x3E80;
	s18 =	sadd.s32 @!p2 $0x10, s4  }
0xa3: {  	s23 =	simm.s32 @!p2 $0x0;
	[sflag:s17] =	ssyncset.done $0x0;
	s26 =	sand.u32 @!p2 $0x70, s16  }
0xa4: {  	s18 =	sand.u32 @!p2 $0xFF80, s18;
	[sflag:s17] =	ssyncadd.s32 $0xFFFFC180;
	s17 =	sadd.s32 @!p2 s7, s26  }
0xa5: {  	s26 =	simm.s32 @!p2 $0x2800;
	s17 =	sadd.s32 @!p2 s18, s17;
	s18 =	simm.s32 @!p2 $0x5  }
0xa6: {  	[tilespmem:s26], [sflag:$0x5] =	stream.linear.gather @!p2 [hbm4b:s17+s23], $0x1400, $0x38;
	[tilespmem:$0x1F480] =	vst v63  }
0xa7: {  	s20 =	simm.s32 $0x100;
	s25 =	sshll.u32 s19, $0xE;
	_ =	swait.ge @!p2 [sflag:s18], $0x1400  }
0xa8: {  	s15 =	sadd.s32 $0x1, s19;
	s9 =	sadd.s32 $0x3, s3;
	[sflag:s18] =	ssyncset.done @!p2 $0x0  }
0xa9: {  	s8 =	sshll.u32 s8, $0x7;
	[sflag:s18] =	ssyncadd.s32 @!p2 $0xFFFFEC00;
	p2 =	por $0x1, $0x1  }
.Ltmp6:
0xaa: {  	s28 =	sshll.u32 s3, $0xE;
	s29 =	sand.u32 $0x3FFFFF80, s8;
	(pc) =	sbr.rel @!p2 .LBB2_4-.Ltmp6, $4  }
0xab: {  	s8 =	sadd.s32 $0x1, s3;
	s26 =	simm.s32 $0x1480;
	s23 =	sor.u32 $0x3C00, s25  }
0xac: {  	[tilespmem:s23], [sflag:s15] =	stream.indirect.gather [hbm4b:s5+s22], $0x80, s20, s22, $0xb8;
	[tilespmem:$0x1F480] =	vst v63  }
0xad: {  	s17 =	simm.s32 $0x180;
	s18 =	sor.u32 $0x3C00, s28;
	_ =	swait.ge [sflag:s8], $0x3E80  }
0xae: {  	s15 =	simm.s32 $0x2;
	s23 =	sadd.s32 $0x2800, s29;
	[sflag:s8] =	ssyncset.done $0x0  }
.LBB2_3:
0xaf: {  	s1 =	smov.u32 s15;
	s26 =	sadd.s32 $0x80, s26  }
0xb0: {  	s16 =	sadd.s32 $0x10, s16;
	s19 =	smov.u32 s17;
	[sflag:s8] =	ssyncadd.s32 $0xFFFFC180  }
0xb1: {  	[spmem:s2] =	stream.indirect.scatter.add.f32 [tilespmem:s18], [sflag:s9], $0x80, s23, s22, $0xb8;
	[tilespmem:$0x1F480] =	vst v63  }
0xb2: {  	s17 =	sadd.s32 $0x80, s17;
	s9 =	sand.u32 $0x1, s15;
	s18 =	sadd.s32 $0xFFFFFFD8, s15  }
0xb3: {  	s8 =	sxor.u32 $0x1, s9;
	s15 =	smin.u32 s15, s18;
	s23 =	sshll.u32 s9, $0xE  }
0xb4: {  	s20 =	sadd.s32 $0x3, s8;
	p2 =	sne.s32 s15, $0x0;
	s25 =	sshll.u32 s8, $0xE  }
0xb5: {  	s28 =	sadd.s32 @!p2 s16, s4;
	s3 =	simm.s32 @!p2 $0x0;
	_ =	swait.ge [sflag:s20], $0x3E80  }
0xb6: {  	s29 =	sand.u32 @!p2 $0x70, s16;
	s28 =	sand.u32 @!p2 $0xFF80, s28;
	[sflag:s20] =	ssyncset.done $0x0  }
0xb7: {  	[sflag:s20] =	ssyncadd.s32 $0xFFFFC180;
	s20 =	sadd.s32 @!p2 s7, s29;
	s29 =	simm.s32 @!p2 $0x2800  }
0xb8: {  	s15 =	sshll.u32 s15, $0x7;
	s20 =	sadd.s32 @!p2 s28, s20;
	s28 =	simm.s32 @!p2 $0x5  }
0xb9: {  	[tilespmem:s29], [sflag:$0x5] =	stream.linear.gather @!p2 [hbm4b:s20+s3], $0x1400, $0x38;
	[tilespmem:$0x1F480] =	vst v63  }
0xba: {  	s3 =	sadd.s32 $0x1, s8;
	s20 =	sand.u32 $0x3FFFFF80, s15;
	_ =	swait.ge @!p2 [sflag:s28], $0x1400  }
0xbb: {  	s25 =	sor.u32 $0x3C00, s25;
	s15 =	sadd.s32 $0x29, s18;
	[sflag:s28] =	ssyncset.done @!p2 $0x0  }
0xbc: {  	[sflag:s28] =	ssyncadd.s32 @!p2 $0xFFFFEC00;
	p2 =	sne.s32 s15, $0x4F  }
.Ltmp7:
0xbd: {  	_ = 	snop;
	(pc) =	sbr.rel @p2 .LBB2_3-.Ltmp7, $4  }
0xbe: {  	s8 =	sadd.s32 $0x1, s9  }
0xbf: {  	[tilespmem:s25], [sflag:s3] =	stream.indirect.gather [hbm4b:s5+s22], $0x80, s19, s22, $0xb8;
	[tilespmem:$0x1F480] =	vst v63  }
0xc0: {  	s9 =	sadd.s32 $0x3, s9;
	_ =	swait.ge [sflag:s8], $0x3E80  }
0xc1: {  	s18 =	sor.u32 $0x3C00, s23;
	s23 =	sadd.s32 $0x2800, s20;
	[sflag:s8] =	ssyncset.done $0x0  }
.Ltmp8:
0xc2: {  	_ = 	snop;
	(pc) =	sbr.rel .LBB2_4-.Ltmp8, $1  }
0xc3: {  	_ =	sdelay $0x3  }
.LBB2_9:
0xc4: {  	_ =	sfence.sel $0x180000  }
0xc5: {  	[bflag:$0x0] =	sbarrier.arrive $0xFFFF  }
0xc6: {  	_ =	strace $0x90000053  }
0xc7: {  	s0 =	stileid.u32;
	[bflag:$0x2] =	sbarrier.arrive $0xFFFF  }
0xc8: {  	p0 =	sne.s32 s0, $0x0;
	s0 =	rddreg [dreg:$0x2]  }
0xc9: {  	s0 =	sadd.s32 @!p0 $0x100000, s0  }
0xca: {  	[sflag:s0] =	ssyncadd.tile.s32 @!p0 $0x1;
	_ =	shalt  }
.Lfunc_end2:
_tile_overlayer_lowered:
.L_overlay_start_2:
0xcb: {  	(tag) =	ssettag $0x2  }
0xcc: {  	s0 =	rddreg [dreg:$0x0];
	s2 =	stileid.u32  }
0xcd: {  	s1 =	rddreg [dreg:$0x1];
	p0 =	sne.s32 s2, $0x0  }
0xce: {  	s3 =	rddreg [dreg:$0x2];
	[bflag:$0x3] =	sbarrier.arrive $0xFFFF;
	s2 =	simm.s32 @!p0 $0x1C05  }
0xcf: {  	[timem:s3], [sflag:s2] =	dma.local @!p0 [hbm:s0], s1  }
0xd0: {  	s0 =	simm.s32 @!p0 $0x5  }
0xd1: {  	_ =	swait.ge @!p0 [sflag:s0], s1  }
0xd2: {  	s1 =	ssub.s32 @!p0 $0x0, s1;
	[sflag:s0] =	ssyncset.done @!p0 $0x0  }
0xd3: {  	[sflag:s0] =	ssyncadd.s32 @!p0 s1  }
0xd4: {  	[bflag:$0x3] =	sbarrier.arrive $0xFFFF  }
0xd5: {  	_ =	shalt  }

</sc_bundles>
